<compile_context>
chip_gen: v7x
topology: tpu7x:2x2x1
jax: 0.10.2.dev20260603
libtpu: 0.0.44.dev20260713+nightly
codegen_flags: <defaults>
</compile_context>

<pallas_src>
import jax
import jax.numpy as jnp
from jax import lax
from jax.experimental import pallas as pl
from jax.experimental.pallas import tpu as pltpu
from jax.experimental.pallas import tpu_sc as plsc

NC = 2
NS = 16
CHUNK = 128
K_GROUP = 16

D = 128
N_PAD = 10240
ROWS_PER_TILE = N_PAD // NS
ZCHUNKS = ROWS_PER_TILE // CHUNK


def _sc_aggregate(g_core0, g_core1):
  mesh = plsc.VectorSubcoreMesh(core_axis_name="c", subcore_axis_name="s")

  def body(x_hbm, seg_hbm, gid_hbm, zrow_hbm, ones_hbm,
           out_sum, out_cnt,
           seg_v, gid_v, rows_a, rows_b, sem_g, sem_s, acc):
    cid = lax.axis_index("c")
    sid = lax.axis_index("s")
    row_lo = sid * ROWS_PER_TILE
    n_groups = jnp.where(cid == 0, g_core0, g_core1)

    def zero_acc():
      pltpu.sync_copy(zrow_hbm, rows_a)
      for i in range(ZCHUNKS):
        pltpu.async_copy(rows_a, acc.at[pl.ds(row_lo + i * CHUNK, CHUNK)],
                         sem_s)
      for i in range(ZCHUNKS):
        pltpu.make_async_copy(
            rows_a, acc.at[pl.ds(row_lo, CHUNK)], sem_s).wait()

    def writeback(out_hbm):
      pltpu.async_copy(acc.at[pl.ds(row_lo, CHUNK)], rows_a, sem_g)
      for i in range(ZCHUNKS):
        buf = rows_a if i % 2 == 0 else rows_b
        nxt = rows_b if i % 2 == 0 else rows_a
        pltpu.make_async_copy(
            acc.at[pl.ds(row_lo, CHUNK)], buf, sem_g).wait()
        if i + 1 < ZCHUNKS:
          pltpu.async_copy(
              acc.at[pl.ds(row_lo + (i + 1) * CHUNK, CHUNK)], nxt, sem_g)
        pltpu.sync_copy(buf, out_hbm.at[cid, pl.ds(row_lo + i * CHUNK,
                                                   CHUNK)])

    zero_acc()
    plsc.subcore_barrier()

    def group_sum(g, carry):
      pltpu.sync_copy(seg_hbm.at[cid, sid, pl.ds(g * K_GROUP, K_GROUP)],
                      seg_v)
      pltpu.sync_copy(gid_hbm.at[cid, sid, pl.ds(g * K_GROUP, K_GROUP)],
                      gid_v)
      pltpu.async_copy(x_hbm.at[gid_v.at[0]], rows_a, sem_g)
      for k in range(K_GROUP):
        buf = rows_a if k % 2 == 0 else rows_b
        nxt = rows_b if k % 2 == 0 else rows_a
        pltpu.make_async_copy(x_hbm.at[gid_v.at[k]], buf, sem_g).wait()
        pltpu.async_copy(buf, acc.at[seg_v.at[k]], sem_s, add=True)
        if k >= 1:
          pltpu.make_async_copy(nxt, acc.at[seg_v.at[k]], sem_s).wait()
        if k + 1 < K_GROUP:
          pltpu.async_copy(x_hbm.at[gid_v.at[k + 1]], nxt, sem_g)
      pltpu.make_async_copy(rows_a, acc.at[seg_v.at[0]], sem_s).wait()
      return carry

    lax.fori_loop(0, n_groups, group_sum, 0)
    plsc.subcore_barrier()
    writeback(out_sum)

    zero_acc()
    plsc.subcore_barrier()
    pltpu.sync_copy(ones_hbm, rows_a)

    def group_cnt(g, carry):
      pltpu.sync_copy(seg_hbm.at[cid, sid, pl.ds(g * K_GROUP, K_GROUP)],
                      seg_v)
      for k in range(K_GROUP):
        pltpu.async_copy(rows_a, acc.at[seg_v.at[k]], sem_s, add=True)
      for k in range(K_GROUP):
        pltpu.make_async_copy(rows_a, acc.at[seg_v.at[0]], sem_s).wait()
      return carry

    lax.fori_loop(0, n_groups, group_cnt, 0)
    plsc.subcore_barrier()
    writeback(out_cnt)

  return pl.kernel(
      body,
      out_type=(
          jax.ShapeDtypeStruct((NC, N_PAD, D), jnp.float32),
          jax.ShapeDtypeStruct((NC, N_PAD, D), jnp.float32),
      ),
      mesh=mesh,
      scratch_types=[
          pltpu.VMEM((K_GROUP, CHUNK), jnp.int32),
          pltpu.VMEM((K_GROUP, CHUNK), jnp.int32),
          pltpu.VMEM((CHUNK, D), jnp.float32),
          pltpu.VMEM((CHUNK, D), jnp.float32),
          pltpu.SemaphoreType.DMA,
          pltpu.SemaphoreType.DMA,
          pltpu.VMEM_SHARED((N_PAD, D), jnp.float32),
      ],
  )


def _tc_body(x_ref, p0_ref, p1_ref, c0_ref, c1_ref, ws_ref, wn_ref, o_ref):
  x = x_ref[...]
  sums = p0_ref[0] + p1_ref[0]
  counts = c0_ref[0][:, 0:1] + c1_ref[0][:, 0:1]
  mean = sums / jnp.maximum(counts, 1.0)
  h = jnp.dot(mean, wn_ref[...], preferred_element_type=jnp.float32)
  h = jnp.where(h >= 0, h, 0.2 * h)
  s = jnp.dot(x, ws_ref[...], preferred_element_type=jnp.float32)
  u = s + h
  u = jnp.where(u >= 0, u, 0.2 * u)
  nrm = jnp.sqrt(jnp.sum(u * u, axis=1, keepdims=True))
  o_ref[...] = u / jnp.maximum(nrm, 1e-12)


def kernel(node_fts, edge_fts, edges, W_self, W_neigh):
  del edge_fts
  n = node_fts.shape[0]
  e2 = 2 * edges.shape[1]

  per_tile_group = CHUNK * K_GROUP
  total_groups = -(-e2 // (NS * per_tile_group))
  g0 = max(1, round(total_groups * 14 / 20))
  g1 = -(-(e2 - g0 * NS * per_tile_group) // (NS * per_tile_group))
  e_pad = (g0 + g1) * NS * per_tile_group
  n_chunks = max(g0, g1) * K_GROUP

  seg = jnp.concatenate([edges[0], edges[1]])
  gid = jnp.concatenate([edges[1], edges[0]])
  pad = e_pad - e2
  seg = jnp.concatenate([seg, jnp.full((pad,), N_PAD - 8, jnp.int32)])
  gid = jnp.concatenate([gid, jnp.zeros((pad,), jnp.int32)])

  def split_core(a):
    cut = g0 * NS * per_tile_group
    a0 = a[:cut].reshape(NS, g0 * K_GROUP, CHUNK)
    a1 = a[cut:].reshape(NS, g1 * K_GROUP, CHUNK)
    if g0 < g1:
      a0 = jnp.pad(a0, ((0, 0), (0, (g1 - g0) * K_GROUP), (0, 0)),
                   constant_values=N_PAD - 8)
    elif g1 < g0:
      a1 = jnp.pad(a1, ((0, 0), (0, (g0 - g1) * K_GROUP), (0, 0)),
                   constant_values=N_PAD - 8)
    return jnp.stack([a0, a1])

  seg = split_core(seg)
  gid = split_core(gid)

  zrow = jnp.zeros((CHUNK, D), jnp.float32)
  ones = jnp.ones((CHUNK, D), jnp.float32)

  part_sum, part_cnt = _sc_aggregate(g0, g1)(
      node_fts, seg, gid, zrow, ones)

  bn = 1000
  grid = n // bn
  out = pl.pallas_call(
      _tc_body,
      grid=(grid,),
      in_specs=[
          pl.BlockSpec((bn, D), lambda i: (i, 0)),
          pl.BlockSpec((1, bn, D), lambda i: (0, i, 0)),
          pl.BlockSpec((1, bn, D), lambda i: (1, i, 0)),
          pl.BlockSpec((1, bn, D), lambda i: (0, i, 0)),
          pl.BlockSpec((1, bn, D), lambda i: (1, i, 0)),
          pl.BlockSpec((D, D), lambda i: (0, 0)),
          pl.BlockSpec((D, D), lambda i: (0, 0)),
      ],
      out_specs=pl.BlockSpec((bn, D), lambda i: (i, 0)),
      out_shape=jax.ShapeDtypeStruct((n, D), jnp.float32),
  )(node_fts, part_sum, part_sum, part_cnt, part_cnt,
    W_self.T, W_neigh.T)
  return out

# --- scband reference (transcript-rebuilt; emitter-appended) ---
"""Pipeline reference for scband-graph-convolution-5806795784424 (READ-ONLY COPY).

The authoritative reference and input builder live on the scoring server;
editing this copy changes nothing except your own understanding.
"""

import jax, jax.numpy as jnp
import numpy as np

N = 10000
E = 320000
D = 128
DE = 4


def _xavier(key, shape, gain=1.414):
    fan_in, fan_out = shape[1], shape[0]
    lim = gain * np.sqrt(6.0 / (fan_in + fan_out))
    return jax.random.uniform(key, shape, minval=-lim, maxval=lim, dtype=jnp.float32)


def setup_inputs(seed: int = 0) -> dict:
    key = jax.random.key(seed)
    k1, k2, k3, k4, k5 = jax.random.split(key, 5)
    node_fts = jax.random.normal(k1, (N, D), dtype=jnp.float32)
    edge_fts = jax.random.normal(k2, (E, DE), dtype=jnp.float32)
    edges = jax.random.randint(k3, (2, E), 0, N, dtype=jnp.int32)
    W_self = _xavier(k4, (D, D))
    W_neigh = _xavier(k5, (D, D))
    return {"node_fts": node_fts, "edge_fts": edge_fts, "edges": edges,
            "W_self": W_self, "W_neigh": W_neigh}


def reference(node_fts, edge_fts, edges, W_self, W_neigh):
    # undirected edge list (edge_fts concatenated for parity with torch code; unused in mean mode)
    edge_fts_undirected = jnp.concatenate([edge_fts, edge_fts], axis=0)
    edges_undirected = jnp.concatenate([edges, edges[::-1, :]], axis=1)
    # self transform
    src_node_fts = node_fts @ W_self.T
    # gather destination node features
    dst_node_fts = node_fts[edges_undirected[1]]
    seg = edges_undirected[0]
    # scatter-mean over destination segments
    sums = jax.ops.segment_sum(dst_node_fts, seg, num_segments=N)
    counts = jax.ops.segment_sum(jnp.ones((seg.shape[0], 1), dtype=node_fts.dtype), seg, num_segments=N)
    mean_agg = sums / jnp.clip(counts, 1.0)
    dst_agg_final = jax.nn.leaky_relu(mean_agg @ W_neigh.T, negative_slope=0.2)
    # update: sum + activation
    node_fts_updated = jax.nn.leaky_relu(src_node_fts + dst_agg_final, negative_slope=0.2)
    # L2 normalize (F.normalize, p=2, dim=1, eps=1e-12)
    norm = jnp.linalg.norm(node_fts_updated, axis=1, keepdims=True)
    node_fts_updated = node_fts_updated / jnp.maximum(norm, 1e-12)
    return node_fts_updated

if __name__ == "__main__":
    import jax
    _d = setup_inputs()
    print(jax.jit(kernel)(*tuple(_d.values())))

</pallas_src>

<mosaic_0001>
#map = affine_map<(d0, d1) -> (0, 0)>
#map1 = affine_map<(d0, d1) -> (0, 0, 0, 0)>
#map2 = affine_map<(d0, d1) -> (0, 0, 0)>
module attributes {stable_mosaic.version = 14 : i64} {
  func.func @body(%arg0: i32, %arg1: i32, %arg2: memref<10000x128xf32, #tpu.memory_space<hbm>>, %arg3: memref<2x16x224x128xi32, #tpu.memory_space<hbm>>, %arg4: memref<2x16x224x128xi32, #tpu.memory_space<hbm>>, %arg5: memref<128x128xf32, #tpu.memory_space<hbm>>, %arg6: memref<128x128xf32, #tpu.memory_space<hbm>>, %arg7: memref<2x10240x128xf32, #tpu.memory_space<hbm>>, %arg8: memref<2x10240x128xf32, #tpu.memory_space<hbm>>, %arg9: memref<16x128xi32, #tpu.memory_space<vmem>>, %arg10: memref<16x128xi32, #tpu.memory_space<vmem>>, %arg11: memref<128x128xf32, #tpu.memory_space<vmem>>, %arg12: memref<128x128xf32, #tpu.memory_space<vmem>>, %arg13: memref<!tpu.dma_semaphore, #tpu.memory_space<semaphore_mem>>, %arg14: memref<!tpu.dma_semaphore, #tpu.memory_space<semaphore_mem>>, %arg15: memref<10240x128xf32, #tpu.memory_space<vmem_shared>>) attributes {dimension_semantics = [#tpu.dimension_semantics<core_parallel>, #tpu.dimension_semantics<subcore_parallel>], iteration_bounds = array<i64: 2, 16>, scalar_prefetch = 0 : i64, scratch_operands = 7 : i64, tpu.core_type = #tpu.core_type<sc_vector_subcore>, window_params = [{transform_indices = #map}, {transform_indices = #map1}, {transform_indices = #map1}, {transform_indices = #map}, {transform_indices = #map}, {transform_indices = #map2}, {transform_indices = #map2}]} {
    %mul3A = arith.constant 640 : i32
    %mul3A_0 = arith.muli %arg1, %mul3A : i32
    %eq3A = arith.constant 0 : i32
    %eq3A_1 = arith.cmpi eq, %arg0, %eq3A : i32
    %jit3A = arith.constant 14 : i32
    %jit3A_2 = arith.constant 6 : i32
    %select_n3A = arith.select %eq3A_1, %jit3A, %jit3A_2 : i32
    "tpu.region"() ({
      %run_scoped3A = tpu.sem_alloc : memref<!tpu.dma_semaphore, #tpu.memory_space<semaphore_mem>>
      tpu.enqueue_dma source(%arg5 : memref<128x128xf32, #tpu.memory_space<hbm>>) target(%arg11 : memref<128x128xf32, #tpu.memory_space<vmem>>) target_semaphore(%run_scoped3A : memref<!tpu.dma_semaphore, #tpu.memory_space<semaphore_mem>>)
      tpu.wait_dma2 semaphore(%run_scoped3A : memref<!tpu.dma_semaphore, #tpu.memory_space<semaphore_mem>>) src(%arg5 : memref<128x128xf32, #tpu.memory_space<hbm>>) dst(%arg11 : memref<128x128xf32, #tpu.memory_space<vmem>>)
      tpu.yield
    }) : () -> ()
    %add3A = arith.constant 0 : i32
    %add3A_3 = arith.addi %mul3A_0, %add3A : i32
    %dma_start3A = arith.constant 0 : i32
    %dma_start3A_4 = tpu.memref_slice %arg15[%add3A_3, %dma_start3A] : memref<10240x128xf32, #tpu.memory_space<vmem_shared>> -> memref<128x128xf32, #tpu.memory_space<vmem_shared>>
    %dma_start3A_5 = arith.constant 0 : i32
    %dma_start3A_6 = tpu.memref_slice %arg15[%add3A_3, %dma_start3A_5] : memref<10240x128xf32, #tpu.memory_space<vmem_shared>> -> memref<128x128xf32, #tpu.memory_space<vmem_shared>>
    tpu.enqueue_dma source(%arg11 : memref<128x128xf32, #tpu.memory_space<vmem>>) target(%dma_start3A_6 : memref<128x128xf32, #tpu.memory_space<vmem_shared>>) target_semaphore(%arg14 : memref<!tpu.dma_semaphore, #tpu.memory_space<semaphore_mem>>)
    %add3A_7 = arith.constant 128 : i32
    %add3A_8 = arith.addi %mul3A_0, %add3A_7 : i32
    %dma_start3A_9 = arith.constant 0 : i32
    %dma_start3A_10 = tpu.memref_slice %arg15[%add3A_8, %dma_start3A_9] : memref<10240x128xf32, #tpu.memory_space<vmem_shared>> -> memref<128x128xf32, #tpu.memory_space<vmem_shared>>
    %dma_start3A_11 = arith.constant 0 : i32
    %dma_start3A_12 = tpu.memref_slice %arg15[%add3A_8, %dma_start3A_11] : memref<10240x128xf32, #tpu.memory_space<vmem_shared>> -> memref<128x128xf32, #tpu.memory_space<vmem_shared>>
    tpu.enqueue_dma source(%arg11 : memref<128x128xf32, #tpu.memory_space<vmem>>) target(%dma_start3A_12 : memref<128x128xf32, #tpu.memory_space<vmem_shared>>) target_semaphore(%arg14 : memref<!tpu.dma_semaphore, #tpu.memory_space<semaphore_mem>>)
    %add3A_13 = arith.constant 256 : i32
    %add3A_14 = arith.addi %mul3A_0, %add3A_13 : i32
    %dma_start3A_15 = arith.constant 0 : i32
    %dma_start3A_16 = tpu.memref_slice %arg15[%add3A_14, %dma_start3A_15] : memref<10240x128xf32, #tpu.memory_space<vmem_shared>> -> memref<128x128xf32, #tpu.memory_space<vmem_shared>>
    %dma_start3A_17 = arith.constant 0 : i32
    %dma_start3A_18 = tpu.memref_slice %arg15[%add3A_14, %dma_start3A_17] : memref<10240x128xf32, #tpu.memory_space<vmem_shared>> -> memref<128x128xf32, #tpu.memory_space<vmem_shared>>
    tpu.enqueue_dma source(%arg11 : memref<128x128xf32, #tpu.memory_space<vmem>>) target(%dma_start3A_18 : memref<128x128xf32, #tpu.memory_space<vmem_shared>>) target_semaphore(%arg14 : memref<!tpu.dma_semaphore, #tpu.memory_space<semaphore_mem>>)
    %add3A_19 = arith.constant 384 : i32
    %add3A_20 = arith.addi %mul3A_0, %add3A_19 : i32
    %dma_start3A_21 = arith.constant 0 : i32
    %dma_start3A_22 = tpu.memref_slice %arg15[%add3A_20, %dma_start3A_21] : memref<10240x128xf32, #tpu.memory_space<vmem_shared>> -> memref<128x128xf32, #tpu.memory_space<vmem_shared>>
    %dma_start3A_23 = arith.constant 0 : i32
    %dma_start3A_24 = tpu.memref_slice %arg15[%add3A_20, %dma_start3A_23] : memref<10240x128xf32, #tpu.memory_space<vmem_shared>> -> memref<128x128xf32, #tpu.memory_space<vmem_shared>>
    tpu.enqueue_dma source(%arg11 : memref<128x128xf32, #tpu.memory_space<vmem>>) target(%dma_start3A_24 : memref<128x128xf32, #tpu.memory_space<vmem_shared>>) target_semaphore(%arg14 : memref<!tpu.dma_semaphore, #tpu.memory_space<semaphore_mem>>)
    %add3A_25 = arith.constant 512 : i32
    %add3A_26 = arith.addi %mul3A_0, %add3A_25 : i32
    %dma_start3A_27 = arith.constant 0 : i32
    %dma_start3A_28 = tpu.memref_slice %arg15[%add3A_26, %dma_start3A_27] : memref<10240x128xf32, #tpu.memory_space<vmem_shared>> -> memref<128x128xf32, #tpu.memory_space<vmem_shared>>
    %dma_start3A_29 = arith.constant 0 : i32
    %dma_start3A_30 = tpu.memref_slice %arg15[%add3A_26, %dma_start3A_29] : memref<10240x128xf32, #tpu.memory_space<vmem_shared>> -> memref<128x128xf32, #tpu.memory_space<vmem_shared>>
    tpu.enqueue_dma source(%arg11 : memref<128x128xf32, #tpu.memory_space<vmem>>) target(%dma_start3A_30 : memref<128x128xf32, #tpu.memory_space<vmem_shared>>) target_semaphore(%arg14 : memref<!tpu.dma_semaphore, #tpu.memory_space<semaphore_mem>>)
    %dma_wait3A = arith.constant 0 : i32
    %dma_wait3A_31 = tpu.memref_slice %arg15[%mul3A_0, %dma_wait3A] : memref<10240x128xf32, #tpu.memory_space<vmem_shared>> -> memref<128x128xf32, #tpu.memory_space<vmem_shared>>
    %dma_wait3A_32 = arith.constant 0 : i32
    %dma_wait3A_33 = tpu.memref_slice %arg15[%mul3A_0, %dma_wait3A_32] : memref<10240x128xf32, #tpu.memory_space<vmem_shared>> -> memref<128x128xf32, #tpu.memory_space<vmem_shared>>
    tpu.wait_dma2 semaphore(%arg14 : memref<!tpu.dma_semaphore, #tpu.memory_space<semaphore_mem>>) src(%arg11 : memref<128x128xf32, #tpu.memory_space<vmem>>) dst(%dma_wait3A_33 : memref<128x128xf32, #tpu.memory_space<vmem_shared>>)
    %dma_wait3A_34 = arith.constant 0 : i32
    %dma_wait3A_35 = tpu.memref_slice %arg15[%mul3A_0, %dma_wait3A_34] : memref<10240x128xf32, #tpu.memory_space<vmem_shared>> -> memref<128x128xf32, #tpu.memory_space<vmem_shared>>
    %dma_wait3A_36 = arith.constant 0 : i32
    %dma_wait3A_37 = tpu.memref_slice %arg15[%mul3A_0, %dma_wait3A_36] : memref<10240x128xf32, #tpu.memory_space<vmem_shared>> -> memref<128x128xf32, #tpu.memory_space<vmem_shared>>
    tpu.wait_dma2 semaphore(%arg14 : memref<!tpu.dma_semaphore, #tpu.memory_space<semaphore_mem>>) src(%arg11 : memref<128x128xf32, #tpu.memory_space<vmem>>) dst(%dma_wait3A_37 : memref<128x128xf32, #tpu.memory_space<vmem_shared>>)
    %dma_wait3A_38 = arith.constant 0 : i32
    %dma_wait3A_39 = tpu.memref_slice %arg15[%mul3A_0, %dma_wait3A_38] : memref<10240x128xf32, #tpu.memory_space<vmem_shared>> -> memref<128x128xf32, #tpu.memory_space<vmem_shared>>
    %dma_wait3A_40 = arith.constant 0 : i32
    %dma_wait3A_41 = tpu.memref_slice %arg15[%mul3A_0, %dma_wait3A_40] : memref<10240x128xf32, #tpu.memory_space<vmem_shared>> -> memref<128x128xf32, #tpu.memory_space<vmem_shared>>
    tpu.wait_dma2 semaphore(%arg14 : memref<!tpu.dma_semaphore, #tpu.memory_space<semaphore_mem>>) src(%arg11 : memref<128x128xf32, #tpu.memory_space<vmem>>) dst(%dma_wait3A_41 : memref<128x128xf32, #tpu.memory_space<vmem_shared>>)
    %dma_wait3A_42 = arith.constant 0 : i32
    %dma_wait3A_43 = tpu.memref_slice %arg15[%mul3A_0, %dma_wait3A_42] : memref<10240x128xf32, #tpu.memory_space<vmem_shared>> -> memref<128x128xf32, #tpu.memory_space<vmem_shared>>
    %dma_wait3A_44 = arith.constant 0 : i32
    %dma_wait3A_45 = tpu.memref_slice %arg15[%mul3A_0, %dma_wait3A_44] : memref<10240x128xf32, #tpu.memory_space<vmem_shared>> -> memref<128x128xf32, #tpu.memory_space<vmem_shared>>
    tpu.wait_dma2 semaphore(%arg14 : memref<!tpu.dma_semaphore, #tpu.memory_space<semaphore_mem>>) src(%arg11 : memref<128x128xf32, #tpu.memory_space<vmem>>) dst(%dma_wait3A_45 : memref<128x128xf32, #tpu.memory_space<vmem_shared>>)
    %dma_wait3A_46 = arith.constant 0 : i32
    %dma_wait3A_47 = tpu.memref_slice %arg15[%mul3A_0, %dma_wait3A_46] : memref<10240x128xf32, #tpu.memory_space<vmem_shared>> -> memref<128x128xf32, #tpu.memory_space<vmem_shared>>
    %dma_wait3A_48 = arith.constant 0 : i32
    %dma_wait3A_49 = tpu.memref_slice %arg15[%mul3A_0, %dma_wait3A_48] : memref<10240x128xf32, #tpu.memory_space<vmem_shared>> -> memref<128x128xf32, #tpu.memory_space<vmem_shared>>
    tpu.wait_dma2 semaphore(%arg14 : memref<!tpu.dma_semaphore, #tpu.memory_space<semaphore_mem>>) src(%arg11 : memref<128x128xf32, #tpu.memory_space<vmem>>) dst(%dma_wait3A_49 : memref<128x128xf32, #tpu.memory_space<vmem_shared>>)
    %barrier3A = arith.constant 0 : index
    tpu.barrier barrier_id(%barrier3A)
    %while3A = arith.constant 0 : i32
    %while3A_50 = arith.constant 0 : i32
    %while3A_51 = arith.subi %select_n3A, %while3A_50 : i32
    %while3A_52 = arith.addi %while3A_50, %while3A_51 : i32
    %while3A_53 = arith.constant 1 : i32
    %while3A_54 = arith.divsi %while3A_51, %while3A_53 : i32
    %while3A_55 = arith.muli %while3A_54, %while3A_53 : i32
    %while3A_56 = arith.addi %while3A_50, %while3A_55 : i32
    %while3A_57 = arith.constant 1 : i32
    scf.for %while3A_238 = %while3A_50 to %while3A_56 step %while3A_57  : i32 {
      %mul3A_239 = arith.constant 16 : i32
      %mul3A_240 = arith.muli %while3A_238, %mul3A_239 : i32
      "tpu.region"() ({
        %run_scoped3A = tpu.sem_alloc : memref<!tpu.dma_semaphore, #tpu.memory_space<semaphore_mem>>
        %dma_start3A_691 = arith.constant 0 : i32
        %dma_start3A_692 = tpu.memref_slice %arg3[%arg0, %arg1, %mul3A_240, %dma_start3A_691] : memref<2x16x224x128xi32, #tpu.memory_space<hbm>> -> memref<1x1x16x128xi32, #tpu.memory_space<hbm>>
        %dma_start3A_693 = tpu.memref_squeeze %dma_start3A_692 : memref<1x1x16x128xi32, #tpu.memory_space<hbm>> -> memref<16x128xi32, #tpu.memory_space<hbm>>
        %dma_start3A_694 = arith.constant 0 : i32
        %dma_start3A_695 = tpu.memref_slice %arg3[%arg0, %arg1, %mul3A_240, %dma_start3A_694] : memref<2x16x224x128xi32, #tpu.memory_space<hbm>> -> memref<1x1x16x128xi32, #tpu.memory_space<hbm>>
        %dma_start3A_696 = tpu.memref_squeeze %dma_start3A_695 : memref<1x1x16x128xi32, #tpu.memory_space<hbm>> -> memref<16x128xi32, #tpu.memory_space<hbm>>
        tpu.enqueue_dma source(%dma_start3A_696 : memref<16x128xi32, #tpu.memory_space<hbm>>) target(%arg9 : memref<16x128xi32, #tpu.memory_space<vmem>>) target_semaphore(%run_scoped3A : memref<!tpu.dma_semaphore, #tpu.memory_space<semaphore_mem>>)
        %dma_wait3A_697 = arith.constant 0 : i32
        %dma_wait3A_698 = tpu.memref_slice %arg3[%arg0, %arg1, %mul3A_240, %dma_wait3A_697] : memref<2x16x224x128xi32, #tpu.memory_space<hbm>> -> memref<1x1x16x128xi32, #tpu.memory_space<hbm>>
        %dma_wait3A_699 = tpu.memref_squeeze %dma_wait3A_698 : memref<1x1x16x128xi32, #tpu.memory_space<hbm>> -> memref<16x128xi32, #tpu.memory_space<hbm>>
        %dma_wait3A_700 = arith.constant 0 : i32
        %dma_wait3A_701 = tpu.memref_slice %arg3[%arg0, %arg1, %mul3A_240, %dma_wait3A_700] : memref<2x16x224x128xi32, #tpu.memory_space<hbm>> -> memref<1x1x16x128xi32, #tpu.memory_space<hbm>>
        %dma_wait3A_702 = tpu.memref_squeeze %dma_wait3A_701 : memref<1x1x16x128xi32, #tpu.memory_space<hbm>> -> memref<16x128xi32, #tpu.memory_space<hbm>>
        tpu.wait_dma2 semaphore(%run_scoped3A : memref<!tpu.dma_semaphore, #tpu.memory_space<semaphore_mem>>) src(%dma_wait3A_702 : memref<16x128xi32, #tpu.memory_space<hbm>>) dst(%arg9 : memref<16x128xi32, #tpu.memory_space<vmem>>)
        tpu.yield
      }) : () -> ()
      %mul3A_241 = arith.constant 16 : i32
      %mul3A_242 = arith.muli %while3A_238, %mul3A_241 : i32
      "tpu.region"() ({
        %run_scoped3A = tpu.sem_alloc : memref<!tpu.dma_semaphore, #tpu.memory_space<semaphore_mem>>
        %dma_start3A_691 = arith.constant 0 : i32
        %dma_start3A_692 = tpu.memref_slice %arg4[%arg0, %arg1, %mul3A_242, %dma_start3A_691] : memref<2x16x224x128xi32, #tpu.memory_space<hbm>> -> memref<1x1x16x128xi32, #tpu.memory_space<hbm>>
        %dma_start3A_693 = tpu.memref_squeeze %dma_start3A_692 : memref<1x1x16x128xi32, #tpu.memory_space<hbm>> -> memref<16x128xi32, #tpu.memory_space<hbm>>
        %dma_start3A_694 = arith.constant 0 : i32
        %dma_start3A_695 = tpu.memref_slice %arg4[%arg0, %arg1, %mul3A_242, %dma_start3A_694] : memref<2x16x224x128xi32, #tpu.memory_space<hbm>> -> memref<1x1x16x128xi32, #tpu.memory_space<hbm>>
        %dma_start3A_696 = tpu.memref_squeeze %dma_start3A_695 : memref<1x1x16x128xi32, #tpu.memory_space<hbm>> -> memref<16x128xi32, #tpu.memory_space<hbm>>
        tpu.enqueue_dma source(%dma_start3A_696 : memref<16x128xi32, #tpu.memory_space<hbm>>) target(%arg10 : memref<16x128xi32, #tpu.memory_space<vmem>>) target_semaphore(%run_scoped3A : memref<!tpu.dma_semaphore, #tpu.memory_space<semaphore_mem>>)
        %dma_wait3A_697 = arith.constant 0 : i32
        %dma_wait3A_698 = tpu.memref_slice %arg4[%arg0, %arg1, %mul3A_242, %dma_wait3A_697] : memref<2x16x224x128xi32, #tpu.memory_space<hbm>> -> memref<1x1x16x128xi32, #tpu.memory_space<hbm>>
        %dma_wait3A_699 = tpu.memref_squeeze %dma_wait3A_698 : memref<1x1x16x128xi32, #tpu.memory_space<hbm>> -> memref<16x128xi32, #tpu.memory_space<hbm>>
        %dma_wait3A_700 = arith.constant 0 : i32
        %dma_wait3A_701 = tpu.memref_slice %arg4[%arg0, %arg1, %mul3A_242, %dma_wait3A_700] : memref<2x16x224x128xi32, #tpu.memory_space<hbm>> -> memref<1x1x16x128xi32, #tpu.memory_space<hbm>>
        %dma_wait3A_702 = tpu.memref_squeeze %dma_wait3A_701 : memref<1x1x16x128xi32, #tpu.memory_space<hbm>> -> memref<16x128xi32, #tpu.memory_space<hbm>>
        tpu.wait_dma2 semaphore(%run_scoped3A : memref<!tpu.dma_semaphore, #tpu.memory_space<semaphore_mem>>) src(%dma_wait3A_702 : memref<16x128xi32, #tpu.memory_space<hbm>>) dst(%arg10 : memref<16x128xi32, #tpu.memory_space<vmem>>)
        tpu.yield
      }) : () -> ()
      %dma_start3A_243 = arith.constant 0 : i32
      %dma_start3A_244 = arith.constant 0 : i32
      %dma_start3A_245 = tpu.memref_slice %arg10[%dma_start3A_243, %dma_start3A_244] : memref<16x128xi32, #tpu.memory_space<vmem>> -> memref<1x128xi32, #tpu.memory_space<vmem>>
      %dma_start3A_246 = tpu.memref_squeeze %dma_start3A_245 : memref<1x128xi32, #tpu.memory_space<vmem>> -> memref<128xi32, #tpu.memory_space<vmem>>
      %dma_start3A_247 = arith.constant 0 : i32
      %dma_start3A_248 = arith.constant 0 : i32
      %dma_start3A_249 = tpu.memref_slice %arg2[%dma_start3A_247, %dma_start3A_248] : memref<10000x128xf32, #tpu.memory_space<hbm>> -> memref<10000x128xf32, #tpu.memory_space<hbm>>
      tpu.enqueue_indirect_dma source(%dma_start3A_249 : memref<10000x128xf32, #tpu.memory_space<hbm>>) target(%arg11 : memref<128x128xf32, #tpu.memory_space<vmem>>) offsets(%dma_start3A_246 : memref<128xi32, #tpu.memory_space<vmem>>) semaphore(%arg13 : memref<!tpu.dma_semaphore, #tpu.memory_space<semaphore_mem>>)
      %dma_wait3A_250 = arith.constant 0 : i32
      %dma_wait3A_251 = arith.constant 0 : i32
      %dma_wait3A_252 = tpu.memref_slice %arg10[%dma_wait3A_250, %dma_wait3A_251] : memref<16x128xi32, #tpu.memory_space<vmem>> -> memref<1x128xi32, #tpu.memory_space<vmem>>
      %dma_wait3A_253 = tpu.memref_squeeze %dma_wait3A_252 : memref<1x128xi32, #tpu.memory_space<vmem>> -> memref<128xi32, #tpu.memory_space<vmem>>
      %dma_wait3A_254 = arith.constant 0 : i32
      %dma_wait3A_255 = arith.constant 0 : i32
      %dma_wait3A_256 = tpu.memref_slice %arg2[%dma_wait3A_254, %dma_wait3A_255] : memref<10000x128xf32, #tpu.memory_space<hbm>> -> memref<10000x128xf32, #tpu.memory_space<hbm>>
      tpu.wait_indirect_dma semaphore(%arg13 : memref<!tpu.dma_semaphore, #tpu.memory_space<semaphore_mem>>) src(%dma_wait3A_256 : memref<10000x128xf32, #tpu.memory_space<hbm>>) dst(%arg11 : memref<128x128xf32, #tpu.memory_space<vmem>>)
      %dma_start3A_257 = arith.constant 0 : i32
      %dma_start3A_258 = arith.constant 0 : i32
      %dma_start3A_259 = tpu.memref_slice %arg9[%dma_start3A_257, %dma_start3A_258] : memref<16x128xi32, #tpu.memory_space<vmem>> -> memref<1x128xi32, #tpu.memory_space<vmem>>
      %dma_start3A_260 = tpu.memref_squeeze %dma_start3A_259 : memref<1x128xi32, #tpu.memory_space<vmem>> -> memref<128xi32, #tpu.memory_space<vmem>>
      %dma_start3A_261 = arith.constant 0 : i32
      %dma_start3A_262 = arith.constant 0 : i32
      %dma_start3A_263 = tpu.memref_slice %arg15[%dma_start3A_261, %dma_start3A_262] : memref<10240x128xf32, #tpu.memory_space<vmem_shared>> -> memref<10240x128xf32, #tpu.memory_space<vmem_shared>>
      tpu.enqueue_indirect_dma source(%arg11 : memref<128x128xf32, #tpu.memory_space<vmem>>) target(%dma_start3A_263 : memref<10240x128xf32, #tpu.memory_space<vmem_shared>>) offsets(%dma_start3A_260 : memref<128xi32, #tpu.memory_space<vmem>>) semaphore(%arg14 : memref<!tpu.dma_semaphore, #tpu.memory_space<semaphore_mem>>) {add = true}
      %dma_start3A_264 = arith.constant 1 : i32
      %dma_start3A_265 = arith.constant 0 : i32
      %dma_start3A_266 = tpu.memref_slice %arg10[%dma_start3A_264, %dma_start3A_265] : memref<16x128xi32, #tpu.memory_space<vmem>> -> memref<1x128xi32, #tpu.memory_space<vmem>>
      %dma_start3A_267 = tpu.memref_squeeze %dma_start3A_266 : memref<1x128xi32, #tpu.memory_space<vmem>> -> memref<128xi32, #tpu.memory_space<vmem>>
      %dma_start3A_268 = arith.constant 0 : i32
      %dma_start3A_269 = arith.constant 0 : i32
      %dma_start3A_270 = tpu.memref_slice %arg2[%dma_start3A_268, %dma_start3A_269] : memref<10000x128xf32, #tpu.memory_space<hbm>> -> memref<10000x128xf32, #tpu.memory_space<hbm>>
      tpu.enqueue_indirect_dma source(%dma_start3A_270 : memref<10000x128xf32, #tpu.memory_space<hbm>>) target(%arg12 : memref<128x128xf32, #tpu.memory_space<vmem>>) offsets(%dma_start3A_267 : memref<128xi32, #tpu.memory_space<vmem>>) semaphore(%arg13 : memref<!tpu.dma_semaphore, #tpu.memory_space<semaphore_mem>>)
      %dma_wait3A_271 = arith.constant 1 : i32
      %dma_wait3A_272 = arith.constant 0 : i32
      %dma_wait3A_273 = tpu.memref_slice %arg10[%dma_wait3A_271, %dma_wait3A_272] : memref<16x128xi32, #tpu.memory_space<vmem>> -> memref<1x128xi32, #tpu.memory_space<vmem>>
      %dma_wait3A_274 = tpu.memref_squeeze %dma_wait3A_273 : memref<1x128xi32, #tpu.memory_space<vmem>> -> memref<128xi32, #tpu.memory_space<vmem>>
      %dma_wait3A_275 = arith.constant 0 : i32
      %dma_wait3A_276 = arith.constant 0 : i32
      %dma_wait3A_277 = tpu.memref_slice %arg2[%dma_wait3A_275, %dma_wait3A_276] : memref<10000x128xf32, #tpu.memory_space<hbm>> -> memref<10000x128xf32, #tpu.memory_space<hbm>>
      tpu.wait_indirect_dma semaphore(%arg13 : memref<!tpu.dma_semaphore, #tpu.memory_space<semaphore_mem>>) src(%dma_wait3A_277 : memref<10000x128xf32, #tpu.memory_space<hbm>>) dst(%arg12 : memref<128x128xf32, #tpu.memory_space<vmem>>)
      %dma_start3A_278 = arith.constant 1 : i32
      %dma_start3A_279 = arith.constant 0 : i32
      %dma_start3A_280 = tpu.memref_slice %arg9[%dma_start3A_278, %dma_start3A_279] : memref<16x128xi32, #tpu.memory_space<vmem>> -> memref<1x128xi32, #tpu.memory_space<vmem>>
      %dma_start3A_281 = tpu.memref_squeeze %dma_start3A_280 : memref<1x128xi32, #tpu.memory_space<vmem>> -> memref<128xi32, #tpu.memory_space<vmem>>
      %dma_start3A_282 = arith.constant 0 : i32
      %dma_start3A_283 = arith.constant 0 : i32
      %dma_start3A_284 = tpu.memref_slice %arg15[%dma_start3A_282, %dma_start3A_283] : memref<10240x128xf32, #tpu.memory_space<vmem_shared>> -> memref<10240x128xf32, #tpu.memory_space<vmem_shared>>
      tpu.enqueue_indirect_dma source(%arg12 : memref<128x128xf32, #tpu.memory_space<vmem>>) target(%dma_start3A_284 : memref<10240x128xf32, #tpu.memory_space<vmem_shared>>) offsets(%dma_start3A_281 : memref<128xi32, #tpu.memory_space<vmem>>) semaphore(%arg14 : memref<!tpu.dma_semaphore, #tpu.memory_space<semaphore_mem>>) {add = true}
      %dma_wait3A_285 = arith.constant 1 : i32
      %dma_wait3A_286 = arith.constant 0 : i32
      %dma_wait3A_287 = tpu.memref_slice %arg9[%dma_wait3A_285, %dma_wait3A_286] : memref<16x128xi32, #tpu.memory_space<vmem>> -> memref<1x128xi32, #tpu.memory_space<vmem>>
      %dma_wait3A_288 = tpu.memref_squeeze %dma_wait3A_287 : memref<1x128xi32, #tpu.memory_space<vmem>> -> memref<128xi32, #tpu.memory_space<vmem>>
      %dma_wait3A_289 = arith.constant 0 : i32
      %dma_wait3A_290 = arith.constant 0 : i32
      %dma_wait3A_291 = tpu.memref_slice %arg15[%dma_wait3A_289, %dma_wait3A_290] : memref<10240x128xf32, #tpu.memory_space<vmem_shared>> -> memref<10240x128xf32, #tpu.memory_space<vmem_shared>>
      tpu.wait_indirect_dma semaphore(%arg14 : memref<!tpu.dma_semaphore, #tpu.memory_space<semaphore_mem>>) src(%arg11 : memref<128x128xf32, #tpu.memory_space<vmem>>) dst(%dma_wait3A_291 : memref<10240x128xf32, #tpu.memory_space<vmem_shared>>)
      %dma_start3A_292 = arith.constant 2 : i32
      %dma_start3A_293 = arith.constant 0 : i32
      %dma_start3A_294 = tpu.memref_slice %arg10[%dma_start3A_292, %dma_start3A_293] : memref<16x128xi32, #tpu.memory_space<vmem>> -> memref<1x128xi32, #tpu.memory_space<vmem>>
      %dma_start3A_295 = tpu.memref_squeeze %dma_start3A_294 : memref<1x128xi32, #tpu.memory_space<vmem>> -> memref<128xi32, #tpu.memory_space<vmem>>
      %dma_start3A_296 = arith.constant 0 : i32
      %dma_start3A_297 = arith.constant 0 : i32
      %dma_start3A_298 = tpu.memref_slice %arg2[%dma_start3A_296, %dma_start3A_297] : memref<10000x128xf32, #tpu.memory_space<hbm>> -> memref<10000x128xf32, #tpu.memory_space<hbm>>
      tpu.enqueue_indirect_dma source(%dma_start3A_298 : memref<10000x128xf32, #tpu.memory_space<hbm>>) target(%arg11 : memref<128x128xf32, #tpu.memory_space<vmem>>) offsets(%dma_start3A_295 : memref<128xi32, #tpu.memory_space<vmem>>) semaphore(%arg13 : memref<!tpu.dma_semaphore, #tpu.memory_space<semaphore_mem>>)
      %dma_wait3A_299 = arith.constant 2 : i32
      %dma_wait3A_300 = arith.constant 0 : i32
      %dma_wait3A_301 = tpu.memref_slice %arg10[%dma_wait3A_299, %dma_wait3A_300] : memref<16x128xi32, #tpu.memory_space<vmem>> -> memref<1x128xi32, #tpu.memory_space<vmem>>
      %dma_wait3A_302 = tpu.memref_squeeze %dma_wait3A_301 : memref<1x128xi32, #tpu.memory_space<vmem>> -> memref<128xi32, #tpu.memory_space<vmem>>
      %dma_wait3A_303 = arith.constant 0 : i32
      %dma_wait3A_304 = arith.constant 0 : i32
      %dma_wait3A_305 = tpu.memref_slice %arg2[%dma_wait3A_303, %dma_wait3A_304] : memref<10000x128xf32, #tpu.memory_space<hbm>> -> memref<10000x128xf32, #tpu.memory_space<hbm>>
      tpu.wait_indirect_dma semaphore(%arg13 : memref<!tpu.dma_semaphore, #tpu.memory_space<semaphore_mem>>) src(%dma_wait3A_305 : memref<10000x128xf32, #tpu.memory_space<hbm>>) dst(%arg11 : memref<128x128xf32, #tpu.memory_space<vmem>>)
      %dma_start3A_306 = arith.constant 2 : i32
      %dma_start3A_307 = arith.constant 0 : i32
      %dma_start3A_308 = tpu.memref_slice %arg9[%dma_start3A_306, %dma_start3A_307] : memref<16x128xi32, #tpu.memory_space<vmem>> -> memref<1x128xi32, #tpu.memory_space<vmem>>
      %dma_start3A_309 = tpu.memref_squeeze %dma_start3A_308 : memref<1x128xi32, #tpu.memory_space<vmem>> -> memref<128xi32, #tpu.memory_space<vmem>>
      %dma_start3A_310 = arith.constant 0 : i32
      %dma_start3A_311 = arith.constant 0 : i32
      %dma_start3A_312 = tpu.memref_slice %arg15[%dma_start3A_310, %dma_start3A_311] : memref<10240x128xf32, #tpu.memory_space<vmem_shared>> -> memref<10240x128xf32, #tpu.memory_space<vmem_shared>>
      tpu.enqueue_indirect_dma source(%arg11 : memref<128x128xf32, #tpu.memory_space<vmem>>) target(%dma_start3A_312 : memref<10240x128xf32, #tpu.memory_space<vmem_shared>>) offsets(%dma_start3A_309 : memref<128xi32, #tpu.memory_space<vmem>>) semaphore(%arg14 : memref<!tpu.dma_semaphore, #tpu.memory_space<semaphore_mem>>) {add = true}
      %dma_wait3A_313 = arith.constant 2 : i32
      %dma_wait3A_314 = arith.constant 0 : i32
      %dma_wait3A_315 = tpu.memref_slice %arg9[%dma_wait3A_313, %dma_wait3A_314] : memref<16x128xi32, #tpu.memory_space<vmem>> -> memref<1x128xi32, #tpu.memory_space<vmem>>
      %dma_wait3A_316 = tpu.memref_squeeze %dma_wait3A_315 : memref<1x128xi32, #tpu.memory_space<vmem>> -> memref<128xi32, #tpu.memory_space<vmem>>
      %dma_wait3A_317 = arith.constant 0 : i32
      %dma_wait3A_318 = arith.constant 0 : i32
      %dma_wait3A_319 = tpu.memref_slice %arg15[%dma_wait3A_317, %dma_wait3A_318] : memref<10240x128xf32, #tpu.memory_space<vmem_shared>> -> memref<10240x128xf32, #tpu.memory_space<vmem_shared>>
      tpu.wait_indirect_dma semaphore(%arg14 : memref<!tpu.dma_semaphore, #tpu.memory_space<semaphore_mem>>) src(%arg12 : memref<128x128xf32, #tpu.memory_space<vmem>>) dst(%dma_wait3A_319 : memref<10240x128xf32, #tpu.memory_space<vmem_shared>>)
      %dma_start3A_320 = arith.constant 3 : i32
      %dma_start3A_321 = arith.constant 0 : i32
      %dma_start3A_322 = tpu.memref_slice %arg10[%dma_start3A_320, %dma_start3A_321] : memref<16x128xi32, #tpu.memory_space<vmem>> -> memref<1x128xi32, #tpu.memory_space<vmem>>
      %dma_start3A_323 = tpu.memref_squeeze %dma_start3A_322 : memref<1x128xi32, #tpu.memory_space<vmem>> -> memref<128xi32, #tpu.memory_space<vmem>>
      %dma_start3A_324 = arith.constant 0 : i32
      %dma_start3A_325 = arith.constant 0 : i32
      %dma_start3A_326 = tpu.memref_slice %arg2[%dma_start3A_324, %dma_start3A_325] : memref<10000x128xf32, #tpu.memory_space<hbm>> -> memref<10000x128xf32, #tpu.memory_space<hbm>>
      tpu.enqueue_indirect_dma source(%dma_start3A_326 : memref<10000x128xf32, #tpu.memory_space<hbm>>) target(%arg12 : memref<128x128xf32, #tpu.memory_space<vmem>>) offsets(%dma_start3A_323 : memref<128xi32, #tpu.memory_space<vmem>>) semaphore(%arg13 : memref<!tpu.dma_semaphore, #tpu.memory_space<semaphore_mem>>)
      %dma_wait3A_327 = arith.constant 3 : i32
      %dma_wait3A_328 = arith.constant 0 : i32
      %dma_wait3A_329 = tpu.memref_slice %arg10[%dma_wait3A_327, %dma_wait3A_328] : memref<16x128xi32, #tpu.memory_space<vmem>> -> memref<1x128xi32, #tpu.memory_space<vmem>>
      %dma_wait3A_330 = tpu.memref_squeeze %dma_wait3A_329 : memref<1x128xi32, #tpu.memory_space<vmem>> -> memref<128xi32, #tpu.memory_space<vmem>>
      %dma_wait3A_331 = arith.constant 0 : i32
      %dma_wait3A_332 = arith.constant 0 : i32
      %dma_wait3A_333 = tpu.memref_slice %arg2[%dma_wait3A_331, %dma_wait3A_332] : memref<10000x128xf32, #tpu.memory_space<hbm>> -> memref<10000x128xf32, #tpu.memory_space<hbm>>
      tpu.wait_indirect_dma semaphore(%arg13 : memref<!tpu.dma_semaphore, #tpu.memory_space<semaphore_mem>>) src(%dma_wait3A_333 : memref<10000x128xf32, #tpu.memory_space<hbm>>) dst(%arg12 : memref<128x128xf32, #tpu.memory_space<vmem>>)
      %dma_start3A_334 = arith.constant 3 : i32
      %dma_start3A_335 = arith.constant 0 : i32
      %dma_start3A_336 = tpu.memref_slice %arg9[%dma_start3A_334, %dma_start3A_335] : memref<16x128xi32, #tpu.memory_space<vmem>> -> memref<1x128xi32, #tpu.memory_space<vmem>>
      %dma_start3A_337 = tpu.memref_squeeze %dma_start3A_336 : memref<1x128xi32, #tpu.memory_space<vmem>> -> memref<128xi32, #tpu.memory_space<vmem>>
      %dma_start3A_338 = arith.constant 0 : i32
      %dma_start3A_339 = arith.constant 0 : i32
      %dma_start3A_340 = tpu.memref_slice %arg15[%dma_start3A_338, %dma_start3A_339] : memref<10240x128xf32, #tpu.memory_space<vmem_shared>> -> memref<10240x128xf32, #tpu.memory_space<vmem_shared>>
      tpu.enqueue_indirect_dma source(%arg12 : memref<128x128xf32, #tpu.memory_space<vmem>>) target(%dma_start3A_340 : memref<10240x128xf32, #tpu.memory_space<vmem_shared>>) offsets(%dma_start3A_337 : memref<128xi32, #tpu.memory_space<vmem>>) semaphore(%arg14 : memref<!tpu.dma_semaphore, #tpu.memory_space<semaphore_mem>>) {add = true}
      %dma_wait3A_341 = arith.constant 3 : i32
      %dma_wait3A_342 = arith.constant 0 : i32
      %dma_wait3A_343 = tpu.memref_slice %arg9[%dma_wait3A_341, %dma_wait3A_342] : memref<16x128xi32, #tpu.memory_space<vmem>> -> memref<1x128xi32, #tpu.memory_space<vmem>>
      %dma_wait3A_344 = tpu.memref_squeeze %dma_wait3A_343 : memref<1x128xi32, #tpu.memory_space<vmem>> -> memref<128xi32, #tpu.memory_space<vmem>>
      %dma_wait3A_345 = arith.constant 0 : i32
      %dma_wait3A_346 = arith.constant 0 : i32
      %dma_wait3A_347 = tpu.memref_slice %arg15[%dma_wait3A_345, %dma_wait3A_346] : memref<10240x128xf32, #tpu.memory_space<vmem_shared>> -> memref<10240x128xf32, #tpu.memory_space<vmem_shared>>
      tpu.wait_indirect_dma semaphore(%arg14 : memref<!tpu.dma_semaphore, #tpu.memory_space<semaphore_mem>>) src(%arg11 : memref<128x128xf32, #tpu.memory_space<vmem>>) dst(%dma_wait3A_347 : memref<10240x128xf32, #tpu.memory_space<vmem_shared>>)
      %dma_start3A_348 = arith.constant 4 : i32
      %dma_start3A_349 = arith.constant 0 : i32
      %dma_start3A_350 = tpu.memref_slice %arg10[%dma_start3A_348, %dma_start3A_349] : memref<16x128xi32, #tpu.memory_space<vmem>> -> memref<1x128xi32, #tpu.memory_space<vmem>>
      %dma_start3A_351 = tpu.memref_squeeze %dma_start3A_350 : memref<1x128xi32, #tpu.memory_space<vmem>> -> memref<128xi32, #tpu.memory_space<vmem>>
      %dma_start3A_352 = arith.constant 0 : i32
      %dma_start3A_353 = arith.constant 0 : i32
      %dma_start3A_354 = tpu.memref_slice %arg2[%dma_start3A_352, %dma_start3A_353] : memref<10000x128xf32, #tpu.memory_space<hbm>> -> memref<10000x128xf32, #tpu.memory_space<hbm>>
      tpu.enqueue_indirect_dma source(%dma_start3A_354 : memref<10000x128xf32, #tpu.memory_space<hbm>>) target(%arg11 : memref<128x128xf32, #tpu.memory_space<vmem>>) offsets(%dma_start3A_351 : memref<128xi32, #tpu.memory_space<vmem>>) semaphore(%arg13 : memref<!tpu.dma_semaphore, #tpu.memory_space<semaphore_mem>>)
      %dma_wait3A_355 = arith.constant 4 : i32
      %dma_wait3A_356 = arith.constant 0 : i32
      %dma_wait3A_357 = tpu.memref_slice %arg10[%dma_wait3A_355, %dma_wait3A_356] : memref<16x128xi32, #tpu.memory_space<vmem>> -> memref<1x128xi32, #tpu.memory_space<vmem>>
      %dma_wait3A_358 = tpu.memref_squeeze %dma_wait3A_357 : memref<1x128xi32, #tpu.memory_space<vmem>> -> memref<128xi32, #tpu.memory_space<vmem>>
      %dma_wait3A_359 = arith.constant 0 : i32
      %dma_wait3A_360 = arith.constant 0 : i32
      %dma_wait3A_361 = tpu.memref_slice %arg2[%dma_wait3A_359, %dma_wait3A_360] : memref<10000x128xf32, #tpu.memory_space<hbm>> -> memref<10000x128xf32, #tpu.memory_space<hbm>>
      tpu.wait_indirect_dma semaphore(%arg13 : memref<!tpu.dma_semaphore, #tpu.memory_space<semaphore_mem>>) src(%dma_wait3A_361 : memref<10000x128xf32, #tpu.memory_space<hbm>>) dst(%arg11 : memref<128x128xf32, #tpu.memory_space<vmem>>)
      %dma_start3A_362 = arith.constant 4 : i32
      %dma_start3A_363 = arith.constant 0 : i32
      %dma_start3A_364 = tpu.memref_slice %arg9[%dma_start3A_362, %dma_start3A_363] : memref<16x128xi32, #tpu.memory_space<vmem>> -> memref<1x128xi32, #tpu.memory_space<vmem>>
      %dma_start3A_365 = tpu.memref_squeeze %dma_start3A_364 : memref<1x128xi32, #tpu.memory_space<vmem>> -> memref<128xi32, #tpu.memory_space<vmem>>
      %dma_start3A_366 = arith.constant 0 : i32
      %dma_start3A_367 = arith.constant 0 : i32
      %dma_start3A_368 = tpu.memref_slice %arg15[%dma_start3A_366, %dma_start3A_367] : memref<10240x128xf32, #tpu.memory_space<vmem_shared>> -> memref<10240x128xf32, #tpu.memory_space<vmem_shared>>
      tpu.enqueue_indirect_dma source(%arg11 : memref<128x128xf32, #tpu.memory_space<vmem>>) target(%dma_start3A_368 : memref<10240x128xf32, #tpu.memory_space<vmem_shared>>) offsets(%dma_start3A_365 : memref<128xi32, #tpu.memory_space<vmem>>) semaphore(%arg14 : memref<!tpu.dma_semaphore, #tpu.memory_space<semaphore_mem>>) {add = true}
      %dma_wait3A_369 = arith.constant 4 : i32
      %dma_wait3A_370 = arith.constant 0 : i32
      %dma_wait3A_371 = tpu.memref_slice %arg9[%dma_wait3A_369, %dma_wait3A_370] : memref<16x128xi32, #tpu.memory_space<vmem>> -> memref<1x128xi32, #tpu.memory_space<vmem>>
      %dma_wait3A_372 = tpu.memref_squeeze %dma_wait3A_371 : memref<1x128xi32, #tpu.memory_space<vmem>> -> memref<128xi32, #tpu.memory_space<vmem>>
      %dma_wait3A_373 = arith.constant 0 : i32
      %dma_wait3A_374 = arith.constant 0 : i32
      %dma_wait3A_375 = tpu.memref_slice %arg15[%dma_wait3A_373, %dma_wait3A_374] : memref<10240x128xf32, #tpu.memory_space<vmem_shared>> -> memref<10240x128xf32, #tpu.memory_space<vmem_shared>>
      tpu.wait_indirect_dma semaphore(%arg14 : memref<!tpu.dma_semaphore, #tpu.memory_space<semaphore_mem>>) src(%arg12 : memref<128x128xf32, #tpu.memory_space<vmem>>) dst(%dma_wait3A_375 : memref<10240x128xf32, #tpu.memory_space<vmem_shared>>)
      %dma_start3A_376 = arith.constant 5 : i32
      %dma_start3A_377 = arith.constant 0 : i32
      %dma_start3A_378 = tpu.memref_slice %arg10[%dma_start3A_376, %dma_start3A_377] : memref<16x128xi32, #tpu.memory_space<vmem>> -> memref<1x128xi32, #tpu.memory_space<vmem>>
      %dma_start3A_379 = tpu.memref_squeeze %dma_start3A_378 : memref<1x128xi32, #tpu.memory_space<vmem>> -> memref<128xi32, #tpu.memory_space<vmem>>
      %dma_start3A_380 = arith.constant 0 : i32
      %dma_start3A_381 = arith.constant 0 : i32
      %dma_start3A_382 = tpu.memref_slice %arg2[%dma_start3A_380, %dma_start3A_381] : memref<10000x128xf32, #tpu.memory_space<hbm>> -> memref<10000x128xf32, #tpu.memory_space<hbm>>
      tpu.enqueue_indirect_dma source(%dma_start3A_382 : memref<10000x128xf32, #tpu.memory_space<hbm>>) target(%arg12 : memref<128x128xf32, #tpu.memory_space<vmem>>) offsets(%dma_start3A_379 : memref<128xi32, #tpu.memory_space<vmem>>) semaphore(%arg13 : memref<!tpu.dma_semaphore, #tpu.memory_space<semaphore_mem>>)
      %dma_wait3A_383 = arith.constant 5 : i32
      %dma_wait3A_384 = arith.constant 0 : i32
      %dma_wait3A_385 = tpu.memref_slice %arg10[%dma_wait3A_383, %dma_wait3A_384] : memref<16x128xi32, #tpu.memory_space<vmem>> -> memref<1x128xi32, #tpu.memory_space<vmem>>
      %dma_wait3A_386 = tpu.memref_squeeze %dma_wait3A_385 : memref<1x128xi32, #tpu.memory_space<vmem>> -> memref<128xi32, #tpu.memory_space<vmem>>
      %dma_wait3A_387 = arith.constant 0 : i32
      %dma_wait3A_388 = arith.constant 0 : i32
      %dma_wait3A_389 = tpu.memref_slice %arg2[%dma_wait3A_387, %dma_wait3A_388] : memref<10000x128xf32, #tpu.memory_space<hbm>> -> memref<10000x128xf32, #tpu.memory_space<hbm>>
      tpu.wait_indirect_dma semaphore(%arg13 : memref<!tpu.dma_semaphore, #tpu.memory_space<semaphore_mem>>) src(%dma_wait3A_389 : memref<10000x128xf32, #tpu.memory_space<hbm>>) dst(%arg12 : memref<128x128xf32, #tpu.memory_space<vmem>>)
      %dma_start3A_390 = arith.constant 5 : i32
      %dma_start3A_391 = arith.constant 0 : i32
      %dma_start3A_392 = tpu.memref_slice %arg9[%dma_start3A_390, %dma_start3A_391] : memref<16x128xi32, #tpu.memory_space<vmem>> -> memref<1x128xi32, #tpu.memory_space<vmem>>
      %dma_start3A_393 = tpu.memref_squeeze %dma_start3A_392 : memref<1x128xi32, #tpu.memory_space<vmem>> -> memref<128xi32, #tpu.memory_space<vmem>>
      %dma_start3A_394 = arith.constant 0 : i32
      %dma_start3A_395 = arith.constant 0 : i32
      %dma_start3A_396 = tpu.memref_slice %arg15[%dma_start3A_394, %dma_start3A_395] : memref<10240x128xf32, #tpu.memory_space<vmem_shared>> -> memref<10240x128xf32, #tpu.memory_space<vmem_shared>>
      tpu.enqueue_indirect_dma source(%arg12 : memref<128x128xf32, #tpu.memory_space<vmem>>) target(%dma_start3A_396 : memref<10240x128xf32, #tpu.memory_space<vmem_shared>>) offsets(%dma_start3A_393 : memref<128xi32, #tpu.memory_space<vmem>>) semaphore(%arg14 : memref<!tpu.dma_semaphore, #tpu.memory_space<semaphore_mem>>) {add = true}
      %dma_wait3A_397 = arith.constant 5 : i32
      %dma_wait3A_398 = arith.constant 0 : i32
      %dma_wait3A_399 = tpu.memref_slice %arg9[%dma_wait3A_397, %dma_wait3A_398] : memref<16x128xi32, #tpu.memory_space<vmem>> -> memref<1x128xi32, #tpu.memory_space<vmem>>
      %dma_wait3A_400 = tpu.memref_squeeze %dma_wait3A_399 : memref<1x128xi32, #tpu.memory_space<vmem>> -> memref<128xi32, #tpu.memory_space<vmem>>
      %dma_wait3A_401 = arith.constant 0 : i32
      %dma_wait3A_402 = arith.constant 0 : i32
      %dma_wait3A_403 = tpu.memref_slice %arg15[%dma_wait3A_401, %dma_wait3A_402] : memref<10240x128xf32, #tpu.memory_space<vmem_shared>> -> memref<10240x128xf32, #tpu.memory_space<vmem_shared>>
      tpu.wait_indirect_dma semaphore(%arg14 : memref<!tpu.dma_semaphore, #tpu.memory_space<semaphore_mem>>) src(%arg11 : memref<128x128xf32, #tpu.memory_space<vmem>>) dst(%dma_wait3A_403 : memref<10240x128xf32, #tpu.memory_space<vmem_shared>>)
      %dma_start3A_404 = arith.constant 6 : i32
      %dma_start3A_405 = arith.constant 0 : i32
      %dma_start3A_406 = tpu.memref_slice %arg10[%dma_start3A_404, %dma_start3A_405] : memref<16x128xi32, #tpu.memory_space<vmem>> -> memref<1x128xi32, #tpu.memory_space<vmem>>
      %dma_start3A_407 = tpu.memref_squeeze %dma_start3A_406 : memref<1x128xi32, #tpu.memory_space<vmem>> -> memref<128xi32, #tpu.memory_space<vmem>>
      %dma_start3A_408 = arith.constant 0 : i32
      %dma_start3A_409 = arith.constant 0 : i32
      %dma_start3A_410 = tpu.memref_slice %arg2[%dma_start3A_408, %dma_start3A_409] : memref<10000x128xf32, #tpu.memory_space<hbm>> -> memref<10000x128xf32, #tpu.memory_space<hbm>>
      tpu.enqueue_indirect_dma source(%dma_start3A_410 : memref<10000x128xf32, #tpu.memory_space<hbm>>) target(%arg11 : memref<128x128xf32, #tpu.memory_space<vmem>>) offsets(%dma_start3A_407 : memref<128xi32, #tpu.memory_space<vmem>>) semaphore(%arg13 : memref<!tpu.dma_semaphore, #tpu.memory_space<semaphore_mem>>)
      %dma_wait3A_411 = arith.constant 6 : i32
      %dma_wait3A_412 = arith.constant 0 : i32
      %dma_wait3A_413 = tpu.memref_slice %arg10[%dma_wait3A_411, %dma_wait3A_412] : memref<16x128xi32, #tpu.memory_space<vmem>> -> memref<1x128xi32, #tpu.memory_space<vmem>>
      %dma_wait3A_414 = tpu.memref_squeeze %dma_wait3A_413 : memref<1x128xi32, #tpu.memory_space<vmem>> -> memref<128xi32, #tpu.memory_space<vmem>>
      %dma_wait3A_415 = arith.constant 0 : i32
      %dma_wait3A_416 = arith.constant 0 : i32
      %dma_wait3A_417 = tpu.memref_slice %arg2[%dma_wait3A_415, %dma_wait3A_416] : memref<10000x128xf32, #tpu.memory_space<hbm>> -> memref<10000x128xf32, #tpu.memory_space<hbm>>
      tpu.wait_indirect_dma semaphore(%arg13 : memref<!tpu.dma_semaphore, #tpu.memory_space<semaphore_mem>>) src(%dma_wait3A_417 : memref<10000x128xf32, #tpu.memory_space<hbm>>) dst(%arg11 : memref<128x128xf32, #tpu.memory_space<vmem>>)
      %dma_start3A_418 = arith.constant 6 : i32
      %dma_start3A_419 = arith.constant 0 : i32
      %dma_start3A_420 = tpu.memref_slice %arg9[%dma_start3A_418, %dma_start3A_419] : memref<16x128xi32, #tpu.memory_space<vmem>> -> memref<1x128xi32, #tpu.memory_space<vmem>>
      %dma_start3A_421 = tpu.memref_squeeze %dma_start3A_420 : memref<1x128xi32, #tpu.memory_space<vmem>> -> memref<128xi32, #tpu.memory_space<vmem>>
      %dma_start3A_422 = arith.constant 0 : i32
      %dma_start3A_423 = arith.constant 0 : i32
      %dma_start3A_424 = tpu.memref_slice %arg15[%dma_start3A_422, %dma_start3A_423] : memref<10240x128xf32, #tpu.memory_space<vmem_shared>> -> memref<10240x128xf32, #tpu.memory_space<vmem_shared>>
      tpu.enqueue_indirect_dma source(%arg11 : memref<128x128xf32, #tpu.memory_space<vmem>>) target(%dma_start3A_424 : memref<10240x128xf32, #tpu.memory_space<vmem_shared>>) offsets(%dma_start3A_421 : memref<128xi32, #tpu.memory_space<vmem>>) semaphore(%arg14 : memref<!tpu.dma_semaphore, #tpu.memory_space<semaphore_mem>>) {add = true}
      %dma_wait3A_425 = arith.constant 6 : i32
      %dma_wait3A_426 = arith.constant 0 : i32
      %dma_wait3A_427 = tpu.memref_slice %arg9[%dma_wait3A_425, %dma_wait3A_426] : memref<16x128xi32, #tpu.memory_space<vmem>> -> memref<1x128xi32, #tpu.memory_space<vmem>>
      %dma_wait3A_428 = tpu.memref_squeeze %dma_wait3A_427 : memref<1x128xi32, #tpu.memory_space<vmem>> -> memref<128xi32, #tpu.memory_space<vmem>>
      %dma_wait3A_429 = arith.constant 0 : i32
      %dma_wait3A_430 = arith.constant 0 : i32
      %dma_wait3A_431 = tpu.memref_slice %arg15[%dma_wait3A_429, %dma_wait3A_430] : memref<10240x128xf32, #tpu.memory_space<vmem_shared>> -> memref<10240x128xf32, #tpu.memory_space<vmem_shared>>
      tpu.wait_indirect_dma semaphore(%arg14 : memref<!tpu.dma_semaphore, #tpu.memory_space<semaphore_mem>>) src(%arg12 : memref<128x128xf32, #tpu.memory_space<vmem>>) dst(%dma_wait3A_431 : memref<10240x128xf32, #tpu.memory_space<vmem_shared>>)
      %dma_start3A_432 = arith.constant 7 : i32
      %dma_start3A_433 = arith.constant 0 : i32
      %dma_start3A_434 = tpu.memref_slice %arg10[%dma_start3A_432, %dma_start3A_433] : memref<16x128xi32, #tpu.memory_space<vmem>> -> memref<1x128xi32, #tpu.memory_space<vmem>>
      %dma_start3A_435 = tpu.memref_squeeze %dma_start3A_434 : memref<1x128xi32, #tpu.memory_space<vmem>> -> memref<128xi32, #tpu.memory_space<vmem>>
      %dma_start3A_436 = arith.constant 0 : i32
      %dma_start3A_437 = arith.constant 0 : i32
      %dma_start3A_438 = tpu.memref_slice %arg2[%dma_start3A_436, %dma_start3A_437] : memref<10000x128xf32, #tpu.memory_space<hbm>> -> memref<10000x128xf32, #tpu.memory_space<hbm>>
      tpu.enqueue_indirect_dma source(%dma_start3A_438 : memref<10000x128xf32, #tpu.memory_space<hbm>>) target(%arg12 : memref<128x128xf32, #tpu.memory_space<vmem>>) offsets(%dma_start3A_435 : memref<128xi32, #tpu.memory_space<vmem>>) semaphore(%arg13 : memref<!tpu.dma_semaphore, #tpu.memory_space<semaphore_mem>>)
      %dma_wait3A_439 = arith.constant 7 : i32
      %dma_wait3A_440 = arith.constant 0 : i32
      %dma_wait3A_441 = tpu.memref_slice %arg10[%dma_wait3A_439, %dma_wait3A_440] : memref<16x128xi32, #tpu.memory_space<vmem>> -> memref<1x128xi32, #tpu.memory_space<vmem>>
      %dma_wait3A_442 = tpu.memref_squeeze %dma_wait3A_441 : memref<1x128xi32, #tpu.memory_space<vmem>> -> memref<128xi32, #tpu.memory_space<vmem>>
      %dma_wait3A_443 = arith.constant 0 : i32
      %dma_wait3A_444 = arith.constant 0 : i32
      %dma_wait3A_445 = tpu.memref_slice %arg2[%dma_wait3A_443, %dma_wait3A_444] : memref<10000x128xf32, #tpu.memory_space<hbm>> -> memref<10000x128xf32, #tpu.memory_space<hbm>>
      tpu.wait_indirect_dma semaphore(%arg13 : memref<!tpu.dma_semaphore, #tpu.memory_space<semaphore_mem>>) src(%dma_wait3A_445 : memref<10000x128xf32, #tpu.memory_space<hbm>>) dst(%arg12 : memref<128x128xf32, #tpu.memory_space<vmem>>)
      %dma_start3A_446 = arith.constant 7 : i32
      %dma_start3A_447 = arith.constant 0 : i32
      %dma_start3A_448 = tpu.memref_slice %arg9[%dma_start3A_446, %dma_start3A_447] : memref<16x128xi32, #tpu.memory_space<vmem>> -> memref<1x128xi32, #tpu.memory_space<vmem>>
      %dma_start3A_449 = tpu.memref_squeeze %dma_start3A_448 : memref<1x128xi32, #tpu.memory_space<vmem>> -> memref<128xi32, #tpu.memory_space<vmem>>
      %dma_start3A_450 = arith.constant 0 : i32
      %dma_start3A_451 = arith.constant 0 : i32
      %dma_start3A_452 = tpu.memref_slice %arg15[%dma_start3A_450, %dma_start3A_451] : memref<10240x128xf32, #tpu.memory_space<vmem_shared>> -> memref<10240x128xf32, #tpu.memory_space<vmem_shared>>
      tpu.enqueue_indirect_dma source(%arg12 : memref<128x128xf32, #tpu.memory_space<vmem>>) target(%dma_start3A_452 : memref<10240x128xf32, #tpu.memory_space<vmem_shared>>) offsets(%dma_start3A_449 : memref<128xi32, #tpu.memory_space<vmem>>) semaphore(%arg14 : memref<!tpu.dma_semaphore, #tpu.memory_space<semaphore_mem>>) {add = true}
      %dma_wait3A_453 = arith.constant 7 : i32
      %dma_wait3A_454 = arith.constant 0 : i32
      %dma_wait3A_455 = tpu.memref_slice %arg9[%dma_wait3A_453, %dma_wait3A_454] : memref<16x128xi32, #tpu.memory_space<vmem>> -> memref<1x128xi32, #tpu.memory_space<vmem>>
      %dma_wait3A_456 = tpu.memref_squeeze %dma_wait3A_455 : memref<1x128xi32, #tpu.memory_space<vmem>> -> memref<128xi32, #tpu.memory_space<vmem>>
      %dma_wait3A_457 = arith.constant 0 : i32
      %dma_wait3A_458 = arith.constant 0 : i32
      %dma_wait3A_459 = tpu.memref_slice %arg15[%dma_wait3A_457, %dma_wait3A_458] : memref<10240x128xf32, #tpu.memory_space<vmem_shared>> -> memref<10240x128xf32, #tpu.memory_space<vmem_shared>>
      tpu.wait_indirect_dma semaphore(%arg14 : memref<!tpu.dma_semaphore, #tpu.memory_space<semaphore_mem>>) src(%arg11 : memref<128x128xf32, #tpu.memory_space<vmem>>) dst(%dma_wait3A_459 : memref<10240x128xf32, #tpu.memory_space<vmem_shared>>)
      %dma_start3A_460 = arith.constant 8 : i32
      %dma_start3A_461 = arith.constant 0 : i32
      %dma_start3A_462 = tpu.memref_slice %arg10[%dma_start3A_460, %dma_start3A_461] : memref<16x128xi32, #tpu.memory_space<vmem>> -> memref<1x128xi32, #tpu.memory_space<vmem>>
      %dma_start3A_463 = tpu.memref_squeeze %dma_start3A_462 : memref<1x128xi32, #tpu.memory_space<vmem>> -> memref<128xi32, #tpu.memory_space<vmem>>
      %dma_start3A_464 = arith.constant 0 : i32
      %dma_start3A_465 = arith.constant 0 : i32
      %dma_start3A_466 = tpu.memref_slice %arg2[%dma_start3A_464, %dma_start3A_465] : memref<10000x128xf32, #tpu.memory_space<hbm>> -> memref<10000x128xf32, #tpu.memory_space<hbm>>
      tpu.enqueue_indirect_dma source(%dma_start3A_466 : memref<10000x128xf32, #tpu.memory_space<hbm>>) target(%arg11 : memref<128x128xf32, #tpu.memory_space<vmem>>) offsets(%dma_start3A_463 : memref<128xi32, #tpu.memory_space<vmem>>) semaphore(%arg13 : memref<!tpu.dma_semaphore, #tpu.memory_space<semaphore_mem>>)
      %dma_wait3A_467 = arith.constant 8 : i32
      %dma_wait3A_468 = arith.constant 0 : i32
      %dma_wait3A_469 = tpu.memref_slice %arg10[%dma_wait3A_467, %dma_wait3A_468] : memref<16x128xi32, #tpu.memory_space<vmem>> -> memref<1x128xi32, #tpu.memory_space<vmem>>
      %dma_wait3A_470 = tpu.memref_squeeze %dma_wait3A_469 : memref<1x128xi32, #tpu.memory_space<vmem>> -> memref<128xi32, #tpu.memory_space<vmem>>
      %dma_wait3A_471 = arith.constant 0 : i32
      %dma_wait3A_472 = arith.constant 0 : i32
      %dma_wait3A_473 = tpu.memref_slice %arg2[%dma_wait3A_471, %dma_wait3A_472] : memref<10000x128xf32, #tpu.memory_space<hbm>> -> memref<10000x128xf32, #tpu.memory_space<hbm>>
      tpu.wait_indirect_dma semaphore(%arg13 : memref<!tpu.dma_semaphore, #tpu.memory_space<semaphore_mem>>) src(%dma_wait3A_473 : memref<10000x128xf32, #tpu.memory_space<hbm>>) dst(%arg11 : memref<128x128xf32, #tpu.memory_space<vmem>>)
      %dma_start3A_474 = arith.constant 8 : i32
      %dma_start3A_475 = arith.constant 0 : i32
      %dma_start3A_476 = tpu.memref_slice %arg9[%dma_start3A_474, %dma_start3A_475] : memref<16x128xi32, #tpu.memory_space<vmem>> -> memref<1x128xi32, #tpu.memory_space<vmem>>
      %dma_start3A_477 = tpu.memref_squeeze %dma_start3A_476 : memref<1x128xi32, #tpu.memory_space<vmem>> -> memref<128xi32, #tpu.memory_space<vmem>>
      %dma_start3A_478 = arith.constant 0 : i32
      %dma_start3A_479 = arith.constant 0 : i32
      %dma_start3A_480 = tpu.memref_slice %arg15[%dma_start3A_478, %dma_start3A_479] : memref<10240x128xf32, #tpu.memory_space<vmem_shared>> -> memref<10240x128xf32, #tpu.memory_space<vmem_shared>>
      tpu.enqueue_indirect_dma source(%arg11 : memref<128x128xf32, #tpu.memory_space<vmem>>) target(%dma_start3A_480 : memref<10240x128xf32, #tpu.memory_space<vmem_shared>>) offsets(%dma_start3A_477 : memref<128xi32, #tpu.memory_space<vmem>>) semaphore(%arg14 : memref<!tpu.dma_semaphore, #tpu.memory_space<semaphore_mem>>) {add = true}
      %dma_wait3A_481 = arith.constant 8 : i32
      %dma_wait3A_482 = arith.constant 0 : i32
      %dma_wait3A_483 = tpu.memref_slice %arg9[%dma_wait3A_481, %dma_wait3A_482] : memref<16x128xi32, #tpu.memory_space<vmem>> -> memref<1x128xi32, #tpu.memory_space<vmem>>
      %dma_wait3A_484 = tpu.memref_squeeze %dma_wait3A_483 : memref<1x128xi32, #tpu.memory_space<vmem>> -> memref<128xi32, #tpu.memory_space<vmem>>
      %dma_wait3A_485 = arith.constant 0 : i32
      %dma_wait3A_486 = arith.constant 0 : i32
      %dma_wait3A_487 = tpu.memref_slice %arg15[%dma_wait3A_485, %dma_wait3A_486] : memref<10240x128xf32, #tpu.memory_space<vmem_shared>> -> memref<10240x128xf32, #tpu.memory_space<vmem_shared>>
      tpu.wait_indirect_dma semaphore(%arg14 : memref<!tpu.dma_semaphore, #tpu.memory_space<semaphore_mem>>) src(%arg12 : memref<128x128xf32, #tpu.memory_space<vmem>>) dst(%dma_wait3A_487 : memref<10240x128xf32, #tpu.memory_space<vmem_shared>>)
      %dma_start3A_488 = arith.constant 9 : i32
      %dma_start3A_489 = arith.constant 0 : i32
      %dma_start3A_490 = tpu.memref_slice %arg10[%dma_start3A_488, %dma_start3A_489] : memref<16x128xi32, #tpu.memory_space<vmem>> -> memref<1x128xi32, #tpu.memory_space<vmem>>
      %dma_start3A_491 = tpu.memref_squeeze %dma_start3A_490 : memref<1x128xi32, #tpu.memory_space<vmem>> -> memref<128xi32, #tpu.memory_space<vmem>>
      %dma_start3A_492 = arith.constant 0 : i32
      %dma_start3A_493 = arith.constant 0 : i32
      %dma_start3A_494 = tpu.memref_slice %arg2[%dma_start3A_492, %dma_start3A_493] : memref<10000x128xf32, #tpu.memory_space<hbm>> -> memref<10000x128xf32, #tpu.memory_space<hbm>>
      tpu.enqueue_indirect_dma source(%dma_start3A_494 : memref<10000x128xf32, #tpu.memory_space<hbm>>) target(%arg12 : memref<128x128xf32, #tpu.memory_space<vmem>>) offsets(%dma_start3A_491 : memref<128xi32, #tpu.memory_space<vmem>>) semaphore(%arg13 : memref<!tpu.dma_semaphore, #tpu.memory_space<semaphore_mem>>)
      %dma_wait3A_495 = arith.constant 9 : i32
      %dma_wait3A_496 = arith.constant 0 : i32
      %dma_wait3A_497 = tpu.memref_slice %arg10[%dma_wait3A_495, %dma_wait3A_496] : memref<16x128xi32, #tpu.memory_space<vmem>> -> memref<1x128xi32, #tpu.memory_space<vmem>>
      %dma_wait3A_498 = tpu.memref_squeeze %dma_wait3A_497 : memref<1x128xi32, #tpu.memory_space<vmem>> -> memref<128xi32, #tpu.memory_space<vmem>>
      %dma_wait3A_499 = arith.constant 0 : i32
      %dma_wait3A_500 = arith.constant 0 : i32
      %dma_wait3A_501 = tpu.memref_slice %arg2[%dma_wait3A_499, %dma_wait3A_500] : memref<10000x128xf32, #tpu.memory_space<hbm>> -> memref<10000x128xf32, #tpu.memory_space<hbm>>
      tpu.wait_indirect_dma semaphore(%arg13 : memref<!tpu.dma_semaphore, #tpu.memory_space<semaphore_mem>>) src(%dma_wait3A_501 : memref<10000x128xf32, #tpu.memory_space<hbm>>) dst(%arg12 : memref<128x128xf32, #tpu.memory_space<vmem>>)
      %dma_start3A_502 = arith.constant 9 : i32
      %dma_start3A_503 = arith.constant 0 : i32
      %dma_start3A_504 = tpu.memref_slice %arg9[%dma_start3A_502, %dma_start3A_503] : memref<16x128xi32, #tpu.memory_space<vmem>> -> memref<1x128xi32, #tpu.memory_space<vmem>>
      %dma_start3A_505 = tpu.memref_squeeze %dma_start3A_504 : memref<1x128xi32, #tpu.memory_space<vmem>> -> memref<128xi32, #tpu.memory_space<vmem>>
      %dma_start3A_506 = arith.constant 0 : i32
      %dma_start3A_507 = arith.constant 0 : i32
      %dma_start3A_508 = tpu.memref_slice %arg15[%dma_start3A_506, %dma_start3A_507] : memref<10240x128xf32, #tpu.memory_space<vmem_shared>> -> memref<10240x128xf32, #tpu.memory_space<vmem_shared>>
      tpu.enqueue_indirect_dma source(%arg12 : memref<128x128xf32, #tpu.memory_space<vmem>>) target(%dma_start3A_508 : memref<10240x128xf32, #tpu.memory_space<vmem_shared>>) offsets(%dma_start3A_505 : memref<128xi32, #tpu.memory_space<vmem>>) semaphore(%arg14 : memref<!tpu.dma_semaphore, #tpu.memory_space<semaphore_mem>>) {add = true}
      %dma_wait3A_509 = arith.constant 9 : i32
      %dma_wait3A_510 = arith.constant 0 : i32
      %dma_wait3A_511 = tpu.memref_slice %arg9[%dma_wait3A_509, %dma_wait3A_510] : memref<16x128xi32, #tpu.memory_space<vmem>> -> memref<1x128xi32, #tpu.memory_space<vmem>>
      %dma_wait3A_512 = tpu.memref_squeeze %dma_wait3A_511 : memref<1x128xi32, #tpu.memory_space<vmem>> -> memref<128xi32, #tpu.memory_space<vmem>>
      %dma_wait3A_513 = arith.constant 0 : i32
      %dma_wait3A_514 = arith.constant 0 : i32
      %dma_wait3A_515 = tpu.memref_slice %arg15[%dma_wait3A_513, %dma_wait3A_514] : memref<10240x128xf32, #tpu.memory_space<vmem_shared>> -> memref<10240x128xf32, #tpu.memory_space<vmem_shared>>
      tpu.wait_indirect_dma semaphore(%arg14 : memref<!tpu.dma_semaphore, #tpu.memory_space<semaphore_mem>>) src(%arg11 : memref<128x128xf32, #tpu.memory_space<vmem>>) dst(%dma_wait3A_515 : memref<10240x128xf32, #tpu.memory_space<vmem_shared>>)
      %dma_start3A_516 = arith.constant 10 : i32
      %dma_start3A_517 = arith.constant 0 : i32
      %dma_start3A_518 = tpu.memref_slice %arg10[%dma_start3A_516, %dma_start3A_517] : memref<16x128xi32, #tpu.memory_space<vmem>> -> memref<1x128xi32, #tpu.memory_space<vmem>>
      %dma_start3A_519 = tpu.memref_squeeze %dma_start3A_518 : memref<1x128xi32, #tpu.memory_space<vmem>> -> memref<128xi32, #tpu.memory_space<vmem>>
      %dma_start3A_520 = arith.constant 0 : i32
      %dma_start3A_521 = arith.constant 0 : i32
      %dma_start3A_522 = tpu.memref_slice %arg2[%dma_start3A_520, %dma_start3A_521] : memref<10000x128xf32, #tpu.memory_space<hbm>> -> memref<10000x128xf32, #tpu.memory_space<hbm>>
      tpu.enqueue_indirect_dma source(%dma_start3A_522 : memref<10000x128xf32, #tpu.memory_space<hbm>>) target(%arg11 : memref<128x128xf32, #tpu.memory_space<vmem>>) offsets(%dma_start3A_519 : memref<128xi32, #tpu.memory_space<vmem>>) semaphore(%arg13 : memref<!tpu.dma_semaphore, #tpu.memory_space<semaphore_mem>>)
      %dma_wait3A_523 = arith.constant 10 : i32
      %dma_wait3A_524 = arith.constant 0 : i32
      %dma_wait3A_525 = tpu.memref_slice %arg10[%dma_wait3A_523, %dma_wait3A_524] : memref<16x128xi32, #tpu.memory_space<vmem>> -> memref<1x128xi32, #tpu.memory_space<vmem>>
      %dma_wait3A_526 = tpu.memref_squeeze %dma_wait3A_525 : memref<1x128xi32, #tpu.memory_space<vmem>> -> memref<128xi32, #tpu.memory_space<vmem>>
      %dma_wait3A_527 = arith.constant 0 : i32
      %dma_wait3A_528 = arith.constant 0 : i32
      %dma_wait3A_529 = tpu.memref_slice %arg2[%dma_wait3A_527, %dma_wait3A_528] : memref<10000x128xf32, #tpu.memory_space<hbm>> -> memref<10000x128xf32, #tpu.memory_space<hbm>>
      tpu.wait_indirect_dma semaphore(%arg13 : memref<!tpu.dma_semaphore, #tpu.memory_space<semaphore_mem>>) src(%dma_wait3A_529 : memref<10000x128xf32, #tpu.memory_space<hbm>>) dst(%arg11 : memref<128x128xf32, #tpu.memory_space<vmem>>)
      %dma_start3A_530 = arith.constant 10 : i32
      %dma_start3A_531 = arith.constant 0 : i32
      %dma_start3A_532 = tpu.memref_slice %arg9[%dma_start3A_530, %dma_start3A_531] : memref<16x128xi32, #tpu.memory_space<vmem>> -> memref<1x128xi32, #tpu.memory_space<vmem>>
      %dma_start3A_533 = tpu.memref_squeeze %dma_start3A_532 : memref<1x128xi32, #tpu.memory_space<vmem>> -> memref<128xi32, #tpu.memory_space<vmem>>
      %dma_start3A_534 = arith.constant 0 : i32
      %dma_start3A_535 = arith.constant 0 : i32
      %dma_start3A_536 = tpu.memref_slice %arg15[%dma_start3A_534, %dma_start3A_535] : memref<10240x128xf32, #tpu.memory_space<vmem_shared>> -> memref<10240x128xf32, #tpu.memory_space<vmem_shared>>
      tpu.enqueue_indirect_dma source(%arg11 : memref<128x128xf32, #tpu.memory_space<vmem>>) target(%dma_start3A_536 : memref<10240x128xf32, #tpu.memory_space<vmem_shared>>) offsets(%dma_start3A_533 : memref<128xi32, #tpu.memory_space<vmem>>) semaphore(%arg14 : memref<!tpu.dma_semaphore, #tpu.memory_space<semaphore_mem>>) {add = true}
      %dma_wait3A_537 = arith.constant 10 : i32
      %dma_wait3A_538 = arith.constant 0 : i32
      %dma_wait3A_539 = tpu.memref_slice %arg9[%dma_wait3A_537, %dma_wait3A_538] : memref<16x128xi32, #tpu.memory_space<vmem>> -> memref<1x128xi32, #tpu.memory_space<vmem>>
      %dma_wait3A_540 = tpu.memref_squeeze %dma_wait3A_539 : memref<1x128xi32, #tpu.memory_space<vmem>> -> memref<128xi32, #tpu.memory_space<vmem>>
      %dma_wait3A_541 = arith.constant 0 : i32
      %dma_wait3A_542 = arith.constant 0 : i32
      %dma_wait3A_543 = tpu.memref_slice %arg15[%dma_wait3A_541, %dma_wait3A_542] : memref<10240x128xf32, #tpu.memory_space<vmem_shared>> -> memref<10240x128xf32, #tpu.memory_space<vmem_shared>>
      tpu.wait_indirect_dma semaphore(%arg14 : memref<!tpu.dma_semaphore, #tpu.memory_space<semaphore_mem>>) src(%arg12 : memref<128x128xf32, #tpu.memory_space<vmem>>) dst(%dma_wait3A_543 : memref<10240x128xf32, #tpu.memory_space<vmem_shared>>)
      %dma_start3A_544 = arith.constant 11 : i32
      %dma_start3A_545 = arith.constant 0 : i32
      %dma_start3A_546 = tpu.memref_slice %arg10[%dma_start3A_544, %dma_start3A_545] : memref<16x128xi32, #tpu.memory_space<vmem>> -> memref<1x128xi32, #tpu.memory_space<vmem>>
      %dma_start3A_547 = tpu.memref_squeeze %dma_start3A_546 : memref<1x128xi32, #tpu.memory_space<vmem>> -> memref<128xi32, #tpu.memory_space<vmem>>
      %dma_start3A_548 = arith.constant 0 : i32
      %dma_start3A_549 = arith.constant 0 : i32
      %dma_start3A_550 = tpu.memref_slice %arg2[%dma_start3A_548, %dma_start3A_549] : memref<10000x128xf32, #tpu.memory_space<hbm>> -> memref<10000x128xf32, #tpu.memory_space<hbm>>
      tpu.enqueue_indirect_dma source(%dma_start3A_550 : memref<10000x128xf32, #tpu.memory_space<hbm>>) target(%arg12 : memref<128x128xf32, #tpu.memory_space<vmem>>) offsets(%dma_start3A_547 : memref<128xi32, #tpu.memory_space<vmem>>) semaphore(%arg13 : memref<!tpu.dma_semaphore, #tpu.memory_space<semaphore_mem>>)
      %dma_wait3A_551 = arith.constant 11 : i32
      %dma_wait3A_552 = arith.constant 0 : i32
      %dma_wait3A_553 = tpu.memref_slice %arg10[%dma_wait3A_551, %dma_wait3A_552] : memref<16x128xi32, #tpu.memory_space<vmem>> -> memref<1x128xi32, #tpu.memory_space<vmem>>
      %dma_wait3A_554 = tpu.memref_squeeze %dma_wait3A_553 : memref<1x128xi32, #tpu.memory_space<vmem>> -> memref<128xi32, #tpu.memory_space<vmem>>
      %dma_wait3A_555 = arith.constant 0 : i32
      %dma_wait3A_556 = arith.constant 0 : i32
      %dma_wait3A_557 = tpu.memref_slice %arg2[%dma_wait3A_555, %dma_wait3A_556] : memref<10000x128xf32, #tpu.memory_space<hbm>> -> memref<10000x128xf32, #tpu.memory_space<hbm>>
      tpu.wait_indirect_dma semaphore(%arg13 : memref<!tpu.dma_semaphore, #tpu.memory_space<semaphore_mem>>) src(%dma_wait3A_557 : memref<10000x128xf32, #tpu.memory_space<hbm>>) dst(%arg12 : memref<128x128xf32, #tpu.memory_space<vmem>>)
      %dma_start3A_558 = arith.constant 11 : i32
      %dma_start3A_559 = arith.constant 0 : i32
      %dma_start3A_560 = tpu.memref_slice %arg9[%dma_start3A_558, %dma_start3A_559] : memref<16x128xi32, #tpu.memory_space<vmem>> -> memref<1x128xi32, #tpu.memory_space<vmem>>
      %dma_start3A_561 = tpu.memref_squeeze %dma_start3A_560 : memref<1x128xi32, #tpu.memory_space<vmem>> -> memref<128xi32, #tpu.memory_space<vmem>>
      %dma_start3A_562 = arith.constant 0 : i32
      %dma_start3A_563 = arith.constant 0 : i32
      %dma_start3A_564 = tpu.memref_slice %arg15[%dma_start3A_562, %dma_start3A_563] : memref<10240x128xf32, #tpu.memory_space<vmem_shared>> -> memref<10240x128xf32, #tpu.memory_space<vmem_shared>>
      tpu.enqueue_indirect_dma source(%arg12 : memref<128x128xf32, #tpu.memory_space<vmem>>) target(%dma_start3A_564 : memref<10240x128xf32, #tpu.memory_space<vmem_shared>>) offsets(%dma_start3A_561 : memref<128xi32, #tpu.memory_space<vmem>>) semaphore(%arg14 : memref<!tpu.dma_semaphore, #tpu.memory_space<semaphore_mem>>) {add = true}
      %dma_wait3A_565 = arith.constant 11 : i32
      %dma_wait3A_566 = arith.constant 0 : i32
      %dma_wait3A_567 = tpu.memref_slice %arg9[%dma_wait3A_565, %dma_wait3A_566] : memref<16x128xi32, #tpu.memory_space<vmem>> -> memref<1x128xi32, #tpu.memory_space<vmem>>
      %dma_wait3A_568 = tpu.memref_squeeze %dma_wait3A_567 : memref<1x128xi32, #tpu.memory_space<vmem>> -> memref<128xi32, #tpu.memory_space<vmem>>
      %dma_wait3A_569 = arith.constant 0 : i32
      %dma_wait3A_570 = arith.constant 0 : i32
      %dma_wait3A_571 = tpu.memref_slice %arg15[%dma_wait3A_569, %dma_wait3A_570] : memref<10240x128xf32, #tpu.memory_space<vmem_shared>> -> memref<10240x128xf32, #tpu.memory_space<vmem_shared>>
      tpu.wait_indirect_dma semaphore(%arg14 : memref<!tpu.dma_semaphore, #tpu.memory_space<semaphore_mem>>) src(%arg11 : memref<128x128xf32, #tpu.memory_space<vmem>>) dst(%dma_wait3A_571 : memref<10240x128xf32, #tpu.memory_space<vmem_shared>>)
      %dma_start3A_572 = arith.constant 12 : i32
      %dma_start3A_573 = arith.constant 0 : i32
      %dma_start3A_574 = tpu.memref_slice %arg10[%dma_start3A_572, %dma_start3A_573] : memref<16x128xi32, #tpu.memory_space<vmem>> -> memref<1x128xi32, #tpu.memory_space<vmem>>
      %dma_start3A_575 = tpu.memref_squeeze %dma_start3A_574 : memref<1x128xi32, #tpu.memory_space<vmem>> -> memref<128xi32, #tpu.memory_space<vmem>>
      %dma_start3A_576 = arith.constant 0 : i32
      %dma_start3A_577 = arith.constant 0 : i32
      %dma_start3A_578 = tpu.memref_slice %arg2[%dma_start3A_576, %dma_start3A_577] : memref<10000x128xf32, #tpu.memory_space<hbm>> -> memref<10000x128xf32, #tpu.memory_space<hbm>>
      tpu.enqueue_indirect_dma source(%dma_start3A_578 : memref<10000x128xf32, #tpu.memory_space<hbm>>) target(%arg11 : memref<128x128xf32, #tpu.memory_space<vmem>>) offsets(%dma_start3A_575 : memref<128xi32, #tpu.memory_space<vmem>>) semaphore(%arg13 : memref<!tpu.dma_semaphore, #tpu.memory_space<semaphore_mem>>)
      %dma_wait3A_579 = arith.constant 12 : i32
      %dma_wait3A_580 = arith.constant 0 : i32
      %dma_wait3A_581 = tpu.memref_slice %arg10[%dma_wait3A_579, %dma_wait3A_580] : memref<16x128xi32, #tpu.memory_space<vmem>> -> memref<1x128xi32, #tpu.memory_space<vmem>>
      %dma_wait3A_582 = tpu.memref_squeeze %dma_wait3A_581 : memref<1x128xi32, #tpu.memory_space<vmem>> -> memref<128xi32, #tpu.memory_space<vmem>>
      %dma_wait3A_583 = arith.constant 0 : i32
      %dma_wait3A_584 = arith.constant 0 : i32
      %dma_wait3A_585 = tpu.memref_slice %arg2[%dma_wait3A_583, %dma_wait3A_584] : memref<10000x128xf32, #tpu.memory_space<hbm>> -> memref<10000x128xf32, #tpu.memory_space<hbm>>
      tpu.wait_indirect_dma semaphore(%arg13 : memref<!tpu.dma_semaphore, #tpu.memory_space<semaphore_mem>>) src(%dma_wait3A_585 : memref<10000x128xf32, #tpu.memory_space<hbm>>) dst(%arg11 : memref<128x128xf32, #tpu.memory_space<vmem>>)
      %dma_start3A_586 = arith.constant 12 : i32
      %dma_start3A_587 = arith.constant 0 : i32
      %dma_start3A_588 = tpu.memref_slice %arg9[%dma_start3A_586, %dma_start3A_587] : memref<16x128xi32, #tpu.memory_space<vmem>> -> memref<1x128xi32, #tpu.memory_space<vmem>>
      %dma_start3A_589 = tpu.memref_squeeze %dma_start3A_588 : memref<1x128xi32, #tpu.memory_space<vmem>> -> memref<128xi32, #tpu.memory_space<vmem>>
      %dma_start3A_590 = arith.constant 0 : i32
      %dma_start3A_591 = arith.constant 0 : i32
      %dma_start3A_592 = tpu.memref_slice %arg15[%dma_start3A_590, %dma_start3A_591] : memref<10240x128xf32, #tpu.memory_space<vmem_shared>> -> memref<10240x128xf32, #tpu.memory_space<vmem_shared>>
      tpu.enqueue_indirect_dma source(%arg11 : memref<128x128xf32, #tpu.memory_space<vmem>>) target(%dma_start3A_592 : memref<10240x128xf32, #tpu.memory_space<vmem_shared>>) offsets(%dma_start3A_589 : memref<128xi32, #tpu.memory_space<vmem>>) semaphore(%arg14 : memref<!tpu.dma_semaphore, #tpu.memory_space<semaphore_mem>>) {add = true}
      %dma_wait3A_593 = arith.constant 12 : i32
      %dma_wait3A_594 = arith.constant 0 : i32
      %dma_wait3A_595 = tpu.memref_slice %arg9[%dma_wait3A_593, %dma_wait3A_594] : memref<16x128xi32, #tpu.memory_space<vmem>> -> memref<1x128xi32, #tpu.memory_space<vmem>>
      %dma_wait3A_596 = tpu.memref_squeeze %dma_wait3A_595 : memref<1x128xi32, #tpu.memory_space<vmem>> -> memref<128xi32, #tpu.memory_space<vmem>>
      %dma_wait3A_597 = arith.constant 0 : i32
      %dma_wait3A_598 = arith.constant 0 : i32
      %dma_wait3A_599 = tpu.memref_slice %arg15[%dma_wait3A_597, %dma_wait3A_598] : memref<10240x128xf32, #tpu.memory_space<vmem_shared>> -> memref<10240x128xf32, #tpu.memory_space<vmem_shared>>
      tpu.wait_indirect_dma semaphore(%arg14 : memref<!tpu.dma_semaphore, #tpu.memory_space<semaphore_mem>>) src(%arg12 : memref<128x128xf32, #tpu.memory_space<vmem>>) dst(%dma_wait3A_599 : memref<10240x128xf32, #tpu.memory_space<vmem_shared>>)
      %dma_start3A_600 = arith.constant 13 : i32
      %dma_start3A_601 = arith.constant 0 : i32
      %dma_start3A_602 = tpu.memref_slice %arg10[%dma_start3A_600, %dma_start3A_601] : memref<16x128xi32, #tpu.memory_space<vmem>> -> memref<1x128xi32, #tpu.memory_space<vmem>>
      %dma_start3A_603 = tpu.memref_squeeze %dma_start3A_602 : memref<1x128xi32, #tpu.memory_space<vmem>> -> memref<128xi32, #tpu.memory_space<vmem>>
      %dma_start3A_604 = arith.constant 0 : i32
      %dma_start3A_605 = arith.constant 0 : i32
      %dma_start3A_606 = tpu.memref_slice %arg2[%dma_start3A_604, %dma_start3A_605] : memref<10000x128xf32, #tpu.memory_space<hbm>> -> memref<10000x128xf32, #tpu.memory_space<hbm>>
      tpu.enqueue_indirect_dma source(%dma_start3A_606 : memref<10000x128xf32, #tpu.memory_space<hbm>>) target(%arg12 : memref<128x128xf32, #tpu.memory_space<vmem>>) offsets(%dma_start3A_603 : memref<128xi32, #tpu.memory_space<vmem>>) semaphore(%arg13 : memref<!tpu.dma_semaphore, #tpu.memory_space<semaphore_mem>>)
      %dma_wait3A_607 = arith.constant 13 : i32
      %dma_wait3A_608 = arith.constant 0 : i32
      %dma_wait3A_609 = tpu.memref_slice %arg10[%dma_wait3A_607, %dma_wait3A_608] : memref<16x128xi32, #tpu.memory_space<vmem>> -> memref<1x128xi32, #tpu.memory_space<vmem>>
      %dma_wait3A_610 = tpu.memref_squeeze %dma_wait3A_609 : memref<1x128xi32, #tpu.memory_space<vmem>> -> memref<128xi32, #tpu.memory_space<vmem>>
      %dma_wait3A_611 = arith.constant 0 : i32
      %dma_wait3A_612 = arith.constant 0 : i32
      %dma_wait3A_613 = tpu.memref_slice %arg2[%dma_wait3A_611, %dma_wait3A_612] : memref<10000x128xf32, #tpu.memory_space<hbm>> -> memref<10000x128xf32, #tpu.memory_space<hbm>>
      tpu.wait_indirect_dma semaphore(%arg13 : memref<!tpu.dma_semaphore, #tpu.memory_space<semaphore_mem>>) src(%dma_wait3A_613 : memref<10000x128xf32, #tpu.memory_space<hbm>>) dst(%arg12 : memref<128x128xf32, #tpu.memory_space<vmem>>)
      %dma_start3A_614 = arith.constant 13 : i32
      %dma_start3A_615 = arith.constant 0 : i32
      %dma_start3A_616 = tpu.memref_slice %arg9[%dma_start3A_614, %dma_start3A_615] : memref<16x128xi32, #tpu.memory_space<vmem>> -> memref<1x128xi32, #tpu.memory_space<vmem>>
      %dma_start3A_617 = tpu.memref_squeeze %dma_start3A_616 : memref<1x128xi32, #tpu.memory_space<vmem>> -> memref<128xi32, #tpu.memory_space<vmem>>
      %dma_start3A_618 = arith.constant 0 : i32
      %dma_start3A_619 = arith.constant 0 : i32
      %dma_start3A_620 = tpu.memref_slice %arg15[%dma_start3A_618, %dma_start3A_619] : memref<10240x128xf32, #tpu.memory_space<vmem_shared>> -> memref<10240x128xf32, #tpu.memory_space<vmem_shared>>
      tpu.enqueue_indirect_dma source(%arg12 : memref<128x128xf32, #tpu.memory_space<vmem>>) target(%dma_start3A_620 : memref<10240x128xf32, #tpu.memory_space<vmem_shared>>) offsets(%dma_start3A_617 : memref<128xi32, #tpu.memory_space<vmem>>) semaphore(%arg14 : memref<!tpu.dma_semaphore, #tpu.memory_space<semaphore_mem>>) {add = true}
      %dma_wait3A_621 = arith.constant 13 : i32
      %dma_wait3A_622 = arith.constant 0 : i32
      %dma_wait3A_623 = tpu.memref_slice %arg9[%dma_wait3A_621, %dma_wait3A_622] : memref<16x128xi32, #tpu.memory_space<vmem>> -> memref<1x128xi32, #tpu.memory_space<vmem>>
      %dma_wait3A_624 = tpu.memref_squeeze %dma_wait3A_623 : memref<1x128xi32, #tpu.memory_space<vmem>> -> memref<128xi32, #tpu.memory_space<vmem>>
      %dma_wait3A_625 = arith.constant 0 : i32
      %dma_wait3A_626 = arith.constant 0 : i32
      %dma_wait3A_627 = tpu.memref_slice %arg15[%dma_wait3A_625, %dma_wait3A_626] : memref<10240x128xf32, #tpu.memory_space<vmem_shared>> -> memref<10240x128xf32, #tpu.memory_space<vmem_shared>>
      tpu.wait_indirect_dma semaphore(%arg14 : memref<!tpu.dma_semaphore, #tpu.memory_space<semaphore_mem>>) src(%arg11 : memref<128x128xf32, #tpu.memory_space<vmem>>) dst(%dma_wait3A_627 : memref<10240x128xf32, #tpu.memory_space<vmem_shared>>)
      %dma_start3A_628 = arith.constant 14 : i32
      %dma_start3A_629 = arith.constant 0 : i32
      %dma_start3A_630 = tpu.memref_slice %arg10[%dma_start3A_628, %dma_start3A_629] : memref<16x128xi32, #tpu.memory_space<vmem>> -> memref<1x128xi32, #tpu.memory_space<vmem>>
      %dma_start3A_631 = tpu.memref_squeeze %dma_start3A_630 : memref<1x128xi32, #tpu.memory_space<vmem>> -> memref<128xi32, #tpu.memory_space<vmem>>
      %dma_start3A_632 = arith.constant 0 : i32
      %dma_start3A_633 = arith.constant 0 : i32
      %dma_start3A_634 = tpu.memref_slice %arg2[%dma_start3A_632, %dma_start3A_633] : memref<10000x128xf32, #tpu.memory_space<hbm>> -> memref<10000x128xf32, #tpu.memory_space<hbm>>
      tpu.enqueue_indirect_dma source(%dma_start3A_634 : memref<10000x128xf32, #tpu.memory_space<hbm>>) target(%arg11 : memref<128x128xf32, #tpu.memory_space<vmem>>) offsets(%dma_start3A_631 : memref<128xi32, #tpu.memory_space<vmem>>) semaphore(%arg13 : memref<!tpu.dma_semaphore, #tpu.memory_space<semaphore_mem>>)
      %dma_wait3A_635 = arith.constant 14 : i32
      %dma_wait3A_636 = arith.constant 0 : i32
      %dma_wait3A_637 = tpu.memref_slice %arg10[%dma_wait3A_635, %dma_wait3A_636] : memref<16x128xi32, #tpu.memory_space<vmem>> -> memref<1x128xi32, #tpu.memory_space<vmem>>
      %dma_wait3A_638 = tpu.memref_squeeze %dma_wait3A_637 : memref<1x128xi32, #tpu.memory_space<vmem>> -> memref<128xi32, #tpu.memory_space<vmem>>
      %dma_wait3A_639 = arith.constant 0 : i32
      %dma_wait3A_640 = arith.constant 0 : i32
      %dma_wait3A_641 = tpu.memref_slice %arg2[%dma_wait3A_639, %dma_wait3A_640] : memref<10000x128xf32, #tpu.memory_space<hbm>> -> memref<10000x128xf32, #tpu.memory_space<hbm>>
      tpu.wait_indirect_dma semaphore(%arg13 : memref<!tpu.dma_semaphore, #tpu.memory_space<semaphore_mem>>) src(%dma_wait3A_641 : memref<10000x128xf32, #tpu.memory_space<hbm>>) dst(%arg11 : memref<128x128xf32, #tpu.memory_space<vmem>>)
      %dma_start3A_642 = arith.constant 14 : i32
      %dma_start3A_643 = arith.constant 0 : i32
      %dma_start3A_644 = tpu.memref_slice %arg9[%dma_start3A_642, %dma_start3A_643] : memref<16x128xi32, #tpu.memory_space<vmem>> -> memref<1x128xi32, #tpu.memory_space<vmem>>
      %dma_start3A_645 = tpu.memref_squeeze %dma_start3A_644 : memref<1x128xi32, #tpu.memory_space<vmem>> -> memref<128xi32, #tpu.memory_space<vmem>>
      %dma_start3A_646 = arith.constant 0 : i32
      %dma_start3A_647 = arith.constant 0 : i32
      %dma_start3A_648 = tpu.memref_slice %arg15[%dma_start3A_646, %dma_start3A_647] : memref<10240x128xf32, #tpu.memory_space<vmem_shared>> -> memref<10240x128xf32, #tpu.memory_space<vmem_shared>>
      tpu.enqueue_indirect_dma source(%arg11 : memref<128x128xf32, #tpu.memory_space<vmem>>) target(%dma_start3A_648 : memref<10240x128xf32, #tpu.memory_space<vmem_shared>>) offsets(%dma_start3A_645 : memref<128xi32, #tpu.memory_space<vmem>>) semaphore(%arg14 : memref<!tpu.dma_semaphore, #tpu.memory_space<semaphore_mem>>) {add = true}
      %dma_wait3A_649 = arith.constant 14 : i32
      %dma_wait3A_650 = arith.constant 0 : i32
      %dma_wait3A_651 = tpu.memref_slice %arg9[%dma_wait3A_649, %dma_wait3A_650] : memref<16x128xi32, #tpu.memory_space<vmem>> -> memref<1x128xi32, #tpu.memory_space<vmem>>
      %dma_wait3A_652 = tpu.memref_squeeze %dma_wait3A_651 : memref<1x128xi32, #tpu.memory_space<vmem>> -> memref<128xi32, #tpu.memory_space<vmem>>
      %dma_wait3A_653 = arith.constant 0 : i32
      %dma_wait3A_654 = arith.constant 0 : i32
      %dma_wait3A_655 = tpu.memref_slice %arg15[%dma_wait3A_653, %dma_wait3A_654] : memref<10240x128xf32, #tpu.memory_space<vmem_shared>> -> memref<10240x128xf32, #tpu.memory_space<vmem_shared>>
      tpu.wait_indirect_dma semaphore(%arg14 : memref<!tpu.dma_semaphore, #tpu.memory_space<semaphore_mem>>) src(%arg12 : memref<128x128xf32, #tpu.memory_space<vmem>>) dst(%dma_wait3A_655 : memref<10240x128xf32, #tpu.memory_space<vmem_shared>>)
      %dma_start3A_656 = arith.constant 15 : i32
      %dma_start3A_657 = arith.constant 0 : i32
      %dma_start3A_658 = tpu.memref_slice %arg10[%dma_start3A_656, %dma_start3A_657] : memref<16x128xi32, #tpu.memory_space<vmem>> -> memref<1x128xi32, #tpu.memory_space<vmem>>
      %dma_start3A_659 = tpu.memref_squeeze %dma_start3A_658 : memref<1x128xi32, #tpu.memory_space<vmem>> -> memref<128xi32, #tpu.memory_space<vmem>>
      %dma_start3A_660 = arith.constant 0 : i32
      %dma_start3A_661 = arith.constant 0 : i32
      %dma_start3A_662 = tpu.memref_slice %arg2[%dma_start3A_660, %dma_start3A_661] : memref<10000x128xf32, #tpu.memory_space<hbm>> -> memref<10000x128xf32, #tpu.memory_space<hbm>>
      tpu.enqueue_indirect_dma source(%dma_start3A_662 : memref<10000x128xf32, #tpu.memory_space<hbm>>) target(%arg12 : memref<128x128xf32, #tpu.memory_space<vmem>>) offsets(%dma_start3A_659 : memref<128xi32, #tpu.memory_space<vmem>>) semaphore(%arg13 : memref<!tpu.dma_semaphore, #tpu.memory_space<semaphore_mem>>)
      %dma_wait3A_663 = arith.constant 15 : i32
      %dma_wait3A_664 = arith.constant 0 : i32
      %dma_wait3A_665 = tpu.memref_slice %arg10[%dma_wait3A_663, %dma_wait3A_664] : memref<16x128xi32, #tpu.memory_space<vmem>> -> memref<1x128xi32, #tpu.memory_space<vmem>>
      %dma_wait3A_666 = tpu.memref_squeeze %dma_wait3A_665 : memref<1x128xi32, #tpu.memory_space<vmem>> -> memref<128xi32, #tpu.memory_space<vmem>>
      %dma_wait3A_667 = arith.constant 0 : i32
      %dma_wait3A_668 = arith.constant 0 : i32
      %dma_wait3A_669 = tpu.memref_slice %arg2[%dma_wait3A_667, %dma_wait3A_668] : memref<10000x128xf32, #tpu.memory_space<hbm>> -> memref<10000x128xf32, #tpu.memory_space<hbm>>
      tpu.wait_indirect_dma semaphore(%arg13 : memref<!tpu.dma_semaphore, #tpu.memory_space<semaphore_mem>>) src(%dma_wait3A_669 : memref<10000x128xf32, #tpu.memory_space<hbm>>) dst(%arg12 : memref<128x128xf32, #tpu.memory_space<vmem>>)
      %dma_start3A_670 = arith.constant 15 : i32
      %dma_start3A_671 = arith.constant 0 : i32
      %dma_start3A_672 = tpu.memref_slice %arg9[%dma_start3A_670, %dma_start3A_671] : memref<16x128xi32, #tpu.memory_space<vmem>> -> memref<1x128xi32, #tpu.memory_space<vmem>>
      %dma_start3A_673 = tpu.memref_squeeze %dma_start3A_672 : memref<1x128xi32, #tpu.memory_space<vmem>> -> memref<128xi32, #tpu.memory_space<vmem>>
      %dma_start3A_674 = arith.constant 0 : i32
      %dma_start3A_675 = arith.constant 0 : i32
      %dma_start3A_676 = tpu.memref_slice %arg15[%dma_start3A_674, %dma_start3A_675] : memref<10240x128xf32, #tpu.memory_space<vmem_shared>> -> memref<10240x128xf32, #tpu.memory_space<vmem_shared>>
      tpu.enqueue_indirect_dma source(%arg12 : memref<128x128xf32, #tpu.memory_space<vmem>>) target(%dma_start3A_676 : memref<10240x128xf32, #tpu.memory_space<vmem_shared>>) offsets(%dma_start3A_673 : memref<128xi32, #tpu.memory_space<vmem>>) semaphore(%arg14 : memref<!tpu.dma_semaphore, #tpu.memory_space<semaphore_mem>>) {add = true}
      %dma_wait3A_677 = arith.constant 15 : i32
      %dma_wait3A_678 = arith.constant 0 : i32
      %dma_wait3A_679 = tpu.memref_slice %arg9[%dma_wait3A_677, %dma_wait3A_678] : memref<16x128xi32, #tpu.memory_space<vmem>> -> memref<1x128xi32, #tpu.memory_space<vmem>>
      %dma_wait3A_680 = tpu.memref_squeeze %dma_wait3A_679 : memref<1x128xi32, #tpu.memory_space<vmem>> -> memref<128xi32, #tpu.memory_space<vmem>>
      %dma_wait3A_681 = arith.constant 0 : i32
      %dma_wait3A_682 = arith.constant 0 : i32
      %dma_wait3A_683 = tpu.memref_slice %arg15[%dma_wait3A_681, %dma_wait3A_682] : memref<10240x128xf32, #tpu.memory_space<vmem_shared>> -> memref<10240x128xf32, #tpu.memory_space<vmem_shared>>
      tpu.wait_indirect_dma semaphore(%arg14 : memref<!tpu.dma_semaphore, #tpu.memory_space<semaphore_mem>>) src(%arg11 : memref<128x128xf32, #tpu.memory_space<vmem>>) dst(%dma_wait3A_683 : memref<10240x128xf32, #tpu.memory_space<vmem_shared>>)
      %dma_wait3A_684 = arith.constant 0 : i32
      %dma_wait3A_685 = arith.constant 0 : i32
      %dma_wait3A_686 = tpu.memref_slice %arg9[%dma_wait3A_684, %dma_wait3A_685] : memref<16x128xi32, #tpu.memory_space<vmem>> -> memref<1x128xi32, #tpu.memory_space<vmem>>
      %dma_wait3A_687 = tpu.memref_squeeze %dma_wait3A_686 : memref<1x128xi32, #tpu.memory_space<vmem>> -> memref<128xi32, #tpu.memory_space<vmem>>
      %dma_wait3A_688 = arith.constant 0 : i32
      %dma_wait3A_689 = arith.constant 0 : i32
      %dma_wait3A_690 = tpu.memref_slice %arg15[%dma_wait3A_688, %dma_wait3A_689] : memref<10240x128xf32, #tpu.memory_space<vmem_shared>> -> memref<10240x128xf32, #tpu.memory_space<vmem_shared>>
      tpu.wait_indirect_dma semaphore(%arg14 : memref<!tpu.dma_semaphore, #tpu.memory_space<semaphore_mem>>) src(%arg11 : memref<128x128xf32, #tpu.memory_space<vmem>>) dst(%dma_wait3A_690 : memref<10240x128xf32, #tpu.memory_space<vmem_shared>>)
    }
    %while3A_58 = arith.constant 1 : i32
    scf.for %while3A_238 = %while3A_56 to %while3A_52 step %while3A_58  : i32 {
      %mul3A_239 = arith.constant 16 : i32
      %mul3A_240 = arith.muli %while3A_238, %mul3A_239 : i32
      "tpu.region"() ({
        %run_scoped3A = tpu.sem_alloc : memref<!tpu.dma_semaphore, #tpu.memory_space<semaphore_mem>>
        %dma_start3A_691 = arith.constant 0 : i32
        %dma_start3A_692 = tpu.memref_slice %arg3[%arg0, %arg1, %mul3A_240, %dma_start3A_691] : memref<2x16x224x128xi32, #tpu.memory_space<hbm>> -> memref<1x1x16x128xi32, #tpu.memory_space<hbm>>
        %dma_start3A_693 = tpu.memref_squeeze %dma_start3A_692 : memref<1x1x16x128xi32, #tpu.memory_space<hbm>> -> memref<16x128xi32, #tpu.memory_space<hbm>>
        %dma_start3A_694 = arith.constant 0 : i32
        %dma_start3A_695 = tpu.memref_slice %arg3[%arg0, %arg1, %mul3A_240, %dma_start3A_694] : memref<2x16x224x128xi32, #tpu.memory_space<hbm>> -> memref<1x1x16x128xi32, #tpu.memory_space<hbm>>
        %dma_start3A_696 = tpu.memref_squeeze %dma_start3A_695 : memref<1x1x16x128xi32, #tpu.memory_space<hbm>> -> memref<16x128xi32, #tpu.memory_space<hbm>>
        tpu.enqueue_dma source(%dma_start3A_696 : memref<16x128xi32, #tpu.memory_space<hbm>>) target(%arg9 : memref<16x128xi32, #tpu.memory_space<vmem>>) target_semaphore(%run_scoped3A : memref<!tpu.dma_semaphore, #tpu.memory_space<semaphore_mem>>)
        %dma_wait3A_697 = arith.constant 0 : i32
        %dma_wait3A_698 = tpu.memref_slice %arg3[%arg0, %arg1, %mul3A_240, %dma_wait3A_697] : memref<2x16x224x128xi32, #tpu.memory_space<hbm>> -> memref<1x1x16x128xi32, #tpu.memory_space<hbm>>
        %dma_wait3A_699 = tpu.memref_squeeze %dma_wait3A_698 : memref<1x1x16x128xi32, #tpu.memory_space<hbm>> -> memref<16x128xi32, #tpu.memory_space<hbm>>
        %dma_wait3A_700 = arith.constant 0 : i32
        %dma_wait3A_701 = tpu.memref_slice %arg3[%arg0, %arg1, %mul3A_240, %dma_wait3A_700] : memref<2x16x224x128xi32, #tpu.memory_space<hbm>> -> memref<1x1x16x128xi32, #tpu.memory_space<hbm>>
        %dma_wait3A_702 = tpu.memref_squeeze %dma_wait3A_701 : memref<1x1x16x128xi32, #tpu.memory_space<hbm>> -> memref<16x128xi32, #tpu.memory_space<hbm>>
        tpu.wait_dma2 semaphore(%run_scoped3A : memref<!tpu.dma_semaphore, #tpu.memory_space<semaphore_mem>>) src(%dma_wait3A_702 : memref<16x128xi32, #tpu.memory_space<hbm>>) dst(%arg9 : memref<16x128xi32, #tpu.memory_space<vmem>>)
        tpu.yield
      }) : () -> ()
      %mul3A_241 = arith.constant 16 : i32
      %mul3A_242 = arith.muli %while3A_238, %mul3A_241 : i32
      "tpu.region"() ({
        %run_scoped3A = tpu.sem_alloc : memref<!tpu.dma_semaphore, #tpu.memory_space<semaphore_mem>>
        %dma_start3A_691 = arith.constant 0 : i32
        %dma_start3A_692 = tpu.memref_slice %arg4[%arg0, %arg1, %mul3A_242, %dma_start3A_691] : memref<2x16x224x128xi32, #tpu.memory_space<hbm>> -> memref<1x1x16x128xi32, #tpu.memory_space<hbm>>
        %dma_start3A_693 = tpu.memref_squeeze %dma_start3A_692 : memref<1x1x16x128xi32, #tpu.memory_space<hbm>> -> memref<16x128xi32, #tpu.memory_space<hbm>>
        %dma_start3A_694 = arith.constant 0 : i32
        %dma_start3A_695 = tpu.memref_slice %arg4[%arg0, %arg1, %mul3A_242, %dma_start3A_694] : memref<2x16x224x128xi32, #tpu.memory_space<hbm>> -> memref<1x1x16x128xi32, #tpu.memory_space<hbm>>
        %dma_start3A_696 = tpu.memref_squeeze %dma_start3A_695 : memref<1x1x16x128xi32, #tpu.memory_space<hbm>> -> memref<16x128xi32, #tpu.memory_space<hbm>>
        tpu.enqueue_dma source(%dma_start3A_696 : memref<16x128xi32, #tpu.memory_space<hbm>>) target(%arg10 : memref<16x128xi32, #tpu.memory_space<vmem>>) target_semaphore(%run_scoped3A : memref<!tpu.dma_semaphore, #tpu.memory_space<semaphore_mem>>)
        %dma_wait3A_697 = arith.constant 0 : i32
        %dma_wait3A_698 = tpu.memref_slice %arg4[%arg0, %arg1, %mul3A_242, %dma_wait3A_697] : memref<2x16x224x128xi32, #tpu.memory_space<hbm>> -> memref<1x1x16x128xi32, #tpu.memory_space<hbm>>
        %dma_wait3A_699 = tpu.memref_squeeze %dma_wait3A_698 : memref<1x1x16x128xi32, #tpu.memory_space<hbm>> -> memref<16x128xi32, #tpu.memory_space<hbm>>
        %dma_wait3A_700 = arith.constant 0 : i32
        %dma_wait3A_701 = tpu.memref_slice %arg4[%arg0, %arg1, %mul3A_242, %dma_wait3A_700] : memref<2x16x224x128xi32, #tpu.memory_space<hbm>> -> memref<1x1x16x128xi32, #tpu.memory_space<hbm>>
        %dma_wait3A_702 = tpu.memref_squeeze %dma_wait3A_701 : memref<1x1x16x128xi32, #tpu.memory_space<hbm>> -> memref<16x128xi32, #tpu.memory_space<hbm>>
        tpu.wait_dma2 semaphore(%run_scoped3A : memref<!tpu.dma_semaphore, #tpu.memory_space<semaphore_mem>>) src(%dma_wait3A_702 : memref<16x128xi32, #tpu.memory_space<hbm>>) dst(%arg10 : memref<16x128xi32, #tpu.memory_space<vmem>>)
        tpu.yield
      }) : () -> ()
      %dma_start3A_243 = arith.constant 0 : i32
      %dma_start3A_244 = arith.constant 0 : i32
      %dma_start3A_245 = tpu.memref_slice %arg10[%dma_start3A_243, %dma_start3A_244] : memref<16x128xi32, #tpu.memory_space<vmem>> -> memref<1x128xi32, #tpu.memory_space<vmem>>
      %dma_start3A_246 = tpu.memref_squeeze %dma_start3A_245 : memref<1x128xi32, #tpu.memory_space<vmem>> -> memref<128xi32, #tpu.memory_space<vmem>>
      %dma_start3A_247 = arith.constant 0 : i32
      %dma_start3A_248 = arith.constant 0 : i32
      %dma_start3A_249 = tpu.memref_slice %arg2[%dma_start3A_247, %dma_start3A_248] : memref<10000x128xf32, #tpu.memory_space<hbm>> -> memref<10000x128xf32, #tpu.memory_space<hbm>>
      tpu.enqueue_indirect_dma source(%dma_start3A_249 : memref<10000x128xf32, #tpu.memory_space<hbm>>) target(%arg11 : memref<128x128xf32, #tpu.memory_space<vmem>>) offsets(%dma_start3A_246 : memref<128xi32, #tpu.memory_space<vmem>>) semaphore(%arg13 : memref<!tpu.dma_semaphore, #tpu.memory_space<semaphore_mem>>)
      %dma_wait3A_250 = arith.constant 0 : i32
      %dma_wait3A_251 = arith.constant 0 : i32
      %dma_wait3A_252 = tpu.memref_slice %arg10[%dma_wait3A_250, %dma_wait3A_251] : memref<16x128xi32, #tpu.memory_space<vmem>> -> memref<1x128xi32, #tpu.memory_space<vmem>>
      %dma_wait3A_253 = tpu.memref_squeeze %dma_wait3A_252 : memref<1x128xi32, #tpu.memory_space<vmem>> -> memref<128xi32, #tpu.memory_space<vmem>>
      %dma_wait3A_254 = arith.constant 0 : i32
      %dma_wait3A_255 = arith.constant 0 : i32
      %dma_wait3A_256 = tpu.memref_slice %arg2[%dma_wait3A_254, %dma_wait3A_255] : memref<10000x128xf32, #tpu.memory_space<hbm>> -> memref<10000x128xf32, #tpu.memory_space<hbm>>
      tpu.wait_indirect_dma semaphore(%arg13 : memref<!tpu.dma_semaphore, #tpu.memory_space<semaphore_mem>>) src(%dma_wait3A_256 : memref<10000x128xf32, #tpu.memory_space<hbm>>) dst(%arg11 : memref<128x128xf32, #tpu.memory_space<vmem>>)
      %dma_start3A_257 = arith.constant 0 : i32
      %dma_start3A_258 = arith.constant 0 : i32
      %dma_start3A_259 = tpu.memref_slice %arg9[%dma_start3A_257, %dma_start3A_258] : memref<16x128xi32, #tpu.memory_space<vmem>> -> memref<1x128xi32, #tpu.memory_space<vmem>>
      %dma_start3A_260 = tpu.memref_squeeze %dma_start3A_259 : memref<1x128xi32, #tpu.memory_space<vmem>> -> memref<128xi32, #tpu.memory_space<vmem>>
      %dma_start3A_261 = arith.constant 0 : i32
      %dma_start3A_262 = arith.constant 0 : i32
      %dma_start3A_263 = tpu.memref_slice %arg15[%dma_start3A_261, %dma_start3A_262] : memref<10240x128xf32, #tpu.memory_space<vmem_shared>> -> memref<10240x128xf32, #tpu.memory_space<vmem_shared>>
      tpu.enqueue_indirect_dma source(%arg11 : memref<128x128xf32, #tpu.memory_space<vmem>>) target(%dma_start3A_263 : memref<10240x128xf32, #tpu.memory_space<vmem_shared>>) offsets(%dma_start3A_260 : memref<128xi32, #tpu.memory_space<vmem>>) semaphore(%arg14 : memref<!tpu.dma_semaphore, #tpu.memory_space<semaphore_mem>>) {add = true}
      %dma_start3A_264 = arith.constant 1 : i32
      %dma_start3A_265 = arith.constant 0 : i32
      %dma_start3A_266 = tpu.memref_slice %arg10[%dma_start3A_264, %dma_start3A_265] : memref<16x128xi32, #tpu.memory_space<vmem>> -> memref<1x128xi32, #tpu.memory_space<vmem>>
      %dma_start3A_267 = tpu.memref_squeeze %dma_start3A_266 : memref<1x128xi32, #tpu.memory_space<vmem>> -> memref<128xi32, #tpu.memory_space<vmem>>
      %dma_start3A_268 = arith.constant 0 : i32
      %dma_start3A_269 = arith.constant 0 : i32
      %dma_start3A_270 = tpu.memref_slice %arg2[%dma_start3A_268, %dma_start3A_269] : memref<10000x128xf32, #tpu.memory_space<hbm>> -> memref<10000x128xf32, #tpu.memory_space<hbm>>
      tpu.enqueue_indirect_dma source(%dma_start3A_270 : memref<10000x128xf32, #tpu.memory_space<hbm>>) target(%arg12 : memref<128x128xf32, #tpu.memory_space<vmem>>) offsets(%dma_start3A_267 : memref<128xi32, #tpu.memory_space<vmem>>) semaphore(%arg13 : memref<!tpu.dma_semaphore, #tpu.memory_space<semaphore_mem>>)
      %dma_wait3A_271 = arith.constant 1 : i32
      %dma_wait3A_272 = arith.constant 0 : i32
      %dma_wait3A_273 = tpu.memref_slice %arg10[%dma_wait3A_271, %dma_wait3A_272] : memref<16x128xi32, #tpu.memory_space<vmem>> -> memref<1x128xi32, #tpu.memory_space<vmem>>
      %dma_wait3A_274 = tpu.memref_squeeze %dma_wait3A_273 : memref<1x128xi32, #tpu.memory_space<vmem>> -> memref<128xi32, #tpu.memory_space<vmem>>
      %dma_wait3A_275 = arith.constant 0 : i32
      %dma_wait3A_276 = arith.constant 0 : i32
      %dma_wait3A_277 = tpu.memref_slice %arg2[%dma_wait3A_275, %dma_wait3A_276] : memref<10000x128xf32, #tpu.memory_space<hbm>> -> memref<10000x128xf32, #tpu.memory_space<hbm>>
      tpu.wait_indirect_dma semaphore(%arg13 : memref<!tpu.dma_semaphore, #tpu.memory_space<semaphore_mem>>) src(%dma_wait3A_277 : memref<10000x128xf32, #tpu.memory_space<hbm>>) dst(%arg12 : memref<128x128xf32, #tpu.memory_space<vmem>>)
      %dma_start3A_278 = arith.constant 1 : i32
      %dma_start3A_279 = arith.constant 0 : i32
      %dma_start3A_280 = tpu.memref_slice %arg9[%dma_start3A_278, %dma_start3A_279] : memref<16x128xi32, #tpu.memory_space<vmem>> -> memref<1x128xi32, #tpu.memory_space<vmem>>
      %dma_start3A_281 = tpu.memref_squeeze %dma_start3A_280 : memref<1x128xi32, #tpu.memory_space<vmem>> -> memref<128xi32, #tpu.memory_space<vmem>>
      %dma_start3A_282 = arith.constant 0 : i32
      %dma_start3A_283 = arith.constant 0 : i32
      %dma_start3A_284 = tpu.memref_slice %arg15[%dma_start3A_282, %dma_start3A_283] : memref<10240x128xf32, #tpu.memory_space<vmem_shared>> -> memref<10240x128xf32, #tpu.memory_space<vmem_shared>>
      tpu.enqueue_indirect_dma source(%arg12 : memref<128x128xf32, #tpu.memory_space<vmem>>) target(%dma_start3A_284 : memref<10240x128xf32, #tpu.memory_space<vmem_shared>>) offsets(%dma_start3A_281 : memref<128xi32, #tpu.memory_space<vmem>>) semaphore(%arg14 : memref<!tpu.dma_semaphore, #tpu.memory_space<semaphore_mem>>) {add = true}
      %dma_wait3A_285 = arith.constant 1 : i32
      %dma_wait3A_286 = arith.constant 0 : i32
      %dma_wait3A_287 = tpu.memref_slice %arg9[%dma_wait3A_285, %dma_wait3A_286] : memref<16x128xi32, #tpu.memory_space<vmem>> -> memref<1x128xi32, #tpu.memory_space<vmem>>
      %dma_wait3A_288 = tpu.memref_squeeze %dma_wait3A_287 : memref<1x128xi32, #tpu.memory_space<vmem>> -> memref<128xi32, #tpu.memory_space<vmem>>
      %dma_wait3A_289 = arith.constant 0 : i32
      %dma_wait3A_290 = arith.constant 0 : i32
      %dma_wait3A_291 = tpu.memref_slice %arg15[%dma_wait3A_289, %dma_wait3A_290] : memref<10240x128xf32, #tpu.memory_space<vmem_shared>> -> memref<10240x128xf32, #tpu.memory_space<vmem_shared>>
      tpu.wait_indirect_dma semaphore(%arg14 : memref<!tpu.dma_semaphore, #tpu.memory_space<semaphore_mem>>) src(%arg11 : memref<128x128xf32, #tpu.memory_space<vmem>>) dst(%dma_wait3A_291 : memref<10240x128xf32, #tpu.memory_space<vmem_shared>>)
      %dma_start3A_292 = arith.constant 2 : i32
      %dma_start3A_293 = arith.constant 0 : i32
      %dma_start3A_294 = tpu.memref_slice %arg10[%dma_start3A_292, %dma_start3A_293] : memref<16x128xi32, #tpu.memory_space<vmem>> -> memref<1x128xi32, #tpu.memory_space<vmem>>
      %dma_start3A_295 = tpu.memref_squeeze %dma_start3A_294 : memref<1x128xi32, #tpu.memory_space<vmem>> -> memref<128xi32, #tpu.memory_space<vmem>>
      %dma_start3A_296 = arith.constant 0 : i32
      %dma_start3A_297 = arith.constant 0 : i32
      %dma_start3A_298 = tpu.memref_slice %arg2[%dma_start3A_296, %dma_start3A_297] : memref<10000x128xf32, #tpu.memory_space<hbm>> -> memref<10000x128xf32, #tpu.memory_space<hbm>>
      tpu.enqueue_indirect_dma source(%dma_start3A_298 : memref<10000x128xf32, #tpu.memory_space<hbm>>) target(%arg11 : memref<128x128xf32, #tpu.memory_space<vmem>>) offsets(%dma_start3A_295 : memref<128xi32, #tpu.memory_space<vmem>>) semaphore(%arg13 : memref<!tpu.dma_semaphore, #tpu.memory_space<semaphore_mem>>)
      %dma_wait3A_299 = arith.constant 2 : i32
      %dma_wait3A_300 = arith.constant 0 : i32
      %dma_wait3A_301 = tpu.memref_slice %arg10[%dma_wait3A_299, %dma_wait3A_300] : memref<16x128xi32, #tpu.memory_space<vmem>> -> memref<1x128xi32, #tpu.memory_space<vmem>>
      %dma_wait3A_302 = tpu.memref_squeeze %dma_wait3A_301 : memref<1x128xi32, #tpu.memory_space<vmem>> -> memref<128xi32, #tpu.memory_space<vmem>>
      %dma_wait3A_303 = arith.constant 0 : i32
      %dma_wait3A_304 = arith.constant 0 : i32
      %dma_wait3A_305 = tpu.memref_slice %arg2[%dma_wait3A_303, %dma_wait3A_304] : memref<10000x128xf32, #tpu.memory_space<hbm>> -> memref<10000x128xf32, #tpu.memory_space<hbm>>
      tpu.wait_indirect_dma semaphore(%arg13 : memref<!tpu.dma_semaphore, #tpu.memory_space<semaphore_mem>>) src(%dma_wait3A_305 : memref<10000x128xf32, #tpu.memory_space<hbm>>) dst(%arg11 : memref<128x128xf32, #tpu.memory_space<vmem>>)
      %dma_start3A_306 = arith.constant 2 : i32
      %dma_start3A_307 = arith.constant 0 : i32
      %dma_start3A_308 = tpu.memref_slice %arg9[%dma_start3A_306, %dma_start3A_307] : memref<16x128xi32, #tpu.memory_space<vmem>> -> memref<1x128xi32, #tpu.memory_space<vmem>>
      %dma_start3A_309 = tpu.memref_squeeze %dma_start3A_308 : memref<1x128xi32, #tpu.memory_space<vmem>> -> memref<128xi32, #tpu.memory_space<vmem>>
      %dma_start3A_310 = arith.constant 0 : i32
      %dma_start3A_311 = arith.constant 0 : i32
      %dma_start3A_312 = tpu.memref_slice %arg15[%dma_start3A_310, %dma_start3A_311] : memref<10240x128xf32, #tpu.memory_space<vmem_shared>> -> memref<10240x128xf32, #tpu.memory_space<vmem_shared>>
      tpu.enqueue_indirect_dma source(%arg11 : memref<128x128xf32, #tpu.memory_space<vmem>>) target(%dma_start3A_312 : memref<10240x128xf32, #tpu.memory_space<vmem_shared>>) offsets(%dma_start3A_309 : memref<128xi32, #tpu.memory_space<vmem>>) semaphore(%arg14 : memref<!tpu.dma_semaphore, #tpu.memory_space<semaphore_mem>>) {add = true}
      %dma_wait3A_313 = arith.constant 2 : i32
      %dma_wait3A_314 = arith.constant 0 : i32
      %dma_wait3A_315 = tpu.memref_slice %arg9[%dma_wait3A_313, %dma_wait3A_314] : memref<16x128xi32, #tpu.memory_space<vmem>> -> memref<1x128xi32, #tpu.memory_space<vmem>>
      %dma_wait3A_316 = tpu.memref_squeeze %dma_wait3A_315 : memref<1x128xi32, #tpu.memory_space<vmem>> -> memref<128xi32, #tpu.memory_space<vmem>>
      %dma_wait3A_317 = arith.constant 0 : i32
      %dma_wait3A_318 = arith.constant 0 : i32
      %dma_wait3A_319 = tpu.memref_slice %arg15[%dma_wait3A_317, %dma_wait3A_318] : memref<10240x128xf32, #tpu.memory_space<vmem_shared>> -> memref<10240x128xf32, #tpu.memory_space<vmem_shared>>
      tpu.wait_indirect_dma semaphore(%arg14 : memref<!tpu.dma_semaphore, #tpu.memory_space<semaphore_mem>>) src(%arg12 : memref<128x128xf32, #tpu.memory_space<vmem>>) dst(%dma_wait3A_319 : memref<10240x128xf32, #tpu.memory_space<vmem_shared>>)
      %dma_start3A_320 = arith.constant 3 : i32
      %dma_start3A_321 = arith.constant 0 : i32
      %dma_start3A_322 = tpu.memref_slice %arg10[%dma_start3A_320, %dma_start3A_321] : memref<16x128xi32, #tpu.memory_space<vmem>> -> memref<1x128xi32, #tpu.memory_space<vmem>>
      %dma_start3A_323 = tpu.memref_squeeze %dma_start3A_322 : memref<1x128xi32, #tpu.memory_space<vmem>> -> memref<128xi32, #tpu.memory_space<vmem>>
      %dma_start3A_324 = arith.constant 0 : i32
      %dma_start3A_325 = arith.constant 0 : i32
      %dma_start3A_326 = tpu.memref_slice %arg2[%dma_start3A_324, %dma_start3A_325] : memref<10000x128xf32, #tpu.memory_space<hbm>> -> memref<10000x128xf32, #tpu.memory_space<hbm>>
      tpu.enqueue_indirect_dma source(%dma_start3A_326 : memref<10000x128xf32, #tpu.memory_space<hbm>>) target(%arg12 : memref<128x128xf32, #tpu.memory_space<vmem>>) offsets(%dma_start3A_323 : memref<128xi32, #tpu.memory_space<vmem>>) semaphore(%arg13 : memref<!tpu.dma_semaphore, #tpu.memory_space<semaphore_mem>>)
      %dma_wait3A_327 = arith.constant 3 : i32
      %dma_wait3A_328 = arith.constant 0 : i32
      %dma_wait3A_329 = tpu.memref_slice %arg10[%dma_wait3A_327, %dma_wait3A_328] : memref<16x128xi32, #tpu.memory_space<vmem>> -> memref<1x128xi32, #tpu.memory_space<vmem>>
      %dma_wait3A_330 = tpu.memref_squeeze %dma_wait3A_329 : memref<1x128xi32, #tpu.memory_space<vmem>> -> memref<128xi32, #tpu.memory_space<vmem>>
      %dma_wait3A_331 = arith.constant 0 : i32
      %dma_wait3A_332 = arith.constant 0 : i32
      %dma_wait3A_333 = tpu.memref_slice %arg2[%dma_wait3A_331, %dma_wait3A_332] : memref<10000x128xf32, #tpu.memory_space<hbm>> -> memref<10000x128xf32, #tpu.memory_space<hbm>>
      tpu.wait_indirect_dma semaphore(%arg13 : memref<!tpu.dma_semaphore, #tpu.memory_space<semaphore_mem>>) src(%dma_wait3A_333 : memref<10000x128xf32, #tpu.memory_space<hbm>>) dst(%arg12 : memref<128x128xf32, #tpu.memory_space<vmem>>)
      %dma_start3A_334 = arith.constant 3 : i32
      %dma_start3A_335 = arith.constant 0 : i32
      %dma_start3A_336 = tpu.memref_slice %arg9[%dma_start3A_334, %dma_start3A_335] : memref<16x128xi32, #tpu.memory_space<vmem>> -> memref<1x128xi32, #tpu.memory_space<vmem>>
      %dma_start3A_337 = tpu.memref_squeeze %dma_start3A_336 : memref<1x128xi32, #tpu.memory_space<vmem>> -> memref<128xi32, #tpu.memory_space<vmem>>
      %dma_start3A_338 = arith.constant 0 : i32
      %dma_start3A_339 = arith.constant 0 : i32
      %dma_start3A_340 = tpu.memref_slice %arg15[%dma_start3A_338, %dma_start3A_339] : memref<10240x128xf32, #tpu.memory_space<vmem_shared>> -> memref<10240x128xf32, #tpu.memory_space<vmem_shared>>
      tpu.enqueue_indirect_dma source(%arg12 : memref<128x128xf32, #tpu.memory_space<vmem>>) target(%dma_start3A_340 : memref<10240x128xf32, #tpu.memory_space<vmem_shared>>) offsets(%dma_start3A_337 : memref<128xi32, #tpu.memory_space<vmem>>) semaphore(%arg14 : memref<!tpu.dma_semaphore, #tpu.memory_space<semaphore_mem>>) {add = true}
      %dma_wait3A_341 = arith.constant 3 : i32
      %dma_wait3A_342 = arith.constant 0 : i32
      %dma_wait3A_343 = tpu.memref_slice %arg9[%dma_wait3A_341, %dma_wait3A_342] : memref<16x128xi32, #tpu.memory_space<vmem>> -> memref<1x128xi32, #tpu.memory_space<vmem>>
      %dma_wait3A_344 = tpu.memref_squeeze %dma_wait3A_343 : memref<1x128xi32, #tpu.memory_space<vmem>> -> memref<128xi32, #tpu.memory_space<vmem>>
      %dma_wait3A_345 = arith.constant 0 : i32
      %dma_wait3A_346 = arith.constant 0 : i32
      %dma_wait3A_347 = tpu.memref_slice %arg15[%dma_wait3A_345, %dma_wait3A_346] : memref<10240x128xf32, #tpu.memory_space<vmem_shared>> -> memref<10240x128xf32, #tpu.memory_space<vmem_shared>>
      tpu.wait_indirect_dma semaphore(%arg14 : memref<!tpu.dma_semaphore, #tpu.memory_space<semaphore_mem>>) src(%arg11 : memref<128x128xf32, #tpu.memory_space<vmem>>) dst(%dma_wait3A_347 : memref<10240x128xf32, #tpu.memory_space<vmem_shared>>)
      %dma_start3A_348 = arith.constant 4 : i32
      %dma_start3A_349 = arith.constant 0 : i32
      %dma_start3A_350 = tpu.memref_slice %arg10[%dma_start3A_348, %dma_start3A_349] : memref<16x128xi32, #tpu.memory_space<vmem>> -> memref<1x128xi32, #tpu.memory_space<vmem>>
      %dma_start3A_351 = tpu.memref_squeeze %dma_start3A_350 : memref<1x128xi32, #tpu.memory_space<vmem>> -> memref<128xi32, #tpu.memory_space<vmem>>
      %dma_start3A_352 = arith.constant 0 : i32
      %dma_start3A_353 = arith.constant 0 : i32
      %dma_start3A_354 = tpu.memref_slice %arg2[%dma_start3A_352, %dma_start3A_353] : memref<10000x128xf32, #tpu.memory_space<hbm>> -> memref<10000x128xf32, #tpu.memory_space<hbm>>
      tpu.enqueue_indirect_dma source(%dma_start3A_354 : memref<10000x128xf32, #tpu.memory_space<hbm>>) target(%arg11 : memref<128x128xf32, #tpu.memory_space<vmem>>) offsets(%dma_start3A_351 : memref<128xi32, #tpu.memory_space<vmem>>) semaphore(%arg13 : memref<!tpu.dma_semaphore, #tpu.memory_space<semaphore_mem>>)
      %dma_wait3A_355 = arith.constant 4 : i32
      %dma_wait3A_356 = arith.constant 0 : i32
      %dma_wait3A_357 = tpu.memref_slice %arg10[%dma_wait3A_355, %dma_wait3A_356] : memref<16x128xi32, #tpu.memory_space<vmem>> -> memref<1x128xi32, #tpu.memory_space<vmem>>
      %dma_wait3A_358 = tpu.memref_squeeze %dma_wait3A_357 : memref<1x128xi32, #tpu.memory_space<vmem>> -> memref<128xi32, #tpu.memory_space<vmem>>
      %dma_wait3A_359 = arith.constant 0 : i32
      %dma_wait3A_360 = arith.constant 0 : i32
      %dma_wait3A_361 = tpu.memref_slice %arg2[%dma_wait3A_359, %dma_wait3A_360] : memref<10000x128xf32, #tpu.memory_space<hbm>> -> memref<10000x128xf32, #tpu.memory_space<hbm>>
      tpu.wait_indirect_dma semaphore(%arg13 : memref<!tpu.dma_semaphore, #tpu.memory_space<semaphore_mem>>) src(%dma_wait3A_361 : memref<10000x128xf32, #tpu.memory_space<hbm>>) dst(%arg11 : memref<128x128xf32, #tpu.memory_space<vmem>>)
      %dma_start3A_362 = arith.constant 4 : i32
      %dma_start3A_363 = arith.constant 0 : i32
      %dma_start3A_364 = tpu.memref_slice %arg9[%dma_start3A_362, %dma_start3A_363] : memref<16x128xi32, #tpu.memory_space<vmem>> -> memref<1x128xi32, #tpu.memory_space<vmem>>
      %dma_start3A_365 = tpu.memref_squeeze %dma_start3A_364 : memref<1x128xi32, #tpu.memory_space<vmem>> -> memref<128xi32, #tpu.memory_space<vmem>>
      %dma_start3A_366 = arith.constant 0 : i32
      %dma_start3A_367 = arith.constant 0 : i32
      %dma_start3A_368 = tpu.memref_slice %arg15[%dma_start3A_366, %dma_start3A_367] : memref<10240x128xf32, #tpu.memory_space<vmem_shared>> -> memref<10240x128xf32, #tpu.memory_space<vmem_shared>>
      tpu.enqueue_indirect_dma source(%arg11 : memref<128x128xf32, #tpu.memory_space<vmem>>) target(%dma_start3A_368 : memref<10240x128xf32, #tpu.memory_space<vmem_shared>>) offsets(%dma_start3A_365 : memref<128xi32, #tpu.memory_space<vmem>>) semaphore(%arg14 : memref<!tpu.dma_semaphore, #tpu.memory_space<semaphore_mem>>) {add = true}
      %dma_wait3A_369 = arith.constant 4 : i32
      %dma_wait3A_370 = arith.constant 0 : i32
      %dma_wait3A_371 = tpu.memref_slice %arg9[%dma_wait3A_369, %dma_wait3A_370] : memref<16x128xi32, #tpu.memory_space<vmem>> -> memref<1x128xi32, #tpu.memory_space<vmem>>
      %dma_wait3A_372 = tpu.memref_squeeze %dma_wait3A_371 : memref<1x128xi32, #tpu.memory_space<vmem>> -> memref<128xi32, #tpu.memory_space<vmem>>
      %dma_wait3A_373 = arith.constant 0 : i32
      %dma_wait3A_374 = arith.constant 0 : i32
      %dma_wait3A_375 = tpu.memref_slice %arg15[%dma_wait3A_373, %dma_wait3A_374] : memref<10240x128xf32, #tpu.memory_space<vmem_shared>> -> memref<10240x128xf32, #tpu.memory_space<vmem_shared>>
      tpu.wait_indirect_dma semaphore(%arg14 : memref<!tpu.dma_semaphore, #tpu.memory_space<semaphore_mem>>) src(%arg12 : memref<128x128xf32, #tpu.memory_space<vmem>>) dst(%dma_wait3A_375 : memref<10240x128xf32, #tpu.memory_space<vmem_shared>>)
      %dma_start3A_376 = arith.constant 5 : i32
      %dma_start3A_377 = arith.constant 0 : i32
      %dma_start3A_378 = tpu.memref_slice %arg10[%dma_start3A_376, %dma_start3A_377] : memref<16x128xi32, #tpu.memory_space<vmem>> -> memref<1x128xi32, #tpu.memory_space<vmem>>
      %dma_start3A_379 = tpu.memref_squeeze %dma_start3A_378 : memref<1x128xi32, #tpu.memory_space<vmem>> -> memref<128xi32, #tpu.memory_space<vmem>>
      %dma_start3A_380 = arith.constant 0 : i32
      %dma_start3A_381 = arith.constant 0 : i32
      %dma_start3A_382 = tpu.memref_slice %arg2[%dma_start3A_380, %dma_start3A_381] : memref<10000x128xf32, #tpu.memory_space<hbm>> -> memref<10000x128xf32, #tpu.memory_space<hbm>>
      tpu.enqueue_indirect_dma source(%dma_start3A_382 : memref<10000x128xf32, #tpu.memory_space<hbm>>) target(%arg12 : memref<128x128xf32, #tpu.memory_space<vmem>>) offsets(%dma_start3A_379 : memref<128xi32, #tpu.memory_space<vmem>>) semaphore(%arg13 : memref<!tpu.dma_semaphore, #tpu.memory_space<semaphore_mem>>)
      %dma_wait3A_383 = arith.constant 5 : i32
      %dma_wait3A_384 = arith.constant 0 : i32
      %dma_wait3A_385 = tpu.memref_slice %arg10[%dma_wait3A_383, %dma_wait3A_384] : memref<16x128xi32, #tpu.memory_space<vmem>> -> memref<1x128xi32, #tpu.memory_space<vmem>>
      %dma_wait3A_386 = tpu.memref_squeeze %dma_wait3A_385 : memref<1x128xi32, #tpu.memory_space<vmem>> -> memref<128xi32, #tpu.memory_space<vmem>>
      %dma_wait3A_387 = arith.constant 0 : i32
      %dma_wait3A_388 = arith.constant 0 : i32
      %dma_wait3A_389 = tpu.memref_slice %arg2[%dma_wait3A_387, %dma_wait3A_388] : memref<10000x128xf32, #tpu.memory_space<hbm>> -> memref<10000x128xf32, #tpu.memory_space<hbm>>
      tpu.wait_indirect_dma semaphore(%arg13 : memref<!tpu.dma_semaphore, #tpu.memory_space<semaphore_mem>>) src(%dma_wait3A_389 : memref<10000x128xf32, #tpu.memory_space<hbm>>) dst(%arg12 : memref<128x128xf32, #tpu.memory_space<vmem>>)
      %dma_start3A_390 = arith.constant 5 : i32
      %dma_start3A_391 = arith.constant 0 : i32
      %dma_start3A_392 = tpu.memref_slice %arg9[%dma_start3A_390, %dma_start3A_391] : memref<16x128xi32, #tpu.memory_space<vmem>> -> memref<1x128xi32, #tpu.memory_space<vmem>>
      %dma_start3A_393 = tpu.memref_squeeze %dma_start3A_392 : memref<1x128xi32, #tpu.memory_space<vmem>> -> memref<128xi32, #tpu.memory_space<vmem>>
      %dma_start3A_394 = arith.constant 0 : i32
      %dma_start3A_395 = arith.constant 0 : i32
      %dma_start3A_396 = tpu.memref_slice %arg15[%dma_start3A_394, %dma_start3A_395] : memref<10240x128xf32, #tpu.memory_space<vmem_shared>> -> memref<10240x128xf32, #tpu.memory_space<vmem_shared>>
      tpu.enqueue_indirect_dma source(%arg12 : memref<128x128xf32, #tpu.memory_space<vmem>>) target(%dma_start3A_396 : memref<10240x128xf32, #tpu.memory_space<vmem_shared>>) offsets(%dma_start3A_393 : memref<128xi32, #tpu.memory_space<vmem>>) semaphore(%arg14 : memref<!tpu.dma_semaphore, #tpu.memory_space<semaphore_mem>>) {add = true}
      %dma_wait3A_397 = arith.constant 5 : i32
      %dma_wait3A_398 = arith.constant 0 : i32
      %dma_wait3A_399 = tpu.memref_slice %arg9[%dma_wait3A_397, %dma_wait3A_398] : memref<16x128xi32, #tpu.memory_space<vmem>> -> memref<1x128xi32, #tpu.memory_space<vmem>>
      %dma_wait3A_400 = tpu.memref_squeeze %dma_wait3A_399 : memref<1x128xi32, #tpu.memory_space<vmem>> -> memref<128xi32, #tpu.memory_space<vmem>>
      %dma_wait3A_401 = arith.constant 0 : i32
      %dma_wait3A_402 = arith.constant 0 : i32
      %dma_wait3A_403 = tpu.memref_slice %arg15[%dma_wait3A_401, %dma_wait3A_402] : memref<10240x128xf32, #tpu.memory_space<vmem_shared>> -> memref<10240x128xf32, #tpu.memory_space<vmem_shared>>
      tpu.wait_indirect_dma semaphore(%arg14 : memref<!tpu.dma_semaphore, #tpu.memory_space<semaphore_mem>>) src(%arg11 : memref<128x128xf32, #tpu.memory_space<vmem>>) dst(%dma_wait3A_403 : memref<10240x128xf32, #tpu.memory_space<vmem_shared>>)
      %dma_start3A_404 = arith.constant 6 : i32
      %dma_start3A_405 = arith.constant 0 : i32
      %dma_start3A_406 = tpu.memref_slice %arg10[%dma_start3A_404, %dma_start3A_405] : memref<16x128xi32, #tpu.memory_space<vmem>> -> memref<1x128xi32, #tpu.memory_space<vmem>>
      %dma_start3A_407 = tpu.memref_squeeze %dma_start3A_406 : memref<1x128xi32, #tpu.memory_space<vmem>> -> memref<128xi32, #tpu.memory_space<vmem>>
      %dma_start3A_408 = arith.constant 0 : i32
      %dma_start3A_409 = arith.constant 0 : i32
      %dma_start3A_410 = tpu.memref_slice %arg2[%dma_start3A_408, %dma_start3A_409] : memref<10000x128xf32, #tpu.memory_space<hbm>> -> memref<10000x128xf32, #tpu.memory_space<hbm>>
      tpu.enqueue_indirect_dma source(%dma_start3A_410 : memref<10000x128xf32, #tpu.memory_space<hbm>>) target(%arg11 : memref<128x128xf32, #tpu.memory_space<vmem>>) offsets(%dma_start3A_407 : memref<128xi32, #tpu.memory_space<vmem>>) semaphore(%arg13 : memref<!tpu.dma_semaphore, #tpu.memory_space<semaphore_mem>>)
      %dma_wait3A_411 = arith.constant 6 : i32
      %dma_wait3A_412 = arith.constant 0 : i32
      %dma_wait3A_413 = tpu.memref_slice %arg10[%dma_wait3A_411, %dma_wait3A_412] : memref<16x128xi32, #tpu.memory_space<vmem>> -> memref<1x128xi32, #tpu.memory_space<vmem>>
      %dma_wait3A_414 = tpu.memref_squeeze %dma_wait3A_413 : memref<1x128xi32, #tpu.memory_space<vmem>> -> memref<128xi32, #tpu.memory_space<vmem>>
      %dma_wait3A_415 = arith.constant 0 : i32
      %dma_wait3A_416 = arith.constant 0 : i32
      %dma_wait3A_417 = tpu.memref_slice %arg2[%dma_wait3A_415, %dma_wait3A_416] : memref<10000x128xf32, #tpu.memory_space<hbm>> -> memref<10000x128xf32, #tpu.memory_space<hbm>>
      tpu.wait_indirect_dma semaphore(%arg13 : memref<!tpu.dma_semaphore, #tpu.memory_space<semaphore_mem>>) src(%dma_wait3A_417 : memref<10000x128xf32, #tpu.memory_space<hbm>>) dst(%arg11 : memref<128x128xf32, #tpu.memory_space<vmem>>)
      %dma_start3A_418 = arith.constant 6 : i32
      %dma_start3A_419 = arith.constant 0 : i32
      %dma_start3A_420 = tpu.memref_slice %arg9[%dma_start3A_418, %dma_start3A_419] : memref<16x128xi32, #tpu.memory_space<vmem>> -> memref<1x128xi32, #tpu.memory_space<vmem>>
      %dma_start3A_421 = tpu.memref_squeeze %dma_start3A_420 : memref<1x128xi32, #tpu.memory_space<vmem>> -> memref<128xi32, #tpu.memory_space<vmem>>
      %dma_start3A_422 = arith.constant 0 : i32
      %dma_start3A_423 = arith.constant 0 : i32
      %dma_start3A_424 = tpu.memref_slice %arg15[%dma_start3A_422, %dma_start3A_423] : memref<10240x128xf32, #tpu.memory_space<vmem_shared>> -> memref<10240x128xf32, #tpu.memory_space<vmem_shared>>
      tpu.enqueue_indirect_dma source(%arg11 : memref<128x128xf32, #tpu.memory_space<vmem>>) target(%dma_start3A_424 : memref<10240x128xf32, #tpu.memory_space<vmem_shared>>) offsets(%dma_start3A_421 : memref<128xi32, #tpu.memory_space<vmem>>) semaphore(%arg14 : memref<!tpu.dma_semaphore, #tpu.memory_space<semaphore_mem>>) {add = true}
      %dma_wait3A_425 = arith.constant 6 : i32
      %dma_wait3A_426 = arith.constant 0 : i32
      %dma_wait3A_427 = tpu.memref_slice %arg9[%dma_wait3A_425, %dma_wait3A_426] : memref<16x128xi32, #tpu.memory_space<vmem>> -> memref<1x128xi32, #tpu.memory_space<vmem>>
      %dma_wait3A_428 = tpu.memref_squeeze %dma_wait3A_427 : memref<1x128xi32, #tpu.memory_space<vmem>> -> memref<128xi32, #tpu.memory_space<vmem>>
      %dma_wait3A_429 = arith.constant 0 : i32
      %dma_wait3A_430 = arith.constant 0 : i32
      %dma_wait3A_431 = tpu.memref_slice %arg15[%dma_wait3A_429, %dma_wait3A_430] : memref<10240x128xf32, #tpu.memory_space<vmem_shared>> -> memref<10240x128xf32, #tpu.memory_space<vmem_shared>>
      tpu.wait_indirect_dma semaphore(%arg14 : memref<!tpu.dma_semaphore, #tpu.memory_space<semaphore_mem>>) src(%arg12 : memref<128x128xf32, #tpu.memory_space<vmem>>) dst(%dma_wait3A_431 : memref<10240x128xf32, #tpu.memory_space<vmem_shared>>)
      %dma_start3A_432 = arith.constant 7 : i32
      %dma_start3A_433 = arith.constant 0 : i32
      %dma_start3A_434 = tpu.memref_slice %arg10[%dma_start3A_432, %dma_start3A_433] : memref<16x128xi32, #tpu.memory_space<vmem>> -> memref<1x128xi32, #tpu.memory_space<vmem>>
      %dma_start3A_435 = tpu.memref_squeeze %dma_start3A_434 : memref<1x128xi32, #tpu.memory_space<vmem>> -> memref<128xi32, #tpu.memory_space<vmem>>
      %dma_start3A_436 = arith.constant 0 : i32
      %dma_start3A_437 = arith.constant 0 : i32
      %dma_start3A_438 = tpu.memref_slice %arg2[%dma_start3A_436, %dma_start3A_437] : memref<10000x128xf32, #tpu.memory_space<hbm>> -> memref<10000x128xf32, #tpu.memory_space<hbm>>
      tpu.enqueue_indirect_dma source(%dma_start3A_438 : memref<10000x128xf32, #tpu.memory_space<hbm>>) target(%arg12 : memref<128x128xf32, #tpu.memory_space<vmem>>) offsets(%dma_start3A_435 : memref<128xi32, #tpu.memory_space<vmem>>) semaphore(%arg13 : memref<!tpu.dma_semaphore, #tpu.memory_space<semaphore_mem>>)
      %dma_wait3A_439 = arith.constant 7 : i32
      %dma_wait3A_440 = arith.constant 0 : i32
      %dma_wait3A_441 = tpu.memref_slice %arg10[%dma_wait3A_439, %dma_wait3A_440] : memref<16x128xi32, #tpu.memory_space<vmem>> -> memref<1x128xi32, #tpu.memory_space<vmem>>
      %dma_wait3A_442 = tpu.memref_squeeze %dma_wait3A_441 : memref<1x128xi32, #tpu.memory_space<vmem>> -> memref<128xi32, #tpu.memory_space<vmem>>
      %dma_wait3A_443 = arith.constant 0 : i32
      %dma_wait3A_444 = arith.constant 0 : i32
      %dma_wait3A_445 = tpu.memref_slice %arg2[%dma_wait3A_443, %dma_wait3A_444] : memref<10000x128xf32, #tpu.memory_space<hbm>> -> memref<10000x128xf32, #tpu.memory_space<hbm>>
      tpu.wait_indirect_dma semaphore(%arg13 : memref<!tpu.dma_semaphore, #tpu.memory_space<semaphore_mem>>) src(%dma_wait3A_445 : memref<10000x128xf32, #tpu.memory_space<hbm>>) dst(%arg12 : memref<128x128xf32, #tpu.memory_space<vmem>>)
      %dma_start3A_446 = arith.constant 7 : i32
      %dma_start3A_447 = arith.constant 0 : i32
      %dma_start3A_448 = tpu.memref_slice %arg9[%dma_start3A_446, %dma_start3A_447] : memref<16x128xi32, #tpu.memory_space<vmem>> -> memref<1x128xi32, #tpu.memory_space<vmem>>
      %dma_start3A_449 = tpu.memref_squeeze %dma_start3A_448 : memref<1x128xi32, #tpu.memory_space<vmem>> -> memref<128xi32, #tpu.memory_space<vmem>>
      %dma_start3A_450 = arith.constant 0 : i32
      %dma_start3A_451 = arith.constant 0 : i32
      %dma_start3A_452 = tpu.memref_slice %arg15[%dma_start3A_450, %dma_start3A_451] : memref<10240x128xf32, #tpu.memory_space<vmem_shared>> -> memref<10240x128xf32, #tpu.memory_space<vmem_shared>>
      tpu.enqueue_indirect_dma source(%arg12 : memref<128x128xf32, #tpu.memory_space<vmem>>) target(%dma_start3A_452 : memref<10240x128xf32, #tpu.memory_space<vmem_shared>>) offsets(%dma_start3A_449 : memref<128xi32, #tpu.memory_space<vmem>>) semaphore(%arg14 : memref<!tpu.dma_semaphore, #tpu.memory_space<semaphore_mem>>) {add = true}
      %dma_wait3A_453 = arith.constant 7 : i32
      %dma_wait3A_454 = arith.constant 0 : i32
      %dma_wait3A_455 = tpu.memref_slice %arg9[%dma_wait3A_453, %dma_wait3A_454] : memref<16x128xi32, #tpu.memory_space<vmem>> -> memref<1x128xi32, #tpu.memory_space<vmem>>
      %dma_wait3A_456 = tpu.memref_squeeze %dma_wait3A_455 : memref<1x128xi32, #tpu.memory_space<vmem>> -> memref<128xi32, #tpu.memory_space<vmem>>
      %dma_wait3A_457 = arith.constant 0 : i32
      %dma_wait3A_458 = arith.constant 0 : i32
      %dma_wait3A_459 = tpu.memref_slice %arg15[%dma_wait3A_457, %dma_wait3A_458] : memref<10240x128xf32, #tpu.memory_space<vmem_shared>> -> memref<10240x128xf32, #tpu.memory_space<vmem_shared>>
      tpu.wait_indirect_dma semaphore(%arg14 : memref<!tpu.dma_semaphore, #tpu.memory_space<semaphore_mem>>) src(%arg11 : memref<128x128xf32, #tpu.memory_space<vmem>>) dst(%dma_wait3A_459 : memref<10240x128xf32, #tpu.memory_space<vmem_shared>>)
      %dma_start3A_460 = arith.constant 8 : i32
      %dma_start3A_461 = arith.constant 0 : i32
      %dma_start3A_462 = tpu.memref_slice %arg10[%dma_start3A_460, %dma_start3A_461] : memref<16x128xi32, #tpu.memory_space<vmem>> -> memref<1x128xi32, #tpu.memory_space<vmem>>
      %dma_start3A_463 = tpu.memref_squeeze %dma_start3A_462 : memref<1x128xi32, #tpu.memory_space<vmem>> -> memref<128xi32, #tpu.memory_space<vmem>>
      %dma_start3A_464 = arith.constant 0 : i32
      %dma_start3A_465 = arith.constant 0 : i32
      %dma_start3A_466 = tpu.memref_slice %arg2[%dma_start3A_464, %dma_start3A_465] : memref<10000x128xf32, #tpu.memory_space<hbm>> -> memref<10000x128xf32, #tpu.memory_space<hbm>>
      tpu.enqueue_indirect_dma source(%dma_start3A_466 : memref<10000x128xf32, #tpu.memory_space<hbm>>) target(%arg11 : memref<128x128xf32, #tpu.memory_space<vmem>>) offsets(%dma_start3A_463 : memref<128xi32, #tpu.memory_space<vmem>>) semaphore(%arg13 : memref<!tpu.dma_semaphore, #tpu.memory_space<semaphore_mem>>)
      %dma_wait3A_467 = arith.constant 8 : i32
      %dma_wait3A_468 = arith.constant 0 : i32
      %dma_wait3A_469 = tpu.memref_slice %arg10[%dma_wait3A_467, %dma_wait3A_468] : memref<16x128xi32, #tpu.memory_space<vmem>> -> memref<1x128xi32, #tpu.memory_space<vmem>>
      %dma_wait3A_470 = tpu.memref_squeeze %dma_wait3A_469 : memref<1x128xi32, #tpu.memory_space<vmem>> -> memref<128xi32, #tpu.memory_space<vmem>>
      %dma_wait3A_471 = arith.constant 0 : i32
      %dma_wait3A_472 = arith.constant 0 : i32
      %dma_wait3A_473 = tpu.memref_slice %arg2[%dma_wait3A_471, %dma_wait3A_472] : memref<10000x128xf32, #tpu.memory_space<hbm>> -> memref<10000x128xf32, #tpu.memory_space<hbm>>
      tpu.wait_indirect_dma semaphore(%arg13 : memref<!tpu.dma_semaphore, #tpu.memory_space<semaphore_mem>>) src(%dma_wait3A_473 : memref<10000x128xf32, #tpu.memory_space<hbm>>) dst(%arg11 : memref<128x128xf32, #tpu.memory_space<vmem>>)
      %dma_start3A_474 = arith.constant 8 : i32
      %dma_start3A_475 = arith.constant 0 : i32
      %dma_start3A_476 = tpu.memref_slice %arg9[%dma_start3A_474, %dma_start3A_475] : memref<16x128xi32, #tpu.memory_space<vmem>> -> memref<1x128xi32, #tpu.memory_space<vmem>>
      %dma_start3A_477 = tpu.memref_squeeze %dma_start3A_476 : memref<1x128xi32, #tpu.memory_space<vmem>> -> memref<128xi32, #tpu.memory_space<vmem>>
      %dma_start3A_478 = arith.constant 0 : i32
      %dma_start3A_479 = arith.constant 0 : i32
      %dma_start3A_480 = tpu.memref_slice %arg15[%dma_start3A_478, %dma_start3A_479] : memref<10240x128xf32, #tpu.memory_space<vmem_shared>> -> memref<10240x128xf32, #tpu.memory_space<vmem_shared>>
      tpu.enqueue_indirect_dma source(%arg11 : memref<128x128xf32, #tpu.memory_space<vmem>>) target(%dma_start3A_480 : memref<10240x128xf32, #tpu.memory_space<vmem_shared>>) offsets(%dma_start3A_477 : memref<128xi32, #tpu.memory_space<vmem>>) semaphore(%arg14 : memref<!tpu.dma_semaphore, #tpu.memory_space<semaphore_mem>>) {add = true}
      %dma_wait3A_481 = arith.constant 8 : i32
      %dma_wait3A_482 = arith.constant 0 : i32
      %dma_wait3A_483 = tpu.memref_slice %arg9[%dma_wait3A_481, %dma_wait3A_482] : memref<16x128xi32, #tpu.memory_space<vmem>> -> memref<1x128xi32, #tpu.memory_space<vmem>>
      %dma_wait3A_484 = tpu.memref_squeeze %dma_wait3A_483 : memref<1x128xi32, #tpu.memory_space<vmem>> -> memref<128xi32, #tpu.memory_space<vmem>>
      %dma_wait3A_485 = arith.constant 0 : i32
      %dma_wait3A_486 = arith.constant 0 : i32
      %dma_wait3A_487 = tpu.memref_slice %arg15[%dma_wait3A_485, %dma_wait3A_486] : memref<10240x128xf32, #tpu.memory_space<vmem_shared>> -> memref<10240x128xf32, #tpu.memory_space<vmem_shared>>
      tpu.wait_indirect_dma semaphore(%arg14 : memref<!tpu.dma_semaphore, #tpu.memory_space<semaphore_mem>>) src(%arg12 : memref<128x128xf32, #tpu.memory_space<vmem>>) dst(%dma_wait3A_487 : memref<10240x128xf32, #tpu.memory_space<vmem_shared>>)
      %dma_start3A_488 = arith.constant 9 : i32
      %dma_start3A_489 = arith.constant 0 : i32
      %dma_start3A_490 = tpu.memref_slice %arg10[%dma_start3A_488, %dma_start3A_489] : memref<16x128xi32, #tpu.memory_space<vmem>> -> memref<1x128xi32, #tpu.memory_space<vmem>>
      %dma_start3A_491 = tpu.memref_squeeze %dma_start3A_490 : memref<1x128xi32, #tpu.memory_space<vmem>> -> memref<128xi32, #tpu.memory_space<vmem>>
      %dma_start3A_492 = arith.constant 0 : i32
      %dma_start3A_493 = arith.constant 0 : i32
      %dma_start3A_494 = tpu.memref_slice %arg2[%dma_start3A_492, %dma_start3A_493] : memref<10000x128xf32, #tpu.memory_space<hbm>> -> memref<10000x128xf32, #tpu.memory_space<hbm>>
      tpu.enqueue_indirect_dma source(%dma_start3A_494 : memref<10000x128xf32, #tpu.memory_space<hbm>>) target(%arg12 : memref<128x128xf32, #tpu.memory_space<vmem>>) offsets(%dma_start3A_491 : memref<128xi32, #tpu.memory_space<vmem>>) semaphore(%arg13 : memref<!tpu.dma_semaphore, #tpu.memory_space<semaphore_mem>>)
      %dma_wait3A_495 = arith.constant 9 : i32
      %dma_wait3A_496 = arith.constant 0 : i32
      %dma_wait3A_497 = tpu.memref_slice %arg10[%dma_wait3A_495, %dma_wait3A_496] : memref<16x128xi32, #tpu.memory_space<vmem>> -> memref<1x128xi32, #tpu.memory_space<vmem>>
      %dma_wait3A_498 = tpu.memref_squeeze %dma_wait3A_497 : memref<1x128xi32, #tpu.memory_space<vmem>> -> memref<128xi32, #tpu.memory_space<vmem>>
      %dma_wait3A_499 = arith.constant 0 : i32
      %dma_wait3A_500 = arith.constant 0 : i32
      %dma_wait3A_501 = tpu.memref_slice %arg2[%dma_wait3A_499, %dma_wait3A_500] : memref<10000x128xf32, #tpu.memory_space<hbm>> -> memref<10000x128xf32, #tpu.memory_space<hbm>>
      tpu.wait_indirect_dma semaphore(%arg13 : memref<!tpu.dma_semaphore, #tpu.memory_space<semaphore_mem>>) src(%dma_wait3A_501 : memref<10000x128xf32, #tpu.memory_space<hbm>>) dst(%arg12 : memref<128x128xf32, #tpu.memory_space<vmem>>)
      %dma_start3A_502 = arith.constant 9 : i32
      %dma_start3A_503 = arith.constant 0 : i32
      %dma_start3A_504 = tpu.memref_slice %arg9[%dma_start3A_502, %dma_start3A_503] : memref<16x128xi32, #tpu.memory_space<vmem>> -> memref<1x128xi32, #tpu.memory_space<vmem>>
      %dma_start3A_505 = tpu.memref_squeeze %dma_start3A_504 : memref<1x128xi32, #tpu.memory_space<vmem>> -> memref<128xi32, #tpu.memory_space<vmem>>
      %dma_start3A_506 = arith.constant 0 : i32
      %dma_start3A_507 = arith.constant 0 : i32
      %dma_start3A_508 = tpu.memref_slice %arg15[%dma_start3A_506, %dma_start3A_507] : memref<10240x128xf32, #tpu.memory_space<vmem_shared>> -> memref<10240x128xf32, #tpu.memory_space<vmem_shared>>
      tpu.enqueue_indirect_dma source(%arg12 : memref<128x128xf32, #tpu.memory_space<vmem>>) target(%dma_start3A_508 : memref<10240x128xf32, #tpu.memory_space<vmem_shared>>) offsets(%dma_start3A_505 : memref<128xi32, #tpu.memory_space<vmem>>) semaphore(%arg14 : memref<!tpu.dma_semaphore, #tpu.memory_space<semaphore_mem>>) {add = true}
      %dma_wait3A_509 = arith.constant 9 : i32
      %dma_wait3A_510 = arith.constant 0 : i32
      %dma_wait3A_511 = tpu.memref_slice %arg9[%dma_wait3A_509, %dma_wait3A_510] : memref<16x128xi32, #tpu.memory_space<vmem>> -> memref<1x128xi32, #tpu.memory_space<vmem>>
      %dma_wait3A_512 = tpu.memref_squeeze %dma_wait3A_511 : memref<1x128xi32, #tpu.memory_space<vmem>> -> memref<128xi32, #tpu.memory_space<vmem>>
      %dma_wait3A_513 = arith.constant 0 : i32
      %dma_wait3A_514 = arith.constant 0 : i32
      %dma_wait3A_515 = tpu.memref_slice %arg15[%dma_wait3A_513, %dma_wait3A_514] : memref<10240x128xf32, #tpu.memory_space<vmem_shared>> -> memref<10240x128xf32, #tpu.memory_space<vmem_shared>>
      tpu.wait_indirect_dma semaphore(%arg14 : memref<!tpu.dma_semaphore, #tpu.memory_space<semaphore_mem>>) src(%arg11 : memref<128x128xf32, #tpu.memory_space<vmem>>) dst(%dma_wait3A_515 : memref<10240x128xf32, #tpu.memory_space<vmem_shared>>)
      %dma_start3A_516 = arith.constant 10 : i32
      %dma_start3A_517 = arith.constant 0 : i32
      %dma_start3A_518 = tpu.memref_slice %arg10[%dma_start3A_516, %dma_start3A_517] : memref<16x128xi32, #tpu.memory_space<vmem>> -> memref<1x128xi32, #tpu.memory_space<vmem>>
      %dma_start3A_519 = tpu.memref_squeeze %dma_start3A_518 : memref<1x128xi32, #tpu.memory_space<vmem>> -> memref<128xi32, #tpu.memory_space<vmem>>
      %dma_start3A_520 = arith.constant 0 : i32
      %dma_start3A_521 = arith.constant 0 : i32
      %dma_start3A_522 = tpu.memref_slice %arg2[%dma_start3A_520, %dma_start3A_521] : memref<10000x128xf32, #tpu.memory_space<hbm>> -> memref<10000x128xf32, #tpu.memory_space<hbm>>
      tpu.enqueue_indirect_dma source(%dma_start3A_522 : memref<10000x128xf32, #tpu.memory_space<hbm>>) target(%arg11 : memref<128x128xf32, #tpu.memory_space<vmem>>) offsets(%dma_start3A_519 : memref<128xi32, #tpu.memory_space<vmem>>) semaphore(%arg13 : memref<!tpu.dma_semaphore, #tpu.memory_space<semaphore_mem>>)
      %dma_wait3A_523 = arith.constant 10 : i32
      %dma_wait3A_524 = arith.constant 0 : i32
      %dma_wait3A_525 = tpu.memref_slice %arg10[%dma_wait3A_523, %dma_wait3A_524] : memref<16x128xi32, #tpu.memory_space<vmem>> -> memref<1x128xi32, #tpu.memory_space<vmem>>
      %dma_wait3A_526 = tpu.memref_squeeze %dma_wait3A_525 : memref<1x128xi32, #tpu.memory_space<vmem>> -> memref<128xi32, #tpu.memory_space<vmem>>
      %dma_wait3A_527 = arith.constant 0 : i32
      %dma_wait3A_528 = arith.constant 0 : i32
      %dma_wait3A_529 = tpu.memref_slice %arg2[%dma_wait3A_527, %dma_wait3A_528] : memref<10000x128xf32, #tpu.memory_space<hbm>> -> memref<10000x128xf32, #tpu.memory_space<hbm>>
      tpu.wait_indirect_dma semaphore(%arg13 : memref<!tpu.dma_semaphore, #tpu.memory_space<semaphore_mem>>) src(%dma_wait3A_529 : memref<10000x128xf32, #tpu.memory_space<hbm>>) dst(%arg11 : memref<128x128xf32, #tpu.memory_space<vmem>>)
      %dma_start3A_530 = arith.constant 10 : i32
      %dma_start3A_531 = arith.constant 0 : i32
      %dma_start3A_532 = tpu.memref_slice %arg9[%dma_start3A_530, %dma_start3A_531] : memref<16x128xi32, #tpu.memory_space<vmem>> -> memref<1x128xi32, #tpu.memory_space<vmem>>
      %dma_start3A_533 = tpu.memref_squeeze %dma_start3A_532 : memref<1x128xi32, #tpu.memory_space<vmem>> -> memref<128xi32, #tpu.memory_space<vmem>>
      %dma_start3A_534 = arith.constant 0 : i32
      %dma_start3A_535 = arith.constant 0 : i32
      %dma_start3A_536 = tpu.memref_slice %arg15[%dma_start3A_534, %dma_start3A_535] : memref<10240x128xf32, #tpu.memory_space<vmem_shared>> -> memref<10240x128xf32, #tpu.memory_space<vmem_shared>>
      tpu.enqueue_indirect_dma source(%arg11 : memref<128x128xf32, #tpu.memory_space<vmem>>) target(%dma_start3A_536 : memref<10240x128xf32, #tpu.memory_space<vmem_shared>>) offsets(%dma_start3A_533 : memref<128xi32, #tpu.memory_space<vmem>>) semaphore(%arg14 : memref<!tpu.dma_semaphore, #tpu.memory_space<semaphore_mem>>) {add = true}
      %dma_wait3A_537 = arith.constant 10 : i32
      %dma_wait3A_538 = arith.constant 0 : i32
      %dma_wait3A_539 = tpu.memref_slice %arg9[%dma_wait3A_537, %dma_wait3A_538] : memref<16x128xi32, #tpu.memory_space<vmem>> -> memref<1x128xi32, #tpu.memory_space<vmem>>
      %dma_wait3A_540 = tpu.memref_squeeze %dma_wait3A_539 : memref<1x128xi32, #tpu.memory_space<vmem>> -> memref<128xi32, #tpu.memory_space<vmem>>
      %dma_wait3A_541 = arith.constant 0 : i32
      %dma_wait3A_542 = arith.constant 0 : i32
      %dma_wait3A_543 = tpu.memref_slice %arg15[%dma_wait3A_541, %dma_wait3A_542] : memref<10240x128xf32, #tpu.memory_space<vmem_shared>> -> memref<10240x128xf32, #tpu.memory_space<vmem_shared>>
      tpu.wait_indirect_dma semaphore(%arg14 : memref<!tpu.dma_semaphore, #tpu.memory_space<semaphore_mem>>) src(%arg12 : memref<128x128xf32, #tpu.memory_space<vmem>>) dst(%dma_wait3A_543 : memref<10240x128xf32, #tpu.memory_space<vmem_shared>>)
      %dma_start3A_544 = arith.constant 11 : i32
      %dma_start3A_545 = arith.constant 0 : i32
      %dma_start3A_546 = tpu.memref_slice %arg10[%dma_start3A_544, %dma_start3A_545] : memref<16x128xi32, #tpu.memory_space<vmem>> -> memref<1x128xi32, #tpu.memory_space<vmem>>
      %dma_start3A_547 = tpu.memref_squeeze %dma_start3A_546 : memref<1x128xi32, #tpu.memory_space<vmem>> -> memref<128xi32, #tpu.memory_space<vmem>>
      %dma_start3A_548 = arith.constant 0 : i32
      %dma_start3A_549 = arith.constant 0 : i32
      %dma_start3A_550 = tpu.memref_slice %arg2[%dma_start3A_548, %dma_start3A_549] : memref<10000x128xf32, #tpu.memory_space<hbm>> -> memref<10000x128xf32, #tpu.memory_space<hbm>>
      tpu.enqueue_indirect_dma source(%dma_start3A_550 : memref<10000x128xf32, #tpu.memory_space<hbm>>) target(%arg12 : memref<128x128xf32, #tpu.memory_space<vmem>>) offsets(%dma_start3A_547 : memref<128xi32, #tpu.memory_space<vmem>>) semaphore(%arg13 : memref<!tpu.dma_semaphore, #tpu.memory_space<semaphore_mem>>)
      %dma_wait3A_551 = arith.constant 11 : i32
      %dma_wait3A_552 = arith.constant 0 : i32
      %dma_wait3A_553 = tpu.memref_slice %arg10[%dma_wait3A_551, %dma_wait3A_552] : memref<16x128xi32, #tpu.memory_space<vmem>> -> memref<1x128xi32, #tpu.memory_space<vmem>>
      %dma_wait3A_554 = tpu.memref_squeeze %dma_wait3A_553 : memref<1x128xi32, #tpu.memory_space<vmem>> -> memref<128xi32, #tpu.memory_space<vmem>>
      %dma_wait3A_555 = arith.constant 0 : i32
      %dma_wait3A_556 = arith.constant 0 : i32
      %dma_wait3A_557 = tpu.memref_slice %arg2[%dma_wait3A_555, %dma_wait3A_556] : memref<10000x128xf32, #tpu.memory_space<hbm>> -> memref<10000x128xf32, #tpu.memory_space<hbm>>
      tpu.wait_indirect_dma semaphore(%arg13 : memref<!tpu.dma_semaphore, #tpu.memory_space<semaphore_mem>>) src(%dma_wait3A_557 : memref<10000x128xf32, #tpu.memory_space<hbm>>) dst(%arg12 : memref<128x128xf32, #tpu.memory_space<vmem>>)
      %dma_start3A_558 = arith.constant 11 : i32
      %dma_start3A_559 = arith.constant 0 : i32
      %dma_start3A_560 = tpu.memref_slice %arg9[%dma_start3A_558, %dma_start3A_559] : memref<16x128xi32, #tpu.memory_space<vmem>> -> memref<1x128xi32, #tpu.memory_space<vmem>>
      %dma_start3A_561 = tpu.memref_squeeze %dma_start3A_560 : memref<1x128xi32, #tpu.memory_space<vmem>> -> memref<128xi32, #tpu.memory_space<vmem>>
      %dma_start3A_562 = arith.constant 0 : i32
      %dma_start3A_563 = arith.constant 0 : i32
      %dma_start3A_564 = tpu.memref_slice %arg15[%dma_start3A_562, %dma_start3A_563] : memref<10240x128xf32, #tpu.memory_space<vmem_shared>> -> memref<10240x128xf32, #tpu.memory_space<vmem_shared>>
      tpu.enqueue_indirect_dma source(%arg12 : memref<128x128xf32, #tpu.memory_space<vmem>>) target(%dma_start3A_564 : memref<10240x128xf32, #tpu.memory_space<vmem_shared>>) offsets(%dma_start3A_561 : memref<128xi32, #tpu.memory_space<vmem>>) semaphore(%arg14 : memref<!tpu.dma_semaphore, #tpu.memory_space<semaphore_mem>>) {add = true}
      %dma_wait3A_565 = arith.constant 11 : i32
      %dma_wait3A_566 = arith.constant 0 : i32
      %dma_wait3A_567 = tpu.memref_slice %arg9[%dma_wait3A_565, %dma_wait3A_566] : memref<16x128xi32, #tpu.memory_space<vmem>> -> memref<1x128xi32, #tpu.memory_space<vmem>>
      %dma_wait3A_568 = tpu.memref_squeeze %dma_wait3A_567 : memref<1x128xi32, #tpu.memory_space<vmem>> -> memref<128xi32, #tpu.memory_space<vmem>>
      %dma_wait3A_569 = arith.constant 0 : i32
      %dma_wait3A_570 = arith.constant 0 : i32
      %dma_wait3A_571 = tpu.memref_slice %arg15[%dma_wait3A_569, %dma_wait3A_570] : memref<10240x128xf32, #tpu.memory_space<vmem_shared>> -> memref<10240x128xf32, #tpu.memory_space<vmem_shared>>
      tpu.wait_indirect_dma semaphore(%arg14 : memref<!tpu.dma_semaphore, #tpu.memory_space<semaphore_mem>>) src(%arg11 : memref<128x128xf32, #tpu.memory_space<vmem>>) dst(%dma_wait3A_571 : memref<10240x128xf32, #tpu.memory_space<vmem_shared>>)
      %dma_start3A_572 = arith.constant 12 : i32
      %dma_start3A_573 = arith.constant 0 : i32
      %dma_start3A_574 = tpu.memref_slice %arg10[%dma_start3A_572, %dma_start3A_573] : memref<16x128xi32, #tpu.memory_space<vmem>> -> memref<1x128xi32, #tpu.memory_space<vmem>>
      %dma_start3A_575 = tpu.memref_squeeze %dma_start3A_574 : memref<1x128xi32, #tpu.memory_space<vmem>> -> memref<128xi32, #tpu.memory_space<vmem>>
      %dma_start3A_576 = arith.constant 0 : i32
      %dma_start3A_577 = arith.constant 0 : i32
      %dma_start3A_578 = tpu.memref_slice %arg2[%dma_start3A_576, %dma_start3A_577] : memref<10000x128xf32, #tpu.memory_space<hbm>> -> memref<10000x128xf32, #tpu.memory_space<hbm>>
      tpu.enqueue_indirect_dma source(%dma_start3A_578 : memref<10000x128xf32, #tpu.memory_space<hbm>>) target(%arg11 : memref<128x128xf32, #tpu.memory_space<vmem>>) offsets(%dma_start3A_575 : memref<128xi32, #tpu.memory_space<vmem>>) semaphore(%arg13 : memref<!tpu.dma_semaphore, #tpu.memory_space<semaphore_mem>>)
      %dma_wait3A_579 = arith.constant 12 : i32
      %dma_wait3A_580 = arith.constant 0 : i32
      %dma_wait3A_581 = tpu.memref_slice %arg10[%dma_wait3A_579, %dma_wait3A_580] : memref<16x128xi32, #tpu.memory_space<vmem>> -> memref<1x128xi32, #tpu.memory_space<vmem>>
      %dma_wait3A_582 = tpu.memref_squeeze %dma_wait3A_581 : memref<1x128xi32, #tpu.memory_space<vmem>> -> memref<128xi32, #tpu.memory_space<vmem>>
      %dma_wait3A_583 = arith.constant 0 : i32
      %dma_wait3A_584 = arith.constant 0 : i32
      %dma_wait3A_585 = tpu.memref_slice %arg2[%dma_wait3A_583, %dma_wait3A_584] : memref<10000x128xf32, #tpu.memory_space<hbm>> -> memref<10000x128xf32, #tpu.memory_space<hbm>>
      tpu.wait_indirect_dma semaphore(%arg13 : memref<!tpu.dma_semaphore, #tpu.memory_space<semaphore_mem>>) src(%dma_wait3A_585 : memref<10000x128xf32, #tpu.memory_space<hbm>>) dst(%arg11 : memref<128x128xf32, #tpu.memory_space<vmem>>)
      %dma_start3A_586 = arith.constant 12 : i32
      %dma_start3A_587 = arith.constant 0 : i32
      %dma_start3A_588 = tpu.memref_slice %arg9[%dma_start3A_586, %dma_start3A_587] : memref<16x128xi32, #tpu.memory_space<vmem>> -> memref<1x128xi32, #tpu.memory_space<vmem>>
      %dma_start3A_589 = tpu.memref_squeeze %dma_start3A_588 : memref<1x128xi32, #tpu.memory_space<vmem>> -> memref<128xi32, #tpu.memory_space<vmem>>
      %dma_start3A_590 = arith.constant 0 : i32
      %dma_start3A_591 = arith.constant 0 : i32
      %dma_start3A_592 = tpu.memref_slice %arg15[%dma_start3A_590, %dma_start3A_591] : memref<10240x128xf32, #tpu.memory_space<vmem_shared>> -> memref<10240x128xf32, #tpu.memory_space<vmem_shared>>
      tpu.enqueue_indirect_dma source(%arg11 : memref<128x128xf32, #tpu.memory_space<vmem>>) target(%dma_start3A_592 : memref<10240x128xf32, #tpu.memory_space<vmem_shared>>) offsets(%dma_start3A_589 : memref<128xi32, #tpu.memory_space<vmem>>) semaphore(%arg14 : memref<!tpu.dma_semaphore, #tpu.memory_space<semaphore_mem>>) {add = true}
      %dma_wait3A_593 = arith.constant 12 : i32
      %dma_wait3A_594 = arith.constant 0 : i32
      %dma_wait3A_595 = tpu.memref_slice %arg9[%dma_wait3A_593, %dma_wait3A_594] : memref<16x128xi32, #tpu.memory_space<vmem>> -> memref<1x128xi32, #tpu.memory_space<vmem>>
      %dma_wait3A_596 = tpu.memref_squeeze %dma_wait3A_595 : memref<1x128xi32, #tpu.memory_space<vmem>> -> memref<128xi32, #tpu.memory_space<vmem>>
      %dma_wait3A_597 = arith.constant 0 : i32
      %dma_wait3A_598 = arith.constant 0 : i32
      %dma_wait3A_599 = tpu.memref_slice %arg15[%dma_wait3A_597, %dma_wait3A_598] : memref<10240x128xf32, #tpu.memory_space<vmem_shared>> -> memref<10240x128xf32, #tpu.memory_space<vmem_shared>>
      tpu.wait_indirect_dma semaphore(%arg14 : memref<!tpu.dma_semaphore, #tpu.memory_space<semaphore_mem>>) src(%arg12 : memref<128x128xf32, #tpu.memory_space<vmem>>) dst(%dma_wait3A_599 : memref<10240x128xf32, #tpu.memory_space<vmem_shared>>)
      %dma_start3A_600 = arith.constant 13 : i32
      %dma_start3A_601 = arith.constant 0 : i32
      %dma_start3A_602 = tpu.memref_slice %arg10[%dma_start3A_600, %dma_start3A_601] : memref<16x128xi32, #tpu.memory_space<vmem>> -> memref<1x128xi32, #tpu.memory_space<vmem>>
      %dma_start3A_603 = tpu.memref_squeeze %dma_start3A_602 : memref<1x128xi32, #tpu.memory_space<vmem>> -> memref<128xi32, #tpu.memory_space<vmem>>
      %dma_start3A_604 = arith.constant 0 : i32
      %dma_start3A_605 = arith.constant 0 : i32
      %dma_start3A_606 = tpu.memref_slice %arg2[%dma_start3A_604, %dma_start3A_605] : memref<10000x128xf32, #tpu.memory_space<hbm>> -> memref<10000x128xf32, #tpu.memory_space<hbm>>
      tpu.enqueue_indirect_dma source(%dma_start3A_606 : memref<10000x128xf32, #tpu.memory_space<hbm>>) target(%arg12 : memref<128x128xf32, #tpu.memory_space<vmem>>) offsets(%dma_start3A_603 : memref<128xi32, #tpu.memory_space<vmem>>) semaphore(%arg13 : memref<!tpu.dma_semaphore, #tpu.memory_space<semaphore_mem>>)
      %dma_wait3A_607 = arith.constant 13 : i32
      %dma_wait3A_608 = arith.constant 0 : i32
      %dma_wait3A_609 = tpu.memref_slice %arg10[%dma_wait3A_607, %dma_wait3A_608] : memref<16x128xi32, #tpu.memory_space<vmem>> -> memref<1x128xi32, #tpu.memory_space<vmem>>
      %dma_wait3A_610 = tpu.memref_squeeze %dma_wait3A_609 : memref<1x128xi32, #tpu.memory_space<vmem>> -> memref<128xi32, #tpu.memory_space<vmem>>
      %dma_wait3A_611 = arith.constant 0 : i32
      %dma_wait3A_612 = arith.constant 0 : i32
      %dma_wait3A_613 = tpu.memref_slice %arg2[%dma_wait3A_611, %dma_wait3A_612] : memref<10000x128xf32, #tpu.memory_space<hbm>> -> memref<10000x128xf32, #tpu.memory_space<hbm>>
      tpu.wait_indirect_dma semaphore(%arg13 : memref<!tpu.dma_semaphore, #tpu.memory_space<semaphore_mem>>) src(%dma_wait3A_613 : memref<10000x128xf32, #tpu.memory_space<hbm>>) dst(%arg12 : memref<128x128xf32, #tpu.memory_space<vmem>>)
      %dma_start3A_614 = arith.constant 13 : i32
      %dma_start3A_615 = arith.constant 0 : i32
      %dma_start3A_616 = tpu.memref_slice %arg9[%dma_start3A_614, %dma_start3A_615] : memref<16x128xi32, #tpu.memory_space<vmem>> -> memref<1x128xi32, #tpu.memory_space<vmem>>
      %dma_start3A_617 = tpu.memref_squeeze %dma_start3A_616 : memref<1x128xi32, #tpu.memory_space<vmem>> -> memref<128xi32, #tpu.memory_space<vmem>>
      %dma_start3A_618 = arith.constant 0 : i32
      %dma_start3A_619 = arith.constant 0 : i32
      %dma_start3A_620 = tpu.memref_slice %arg15[%dma_start3A_618, %dma_start3A_619] : memref<10240x128xf32, #tpu.memory_space<vmem_shared>> -> memref<10240x128xf32, #tpu.memory_space<vmem_shared>>
      tpu.enqueue_indirect_dma source(%arg12 : memref<128x128xf32, #tpu.memory_space<vmem>>) target(%dma_start3A_620 : memref<10240x128xf32, #tpu.memory_space<vmem_shared>>) offsets(%dma_start3A_617 : memref<128xi32, #tpu.memory_space<vmem>>) semaphore(%arg14 : memref<!tpu.dma_semaphore, #tpu.memory_space<semaphore_mem>>) {add = true}
      %dma_wait3A_621 = arith.constant 13 : i32
      %dma_wait3A_622 = arith.constant 0 : i32
      %dma_wait3A_623 = tpu.memref_slice %arg9[%dma_wait3A_621, %dma_wait3A_622] : memref<16x128xi32, #tpu.memory_space<vmem>> -> memref<1x128xi32, #tpu.memory_space<vmem>>
      %dma_wait3A_624 = tpu.memref_squeeze %dma_wait3A_623 : memref<1x128xi32, #tpu.memory_space<vmem>> -> memref<128xi32, #tpu.memory_space<vmem>>
      %dma_wait3A_625 = arith.constant 0 : i32
      %dma_wait3A_626 = arith.constant 0 : i32
      %dma_wait3A_627 = tpu.memref_slice %arg15[%dma_wait3A_625, %dma_wait3A_626] : memref<10240x128xf32, #tpu.memory_space<vmem_shared>> -> memref<10240x128xf32, #tpu.memory_space<vmem_shared>>
      tpu.wait_indirect_dma semaphore(%arg14 : memref<!tpu.dma_semaphore, #tpu.memory_space<semaphore_mem>>) src(%arg11 : memref<128x128xf32, #tpu.memory_space<vmem>>) dst(%dma_wait3A_627 : memref<10240x128xf32, #tpu.memory_space<vmem_shared>>)
      %dma_start3A_628 = arith.constant 14 : i32
      %dma_start3A_629 = arith.constant 0 : i32
      %dma_start3A_630 = tpu.memref_slice %arg10[%dma_start3A_628, %dma_start3A_629] : memref<16x128xi32, #tpu.memory_space<vmem>> -> memref<1x128xi32, #tpu.memory_space<vmem>>
      %dma_start3A_631 = tpu.memref_squeeze %dma_start3A_630 : memref<1x128xi32, #tpu.memory_space<vmem>> -> memref<128xi32, #tpu.memory_space<vmem>>
      %dma_start3A_632 = arith.constant 0 : i32
      %dma_start3A_633 = arith.constant 0 : i32
      %dma_start3A_634 = tpu.memref_slice %arg2[%dma_start3A_632, %dma_start3A_633] : memref<10000x128xf32, #tpu.memory_space<hbm>> -> memref<10000x128xf32, #tpu.memory_space<hbm>>
      tpu.enqueue_indirect_dma source(%dma_start3A_634 : memref<10000x128xf32, #tpu.memory_space<hbm>>) target(%arg11 : memref<128x128xf32, #tpu.memory_space<vmem>>) offsets(%dma_start3A_631 : memref<128xi32, #tpu.memory_space<vmem>>) semaphore(%arg13 : memref<!tpu.dma_semaphore, #tpu.memory_space<semaphore_mem>>)
      %dma_wait3A_635 = arith.constant 14 : i32
      %dma_wait3A_636 = arith.constant 0 : i32
      %dma_wait3A_637 = tpu.memref_slice %arg10[%dma_wait3A_635, %dma_wait3A_636] : memref<16x128xi32, #tpu.memory_space<vmem>> -> memref<1x128xi32, #tpu.memory_space<vmem>>
      %dma_wait3A_638 = tpu.memref_squeeze %dma_wait3A_637 : memref<1x128xi32, #tpu.memory_space<vmem>> -> memref<128xi32, #tpu.memory_space<vmem>>
      %dma_wait3A_639 = arith.constant 0 : i32
      %dma_wait3A_640 = arith.constant 0 : i32
      %dma_wait3A_641 = tpu.memref_slice %arg2[%dma_wait3A_639, %dma_wait3A_640] : memref<10000x128xf32, #tpu.memory_space<hbm>> -> memref<10000x128xf32, #tpu.memory_space<hbm>>
      tpu.wait_indirect_dma semaphore(%arg13 : memref<!tpu.dma_semaphore, #tpu.memory_space<semaphore_mem>>) src(%dma_wait3A_641 : memref<10000x128xf32, #tpu.memory_space<hbm>>) dst(%arg11 : memref<128x128xf32, #tpu.memory_space<vmem>>)
      %dma_start3A_642 = arith.constant 14 : i32
      %dma_start3A_643 = arith.constant 0 : i32
      %dma_start3A_644 = tpu.memref_slice %arg9[%dma_start3A_642, %dma_start3A_643] : memref<16x128xi32, #tpu.memory_space<vmem>> -> memref<1x128xi32, #tpu.memory_space<vmem>>
      %dma_start3A_645 = tpu.memref_squeeze %dma_start3A_644 : memref<1x128xi32, #tpu.memory_space<vmem>> -> memref<128xi32, #tpu.memory_space<vmem>>
      %dma_start3A_646 = arith.constant 0 : i32
      %dma_start3A_647 = arith.constant 0 : i32
      %dma_start3A_648 = tpu.memref_slice %arg15[%dma_start3A_646, %dma_start3A_647] : memref<10240x128xf32, #tpu.memory_space<vmem_shared>> -> memref<10240x128xf32, #tpu.memory_space<vmem_shared>>
      tpu.enqueue_indirect_dma source(%arg11 : memref<128x128xf32, #tpu.memory_space<vmem>>) target(%dma_start3A_648 : memref<10240x128xf32, #tpu.memory_space<vmem_shared>>) offsets(%dma_start3A_645 : memref<128xi32, #tpu.memory_space<vmem>>) semaphore(%arg14 : memref<!tpu.dma_semaphore, #tpu.memory_space<semaphore_mem>>) {add = true}
      %dma_wait3A_649 = arith.constant 14 : i32
      %dma_wait3A_650 = arith.constant 0 : i32
      %dma_wait3A_651 = tpu.memref_slice %arg9[%dma_wait3A_649, %dma_wait3A_650] : memref<16x128xi32, #tpu.memory_space<vmem>> -> memref<1x128xi32, #tpu.memory_space<vmem>>
      %dma_wait3A_652 = tpu.memref_squeeze %dma_wait3A_651 : memref<1x128xi32, #tpu.memory_space<vmem>> -> memref<128xi32, #tpu.memory_space<vmem>>
      %dma_wait3A_653 = arith.constant 0 : i32
      %dma_wait3A_654 = arith.constant 0 : i32
      %dma_wait3A_655 = tpu.memref_slice %arg15[%dma_wait3A_653, %dma_wait3A_654] : memref<10240x128xf32, #tpu.memory_space<vmem_shared>> -> memref<10240x128xf32, #tpu.memory_space<vmem_shared>>
      tpu.wait_indirect_dma semaphore(%arg14 : memref<!tpu.dma_semaphore, #tpu.memory_space<semaphore_mem>>) src(%arg12 : memref<128x128xf32, #tpu.memory_space<vmem>>) dst(%dma_wait3A_655 : memref<10240x128xf32, #tpu.memory_space<vmem_shared>>)
      %dma_start3A_656 = arith.constant 15 : i32
      %dma_start3A_657 = arith.constant 0 : i32
      %dma_start3A_658 = tpu.memref_slice %arg10[%dma_start3A_656, %dma_start3A_657] : memref<16x128xi32, #tpu.memory_space<vmem>> -> memref<1x128xi32, #tpu.memory_space<vmem>>
      %dma_start3A_659 = tpu.memref_squeeze %dma_start3A_658 : memref<1x128xi32, #tpu.memory_space<vmem>> -> memref<128xi32, #tpu.memory_space<vmem>>
      %dma_start3A_660 = arith.constant 0 : i32
      %dma_start3A_661 = arith.constant 0 : i32
      %dma_start3A_662 = tpu.memref_slice %arg2[%dma_start3A_660, %dma_start3A_661] : memref<10000x128xf32, #tpu.memory_space<hbm>> -> memref<10000x128xf32, #tpu.memory_space<hbm>>
      tpu.enqueue_indirect_dma source(%dma_start3A_662 : memref<10000x128xf32, #tpu.memory_space<hbm>>) target(%arg12 : memref<128x128xf32, #tpu.memory_space<vmem>>) offsets(%dma_start3A_659 : memref<128xi32, #tpu.memory_space<vmem>>) semaphore(%arg13 : memref<!tpu.dma_semaphore, #tpu.memory_space<semaphore_mem>>)
      %dma_wait3A_663 = arith.constant 15 : i32
      %dma_wait3A_664 = arith.constant 0 : i32
      %dma_wait3A_665 = tpu.memref_slice %arg10[%dma_wait3A_663, %dma_wait3A_664] : memref<16x128xi32, #tpu.memory_space<vmem>> -> memref<1x128xi32, #tpu.memory_space<vmem>>
      %dma_wait3A_666 = tpu.memref_squeeze %dma_wait3A_665 : memref<1x128xi32, #tpu.memory_space<vmem>> -> memref<128xi32, #tpu.memory_space<vmem>>
      %dma_wait3A_667 = arith.constant 0 : i32
      %dma_wait3A_668 = arith.constant 0 : i32
      %dma_wait3A_669 = tpu.memref_slice %arg2[%dma_wait3A_667, %dma_wait3A_668] : memref<10000x128xf32, #tpu.memory_space<hbm>> -> memref<10000x128xf32, #tpu.memory_space<hbm>>
      tpu.wait_indirect_dma semaphore(%arg13 : memref<!tpu.dma_semaphore, #tpu.memory_space<semaphore_mem>>) src(%dma_wait3A_669 : memref<10000x128xf32, #tpu.memory_space<hbm>>) dst(%arg12 : memref<128x128xf32, #tpu.memory_space<vmem>>)
      %dma_start3A_670 = arith.constant 15 : i32
      %dma_start3A_671 = arith.constant 0 : i32
      %dma_start3A_672 = tpu.memref_slice %arg9[%dma_start3A_670, %dma_start3A_671] : memref<16x128xi32, #tpu.memory_space<vmem>> -> memref<1x128xi32, #tpu.memory_space<vmem>>
      %dma_start3A_673 = tpu.memref_squeeze %dma_start3A_672 : memref<1x128xi32, #tpu.memory_space<vmem>> -> memref<128xi32, #tpu.memory_space<vmem>>
      %dma_start3A_674 = arith.constant 0 : i32
      %dma_start3A_675 = arith.constant 0 : i32
      %dma_start3A_676 = tpu.memref_slice %arg15[%dma_start3A_674, %dma_start3A_675] : memref<10240x128xf32, #tpu.memory_space<vmem_shared>> -> memref<10240x128xf32, #tpu.memory_space<vmem_shared>>
      tpu.enqueue_indirect_dma source(%arg12 : memref<128x128xf32, #tpu.memory_space<vmem>>) target(%dma_start3A_676 : memref<10240x128xf32, #tpu.memory_space<vmem_shared>>) offsets(%dma_start3A_673 : memref<128xi32, #tpu.memory_space<vmem>>) semaphore(%arg14 : memref<!tpu.dma_semaphore, #tpu.memory_space<semaphore_mem>>) {add = true}
      %dma_wait3A_677 = arith.constant 15 : i32
      %dma_wait3A_678 = arith.constant 0 : i32
      %dma_wait3A_679 = tpu.memref_slice %arg9[%dma_wait3A_677, %dma_wait3A_678] : memref<16x128xi32, #tpu.memory_space<vmem>> -> memref<1x128xi32, #tpu.memory_space<vmem>>
      %dma_wait3A_680 = tpu.memref_squeeze %dma_wait3A_679 : memref<1x128xi32, #tpu.memory_space<vmem>> -> memref<128xi32, #tpu.memory_space<vmem>>
      %dma_wait3A_681 = arith.constant 0 : i32
      %dma_wait3A_682 = arith.constant 0 : i32
      %dma_wait3A_683 = tpu.memref_slice %arg15[%dma_wait3A_681, %dma_wait3A_682] : memref<10240x128xf32, #tpu.memory_space<vmem_shared>> -> memref<10240x128xf32, #tpu.memory_space<vmem_shared>>
      tpu.wait_indirect_dma semaphore(%arg14 : memref<!tpu.dma_semaphore, #tpu.memory_space<semaphore_mem>>) src(%arg11 : memref<128x128xf32, #tpu.memory_space<vmem>>) dst(%dma_wait3A_683 : memref<10240x128xf32, #tpu.memory_space<vmem_shared>>)
      %dma_wait3A_684 = arith.constant 0 : i32
      %dma_wait3A_685 = arith.constant 0 : i32
      %dma_wait3A_686 = tpu.memref_slice %arg9[%dma_wait3A_684, %dma_wait3A_685] : memref<16x128xi32, #tpu.memory_space<vmem>> -> memref<1x128xi32, #tpu.memory_space<vmem>>
      %dma_wait3A_687 = tpu.memref_squeeze %dma_wait3A_686 : memref<1x128xi32, #tpu.memory_space<vmem>> -> memref<128xi32, #tpu.memory_space<vmem>>
      %dma_wait3A_688 = arith.constant 0 : i32
      %dma_wait3A_689 = arith.constant 0 : i32
      %dma_wait3A_690 = tpu.memref_slice %arg15[%dma_wait3A_688, %dma_wait3A_689] : memref<10240x128xf32, #tpu.memory_space<vmem_shared>> -> memref<10240x128xf32, #tpu.memory_space<vmem_shared>>
      tpu.wait_indirect_dma semaphore(%arg14 : memref<!tpu.dma_semaphore, #tpu.memory_space<semaphore_mem>>) src(%arg11 : memref<128x128xf32, #tpu.memory_space<vmem>>) dst(%dma_wait3A_690 : memref<10240x128xf32, #tpu.memory_space<vmem_shared>>)
    }
    %barrier3A_59 = arith.constant 0 : index
    tpu.barrier barrier_id(%barrier3A_59)
    %dma_start3A_60 = arith.constant 0 : i32
    %dma_start3A_61 = tpu.memref_slice %arg15[%mul3A_0, %dma_start3A_60] : memref<10240x128xf32, #tpu.memory_space<vmem_shared>> -> memref<128x128xf32, #tpu.memory_space<vmem_shared>>
    %dma_start3A_62 = arith.constant 0 : i32
    %dma_start3A_63 = tpu.memref_slice %arg15[%mul3A_0, %dma_start3A_62] : memref<10240x128xf32, #tpu.memory_space<vmem_shared>> -> memref<128x128xf32, #tpu.memory_space<vmem_shared>>
    tpu.enqueue_dma source(%dma_start3A_63 : memref<128x128xf32, #tpu.memory_space<vmem_shared>>) target(%arg11 : memref<128x128xf32, #tpu.memory_space<vmem>>) target_semaphore(%arg13 : memref<!tpu.dma_semaphore, #tpu.memory_space<semaphore_mem>>)
    %dma_wait3A_64 = arith.constant 0 : i32
    %dma_wait3A_65 = tpu.memref_slice %arg15[%mul3A_0, %dma_wait3A_64] : memref<10240x128xf32, #tpu.memory_space<vmem_shared>> -> memref<128x128xf32, #tpu.memory_space<vmem_shared>>
    %dma_wait3A_66 = arith.constant 0 : i32
    %dma_wait3A_67 = tpu.memref_slice %arg15[%mul3A_0, %dma_wait3A_66] : memref<10240x128xf32, #tpu.memory_space<vmem_shared>> -> memref<128x128xf32, #tpu.memory_space<vmem_shared>>
    tpu.wait_dma2 semaphore(%arg13 : memref<!tpu.dma_semaphore, #tpu.memory_space<semaphore_mem>>) src(%dma_wait3A_67 : memref<128x128xf32, #tpu.memory_space<vmem_shared>>) dst(%arg11 : memref<128x128xf32, #tpu.memory_space<vmem>>)
    %add3A_68 = arith.constant 128 : i32
    %add3A_69 = arith.addi %mul3A_0, %add3A_68 : i32
    %dma_start3A_70 = arith.constant 0 : i32
    %dma_start3A_71 = tpu.memref_slice %arg15[%add3A_69, %dma_start3A_70] : memref<10240x128xf32, #tpu.memory_space<vmem_shared>> -> memref<128x128xf32, #tpu.memory_space<vmem_shared>>
    %dma_start3A_72 = arith.constant 0 : i32
    %dma_start3A_73 = tpu.memref_slice %arg15[%add3A_69, %dma_start3A_72] : memref<10240x128xf32, #tpu.memory_space<vmem_shared>> -> memref<128x128xf32, #tpu.memory_space<vmem_shared>>
    tpu.enqueue_dma source(%dma_start3A_73 : memref<128x128xf32, #tpu.memory_space<vmem_shared>>) target(%arg12 : memref<128x128xf32, #tpu.memory_space<vmem>>) target_semaphore(%arg13 : memref<!tpu.dma_semaphore, #tpu.memory_space<semaphore_mem>>)
    %add3A_74 = arith.constant 0 : i32
    %add3A_75 = arith.addi %mul3A_0, %add3A_74 : i32
    "tpu.region"() ({
      %run_scoped3A = tpu.sem_alloc : memref<!tpu.dma_semaphore, #tpu.memory_space<semaphore_mem>>
      %dma_start3A_238 = arith.constant 0 : i32
      %dma_start3A_239 = tpu.memref_slice %arg7[%arg0, %add3A_75, %dma_start3A_238] : memref<2x10240x128xf32, #tpu.memory_space<hbm>> -> memref<1x128x128xf32, #tpu.memory_space<hbm>>
      %dma_start3A_240 = tpu.memref_squeeze %dma_start3A_239 : memref<1x128x128xf32, #tpu.memory_space<hbm>> -> memref<128x128xf32, #tpu.memory_space<hbm>>
      %dma_start3A_241 = arith.constant 0 : i32
      %dma_start3A_242 = tpu.memref_slice %arg7[%arg0, %add3A_75, %dma_start3A_241] : memref<2x10240x128xf32, #tpu.memory_space<hbm>> -> memref<1x128x128xf32, #tpu.memory_space<hbm>>
      %dma_start3A_243 = tpu.memref_squeeze %dma_start3A_242 : memref<1x128x128xf32, #tpu.memory_space<hbm>> -> memref<128x128xf32, #tpu.memory_space<hbm>>
      tpu.enqueue_dma source(%arg11 : memref<128x128xf32, #tpu.memory_space<vmem>>) target(%dma_start3A_243 : memref<128x128xf32, #tpu.memory_space<hbm>>) target_semaphore(%run_scoped3A : memref<!tpu.dma_semaphore, #tpu.memory_space<semaphore_mem>>)
      %dma_wait3A_244 = arith.constant 0 : i32
      %dma_wait3A_245 = tpu.memref_slice %arg7[%arg0, %add3A_75, %dma_wait3A_244] : memref<2x10240x128xf32, #tpu.memory_space<hbm>> -> memref<1x128x128xf32, #tpu.memory_space<hbm>>
      %dma_wait3A_246 = tpu.memref_squeeze %dma_wait3A_245 : memref<1x128x128xf32, #tpu.memory_space<hbm>> -> memref<128x128xf32, #tpu.memory_space<hbm>>
      %dma_wait3A_247 = arith.constant 0 : i32
      %dma_wait3A_248 = tpu.memref_slice %arg7[%arg0, %add3A_75, %dma_wait3A_247] : memref<2x10240x128xf32, #tpu.memory_space<hbm>> -> memref<1x128x128xf32, #tpu.memory_space<hbm>>
      %dma_wait3A_249 = tpu.memref_squeeze %dma_wait3A_248 : memref<1x128x128xf32, #tpu.memory_space<hbm>> -> memref<128x128xf32, #tpu.memory_space<hbm>>
      tpu.wait_dma2 semaphore(%run_scoped3A : memref<!tpu.dma_semaphore, #tpu.memory_space<semaphore_mem>>) src(%arg11 : memref<128x128xf32, #tpu.memory_space<vmem>>) dst(%dma_wait3A_249 : memref<128x128xf32, #tpu.memory_space<hbm>>)
      tpu.yield
    }) : () -> ()
    %dma_wait3A_76 = arith.constant 0 : i32
    %dma_wait3A_77 = tpu.memref_slice %arg15[%mul3A_0, %dma_wait3A_76] : memref<10240x128xf32, #tpu.memory_space<vmem_shared>> -> memref<128x128xf32, #tpu.memory_space<vmem_shared>>
    %dma_wait3A_78 = arith.constant 0 : i32
    %dma_wait3A_79 = tpu.memref_slice %arg15[%mul3A_0, %dma_wait3A_78] : memref<10240x128xf32, #tpu.memory_space<vmem_shared>> -> memref<128x128xf32, #tpu.memory_space<vmem_shared>>
    tpu.wait_dma2 semaphore(%arg13 : memref<!tpu.dma_semaphore, #tpu.memory_space<semaphore_mem>>) src(%dma_wait3A_79 : memref<128x128xf32, #tpu.memory_space<vmem_shared>>) dst(%arg12 : memref<128x128xf32, #tpu.memory_space<vmem>>)
    %add3A_80 = arith.constant 256 : i32
    %add3A_81 = arith.addi %mul3A_0, %add3A_80 : i32
    %dma_start3A_82 = arith.constant 0 : i32
    %dma_start3A_83 = tpu.memref_slice %arg15[%add3A_81, %dma_start3A_82] : memref<10240x128xf32, #tpu.memory_space<vmem_shared>> -> memref<128x128xf32, #tpu.memory_space<vmem_shared>>
    %dma_start3A_84 = arith.constant 0 : i32
    %dma_start3A_85 = tpu.memref_slice %arg15[%add3A_81, %dma_start3A_84] : memref<10240x128xf32, #tpu.memory_space<vmem_shared>> -> memref<128x128xf32, #tpu.memory_space<vmem_shared>>
    tpu.enqueue_dma source(%dma_start3A_85 : memref<128x128xf32, #tpu.memory_space<vmem_shared>>) target(%arg11 : memref<128x128xf32, #tpu.memory_space<vmem>>) target_semaphore(%arg13 : memref<!tpu.dma_semaphore, #tpu.memory_space<semaphore_mem>>)
    %add3A_86 = arith.constant 128 : i32
    %add3A_87 = arith.addi %mul3A_0, %add3A_86 : i32
    "tpu.region"() ({
      %run_scoped3A = tpu.sem_alloc : memref<!tpu.dma_semaphore, #tpu.memory_space<semaphore_mem>>
      %dma_start3A_238 = arith.constant 0 : i32
      %dma_start3A_239 = tpu.memref_slice %arg7[%arg0, %add3A_87, %dma_start3A_238] : memref<2x10240x128xf32, #tpu.memory_space<hbm>> -> memref<1x128x128xf32, #tpu.memory_space<hbm>>
      %dma_start3A_240 = tpu.memref_squeeze %dma_start3A_239 : memref<1x128x128xf32, #tpu.memory_space<hbm>> -> memref<128x128xf32, #tpu.memory_space<hbm>>
      %dma_start3A_241 = arith.constant 0 : i32
      %dma_start3A_242 = tpu.memref_slice %arg7[%arg0, %add3A_87, %dma_start3A_241] : memref<2x10240x128xf32, #tpu.memory_space<hbm>> -> memref<1x128x128xf32, #tpu.memory_space<hbm>>
      %dma_start3A_243 = tpu.memref_squeeze %dma_start3A_242 : memref<1x128x128xf32, #tpu.memory_space<hbm>> -> memref<128x128xf32, #tpu.memory_space<hbm>>
      tpu.enqueue_dma source(%arg12 : memref<128x128xf32, #tpu.memory_space<vmem>>) target(%dma_start3A_243 : memref<128x128xf32, #tpu.memory_space<hbm>>) target_semaphore(%run_scoped3A : memref<!tpu.dma_semaphore, #tpu.memory_space<semaphore_mem>>)
      %dma_wait3A_244 = arith.constant 0 : i32
      %dma_wait3A_245 = tpu.memref_slice %arg7[%arg0, %add3A_87, %dma_wait3A_244] : memref<2x10240x128xf32, #tpu.memory_space<hbm>> -> memref<1x128x128xf32, #tpu.memory_space<hbm>>
      %dma_wait3A_246 = tpu.memref_squeeze %dma_wait3A_245 : memref<1x128x128xf32, #tpu.memory_space<hbm>> -> memref<128x128xf32, #tpu.memory_space<hbm>>
      %dma_wait3A_247 = arith.constant 0 : i32
      %dma_wait3A_248 = tpu.memref_slice %arg7[%arg0, %add3A_87, %dma_wait3A_247] : memref<2x10240x128xf32, #tpu.memory_space<hbm>> -> memref<1x128x128xf32, #tpu.memory_space<hbm>>
      %dma_wait3A_249 = tpu.memref_squeeze %dma_wait3A_248 : memref<1x128x128xf32, #tpu.memory_space<hbm>> -> memref<128x128xf32, #tpu.memory_space<hbm>>
      tpu.wait_dma2 semaphore(%run_scoped3A : memref<!tpu.dma_semaphore, #tpu.memory_space<semaphore_mem>>) src(%arg12 : memref<128x128xf32, #tpu.memory_space<vmem>>) dst(%dma_wait3A_249 : memref<128x128xf32, #tpu.memory_space<hbm>>)
      tpu.yield
    }) : () -> ()
    %dma_wait3A_88 = arith.constant 0 : i32
    %dma_wait3A_89 = tpu.memref_slice %arg15[%mul3A_0, %dma_wait3A_88] : memref<10240x128xf32, #tpu.memory_space<vmem_shared>> -> memref<128x128xf32, #tpu.memory_space<vmem_shared>>
    %dma_wait3A_90 = arith.constant 0 : i32
    %dma_wait3A_91 = tpu.memref_slice %arg15[%mul3A_0, %dma_wait3A_90] : memref<10240x128xf32, #tpu.memory_space<vmem_shared>> -> memref<128x128xf32, #tpu.memory_space<vmem_shared>>
    tpu.wait_dma2 semaphore(%arg13 : memref<!tpu.dma_semaphore, #tpu.memory_space<semaphore_mem>>) src(%dma_wait3A_91 : memref<128x128xf32, #tpu.memory_space<vmem_shared>>) dst(%arg11 : memref<128x128xf32, #tpu.memory_space<vmem>>)
    %add3A_92 = arith.constant 384 : i32
    %add3A_93 = arith.addi %mul3A_0, %add3A_92 : i32
    %dma_start3A_94 = arith.constant 0 : i32
    %dma_start3A_95 = tpu.memref_slice %arg15[%add3A_93, %dma_start3A_94] : memref<10240x128xf32, #tpu.memory_space<vmem_shared>> -> memref<128x128xf32, #tpu.memory_space<vmem_shared>>
    %dma_start3A_96 = arith.constant 0 : i32
    %dma_start3A_97 = tpu.memref_slice %arg15[%add3A_93, %dma_start3A_96] : memref<10240x128xf32, #tpu.memory_space<vmem_shared>> -> memref<128x128xf32, #tpu.memory_space<vmem_shared>>
    tpu.enqueue_dma source(%dma_start3A_97 : memref<128x128xf32, #tpu.memory_space<vmem_shared>>) target(%arg12 : memref<128x128xf32, #tpu.memory_space<vmem>>) target_semaphore(%arg13 : memref<!tpu.dma_semaphore, #tpu.memory_space<semaphore_mem>>)
    %add3A_98 = arith.constant 256 : i32
    %add3A_99 = arith.addi %mul3A_0, %add3A_98 : i32
    "tpu.region"() ({
      %run_scoped3A = tpu.sem_alloc : memref<!tpu.dma_semaphore, #tpu.memory_space<semaphore_mem>>
      %dma_start3A_238 = arith.constant 0 : i32
      %dma_start3A_239 = tpu.memref_slice %arg7[%arg0, %add3A_99, %dma_start3A_238] : memref<2x10240x128xf32, #tpu.memory_space<hbm>> -> memref<1x128x128xf32, #tpu.memory_space<hbm>>
      %dma_start3A_240 = tpu.memref_squeeze %dma_start3A_239 : memref<1x128x128xf32, #tpu.memory_space<hbm>> -> memref<128x128xf32, #tpu.memory_space<hbm>>
      %dma_start3A_241 = arith.constant 0 : i32
      %dma_start3A_242 = tpu.memref_slice %arg7[%arg0, %add3A_99, %dma_start3A_241] : memref<2x10240x128xf32, #tpu.memory_space<hbm>> -> memref<1x128x128xf32, #tpu.memory_space<hbm>>
      %dma_start3A_243 = tpu.memref_squeeze %dma_start3A_242 : memref<1x128x128xf32, #tpu.memory_space<hbm>> -> memref<128x128xf32, #tpu.memory_space<hbm>>
      tpu.enqueue_dma source(%arg11 : memref<128x128xf32, #tpu.memory_space<vmem>>) target(%dma_start3A_243 : memref<128x128xf32, #tpu.memory_space<hbm>>) target_semaphore(%run_scoped3A : memref<!tpu.dma_semaphore, #tpu.memory_space<semaphore_mem>>)
      %dma_wait3A_244 = arith.constant 0 : i32
      %dma_wait3A_245 = tpu.memref_slice %arg7[%arg0, %add3A_99, %dma_wait3A_244] : memref<2x10240x128xf32, #tpu.memory_space<hbm>> -> memref<1x128x128xf32, #tpu.memory_space<hbm>>
      %dma_wait3A_246 = tpu.memref_squeeze %dma_wait3A_245 : memref<1x128x128xf32, #tpu.memory_space<hbm>> -> memref<128x128xf32, #tpu.memory_space<hbm>>
      %dma_wait3A_247 = arith.constant 0 : i32
      %dma_wait3A_248 = tpu.memref_slice %arg7[%arg0, %add3A_99, %dma_wait3A_247] : memref<2x10240x128xf32, #tpu.memory_space<hbm>> -> memref<1x128x128xf32, #tpu.memory_space<hbm>>
      %dma_wait3A_249 = tpu.memref_squeeze %dma_wait3A_248 : memref<1x128x128xf32, #tpu.memory_space<hbm>> -> memref<128x128xf32, #tpu.memory_space<hbm>>
      tpu.wait_dma2 semaphore(%run_scoped3A : memref<!tpu.dma_semaphore, #tpu.memory_space<semaphore_mem>>) src(%arg11 : memref<128x128xf32, #tpu.memory_space<vmem>>) dst(%dma_wait3A_249 : memref<128x128xf32, #tpu.memory_space<hbm>>)
      tpu.yield
    }) : () -> ()
    %dma_wait3A_100 = arith.constant 0 : i32
    %dma_wait3A_101 = tpu.memref_slice %arg15[%mul3A_0, %dma_wait3A_100] : memref<10240x128xf32, #tpu.memory_space<vmem_shared>> -> memref<128x128xf32, #tpu.memory_space<vmem_shared>>
    %dma_wait3A_102 = arith.constant 0 : i32
    %dma_wait3A_103 = tpu.memref_slice %arg15[%mul3A_0, %dma_wait3A_102] : memref<10240x128xf32, #tpu.memory_space<vmem_shared>> -> memref<128x128xf32, #tpu.memory_space<vmem_shared>>
    tpu.wait_dma2 semaphore(%arg13 : memref<!tpu.dma_semaphore, #tpu.memory_space<semaphore_mem>>) src(%dma_wait3A_103 : memref<128x128xf32, #tpu.memory_space<vmem_shared>>) dst(%arg12 : memref<128x128xf32, #tpu.memory_space<vmem>>)
    %add3A_104 = arith.constant 512 : i32
    %add3A_105 = arith.addi %mul3A_0, %add3A_104 : i32
    %dma_start3A_106 = arith.constant 0 : i32
    %dma_start3A_107 = tpu.memref_slice %arg15[%add3A_105, %dma_start3A_106] : memref<10240x128xf32, #tpu.memory_space<vmem_shared>> -> memref<128x128xf32, #tpu.memory_space<vmem_shared>>
    %dma_start3A_108 = arith.constant 0 : i32
    %dma_start3A_109 = tpu.memref_slice %arg15[%add3A_105, %dma_start3A_108] : memref<10240x128xf32, #tpu.memory_space<vmem_shared>> -> memref<128x128xf32, #tpu.memory_space<vmem_shared>>
    tpu.enqueue_dma source(%dma_start3A_109 : memref<128x128xf32, #tpu.memory_space<vmem_shared>>) target(%arg11 : memref<128x128xf32, #tpu.memory_space<vmem>>) target_semaphore(%arg13 : memref<!tpu.dma_semaphore, #tpu.memory_space<semaphore_mem>>)
    %add3A_110 = arith.constant 384 : i32
    %add3A_111 = arith.addi %mul3A_0, %add3A_110 : i32
    "tpu.region"() ({
      %run_scoped3A = tpu.sem_alloc : memref<!tpu.dma_semaphore, #tpu.memory_space<semaphore_mem>>
      %dma_start3A_238 = arith.constant 0 : i32
      %dma_start3A_239 = tpu.memref_slice %arg7[%arg0, %add3A_111, %dma_start3A_238] : memref<2x10240x128xf32, #tpu.memory_space<hbm>> -> memref<1x128x128xf32, #tpu.memory_space<hbm>>
      %dma_start3A_240 = tpu.memref_squeeze %dma_start3A_239 : memref<1x128x128xf32, #tpu.memory_space<hbm>> -> memref<128x128xf32, #tpu.memory_space<hbm>>
      %dma_start3A_241 = arith.constant 0 : i32
      %dma_start3A_242 = tpu.memref_slice %arg7[%arg0, %add3A_111, %dma_start3A_241] : memref<2x10240x128xf32, #tpu.memory_space<hbm>> -> memref<1x128x128xf32, #tpu.memory_space<hbm>>
      %dma_start3A_243 = tpu.memref_squeeze %dma_start3A_242 : memref<1x128x128xf32, #tpu.memory_space<hbm>> -> memref<128x128xf32, #tpu.memory_space<hbm>>
      tpu.enqueue_dma source(%arg12 : memref<128x128xf32, #tpu.memory_space<vmem>>) target(%dma_start3A_243 : memref<128x128xf32, #tpu.memory_space<hbm>>) target_semaphore(%run_scoped3A : memref<!tpu.dma_semaphore, #tpu.memory_space<semaphore_mem>>)
      %dma_wait3A_244 = arith.constant 0 : i32
      %dma_wait3A_245 = tpu.memref_slice %arg7[%arg0, %add3A_111, %dma_wait3A_244] : memref<2x10240x128xf32, #tpu.memory_space<hbm>> -> memref<1x128x128xf32, #tpu.memory_space<hbm>>
      %dma_wait3A_246 = tpu.memref_squeeze %dma_wait3A_245 : memref<1x128x128xf32, #tpu.memory_space<hbm>> -> memref<128x128xf32, #tpu.memory_space<hbm>>
      %dma_wait3A_247 = arith.constant 0 : i32
      %dma_wait3A_248 = tpu.memref_slice %arg7[%arg0, %add3A_111, %dma_wait3A_247] : memref<2x10240x128xf32, #tpu.memory_space<hbm>> -> memref<1x128x128xf32, #tpu.memory_space<hbm>>
      %dma_wait3A_249 = tpu.memref_squeeze %dma_wait3A_248 : memref<1x128x128xf32, #tpu.memory_space<hbm>> -> memref<128x128xf32, #tpu.memory_space<hbm>>
      tpu.wait_dma2 semaphore(%run_scoped3A : memref<!tpu.dma_semaphore, #tpu.memory_space<semaphore_mem>>) src(%arg12 : memref<128x128xf32, #tpu.memory_space<vmem>>) dst(%dma_wait3A_249 : memref<128x128xf32, #tpu.memory_space<hbm>>)
      tpu.yield
    }) : () -> ()
    %dma_wait3A_112 = arith.constant 0 : i32
    %dma_wait3A_113 = tpu.memref_slice %arg15[%mul3A_0, %dma_wait3A_112] : memref<10240x128xf32, #tpu.memory_space<vmem_shared>> -> memref<128x128xf32, #tpu.memory_space<vmem_shared>>
    %dma_wait3A_114 = arith.constant 0 : i32
    %dma_wait3A_115 = tpu.memref_slice %arg15[%mul3A_0, %dma_wait3A_114] : memref<10240x128xf32, #tpu.memory_space<vmem_shared>> -> memref<128x128xf32, #tpu.memory_space<vmem_shared>>
    tpu.wait_dma2 semaphore(%arg13 : memref<!tpu.dma_semaphore, #tpu.memory_space<semaphore_mem>>) src(%dma_wait3A_115 : memref<128x128xf32, #tpu.memory_space<vmem_shared>>) dst(%arg11 : memref<128x128xf32, #tpu.memory_space<vmem>>)
    %add3A_116 = arith.constant 512 : i32
    %add3A_117 = arith.addi %mul3A_0, %add3A_116 : i32
    "tpu.region"() ({
      %run_scoped3A = tpu.sem_alloc : memref<!tpu.dma_semaphore, #tpu.memory_space<semaphore_mem>>
      %dma_start3A_238 = arith.constant 0 : i32
      %dma_start3A_239 = tpu.memref_slice %arg7[%arg0, %add3A_117, %dma_start3A_238] : memref<2x10240x128xf32, #tpu.memory_space<hbm>> -> memref<1x128x128xf32, #tpu.memory_space<hbm>>
      %dma_start3A_240 = tpu.memref_squeeze %dma_start3A_239 : memref<1x128x128xf32, #tpu.memory_space<hbm>> -> memref<128x128xf32, #tpu.memory_space<hbm>>
      %dma_start3A_241 = arith.constant 0 : i32
      %dma_start3A_242 = tpu.memref_slice %arg7[%arg0, %add3A_117, %dma_start3A_241] : memref<2x10240x128xf32, #tpu.memory_space<hbm>> -> memref<1x128x128xf32, #tpu.memory_space<hbm>>
      %dma_start3A_243 = tpu.memref_squeeze %dma_start3A_242 : memref<1x128x128xf32, #tpu.memory_space<hbm>> -> memref<128x128xf32, #tpu.memory_space<hbm>>
      tpu.enqueue_dma source(%arg11 : memref<128x128xf32, #tpu.memory_space<vmem>>) target(%dma_start3A_243 : memref<128x128xf32, #tpu.memory_space<hbm>>) target_semaphore(%run_scoped3A : memref<!tpu.dma_semaphore, #tpu.memory_space<semaphore_mem>>)
      %dma_wait3A_244 = arith.constant 0 : i32
      %dma_wait3A_245 = tpu.memref_slice %arg7[%arg0, %add3A_117, %dma_wait3A_244] : memref<2x10240x128xf32, #tpu.memory_space<hbm>> -> memref<1x128x128xf32, #tpu.memory_space<hbm>>
      %dma_wait3A_246 = tpu.memref_squeeze %dma_wait3A_245 : memref<1x128x128xf32, #tpu.memory_space<hbm>> -> memref<128x128xf32, #tpu.memory_space<hbm>>
      %dma_wait3A_247 = arith.constant 0 : i32
      %dma_wait3A_248 = tpu.memref_slice %arg7[%arg0, %add3A_117, %dma_wait3A_247] : memref<2x10240x128xf32, #tpu.memory_space<hbm>> -> memref<1x128x128xf32, #tpu.memory_space<hbm>>
      %dma_wait3A_249 = tpu.memref_squeeze %dma_wait3A_248 : memref<1x128x128xf32, #tpu.memory_space<hbm>> -> memref<128x128xf32, #tpu.memory_space<hbm>>
      tpu.wait_dma2 semaphore(%run_scoped3A : memref<!tpu.dma_semaphore, #tpu.memory_space<semaphore_mem>>) src(%arg11 : memref<128x128xf32, #tpu.memory_space<vmem>>) dst(%dma_wait3A_249 : memref<128x128xf32, #tpu.memory_space<hbm>>)
      tpu.yield
    }) : () -> ()
    "tpu.region"() ({
      %run_scoped3A = tpu.sem_alloc : memref<!tpu.dma_semaphore, #tpu.memory_space<semaphore_mem>>
      tpu.enqueue_dma source(%arg5 : memref<128x128xf32, #tpu.memory_space<hbm>>) target(%arg11 : memref<128x128xf32, #tpu.memory_space<vmem>>) target_semaphore(%run_scoped3A : memref<!tpu.dma_semaphore, #tpu.memory_space<semaphore_mem>>)
      tpu.wait_dma2 semaphore(%run_scoped3A : memref<!tpu.dma_semaphore, #tpu.memory_space<semaphore_mem>>) src(%arg5 : memref<128x128xf32, #tpu.memory_space<hbm>>) dst(%arg11 : memref<128x128xf32, #tpu.memory_space<vmem>>)
      tpu.yield
    }) : () -> ()
    %add3A_118 = arith.constant 0 : i32
    %add3A_119 = arith.addi %mul3A_0, %add3A_118 : i32
    %dma_start3A_120 = arith.constant 0 : i32
    %dma_start3A_121 = tpu.memref_slice %arg15[%add3A_119, %dma_start3A_120] : memref<10240x128xf32, #tpu.memory_space<vmem_shared>> -> memref<128x128xf32, #tpu.memory_space<vmem_shared>>
    %dma_start3A_122 = arith.constant 0 : i32
    %dma_start3A_123 = tpu.memref_slice %arg15[%add3A_119, %dma_start3A_122] : memref<10240x128xf32, #tpu.memory_space<vmem_shared>> -> memref<128x128xf32, #tpu.memory_space<vmem_shared>>
    tpu.enqueue_dma source(%arg11 : memref<128x128xf32, #tpu.memory_space<vmem>>) target(%dma_start3A_123 : memref<128x128xf32, #tpu.memory_space<vmem_shared>>) target_semaphore(%arg14 : memref<!tpu.dma_semaphore, #tpu.memory_space<semaphore_mem>>)
    %add3A_124 = arith.constant 128 : i32
    %add3A_125 = arith.addi %mul3A_0, %add3A_124 : i32
    %dma_start3A_126 = arith.constant 0 : i32
    %dma_start3A_127 = tpu.memref_slice %arg15[%add3A_125, %dma_start3A_126] : memref<10240x128xf32, #tpu.memory_space<vmem_shared>> -> memref<128x128xf32, #tpu.memory_space<vmem_shared>>
    %dma_start3A_128 = arith.constant 0 : i32
    %dma_start3A_129 = tpu.memref_slice %arg15[%add3A_125, %dma_start3A_128] : memref<10240x128xf32, #tpu.memory_space<vmem_shared>> -> memref<128x128xf32, #tpu.memory_space<vmem_shared>>
    tpu.enqueue_dma source(%arg11 : memref<128x128xf32, #tpu.memory_space<vmem>>) target(%dma_start3A_129 : memref<128x128xf32, #tpu.memory_space<vmem_shared>>) target_semaphore(%arg14 : memref<!tpu.dma_semaphore, #tpu.memory_space<semaphore_mem>>)
    %add3A_130 = arith.constant 256 : i32
    %add3A_131 = arith.addi %mul3A_0, %add3A_130 : i32
    %dma_start3A_132 = arith.constant 0 : i32
    %dma_start3A_133 = tpu.memref_slice %arg15[%add3A_131, %dma_start3A_132] : memref<10240x128xf32, #tpu.memory_space<vmem_shared>> -> memref<128x128xf32, #tpu.memory_space<vmem_shared>>
    %dma_start3A_134 = arith.constant 0 : i32
    %dma_start3A_135 = tpu.memref_slice %arg15[%add3A_131, %dma_start3A_134] : memref<10240x128xf32, #tpu.memory_space<vmem_shared>> -> memref<128x128xf32, #tpu.memory_space<vmem_shared>>
    tpu.enqueue_dma source(%arg11 : memref<128x128xf32, #tpu.memory_space<vmem>>) target(%dma_start3A_135 : memref<128x128xf32, #tpu.memory_space<vmem_shared>>) target_semaphore(%arg14 : memref<!tpu.dma_semaphore, #tpu.memory_space<semaphore_mem>>)
    %add3A_136 = arith.constant 384 : i32
    %add3A_137 = arith.addi %mul3A_0, %add3A_136 : i32
    %dma_start3A_138 = arith.constant 0 : i32
    %dma_start3A_139 = tpu.memref_slice %arg15[%add3A_137, %dma_start3A_138] : memref<10240x128xf32, #tpu.memory_space<vmem_shared>> -> memref<128x128xf32, #tpu.memory_space<vmem_shared>>
    %dma_start3A_140 = arith.constant 0 : i32
    %dma_start3A_141 = tpu.memref_slice %arg15[%add3A_137, %dma_start3A_140] : memref<10240x128xf32, #tpu.memory_space<vmem_shared>> -> memref<128x128xf32, #tpu.memory_space<vmem_shared>>
    tpu.enqueue_dma source(%arg11 : memref<128x128xf32, #tpu.memory_space<vmem>>) target(%dma_start3A_141 : memref<128x128xf32, #tpu.memory_space<vmem_shared>>) target_semaphore(%arg14 : memref<!tpu.dma_semaphore, #tpu.memory_space<semaphore_mem>>)
    %add3A_142 = arith.constant 512 : i32
    %add3A_143 = arith.addi %mul3A_0, %add3A_142 : i32
    %dma_start3A_144 = arith.constant 0 : i32
    %dma_start3A_145 = tpu.memref_slice %arg15[%add3A_143, %dma_start3A_144] : memref<10240x128xf32, #tpu.memory_space<vmem_shared>> -> memref<128x128xf32, #tpu.memory_space<vmem_shared>>
    %dma_start3A_146 = arith.constant 0 : i32
    %dma_start3A_147 = tpu.memref_slice %arg15[%add3A_143, %dma_start3A_146] : memref<10240x128xf32, #tpu.memory_space<vmem_shared>> -> memref<128x128xf32, #tpu.memory_space<vmem_shared>>
    tpu.enqueue_dma source(%arg11 : memref<128x128xf32, #tpu.memory_space<vmem>>) target(%dma_start3A_147 : memref<128x128xf32, #tpu.memory_space<vmem_shared>>) target_semaphore(%arg14 : memref<!tpu.dma_semaphore, #tpu.memory_space<semaphore_mem>>)
    %dma_wait3A_148 = arith.constant 0 : i32
    %dma_wait3A_149 = tpu.memref_slice %arg15[%mul3A_0, %dma_wait3A_148] : memref<10240x128xf32, #tpu.memory_space<vmem_shared>> -> memref<128x128xf32, #tpu.memory_space<vmem_shared>>
    %dma_wait3A_150 = arith.constant 0 : i32
    %dma_wait3A_151 = tpu.memref_slice %arg15[%mul3A_0, %dma_wait3A_150] : memref<10240x128xf32, #tpu.memory_space<vmem_shared>> -> memref<128x128xf32, #tpu.memory_space<vmem_shared>>
    tpu.wait_dma2 semaphore(%arg14 : memref<!tpu.dma_semaphore, #tpu.memory_space<semaphore_mem>>) src(%arg11 : memref<128x128xf32, #tpu.memory_space<vmem>>) dst(%dma_wait3A_151 : memref<128x128xf32, #tpu.memory_space<vmem_shared>>)
    %dma_wait3A_152 = arith.constant 0 : i32
    %dma_wait3A_153 = tpu.memref_slice %arg15[%mul3A_0, %dma_wait3A_152] : memref<10240x128xf32, #tpu.memory_space<vmem_shared>> -> memref<128x128xf32, #tpu.memory_space<vmem_shared>>
    %dma_wait3A_154 = arith.constant 0 : i32
    %dma_wait3A_155 = tpu.memref_slice %arg15[%mul3A_0, %dma_wait3A_154] : memref<10240x128xf32, #tpu.memory_space<vmem_shared>> -> memref<128x128xf32, #tpu.memory_space<vmem_shared>>
    tpu.wait_dma2 semaphore(%arg14 : memref<!tpu.dma_semaphore, #tpu.memory_space<semaphore_mem>>) src(%arg11 : memref<128x128xf32, #tpu.memory_space<vmem>>) dst(%dma_wait3A_155 : memref<128x128xf32, #tpu.memory_space<vmem_shared>>)
    %dma_wait3A_156 = arith.constant 0 : i32
    %dma_wait3A_157 = tpu.memref_slice %arg15[%mul3A_0, %dma_wait3A_156] : memref<10240x128xf32, #tpu.memory_space<vmem_shared>> -> memref<128x128xf32, #tpu.memory_space<vmem_shared>>
    %dma_wait3A_158 = arith.constant 0 : i32
    %dma_wait3A_159 = tpu.memref_slice %arg15[%mul3A_0, %dma_wait3A_158] : memref<10240x128xf32, #tpu.memory_space<vmem_shared>> -> memref<128x128xf32, #tpu.memory_space<vmem_shared>>
    tpu.wait_dma2 semaphore(%arg14 : memref<!tpu.dma_semaphore, #tpu.memory_space<semaphore_mem>>) src(%arg11 : memref<128x128xf32, #tpu.memory_space<vmem>>) dst(%dma_wait3A_159 : memref<128x128xf32, #tpu.memory_space<vmem_shared>>)
    %dma_wait3A_160 = arith.constant 0 : i32
    %dma_wait3A_161 = tpu.memref_slice %arg15[%mul3A_0, %dma_wait3A_160] : memref<10240x128xf32, #tpu.memory_space<vmem_shared>> -> memref<128x128xf32, #tpu.memory_space<vmem_shared>>
    %dma_wait3A_162 = arith.constant 0 : i32
    %dma_wait3A_163 = tpu.memref_slice %arg15[%mul3A_0, %dma_wait3A_162] : memref<10240x128xf32, #tpu.memory_space<vmem_shared>> -> memref<128x128xf32, #tpu.memory_space<vmem_shared>>
    tpu.wait_dma2 semaphore(%arg14 : memref<!tpu.dma_semaphore, #tpu.memory_space<semaphore_mem>>) src(%arg11 : memref<128x128xf32, #tpu.memory_space<vmem>>) dst(%dma_wait3A_163 : memref<128x128xf32, #tpu.memory_space<vmem_shared>>)
    %dma_wait3A_164 = arith.constant 0 : i32
    %dma_wait3A_165 = tpu.memref_slice %arg15[%mul3A_0, %dma_wait3A_164] : memref<10240x128xf32, #tpu.memory_space<vmem_shared>> -> memref<128x128xf32, #tpu.memory_space<vmem_shared>>
    %dma_wait3A_166 = arith.constant 0 : i32
    %dma_wait3A_167 = tpu.memref_slice %arg15[%mul3A_0, %dma_wait3A_166] : memref<10240x128xf32, #tpu.memory_space<vmem_shared>> -> memref<128x128xf32, #tpu.memory_space<vmem_shared>>
    tpu.wait_dma2 semaphore(%arg14 : memref<!tpu.dma_semaphore, #tpu.memory_space<semaphore_mem>>) src(%arg11 : memref<128x128xf32, #tpu.memory_space<vmem>>) dst(%dma_wait3A_167 : memref<128x128xf32, #tpu.memory_space<vmem_shared>>)
    %barrier3A_168 = arith.constant 0 : index
    tpu.barrier barrier_id(%barrier3A_168)
    "tpu.region"() ({
      %run_scoped3A = tpu.sem_alloc : memref<!tpu.dma_semaphore, #tpu.memory_space<semaphore_mem>>
      tpu.enqueue_dma source(%arg6 : memref<128x128xf32, #tpu.memory_space<hbm>>) target(%arg11 : memref<128x128xf32, #tpu.memory_space<vmem>>) target_semaphore(%run_scoped3A : memref<!tpu.dma_semaphore, #tpu.memory_space<semaphore_mem>>)
      tpu.wait_dma2 semaphore(%run_scoped3A : memref<!tpu.dma_semaphore, #tpu.memory_space<semaphore_mem>>) src(%arg6 : memref<128x128xf32, #tpu.memory_space<hbm>>) dst(%arg11 : memref<128x128xf32, #tpu.memory_space<vmem>>)
      tpu.yield
    }) : () -> ()
    %while3A_169 = arith.constant 0 : i32
    %while3A_170 = arith.constant 0 : i32
    %while3A_171 = arith.subi %select_n3A, %while3A_170 : i32
    %while3A_172 = arith.addi %while3A_170, %while3A_171 : i32
    %while3A_173 = arith.constant 1 : i32
    %while3A_174 = arith.divsi %while3A_171, %while3A_173 : i32
    %while3A_175 = arith.muli %while3A_174, %while3A_173 : i32
    %while3A_176 = arith.addi %while3A_170, %while3A_175 : i32
    %while3A_177 = arith.constant 1 : i32
    scf.for %while3A_238 = %while3A_170 to %while3A_176 step %while3A_177  : i32 {
      %mul3A_239 = arith.constant 16 : i32
      %mul3A_240 = arith.muli %while3A_238, %mul3A_239 : i32
      "tpu.region"() ({
        %run_scoped3A = tpu.sem_alloc : memref<!tpu.dma_semaphore, #tpu.memory_space<semaphore_mem>>
        %dma_start3A_465 = arith.constant 0 : i32
        %dma_start3A_466 = tpu.memref_slice %arg3[%arg0, %arg1, %mul3A_240, %dma_start3A_465] : memref<2x16x224x128xi32, #tpu.memory_space<hbm>> -> memref<1x1x16x128xi32, #tpu.memory_space<hbm>>
        %dma_start3A_467 = tpu.memref_squeeze %dma_start3A_466 : memref<1x1x16x128xi32, #tpu.memory_space<hbm>> -> memref<16x128xi32, #tpu.memory_space<hbm>>
        %dma_start3A_468 = arith.constant 0 : i32
        %dma_start3A_469 = tpu.memref_slice %arg3[%arg0, %arg1, %mul3A_240, %dma_start3A_468] : memref<2x16x224x128xi32, #tpu.memory_space<hbm>> -> memref<1x1x16x128xi32, #tpu.memory_space<hbm>>
        %dma_start3A_470 = tpu.memref_squeeze %dma_start3A_469 : memref<1x1x16x128xi32, #tpu.memory_space<hbm>> -> memref<16x128xi32, #tpu.memory_space<hbm>>
        tpu.enqueue_dma source(%dma_start3A_470 : memref<16x128xi32, #tpu.memory_space<hbm>>) target(%arg9 : memref<16x128xi32, #tpu.memory_space<vmem>>) target_semaphore(%run_scoped3A : memref<!tpu.dma_semaphore, #tpu.memory_space<semaphore_mem>>)
        %dma_wait3A_471 = arith.constant 0 : i32
        %dma_wait3A_472 = tpu.memref_slice %arg3[%arg0, %arg1, %mul3A_240, %dma_wait3A_471] : memref<2x16x224x128xi32, #tpu.memory_space<hbm>> -> memref<1x1x16x128xi32, #tpu.memory_space<hbm>>
        %dma_wait3A_473 = tpu.memref_squeeze %dma_wait3A_472 : memref<1x1x16x128xi32, #tpu.memory_space<hbm>> -> memref<16x128xi32, #tpu.memory_space<hbm>>
        %dma_wait3A_474 = arith.constant 0 : i32
        %dma_wait3A_475 = tpu.memref_slice %arg3[%arg0, %arg1, %mul3A_240, %dma_wait3A_474] : memref<2x16x224x128xi32, #tpu.memory_space<hbm>> -> memref<1x1x16x128xi32, #tpu.memory_space<hbm>>
        %dma_wait3A_476 = tpu.memref_squeeze %dma_wait3A_475 : memref<1x1x16x128xi32, #tpu.memory_space<hbm>> -> memref<16x128xi32, #tpu.memory_space<hbm>>
        tpu.wait_dma2 semaphore(%run_scoped3A : memref<!tpu.dma_semaphore, #tpu.memory_space<semaphore_mem>>) src(%dma_wait3A_476 : memref<16x128xi32, #tpu.memory_space<hbm>>) dst(%arg9 : memref<16x128xi32, #tpu.memory_space<vmem>>)
        tpu.yield
      }) : () -> ()
      %dma_start3A_241 = arith.constant 0 : i32
      %dma_start3A_242 = arith.constant 0 : i32
      %dma_start3A_243 = tpu.memref_slice %arg9[%dma_start3A_241, %dma_start3A_242] : memref<16x128xi32, #tpu.memory_space<vmem>> -> memref<1x128xi32, #tpu.memory_space<vmem>>
      %dma_start3A_244 = tpu.memref_squeeze %dma_start3A_243 : memref<1x128xi32, #tpu.memory_space<vmem>> -> memref<128xi32, #tpu.memory_space<vmem>>
      %dma_start3A_245 = arith.constant 0 : i32
      %dma_start3A_246 = arith.constant 0 : i32
      %dma_start3A_247 = tpu.memref_slice %arg15[%dma_start3A_245, %dma_start3A_246] : memref<10240x128xf32, #tpu.memory_space<vmem_shared>> -> memref<10240x128xf32, #tpu.memory_space<vmem_shared>>
      tpu.enqueue_indirect_dma source(%arg11 : memref<128x128xf32, #tpu.memory_space<vmem>>) target(%dma_start3A_247 : memref<10240x128xf32, #tpu.memory_space<vmem_shared>>) offsets(%dma_start3A_244 : memref<128xi32, #tpu.memory_space<vmem>>) semaphore(%arg14 : memref<!tpu.dma_semaphore, #tpu.memory_space<semaphore_mem>>) {add = true}
      %dma_start3A_248 = arith.constant 1 : i32
      %dma_start3A_249 = arith.constant 0 : i32
      %dma_start3A_250 = tpu.memref_slice %arg9[%dma_start3A_248, %dma_start3A_249] : memref<16x128xi32, #tpu.memory_space<vmem>> -> memref<1x128xi32, #tpu.memory_space<vmem>>
      %dma_start3A_251 = tpu.memref_squeeze %dma_start3A_250 : memref<1x128xi32, #tpu.memory_space<vmem>> -> memref<128xi32, #tpu.memory_space<vmem>>
      %dma_start3A_252 = arith.constant 0 : i32
      %dma_start3A_253 = arith.constant 0 : i32
      %dma_start3A_254 = tpu.memref_slice %arg15[%dma_start3A_252, %dma_start3A_253] : memref<10240x128xf32, #tpu.memory_space<vmem_shared>> -> memref<10240x128xf32, #tpu.memory_space<vmem_shared>>
      tpu.enqueue_indirect_dma source(%arg11 : memref<128x128xf32, #tpu.memory_space<vmem>>) target(%dma_start3A_254 : memref<10240x128xf32, #tpu.memory_space<vmem_shared>>) offsets(%dma_start3A_251 : memref<128xi32, #tpu.memory_space<vmem>>) semaphore(%arg14 : memref<!tpu.dma_semaphore, #tpu.memory_space<semaphore_mem>>) {add = true}
      %dma_start3A_255 = arith.constant 2 : i32
      %dma_start3A_256 = arith.constant 0 : i32
      %dma_start3A_257 = tpu.memref_slice %arg9[%dma_start3A_255, %dma_start3A_256] : memref<16x128xi32, #tpu.memory_space<vmem>> -> memref<1x128xi32, #tpu.memory_space<vmem>>
      %dma_start3A_258 = tpu.memref_squeeze %dma_start3A_257 : memref<1x128xi32, #tpu.memory_space<vmem>> -> memref<128xi32, #tpu.memory_space<vmem>>
      %dma_start3A_259 = arith.constant 0 : i32
      %dma_start3A_260 = arith.constant 0 : i32
      %dma_start3A_261 = tpu.memref_slice %arg15[%dma_start3A_259, %dma_start3A_260] : memref<10240x128xf32, #tpu.memory_space<vmem_shared>> -> memref<10240x128xf32, #tpu.memory_space<vmem_shared>>
      tpu.enqueue_indirect_dma source(%arg11 : memref<128x128xf32, #tpu.memory_space<vmem>>) target(%dma_start3A_261 : memref<10240x128xf32, #tpu.memory_space<vmem_shared>>) offsets(%dma_start3A_258 : memref<128xi32, #tpu.memory_space<vmem>>) semaphore(%arg14 : memref<!tpu.dma_semaphore, #tpu.memory_space<semaphore_mem>>) {add = true}
      %dma_start3A_262 = arith.constant 3 : i32
      %dma_start3A_263 = arith.constant 0 : i32
      %dma_start3A_264 = tpu.memref_slice %arg9[%dma_start3A_262, %dma_start3A_263] : memref<16x128xi32, #tpu.memory_space<vmem>> -> memref<1x128xi32, #tpu.memory_space<vmem>>
      %dma_start3A_265 = tpu.memref_squeeze %dma_start3A_264 : memref<1x128xi32, #tpu.memory_space<vmem>> -> memref<128xi32, #tpu.memory_space<vmem>>
      %dma_start3A_266 = arith.constant 0 : i32
      %dma_start3A_267 = arith.constant 0 : i32
      %dma_start3A_268 = tpu.memref_slice %arg15[%dma_start3A_266, %dma_start3A_267] : memref<10240x128xf32, #tpu.memory_space<vmem_shared>> -> memref<10240x128xf32, #tpu.memory_space<vmem_shared>>
      tpu.enqueue_indirect_dma source(%arg11 : memref<128x128xf32, #tpu.memory_space<vmem>>) target(%dma_start3A_268 : memref<10240x128xf32, #tpu.memory_space<vmem_shared>>) offsets(%dma_start3A_265 : memref<128xi32, #tpu.memory_space<vmem>>) semaphore(%arg14 : memref<!tpu.dma_semaphore, #tpu.memory_space<semaphore_mem>>) {add = true}
      %dma_start3A_269 = arith.constant 4 : i32
      %dma_start3A_270 = arith.constant 0 : i32
      %dma_start3A_271 = tpu.memref_slice %arg9[%dma_start3A_269, %dma_start3A_270] : memref<16x128xi32, #tpu.memory_space<vmem>> -> memref<1x128xi32, #tpu.memory_space<vmem>>
      %dma_start3A_272 = tpu.memref_squeeze %dma_start3A_271 : memref<1x128xi32, #tpu.memory_space<vmem>> -> memref<128xi32, #tpu.memory_space<vmem>>
      %dma_start3A_273 = arith.constant 0 : i32
      %dma_start3A_274 = arith.constant 0 : i32
      %dma_start3A_275 = tpu.memref_slice %arg15[%dma_start3A_273, %dma_start3A_274] : memref<10240x128xf32, #tpu.memory_space<vmem_shared>> -> memref<10240x128xf32, #tpu.memory_space<vmem_shared>>
      tpu.enqueue_indirect_dma source(%arg11 : memref<128x128xf32, #tpu.memory_space<vmem>>) target(%dma_start3A_275 : memref<10240x128xf32, #tpu.memory_space<vmem_shared>>) offsets(%dma_start3A_272 : memref<128xi32, #tpu.memory_space<vmem>>) semaphore(%arg14 : memref<!tpu.dma_semaphore, #tpu.memory_space<semaphore_mem>>) {add = true}
      %dma_start3A_276 = arith.constant 5 : i32
      %dma_start3A_277 = arith.constant 0 : i32
      %dma_start3A_278 = tpu.memref_slice %arg9[%dma_start3A_276, %dma_start3A_277] : memref<16x128xi32, #tpu.memory_space<vmem>> -> memref<1x128xi32, #tpu.memory_space<vmem>>
      %dma_start3A_279 = tpu.memref_squeeze %dma_start3A_278 : memref<1x128xi32, #tpu.memory_space<vmem>> -> memref<128xi32, #tpu.memory_space<vmem>>
      %dma_start3A_280 = arith.constant 0 : i32
      %dma_start3A_281 = arith.constant 0 : i32
      %dma_start3A_282 = tpu.memref_slice %arg15[%dma_start3A_280, %dma_start3A_281] : memref<10240x128xf32, #tpu.memory_space<vmem_shared>> -> memref<10240x128xf32, #tpu.memory_space<vmem_shared>>
      tpu.enqueue_indirect_dma source(%arg11 : memref<128x128xf32, #tpu.memory_space<vmem>>) target(%dma_start3A_282 : memref<10240x128xf32, #tpu.memory_space<vmem_shared>>) offsets(%dma_start3A_279 : memref<128xi32, #tpu.memory_space<vmem>>) semaphore(%arg14 : memref<!tpu.dma_semaphore, #tpu.memory_space<semaphore_mem>>) {add = true}
      %dma_start3A_283 = arith.constant 6 : i32
      %dma_start3A_284 = arith.constant 0 : i32
      %dma_start3A_285 = tpu.memref_slice %arg9[%dma_start3A_283, %dma_start3A_284] : memref<16x128xi32, #tpu.memory_space<vmem>> -> memref<1x128xi32, #tpu.memory_space<vmem>>
      %dma_start3A_286 = tpu.memref_squeeze %dma_start3A_285 : memref<1x128xi32, #tpu.memory_space<vmem>> -> memref<128xi32, #tpu.memory_space<vmem>>
      %dma_start3A_287 = arith.constant 0 : i32
      %dma_start3A_288 = arith.constant 0 : i32
      %dma_start3A_289 = tpu.memref_slice %arg15[%dma_start3A_287, %dma_start3A_288] : memref<10240x128xf32, #tpu.memory_space<vmem_shared>> -> memref<10240x128xf32, #tpu.memory_space<vmem_shared>>
      tpu.enqueue_indirect_dma source(%arg11 : memref<128x128xf32, #tpu.memory_space<vmem>>) target(%dma_start3A_289 : memref<10240x128xf32, #tpu.memory_space<vmem_shared>>) offsets(%dma_start3A_286 : memref<128xi32, #tpu.memory_space<vmem>>) semaphore(%arg14 : memref<!tpu.dma_semaphore, #tpu.memory_space<semaphore_mem>>) {add = true}
      %dma_start3A_290 = arith.constant 7 : i32
      %dma_start3A_291 = arith.constant 0 : i32
      %dma_start3A_292 = tpu.memref_slice %arg9[%dma_start3A_290, %dma_start3A_291] : memref<16x128xi32, #tpu.memory_space<vmem>> -> memref<1x128xi32, #tpu.memory_space<vmem>>
      %dma_start3A_293 = tpu.memref_squeeze %dma_start3A_292 : memref<1x128xi32, #tpu.memory_space<vmem>> -> memref<128xi32, #tpu.memory_space<vmem>>
      %dma_start3A_294 = arith.constant 0 : i32
      %dma_start3A_295 = arith.constant 0 : i32
      %dma_start3A_296 = tpu.memref_slice %arg15[%dma_start3A_294, %dma_start3A_295] : memref<10240x128xf32, #tpu.memory_space<vmem_shared>> -> memref<10240x128xf32, #tpu.memory_space<vmem_shared>>
      tpu.enqueue_indirect_dma source(%arg11 : memref<128x128xf32, #tpu.memory_space<vmem>>) target(%dma_start3A_296 : memref<10240x128xf32, #tpu.memory_space<vmem_shared>>) offsets(%dma_start3A_293 : memref<128xi32, #tpu.memory_space<vmem>>) semaphore(%arg14 : memref<!tpu.dma_semaphore, #tpu.memory_space<semaphore_mem>>) {add = true}
      %dma_start3A_297 = arith.constant 8 : i32
      %dma_start3A_298 = arith.constant 0 : i32
      %dma_start3A_299 = tpu.memref_slice %arg9[%dma_start3A_297, %dma_start3A_298] : memref<16x128xi32, #tpu.memory_space<vmem>> -> memref<1x128xi32, #tpu.memory_space<vmem>>
      %dma_start3A_300 = tpu.memref_squeeze %dma_start3A_299 : memref<1x128xi32, #tpu.memory_space<vmem>> -> memref<128xi32, #tpu.memory_space<vmem>>
      %dma_start3A_301 = arith.constant 0 : i32
      %dma_start3A_302 = arith.constant 0 : i32
      %dma_start3A_303 = tpu.memref_slice %arg15[%dma_start3A_301, %dma_start3A_302] : memref<10240x128xf32, #tpu.memory_space<vmem_shared>> -> memref<10240x128xf32, #tpu.memory_space<vmem_shared>>
      tpu.enqueue_indirect_dma source(%arg11 : memref<128x128xf32, #tpu.memory_space<vmem>>) target(%dma_start3A_303 : memref<10240x128xf32, #tpu.memory_space<vmem_shared>>) offsets(%dma_start3A_300 : memref<128xi32, #tpu.memory_space<vmem>>) semaphore(%arg14 : memref<!tpu.dma_semaphore, #tpu.memory_space<semaphore_mem>>) {add = true}
      %dma_start3A_304 = arith.constant 9 : i32
      %dma_start3A_305 = arith.constant 0 : i32
      %dma_start3A_306 = tpu.memref_slice %arg9[%dma_start3A_304, %dma_start3A_305] : memref<16x128xi32, #tpu.memory_space<vmem>> -> memref<1x128xi32, #tpu.memory_space<vmem>>
      %dma_start3A_307 = tpu.memref_squeeze %dma_start3A_306 : memref<1x128xi32, #tpu.memory_space<vmem>> -> memref<128xi32, #tpu.memory_space<vmem>>
      %dma_start3A_308 = arith.constant 0 : i32
      %dma_start3A_309 = arith.constant 0 : i32
      %dma_start3A_310 = tpu.memref_slice %arg15[%dma_start3A_308, %dma_start3A_309] : memref<10240x128xf32, #tpu.memory_space<vmem_shared>> -> memref<10240x128xf32, #tpu.memory_space<vmem_shared>>
      tpu.enqueue_indirect_dma source(%arg11 : memref<128x128xf32, #tpu.memory_space<vmem>>) target(%dma_start3A_310 : memref<10240x128xf32, #tpu.memory_space<vmem_shared>>) offsets(%dma_start3A_307 : memref<128xi32, #tpu.memory_space<vmem>>) semaphore(%arg14 : memref<!tpu.dma_semaphore, #tpu.memory_space<semaphore_mem>>) {add = true}
      %dma_start3A_311 = arith.constant 10 : i32
      %dma_start3A_312 = arith.constant 0 : i32
      %dma_start3A_313 = tpu.memref_slice %arg9[%dma_start3A_311, %dma_start3A_312] : memref<16x128xi32, #tpu.memory_space<vmem>> -> memref<1x128xi32, #tpu.memory_space<vmem>>
      %dma_start3A_314 = tpu.memref_squeeze %dma_start3A_313 : memref<1x128xi32, #tpu.memory_space<vmem>> -> memref<128xi32, #tpu.memory_space<vmem>>
      %dma_start3A_315 = arith.constant 0 : i32
      %dma_start3A_316 = arith.constant 0 : i32
      %dma_start3A_317 = tpu.memref_slice %arg15[%dma_start3A_315, %dma_start3A_316] : memref<10240x128xf32, #tpu.memory_space<vmem_shared>> -> memref<10240x128xf32, #tpu.memory_space<vmem_shared>>
      tpu.enqueue_indirect_dma source(%arg11 : memref<128x128xf32, #tpu.memory_space<vmem>>) target(%dma_start3A_317 : memref<10240x128xf32, #tpu.memory_space<vmem_shared>>) offsets(%dma_start3A_314 : memref<128xi32, #tpu.memory_space<vmem>>) semaphore(%arg14 : memref<!tpu.dma_semaphore, #tpu.memory_space<semaphore_mem>>) {add = true}
      %dma_start3A_318 = arith.constant 11 : i32
      %dma_start3A_319 = arith.constant 0 : i32
      %dma_start3A_320 = tpu.memref_slice %arg9[%dma_start3A_318, %dma_start3A_319] : memref<16x128xi32, #tpu.memory_space<vmem>> -> memref<1x128xi32, #tpu.memory_space<vmem>>
      %dma_start3A_321 = tpu.memref_squeeze %dma_start3A_320 : memref<1x128xi32, #tpu.memory_space<vmem>> -> memref<128xi32, #tpu.memory_space<vmem>>
      %dma_start3A_322 = arith.constant 0 : i32
      %dma_start3A_323 = arith.constant 0 : i32
      %dma_start3A_324 = tpu.memref_slice %arg15[%dma_start3A_322, %dma_start3A_323] : memref<10240x128xf32, #tpu.memory_space<vmem_shared>> -> memref<10240x128xf32, #tpu.memory_space<vmem_shared>>
      tpu.enqueue_indirect_dma source(%arg11 : memref<128x128xf32, #tpu.memory_space<vmem>>) target(%dma_start3A_324 : memref<10240x128xf32, #tpu.memory_space<vmem_shared>>) offsets(%dma_start3A_321 : memref<128xi32, #tpu.memory_space<vmem>>) semaphore(%arg14 : memref<!tpu.dma_semaphore, #tpu.memory_space<semaphore_mem>>) {add = true}
      %dma_start3A_325 = arith.constant 12 : i32
      %dma_start3A_326 = arith.constant 0 : i32
      %dma_start3A_327 = tpu.memref_slice %arg9[%dma_start3A_325, %dma_start3A_326] : memref<16x128xi32, #tpu.memory_space<vmem>> -> memref<1x128xi32, #tpu.memory_space<vmem>>
      %dma_start3A_328 = tpu.memref_squeeze %dma_start3A_327 : memref<1x128xi32, #tpu.memory_space<vmem>> -> memref<128xi32, #tpu.memory_space<vmem>>
      %dma_start3A_329 = arith.constant 0 : i32
      %dma_start3A_330 = arith.constant 0 : i32
      %dma_start3A_331 = tpu.memref_slice %arg15[%dma_start3A_329, %dma_start3A_330] : memref<10240x128xf32, #tpu.memory_space<vmem_shared>> -> memref<10240x128xf32, #tpu.memory_space<vmem_shared>>
      tpu.enqueue_indirect_dma source(%arg11 : memref<128x128xf32, #tpu.memory_space<vmem>>) target(%dma_start3A_331 : memref<10240x128xf32, #tpu.memory_space<vmem_shared>>) offsets(%dma_start3A_328 : memref<128xi32, #tpu.memory_space<vmem>>) semaphore(%arg14 : memref<!tpu.dma_semaphore, #tpu.memory_space<semaphore_mem>>) {add = true}
      %dma_start3A_332 = arith.constant 13 : i32
      %dma_start3A_333 = arith.constant 0 : i32
      %dma_start3A_334 = tpu.memref_slice %arg9[%dma_start3A_332, %dma_start3A_333] : memref<16x128xi32, #tpu.memory_space<vmem>> -> memref<1x128xi32, #tpu.memory_space<vmem>>
      %dma_start3A_335 = tpu.memref_squeeze %dma_start3A_334 : memref<1x128xi32, #tpu.memory_space<vmem>> -> memref<128xi32, #tpu.memory_space<vmem>>
      %dma_start3A_336 = arith.constant 0 : i32
      %dma_start3A_337 = arith.constant 0 : i32
      %dma_start3A_338 = tpu.memref_slice %arg15[%dma_start3A_336, %dma_start3A_337] : memref<10240x128xf32, #tpu.memory_space<vmem_shared>> -> memref<10240x128xf32, #tpu.memory_space<vmem_shared>>
      tpu.enqueue_indirect_dma source(%arg11 : memref<128x128xf32, #tpu.memory_space<vmem>>) target(%dma_start3A_338 : memref<10240x128xf32, #tpu.memory_space<vmem_shared>>) offsets(%dma_start3A_335 : memref<128xi32, #tpu.memory_space<vmem>>) semaphore(%arg14 : memref<!tpu.dma_semaphore, #tpu.memory_space<semaphore_mem>>) {add = true}
      %dma_start3A_339 = arith.constant 14 : i32
      %dma_start3A_340 = arith.constant 0 : i32
      %dma_start3A_341 = tpu.memref_slice %arg9[%dma_start3A_339, %dma_start3A_340] : memref<16x128xi32, #tpu.memory_space<vmem>> -> memref<1x128xi32, #tpu.memory_space<vmem>>
      %dma_start3A_342 = tpu.memref_squeeze %dma_start3A_341 : memref<1x128xi32, #tpu.memory_space<vmem>> -> memref<128xi32, #tpu.memory_space<vmem>>
      %dma_start3A_343 = arith.constant 0 : i32
      %dma_start3A_344 = arith.constant 0 : i32
      %dma_start3A_345 = tpu.memref_slice %arg15[%dma_start3A_343, %dma_start3A_344] : memref<10240x128xf32, #tpu.memory_space<vmem_shared>> -> memref<10240x128xf32, #tpu.memory_space<vmem_shared>>
      tpu.enqueue_indirect_dma source(%arg11 : memref<128x128xf32, #tpu.memory_space<vmem>>) target(%dma_start3A_345 : memref<10240x128xf32, #tpu.memory_space<vmem_shared>>) offsets(%dma_start3A_342 : memref<128xi32, #tpu.memory_space<vmem>>) semaphore(%arg14 : memref<!tpu.dma_semaphore, #tpu.memory_space<semaphore_mem>>) {add = true}
      %dma_start3A_346 = arith.constant 15 : i32
      %dma_start3A_347 = arith.constant 0 : i32
      %dma_start3A_348 = tpu.memref_slice %arg9[%dma_start3A_346, %dma_start3A_347] : memref<16x128xi32, #tpu.memory_space<vmem>> -> memref<1x128xi32, #tpu.memory_space<vmem>>
      %dma_start3A_349 = tpu.memref_squeeze %dma_start3A_348 : memref<1x128xi32, #tpu.memory_space<vmem>> -> memref<128xi32, #tpu.memory_space<vmem>>
      %dma_start3A_350 = arith.constant 0 : i32
      %dma_start3A_351 = arith.constant 0 : i32
      %dma_start3A_352 = tpu.memref_slice %arg15[%dma_start3A_350, %dma_start3A_351] : memref<10240x128xf32, #tpu.memory_space<vmem_shared>> -> memref<10240x128xf32, #tpu.memory_space<vmem_shared>>
      tpu.enqueue_indirect_dma source(%arg11 : memref<128x128xf32, #tpu.memory_space<vmem>>) target(%dma_start3A_352 : memref<10240x128xf32, #tpu.memory_space<vmem_shared>>) offsets(%dma_start3A_349 : memref<128xi32, #tpu.memory_space<vmem>>) semaphore(%arg14 : memref<!tpu.dma_semaphore, #tpu.memory_space<semaphore_mem>>) {add = true}
      %dma_wait3A_353 = arith.constant 0 : i32
      %dma_wait3A_354 = arith.constant 0 : i32
      %dma_wait3A_355 = tpu.memref_slice %arg9[%dma_wait3A_353, %dma_wait3A_354] : memref<16x128xi32, #tpu.memory_space<vmem>> -> memref<1x128xi32, #tpu.memory_space<vmem>>
      %dma_wait3A_356 = tpu.memref_squeeze %dma_wait3A_355 : memref<1x128xi32, #tpu.memory_space<vmem>> -> memref<128xi32, #tpu.memory_space<vmem>>
      %dma_wait3A_357 = arith.constant 0 : i32
      %dma_wait3A_358 = arith.constant 0 : i32
      %dma_wait3A_359 = tpu.memref_slice %arg15[%dma_wait3A_357, %dma_wait3A_358] : memref<10240x128xf32, #tpu.memory_space<vmem_shared>> -> memref<10240x128xf32, #tpu.memory_space<vmem_shared>>
      tpu.wait_indirect_dma semaphore(%arg14 : memref<!tpu.dma_semaphore, #tpu.memory_space<semaphore_mem>>) src(%arg11 : memref<128x128xf32, #tpu.memory_space<vmem>>) dst(%dma_wait3A_359 : memref<10240x128xf32, #tpu.memory_space<vmem_shared>>)
      %dma_wait3A_360 = arith.constant 0 : i32
      %dma_wait3A_361 = arith.constant 0 : i32
      %dma_wait3A_362 = tpu.memref_slice %arg9[%dma_wait3A_360, %dma_wait3A_361] : memref<16x128xi32, #tpu.memory_space<vmem>> -> memref<1x128xi32, #tpu.memory_space<vmem>>
      %dma_wait3A_363 = tpu.memref_squeeze %dma_wait3A_362 : memref<1x128xi32, #tpu.memory_space<vmem>> -> memref<128xi32, #tpu.memory_space<vmem>>
      %dma_wait3A_364 = arith.constant 0 : i32
      %dma_wait3A_365 = arith.constant 0 : i32
      %dma_wait3A_366 = tpu.memref_slice %arg15[%dma_wait3A_364, %dma_wait3A_365] : memref<10240x128xf32, #tpu.memory_space<vmem_shared>> -> memref<10240x128xf32, #tpu.memory_space<vmem_shared>>
      tpu.wait_indirect_dma semaphore(%arg14 : memref<!tpu.dma_semaphore, #tpu.memory_space<semaphore_mem>>) src(%arg11 : memref<128x128xf32, #tpu.memory_space<vmem>>) dst(%dma_wait3A_366 : memref<10240x128xf32, #tpu.memory_space<vmem_shared>>)
      %dma_wait3A_367 = arith.constant 0 : i32
      %dma_wait3A_368 = arith.constant 0 : i32
      %dma_wait3A_369 = tpu.memref_slice %arg9[%dma_wait3A_367, %dma_wait3A_368] : memref<16x128xi32, #tpu.memory_space<vmem>> -> memref<1x128xi32, #tpu.memory_space<vmem>>
      %dma_wait3A_370 = tpu.memref_squeeze %dma_wait3A_369 : memref<1x128xi32, #tpu.memory_space<vmem>> -> memref<128xi32, #tpu.memory_space<vmem>>
      %dma_wait3A_371 = arith.constant 0 : i32
      %dma_wait3A_372 = arith.constant 0 : i32
      %dma_wait3A_373 = tpu.memref_slice %arg15[%dma_wait3A_371, %dma_wait3A_372] : memref<10240x128xf32, #tpu.memory_space<vmem_shared>> -> memref<10240x128xf32, #tpu.memory_space<vmem_shared>>
      tpu.wait_indirect_dma semaphore(%arg14 : memref<!tpu.dma_semaphore, #tpu.memory_space<semaphore_mem>>) src(%arg11 : memref<128x128xf32, #tpu.memory_space<vmem>>) dst(%dma_wait3A_373 : memref<10240x128xf32, #tpu.memory_space<vmem_shared>>)
      %dma_wait3A_374 = arith.constant 0 : i32
      %dma_wait3A_375 = arith.constant 0 : i32
      %dma_wait3A_376 = tpu.memref_slice %arg9[%dma_wait3A_374, %dma_wait3A_375] : memref<16x128xi32, #tpu.memory_space<vmem>> -> memref<1x128xi32, #tpu.memory_space<vmem>>
      %dma_wait3A_377 = tpu.memref_squeeze %dma_wait3A_376 : memref<1x128xi32, #tpu.memory_space<vmem>> -> memref<128xi32, #tpu.memory_space<vmem>>
      %dma_wait3A_378 = arith.constant 0 : i32
      %dma_wait3A_379 = arith.constant 0 : i32
      %dma_wait3A_380 = tpu.memref_slice %arg15[%dma_wait3A_378, %dma_wait3A_379] : memref<10240x128xf32, #tpu.memory_space<vmem_shared>> -> memref<10240x128xf32, #tpu.memory_space<vmem_shared>>
      tpu.wait_indirect_dma semaphore(%arg14 : memref<!tpu.dma_semaphore, #tpu.memory_space<semaphore_mem>>) src(%arg11 : memref<128x128xf32, #tpu.memory_space<vmem>>) dst(%dma_wait3A_380 : memref<10240x128xf32, #tpu.memory_space<vmem_shared>>)
      %dma_wait3A_381 = arith.constant 0 : i32
      %dma_wait3A_382 = arith.constant 0 : i32
      %dma_wait3A_383 = tpu.memref_slice %arg9[%dma_wait3A_381, %dma_wait3A_382] : memref<16x128xi32, #tpu.memory_space<vmem>> -> memref<1x128xi32, #tpu.memory_space<vmem>>
      %dma_wait3A_384 = tpu.memref_squeeze %dma_wait3A_383 : memref<1x128xi32, #tpu.memory_space<vmem>> -> memref<128xi32, #tpu.memory_space<vmem>>
      %dma_wait3A_385 = arith.constant 0 : i32
      %dma_wait3A_386 = arith.constant 0 : i32
      %dma_wait3A_387 = tpu.memref_slice %arg15[%dma_wait3A_385, %dma_wait3A_386] : memref<10240x128xf32, #tpu.memory_space<vmem_shared>> -> memref<10240x128xf32, #tpu.memory_space<vmem_shared>>
      tpu.wait_indirect_dma semaphore(%arg14 : memref<!tpu.dma_semaphore, #tpu.memory_space<semaphore_mem>>) src(%arg11 : memref<128x128xf32, #tpu.memory_space<vmem>>) dst(%dma_wait3A_387 : memref<10240x128xf32, #tpu.memory_space<vmem_shared>>)
      %dma_wait3A_388 = arith.constant 0 : i32
      %dma_wait3A_389 = arith.constant 0 : i32
      %dma_wait3A_390 = tpu.memref_slice %arg9[%dma_wait3A_388, %dma_wait3A_389] : memref<16x128xi32, #tpu.memory_space<vmem>> -> memref<1x128xi32, #tpu.memory_space<vmem>>
      %dma_wait3A_391 = tpu.memref_squeeze %dma_wait3A_390 : memref<1x128xi32, #tpu.memory_space<vmem>> -> memref<128xi32, #tpu.memory_space<vmem>>
      %dma_wait3A_392 = arith.constant 0 : i32
      %dma_wait3A_393 = arith.constant 0 : i32
      %dma_wait3A_394 = tpu.memref_slice %arg15[%dma_wait3A_392, %dma_wait3A_393] : memref<10240x128xf32, #tpu.memory_space<vmem_shared>> -> memref<10240x128xf32, #tpu.memory_space<vmem_shared>>
      tpu.wait_indirect_dma semaphore(%arg14 : memref<!tpu.dma_semaphore, #tpu.memory_space<semaphore_mem>>) src(%arg11 : memref<128x128xf32, #tpu.memory_space<vmem>>) dst(%dma_wait3A_394 : memref<10240x128xf32, #tpu.memory_space<vmem_shared>>)
      %dma_wait3A_395 = arith.constant 0 : i32
      %dma_wait3A_396 = arith.constant 0 : i32
      %dma_wait3A_397 = tpu.memref_slice %arg9[%dma_wait3A_395, %dma_wait3A_396] : memref<16x128xi32, #tpu.memory_space<vmem>> -> memref<1x128xi32, #tpu.memory_space<vmem>>
      %dma_wait3A_398 = tpu.memref_squeeze %dma_wait3A_397 : memref<1x128xi32, #tpu.memory_space<vmem>> -> memref<128xi32, #tpu.memory_space<vmem>>
      %dma_wait3A_399 = arith.constant 0 : i32
      %dma_wait3A_400 = arith.constant 0 : i32
      %dma_wait3A_401 = tpu.memref_slice %arg15[%dma_wait3A_399, %dma_wait3A_400] : memref<10240x128xf32, #tpu.memory_space<vmem_shared>> -> memref<10240x128xf32, #tpu.memory_space<vmem_shared>>
      tpu.wait_indirect_dma semaphore(%arg14 : memref<!tpu.dma_semaphore, #tpu.memory_space<semaphore_mem>>) src(%arg11 : memref<128x128xf32, #tpu.memory_space<vmem>>) dst(%dma_wait3A_401 : memref<10240x128xf32, #tpu.memory_space<vmem_shared>>)
      %dma_wait3A_402 = arith.constant 0 : i32
      %dma_wait3A_403 = arith.constant 0 : i32
      %dma_wait3A_404 = tpu.memref_slice %arg9[%dma_wait3A_402, %dma_wait3A_403] : memref<16x128xi32, #tpu.memory_space<vmem>> -> memref<1x128xi32, #tpu.memory_space<vmem>>
      %dma_wait3A_405 = tpu.memref_squeeze %dma_wait3A_404 : memref<1x128xi32, #tpu.memory_space<vmem>> -> memref<128xi32, #tpu.memory_space<vmem>>
      %dma_wait3A_406 = arith.constant 0 : i32
      %dma_wait3A_407 = arith.constant 0 : i32
      %dma_wait3A_408 = tpu.memref_slice %arg15[%dma_wait3A_406, %dma_wait3A_407] : memref<10240x128xf32, #tpu.memory_space<vmem_shared>> -> memref<10240x128xf32, #tpu.memory_space<vmem_shared>>
      tpu.wait_indirect_dma semaphore(%arg14 : memref<!tpu.dma_semaphore, #tpu.memory_space<semaphore_mem>>) src(%arg11 : memref<128x128xf32, #tpu.memory_space<vmem>>) dst(%dma_wait3A_408 : memref<10240x128xf32, #tpu.memory_space<vmem_shared>>)
      %dma_wait3A_409 = arith.constant 0 : i32
      %dma_wait3A_410 = arith.constant 0 : i32
      %dma_wait3A_411 = tpu.memref_slice %arg9[%dma_wait3A_409, %dma_wait3A_410] : memref<16x128xi32, #tpu.memory_space<vmem>> -> memref<1x128xi32, #tpu.memory_space<vmem>>
      %dma_wait3A_412 = tpu.memref_squeeze %dma_wait3A_411 : memref<1x128xi32, #tpu.memory_space<vmem>> -> memref<128xi32, #tpu.memory_space<vmem>>
      %dma_wait3A_413 = arith.constant 0 : i32
      %dma_wait3A_414 = arith.constant 0 : i32
      %dma_wait3A_415 = tpu.memref_slice %arg15[%dma_wait3A_413, %dma_wait3A_414] : memref<10240x128xf32, #tpu.memory_space<vmem_shared>> -> memref<10240x128xf32, #tpu.memory_space<vmem_shared>>
      tpu.wait_indirect_dma semaphore(%arg14 : memref<!tpu.dma_semaphore, #tpu.memory_space<semaphore_mem>>) src(%arg11 : memref<128x128xf32, #tpu.memory_space<vmem>>) dst(%dma_wait3A_415 : memref<10240x128xf32, #tpu.memory_space<vmem_shared>>)
      %dma_wait3A_416 = arith.constant 0 : i32
      %dma_wait3A_417 = arith.constant 0 : i32
      %dma_wait3A_418 = tpu.memref_slice %arg9[%dma_wait3A_416, %dma_wait3A_417] : memref<16x128xi32, #tpu.memory_space<vmem>> -> memref<1x128xi32, #tpu.memory_space<vmem>>
      %dma_wait3A_419 = tpu.memref_squeeze %dma_wait3A_418 : memref<1x128xi32, #tpu.memory_space<vmem>> -> memref<128xi32, #tpu.memory_space<vmem>>
      %dma_wait3A_420 = arith.constant 0 : i32
      %dma_wait3A_421 = arith.constant 0 : i32
      %dma_wait3A_422 = tpu.memref_slice %arg15[%dma_wait3A_420, %dma_wait3A_421] : memref<10240x128xf32, #tpu.memory_space<vmem_shared>> -> memref<10240x128xf32, #tpu.memory_space<vmem_shared>>
      tpu.wait_indirect_dma semaphore(%arg14 : memref<!tpu.dma_semaphore, #tpu.memory_space<semaphore_mem>>) src(%arg11 : memref<128x128xf32, #tpu.memory_space<vmem>>) dst(%dma_wait3A_422 : memref<10240x128xf32, #tpu.memory_space<vmem_shared>>)
      %dma_wait3A_423 = arith.constant 0 : i32
      %dma_wait3A_424 = arith.constant 0 : i32
      %dma_wait3A_425 = tpu.memref_slice %arg9[%dma_wait3A_423, %dma_wait3A_424] : memref<16x128xi32, #tpu.memory_space<vmem>> -> memref<1x128xi32, #tpu.memory_space<vmem>>
      %dma_wait3A_426 = tpu.memref_squeeze %dma_wait3A_425 : memref<1x128xi32, #tpu.memory_space<vmem>> -> memref<128xi32, #tpu.memory_space<vmem>>
      %dma_wait3A_427 = arith.constant 0 : i32
      %dma_wait3A_428 = arith.constant 0 : i32
      %dma_wait3A_429 = tpu.memref_slice %arg15[%dma_wait3A_427, %dma_wait3A_428] : memref<10240x128xf32, #tpu.memory_space<vmem_shared>> -> memref<10240x128xf32, #tpu.memory_space<vmem_shared>>
      tpu.wait_indirect_dma semaphore(%arg14 : memref<!tpu.dma_semaphore, #tpu.memory_space<semaphore_mem>>) src(%arg11 : memref<128x128xf32, #tpu.memory_space<vmem>>) dst(%dma_wait3A_429 : memref<10240x128xf32, #tpu.memory_space<vmem_shared>>)
      %dma_wait3A_430 = arith.constant 0 : i32
      %dma_wait3A_431 = arith.constant 0 : i32
      %dma_wait3A_432 = tpu.memref_slice %arg9[%dma_wait3A_430, %dma_wait3A_431] : memref<16x128xi32, #tpu.memory_space<vmem>> -> memref<1x128xi32, #tpu.memory_space<vmem>>
      %dma_wait3A_433 = tpu.memref_squeeze %dma_wait3A_432 : memref<1x128xi32, #tpu.memory_space<vmem>> -> memref<128xi32, #tpu.memory_space<vmem>>
      %dma_wait3A_434 = arith.constant 0 : i32
      %dma_wait3A_435 = arith.constant 0 : i32
      %dma_wait3A_436 = tpu.memref_slice %arg15[%dma_wait3A_434, %dma_wait3A_435] : memref<10240x128xf32, #tpu.memory_space<vmem_shared>> -> memref<10240x128xf32, #tpu.memory_space<vmem_shared>>
      tpu.wait_indirect_dma semaphore(%arg14 : memref<!tpu.dma_semaphore, #tpu.memory_space<semaphore_mem>>) src(%arg11 : memref<128x128xf32, #tpu.memory_space<vmem>>) dst(%dma_wait3A_436 : memref<10240x128xf32, #tpu.memory_space<vmem_shared>>)
      %dma_wait3A_437 = arith.constant 0 : i32
      %dma_wait3A_438 = arith.constant 0 : i32
      %dma_wait3A_439 = tpu.memref_slice %arg9[%dma_wait3A_437, %dma_wait3A_438] : memref<16x128xi32, #tpu.memory_space<vmem>> -> memref<1x128xi32, #tpu.memory_space<vmem>>
      %dma_wait3A_440 = tpu.memref_squeeze %dma_wait3A_439 : memref<1x128xi32, #tpu.memory_space<vmem>> -> memref<128xi32, #tpu.memory_space<vmem>>
      %dma_wait3A_441 = arith.constant 0 : i32
      %dma_wait3A_442 = arith.constant 0 : i32
      %dma_wait3A_443 = tpu.memref_slice %arg15[%dma_wait3A_441, %dma_wait3A_442] : memref<10240x128xf32, #tpu.memory_space<vmem_shared>> -> memref<10240x128xf32, #tpu.memory_space<vmem_shared>>
      tpu.wait_indirect_dma semaphore(%arg14 : memref<!tpu.dma_semaphore, #tpu.memory_space<semaphore_mem>>) src(%arg11 : memref<128x128xf32, #tpu.memory_space<vmem>>) dst(%dma_wait3A_443 : memref<10240x128xf32, #tpu.memory_space<vmem_shared>>)
      %dma_wait3A_444 = arith.constant 0 : i32
      %dma_wait3A_445 = arith.constant 0 : i32
      %dma_wait3A_446 = tpu.memref_slice %arg9[%dma_wait3A_444, %dma_wait3A_445] : memref<16x128xi32, #tpu.memory_space<vmem>> -> memref<1x128xi32, #tpu.memory_space<vmem>>
      %dma_wait3A_447 = tpu.memref_squeeze %dma_wait3A_446 : memref<1x128xi32, #tpu.memory_space<vmem>> -> memref<128xi32, #tpu.memory_space<vmem>>
      %dma_wait3A_448 = arith.constant 0 : i32
      %dma_wait3A_449 = arith.constant 0 : i32
      %dma_wait3A_450 = tpu.memref_slice %arg15[%dma_wait3A_448, %dma_wait3A_449] : memref<10240x128xf32, #tpu.memory_space<vmem_shared>> -> memref<10240x128xf32, #tpu.memory_space<vmem_shared>>
      tpu.wait_indirect_dma semaphore(%arg14 : memref<!tpu.dma_semaphore, #tpu.memory_space<semaphore_mem>>) src(%arg11 : memref<128x128xf32, #tpu.memory_space<vmem>>) dst(%dma_wait3A_450 : memref<10240x128xf32, #tpu.memory_space<vmem_shared>>)
      %dma_wait3A_451 = arith.constant 0 : i32
      %dma_wait3A_452 = arith.constant 0 : i32
      %dma_wait3A_453 = tpu.memref_slice %arg9[%dma_wait3A_451, %dma_wait3A_452] : memref<16x128xi32, #tpu.memory_space<vmem>> -> memref<1x128xi32, #tpu.memory_space<vmem>>
      %dma_wait3A_454 = tpu.memref_squeeze %dma_wait3A_453 : memref<1x128xi32, #tpu.memory_space<vmem>> -> memref<128xi32, #tpu.memory_space<vmem>>
      %dma_wait3A_455 = arith.constant 0 : i32
      %dma_wait3A_456 = arith.constant 0 : i32
      %dma_wait3A_457 = tpu.memref_slice %arg15[%dma_wait3A_455, %dma_wait3A_456] : memref<10240x128xf32, #tpu.memory_space<vmem_shared>> -> memref<10240x128xf32, #tpu.memory_space<vmem_shared>>
      tpu.wait_indirect_dma semaphore(%arg14 : memref<!tpu.dma_semaphore, #tpu.memory_space<semaphore_mem>>) src(%arg11 : memref<128x128xf32, #tpu.memory_space<vmem>>) dst(%dma_wait3A_457 : memref<10240x128xf32, #tpu.memory_space<vmem_shared>>)
      %dma_wait3A_458 = arith.constant 0 : i32
      %dma_wait3A_459 = arith.constant 0 : i32
      %dma_wait3A_460 = tpu.memref_slice %arg9[%dma_wait3A_458, %dma_wait3A_459] : memref<16x128xi32, #tpu.memory_space<vmem>> -> memref<1x128xi32, #tpu.memory_space<vmem>>
      %dma_wait3A_461 = tpu.memref_squeeze %dma_wait3A_460 : memref<1x128xi32, #tpu.memory_space<vmem>> -> memref<128xi32, #tpu.memory_space<vmem>>
      %dma_wait3A_462 = arith.constant 0 : i32
      %dma_wait3A_463 = arith.constant 0 : i32
      %dma_wait3A_464 = tpu.memref_slice %arg15[%dma_wait3A_462, %dma_wait3A_463] : memref<10240x128xf32, #tpu.memory_space<vmem_shared>> -> memref<10240x128xf32, #tpu.memory_space<vmem_shared>>
      tpu.wait_indirect_dma semaphore(%arg14 : memref<!tpu.dma_semaphore, #tpu.memory_space<semaphore_mem>>) src(%arg11 : memref<128x128xf32, #tpu.memory_space<vmem>>) dst(%dma_wait3A_464 : memref<10240x128xf32, #tpu.memory_space<vmem_shared>>)
    }
    %while3A_178 = arith.constant 1 : i32
    scf.for %while3A_238 = %while3A_176 to %while3A_172 step %while3A_178  : i32 {
      %mul3A_239 = arith.constant 16 : i32
      %mul3A_240 = arith.muli %while3A_238, %mul3A_239 : i32
      "tpu.region"() ({
        %run_scoped3A = tpu.sem_alloc : memref<!tpu.dma_semaphore, #tpu.memory_space<semaphore_mem>>
        %dma_start3A_465 = arith.constant 0 : i32
        %dma_start3A_466 = tpu.memref_slice %arg3[%arg0, %arg1, %mul3A_240, %dma_start3A_465] : memref<2x16x224x128xi32, #tpu.memory_space<hbm>> -> memref<1x1x16x128xi32, #tpu.memory_space<hbm>>
        %dma_start3A_467 = tpu.memref_squeeze %dma_start3A_466 : memref<1x1x16x128xi32, #tpu.memory_space<hbm>> -> memref<16x128xi32, #tpu.memory_space<hbm>>
        %dma_start3A_468 = arith.constant 0 : i32
        %dma_start3A_469 = tpu.memref_slice %arg3[%arg0, %arg1, %mul3A_240, %dma_start3A_468] : memref<2x16x224x128xi32, #tpu.memory_space<hbm>> -> memref<1x1x16x128xi32, #tpu.memory_space<hbm>>
        %dma_start3A_470 = tpu.memref_squeeze %dma_start3A_469 : memref<1x1x16x128xi32, #tpu.memory_space<hbm>> -> memref<16x128xi32, #tpu.memory_space<hbm>>
        tpu.enqueue_dma source(%dma_start3A_470 : memref<16x128xi32, #tpu.memory_space<hbm>>) target(%arg9 : memref<16x128xi32, #tpu.memory_space<vmem>>) target_semaphore(%run_scoped3A : memref<!tpu.dma_semaphore, #tpu.memory_space<semaphore_mem>>)
        %dma_wait3A_471 = arith.constant 0 : i32
        %dma_wait3A_472 = tpu.memref_slice %arg3[%arg0, %arg1, %mul3A_240, %dma_wait3A_471] : memref<2x16x224x128xi32, #tpu.memory_space<hbm>> -> memref<1x1x16x128xi32, #tpu.memory_space<hbm>>
        %dma_wait3A_473 = tpu.memref_squeeze %dma_wait3A_472 : memref<1x1x16x128xi32, #tpu.memory_space<hbm>> -> memref<16x128xi32, #tpu.memory_space<hbm>>
        %dma_wait3A_474 = arith.constant 0 : i32
        %dma_wait3A_475 = tpu.memref_slice %arg3[%arg0, %arg1, %mul3A_240, %dma_wait3A_474] : memref<2x16x224x128xi32, #tpu.memory_space<hbm>> -> memref<1x1x16x128xi32, #tpu.memory_space<hbm>>
        %dma_wait3A_476 = tpu.memref_squeeze %dma_wait3A_475 : memref<1x1x16x128xi32, #tpu.memory_space<hbm>> -> memref<16x128xi32, #tpu.memory_space<hbm>>
        tpu.wait_dma2 semaphore(%run_scoped3A : memref<!tpu.dma_semaphore, #tpu.memory_space<semaphore_mem>>) src(%dma_wait3A_476 : memref<16x128xi32, #tpu.memory_space<hbm>>) dst(%arg9 : memref<16x128xi32, #tpu.memory_space<vmem>>)
        tpu.yield
      }) : () -> ()
      %dma_start3A_241 = arith.constant 0 : i32
      %dma_start3A_242 = arith.constant 0 : i32
      %dma_start3A_243 = tpu.memref_slice %arg9[%dma_start3A_241, %dma_start3A_242] : memref<16x128xi32, #tpu.memory_space<vmem>> -> memref<1x128xi32, #tpu.memory_space<vmem>>
      %dma_start3A_244 = tpu.memref_squeeze %dma_start3A_243 : memref<1x128xi32, #tpu.memory_space<vmem>> -> memref<128xi32, #tpu.memory_space<vmem>>
      %dma_start3A_245 = arith.constant 0 : i32
      %dma_start3A_246 = arith.constant 0 : i32
      %dma_start3A_247 = tpu.memref_slice %arg15[%dma_start3A_245, %dma_start3A_246] : memref<10240x128xf32, #tpu.memory_space<vmem_shared>> -> memref<10240x128xf32, #tpu.memory_space<vmem_shared>>
      tpu.enqueue_indirect_dma source(%arg11 : memref<128x128xf32, #tpu.memory_space<vmem>>) target(%dma_start3A_247 : memref<10240x128xf32, #tpu.memory_space<vmem_shared>>) offsets(%dma_start3A_244 : memref<128xi32, #tpu.memory_space<vmem>>) semaphore(%arg14 : memref<!tpu.dma_semaphore, #tpu.memory_space<semaphore_mem>>) {add = true}
      %dma_start3A_248 = arith.constant 1 : i32
      %dma_start3A_249 = arith.constant 0 : i32
      %dma_start3A_250 = tpu.memref_slice %arg9[%dma_start3A_248, %dma_start3A_249] : memref<16x128xi32, #tpu.memory_space<vmem>> -> memref<1x128xi32, #tpu.memory_space<vmem>>
      %dma_start3A_251 = tpu.memref_squeeze %dma_start3A_250 : memref<1x128xi32, #tpu.memory_space<vmem>> -> memref<128xi32, #tpu.memory_space<vmem>>
      %dma_start3A_252 = arith.constant 0 : i32
      %dma_start3A_253 = arith.constant 0 : i32
      %dma_start3A_254 = tpu.memref_slice %arg15[%dma_start3A_252, %dma_start3A_253] : memref<10240x128xf32, #tpu.memory_space<vmem_shared>> -> memref<10240x128xf32, #tpu.memory_space<vmem_shared>>
      tpu.enqueue_indirect_dma source(%arg11 : memref<128x128xf32, #tpu.memory_space<vmem>>) target(%dma_start3A_254 : memref<10240x128xf32, #tpu.memory_space<vmem_shared>>) offsets(%dma_start3A_251 : memref<128xi32, #tpu.memory_space<vmem>>) semaphore(%arg14 : memref<!tpu.dma_semaphore, #tpu.memory_space<semaphore_mem>>) {add = true}
      %dma_start3A_255 = arith.constant 2 : i32
      %dma_start3A_256 = arith.constant 0 : i32
      %dma_start3A_257 = tpu.memref_slice %arg9[%dma_start3A_255, %dma_start3A_256] : memref<16x128xi32, #tpu.memory_space<vmem>> -> memref<1x128xi32, #tpu.memory_space<vmem>>
      %dma_start3A_258 = tpu.memref_squeeze %dma_start3A_257 : memref<1x128xi32, #tpu.memory_space<vmem>> -> memref<128xi32, #tpu.memory_space<vmem>>
      %dma_start3A_259 = arith.constant 0 : i32
      %dma_start3A_260 = arith.constant 0 : i32
      %dma_start3A_261 = tpu.memref_slice %arg15[%dma_start3A_259, %dma_start3A_260] : memref<10240x128xf32, #tpu.memory_space<vmem_shared>> -> memref<10240x128xf32, #tpu.memory_space<vmem_shared>>
      tpu.enqueue_indirect_dma source(%arg11 : memref<128x128xf32, #tpu.memory_space<vmem>>) target(%dma_start3A_261 : memref<10240x128xf32, #tpu.memory_space<vmem_shared>>) offsets(%dma_start3A_258 : memref<128xi32, #tpu.memory_space<vmem>>) semaphore(%arg14 : memref<!tpu.dma_semaphore, #tpu.memory_space<semaphore_mem>>) {add = true}
      %dma_start3A_262 = arith.constant 3 : i32
      %dma_start3A_263 = arith.constant 0 : i32
      %dma_start3A_264 = tpu.memref_slice %arg9[%dma_start3A_262, %dma_start3A_263] : memref<16x128xi32, #tpu.memory_space<vmem>> -> memref<1x128xi32, #tpu.memory_space<vmem>>
      %dma_start3A_265 = tpu.memref_squeeze %dma_start3A_264 : memref<1x128xi32, #tpu.memory_space<vmem>> -> memref<128xi32, #tpu.memory_space<vmem>>
      %dma_start3A_266 = arith.constant 0 : i32
      %dma_start3A_267 = arith.constant 0 : i32
      %dma_start3A_268 = tpu.memref_slice %arg15[%dma_start3A_266, %dma_start3A_267] : memref<10240x128xf32, #tpu.memory_space<vmem_shared>> -> memref<10240x128xf32, #tpu.memory_space<vmem_shared>>
      tpu.enqueue_indirect_dma source(%arg11 : memref<128x128xf32, #tpu.memory_space<vmem>>) target(%dma_start3A_268 : memref<10240x128xf32, #tpu.memory_space<vmem_shared>>) offsets(%dma_start3A_265 : memref<128xi32, #tpu.memory_space<vmem>>) semaphore(%arg14 : memref<!tpu.dma_semaphore, #tpu.memory_space<semaphore_mem>>) {add = true}
      %dma_start3A_269 = arith.constant 4 : i32
      %dma_start3A_270 = arith.constant 0 : i32
      %dma_start3A_271 = tpu.memref_slice %arg9[%dma_start3A_269, %dma_start3A_270] : memref<16x128xi32, #tpu.memory_space<vmem>> -> memref<1x128xi32, #tpu.memory_space<vmem>>
      %dma_start3A_272 = tpu.memref_squeeze %dma_start3A_271 : memref<1x128xi32, #tpu.memory_space<vmem>> -> memref<128xi32, #tpu.memory_space<vmem>>
      %dma_start3A_273 = arith.constant 0 : i32
      %dma_start3A_274 = arith.constant 0 : i32
      %dma_start3A_275 = tpu.memref_slice %arg15[%dma_start3A_273, %dma_start3A_274] : memref<10240x128xf32, #tpu.memory_space<vmem_shared>> -> memref<10240x128xf32, #tpu.memory_space<vmem_shared>>
      tpu.enqueue_indirect_dma source(%arg11 : memref<128x128xf32, #tpu.memory_space<vmem>>) target(%dma_start3A_275 : memref<10240x128xf32, #tpu.memory_space<vmem_shared>>) offsets(%dma_start3A_272 : memref<128xi32, #tpu.memory_space<vmem>>) semaphore(%arg14 : memref<!tpu.dma_semaphore, #tpu.memory_space<semaphore_mem>>) {add = true}
      %dma_start3A_276 = arith.constant 5 : i32
      %dma_start3A_277 = arith.constant 0 : i32
      %dma_start3A_278 = tpu.memref_slice %arg9[%dma_start3A_276, %dma_start3A_277] : memref<16x128xi32, #tpu.memory_space<vmem>> -> memref<1x128xi32, #tpu.memory_space<vmem>>
      %dma_start3A_279 = tpu.memref_squeeze %dma_start3A_278 : memref<1x128xi32, #tpu.memory_space<vmem>> -> memref<128xi32, #tpu.memory_space<vmem>>
      %dma_start3A_280 = arith.constant 0 : i32
      %dma_start3A_281 = arith.constant 0 : i32
      %dma_start3A_282 = tpu.memref_slice %arg15[%dma_start3A_280, %dma_start3A_281] : memref<10240x128xf32, #tpu.memory_space<vmem_shared>> -> memref<10240x128xf32, #tpu.memory_space<vmem_shared>>
      tpu.enqueue_indirect_dma source(%arg11 : memref<128x128xf32, #tpu.memory_space<vmem>>) target(%dma_start3A_282 : memref<10240x128xf32, #tpu.memory_space<vmem_shared>>) offsets(%dma_start3A_279 : memref<128xi32, #tpu.memory_space<vmem>>) semaphore(%arg14 : memref<!tpu.dma_semaphore, #tpu.memory_space<semaphore_mem>>) {add = true}
      %dma_start3A_283 = arith.constant 6 : i32
      %dma_start3A_284 = arith.constant 0 : i32
      %dma_start3A_285 = tpu.memref_slice %arg9[%dma_start3A_283, %dma_start3A_284] : memref<16x128xi32, #tpu.memory_space<vmem>> -> memref<1x128xi32, #tpu.memory_space<vmem>>
      %dma_start3A_286 = tpu.memref_squeeze %dma_start3A_285 : memref<1x128xi32, #tpu.memory_space<vmem>> -> memref<128xi32, #tpu.memory_space<vmem>>
      %dma_start3A_287 = arith.constant 0 : i32
      %dma_start3A_288 = arith.constant 0 : i32
      %dma_start3A_289 = tpu.memref_slice %arg15[%dma_start3A_287, %dma_start3A_288] : memref<10240x128xf32, #tpu.memory_space<vmem_shared>> -> memref<10240x128xf32, #tpu.memory_space<vmem_shared>>
      tpu.enqueue_indirect_dma source(%arg11 : memref<128x128xf32, #tpu.memory_space<vmem>>) target(%dma_start3A_289 : memref<10240x128xf32, #tpu.memory_space<vmem_shared>>) offsets(%dma_start3A_286 : memref<128xi32, #tpu.memory_space<vmem>>) semaphore(%arg14 : memref<!tpu.dma_semaphore, #tpu.memory_space<semaphore_mem>>) {add = true}
      %dma_start3A_290 = arith.constant 7 : i32
      %dma_start3A_291 = arith.constant 0 : i32
      %dma_start3A_292 = tpu.memref_slice %arg9[%dma_start3A_290, %dma_start3A_291] : memref<16x128xi32, #tpu.memory_space<vmem>> -> memref<1x128xi32, #tpu.memory_space<vmem>>
      %dma_start3A_293 = tpu.memref_squeeze %dma_start3A_292 : memref<1x128xi32, #tpu.memory_space<vmem>> -> memref<128xi32, #tpu.memory_space<vmem>>
      %dma_start3A_294 = arith.constant 0 : i32
      %dma_start3A_295 = arith.constant 0 : i32
      %dma_start3A_296 = tpu.memref_slice %arg15[%dma_start3A_294, %dma_start3A_295] : memref<10240x128xf32, #tpu.memory_space<vmem_shared>> -> memref<10240x128xf32, #tpu.memory_space<vmem_shared>>
      tpu.enqueue_indirect_dma source(%arg11 : memref<128x128xf32, #tpu.memory_space<vmem>>) target(%dma_start3A_296 : memref<10240x128xf32, #tpu.memory_space<vmem_shared>>) offsets(%dma_start3A_293 : memref<128xi32, #tpu.memory_space<vmem>>) semaphore(%arg14 : memref<!tpu.dma_semaphore, #tpu.memory_space<semaphore_mem>>) {add = true}
      %dma_start3A_297 = arith.constant 8 : i32
      %dma_start3A_298 = arith.constant 0 : i32
      %dma_start3A_299 = tpu.memref_slice %arg9[%dma_start3A_297, %dma_start3A_298] : memref<16x128xi32, #tpu.memory_space<vmem>> -> memref<1x128xi32, #tpu.memory_space<vmem>>
      %dma_start3A_300 = tpu.memref_squeeze %dma_start3A_299 : memref<1x128xi32, #tpu.memory_space<vmem>> -> memref<128xi32, #tpu.memory_space<vmem>>
      %dma_start3A_301 = arith.constant 0 : i32
      %dma_start3A_302 = arith.constant 0 : i32
      %dma_start3A_303 = tpu.memref_slice %arg15[%dma_start3A_301, %dma_start3A_302] : memref<10240x128xf32, #tpu.memory_space<vmem_shared>> -> memref<10240x128xf32, #tpu.memory_space<vmem_shared>>
      tpu.enqueue_indirect_dma source(%arg11 : memref<128x128xf32, #tpu.memory_space<vmem>>) target(%dma_start3A_303 : memref<10240x128xf32, #tpu.memory_space<vmem_shared>>) offsets(%dma_start3A_300 : memref<128xi32, #tpu.memory_space<vmem>>) semaphore(%arg14 : memref<!tpu.dma_semaphore, #tpu.memory_space<semaphore_mem>>) {add = true}
      %dma_start3A_304 = arith.constant 9 : i32
      %dma_start3A_305 = arith.constant 0 : i32
      %dma_start3A_306 = tpu.memref_slice %arg9[%dma_start3A_304, %dma_start3A_305] : memref<16x128xi32, #tpu.memory_space<vmem>> -> memref<1x128xi32, #tpu.memory_space<vmem>>
      %dma_start3A_307 = tpu.memref_squeeze %dma_start3A_306 : memref<1x128xi32, #tpu.memory_space<vmem>> -> memref<128xi32, #tpu.memory_space<vmem>>
      %dma_start3A_308 = arith.constant 0 : i32
      %dma_start3A_309 = arith.constant 0 : i32
      %dma_start3A_310 = tpu.memref_slice %arg15[%dma_start3A_308, %dma_start3A_309] : memref<10240x128xf32, #tpu.memory_space<vmem_shared>> -> memref<10240x128xf32, #tpu.memory_space<vmem_shared>>
      tpu.enqueue_indirect_dma source(%arg11 : memref<128x128xf32, #tpu.memory_space<vmem>>) target(%dma_start3A_310 : memref<10240x128xf32, #tpu.memory_space<vmem_shared>>) offsets(%dma_start3A_307 : memref<128xi32, #tpu.memory_space<vmem>>) semaphore(%arg14 : memref<!tpu.dma_semaphore, #tpu.memory_space<semaphore_mem>>) {add = true}
      %dma_start3A_311 = arith.constant 10 : i32
      %dma_start3A_312 = arith.constant 0 : i32
      %dma_start3A_313 = tpu.memref_slice %arg9[%dma_start3A_311, %dma_start3A_312] : memref<16x128xi32, #tpu.memory_space<vmem>> -> memref<1x128xi32, #tpu.memory_space<vmem>>
      %dma_start3A_314 = tpu.memref_squeeze %dma_start3A_313 : memref<1x128xi32, #tpu.memory_space<vmem>> -> memref<128xi32, #tpu.memory_space<vmem>>
      %dma_start3A_315 = arith.constant 0 : i32
      %dma_start3A_316 = arith.constant 0 : i32
      %dma_start3A_317 = tpu.memref_slice %arg15[%dma_start3A_315, %dma_start3A_316] : memref<10240x128xf32, #tpu.memory_space<vmem_shared>> -> memref<10240x128xf32, #tpu.memory_space<vmem_shared>>
      tpu.enqueue_indirect_dma source(%arg11 : memref<128x128xf32, #tpu.memory_space<vmem>>) target(%dma_start3A_317 : memref<10240x128xf32, #tpu.memory_space<vmem_shared>>) offsets(%dma_start3A_314 : memref<128xi32, #tpu.memory_space<vmem>>) semaphore(%arg14 : memref<!tpu.dma_semaphore, #tpu.memory_space<semaphore_mem>>) {add = true}
      %dma_start3A_318 = arith.constant 11 : i32
      %dma_start3A_319 = arith.constant 0 : i32
      %dma_start3A_320 = tpu.memref_slice %arg9[%dma_start3A_318, %dma_start3A_319] : memref<16x128xi32, #tpu.memory_space<vmem>> -> memref<1x128xi32, #tpu.memory_space<vmem>>
      %dma_start3A_321 = tpu.memref_squeeze %dma_start3A_320 : memref<1x128xi32, #tpu.memory_space<vmem>> -> memref<128xi32, #tpu.memory_space<vmem>>
      %dma_start3A_322 = arith.constant 0 : i32
      %dma_start3A_323 = arith.constant 0 : i32
      %dma_start3A_324 = tpu.memref_slice %arg15[%dma_start3A_322, %dma_start3A_323] : memref<10240x128xf32, #tpu.memory_space<vmem_shared>> -> memref<10240x128xf32, #tpu.memory_space<vmem_shared>>
      tpu.enqueue_indirect_dma source(%arg11 : memref<128x128xf32, #tpu.memory_space<vmem>>) target(%dma_start3A_324 : memref<10240x128xf32, #tpu.memory_space<vmem_shared>>) offsets(%dma_start3A_321 : memref<128xi32, #tpu.memory_space<vmem>>) semaphore(%arg14 : memref<!tpu.dma_semaphore, #tpu.memory_space<semaphore_mem>>) {add = true}
      %dma_start3A_325 = arith.constant 12 : i32
      %dma_start3A_326 = arith.constant 0 : i32
      %dma_start3A_327 = tpu.memref_slice %arg9[%dma_start3A_325, %dma_start3A_326] : memref<16x128xi32, #tpu.memory_space<vmem>> -> memref<1x128xi32, #tpu.memory_space<vmem>>
      %dma_start3A_328 = tpu.memref_squeeze %dma_start3A_327 : memref<1x128xi32, #tpu.memory_space<vmem>> -> memref<128xi32, #tpu.memory_space<vmem>>
      %dma_start3A_329 = arith.constant 0 : i32
      %dma_start3A_330 = arith.constant 0 : i32
      %dma_start3A_331 = tpu.memref_slice %arg15[%dma_start3A_329, %dma_start3A_330] : memref<10240x128xf32, #tpu.memory_space<vmem_shared>> -> memref<10240x128xf32, #tpu.memory_space<vmem_shared>>
      tpu.enqueue_indirect_dma source(%arg11 : memref<128x128xf32, #tpu.memory_space<vmem>>) target(%dma_start3A_331 : memref<10240x128xf32, #tpu.memory_space<vmem_shared>>) offsets(%dma_start3A_328 : memref<128xi32, #tpu.memory_space<vmem>>) semaphore(%arg14 : memref<!tpu.dma_semaphore, #tpu.memory_space<semaphore_mem>>) {add = true}
      %dma_start3A_332 = arith.constant 13 : i32
      %dma_start3A_333 = arith.constant 0 : i32
      %dma_start3A_334 = tpu.memref_slice %arg9[%dma_start3A_332, %dma_start3A_333] : memref<16x128xi32, #tpu.memory_space<vmem>> -> memref<1x128xi32, #tpu.memory_space<vmem>>
      %dma_start3A_335 = tpu.memref_squeeze %dma_start3A_334 : memref<1x128xi32, #tpu.memory_space<vmem>> -> memref<128xi32, #tpu.memory_space<vmem>>
      %dma_start3A_336 = arith.constant 0 : i32
      %dma_start3A_337 = arith.constant 0 : i32
      %dma_start3A_338 = tpu.memref_slice %arg15[%dma_start3A_336, %dma_start3A_337] : memref<10240x128xf32, #tpu.memory_space<vmem_shared>> -> memref<10240x128xf32, #tpu.memory_space<vmem_shared>>
      tpu.enqueue_indirect_dma source(%arg11 : memref<128x128xf32, #tpu.memory_space<vmem>>) target(%dma_start3A_338 : memref<10240x128xf32, #tpu.memory_space<vmem_shared>>) offsets(%dma_start3A_335 : memref<128xi32, #tpu.memory_space<vmem>>) semaphore(%arg14 : memref<!tpu.dma_semaphore, #tpu.memory_space<semaphore_mem>>) {add = true}
      %dma_start3A_339 = arith.constant 14 : i32
      %dma_start3A_340 = arith.constant 0 : i32
      %dma_start3A_341 = tpu.memref_slice %arg9[%dma_start3A_339, %dma_start3A_340] : memref<16x128xi32, #tpu.memory_space<vmem>> -> memref<1x128xi32, #tpu.memory_space<vmem>>
      %dma_start3A_342 = tpu.memref_squeeze %dma_start3A_341 : memref<1x128xi32, #tpu.memory_space<vmem>> -> memref<128xi32, #tpu.memory_space<vmem>>
      %dma_start3A_343 = arith.constant 0 : i32
      %dma_start3A_344 = arith.constant 0 : i32
      %dma_start3A_345 = tpu.memref_slice %arg15[%dma_start3A_343, %dma_start3A_344] : memref<10240x128xf32, #tpu.memory_space<vmem_shared>> -> memref<10240x128xf32, #tpu.memory_space<vmem_shared>>
      tpu.enqueue_indirect_dma source(%arg11 : memref<128x128xf32, #tpu.memory_space<vmem>>) target(%dma_start3A_345 : memref<10240x128xf32, #tpu.memory_space<vmem_shared>>) offsets(%dma_start3A_342 : memref<128xi32, #tpu.memory_space<vmem>>) semaphore(%arg14 : memref<!tpu.dma_semaphore, #tpu.memory_space<semaphore_mem>>) {add = true}
      %dma_start3A_346 = arith.constant 15 : i32
      %dma_start3A_347 = arith.constant 0 : i32
      %dma_start3A_348 = tpu.memref_slice %arg9[%dma_start3A_346, %dma_start3A_347] : memref<16x128xi32, #tpu.memory_space<vmem>> -> memref<1x128xi32, #tpu.memory_space<vmem>>
      %dma_start3A_349 = tpu.memref_squeeze %dma_start3A_348 : memref<1x128xi32, #tpu.memory_space<vmem>> -> memref<128xi32, #tpu.memory_space<vmem>>
      %dma_start3A_350 = arith.constant 0 : i32
      %dma_start3A_351 = arith.constant 0 : i32
      %dma_start3A_352 = tpu.memref_slice %arg15[%dma_start3A_350, %dma_start3A_351] : memref<10240x128xf32, #tpu.memory_space<vmem_shared>> -> memref<10240x128xf32, #tpu.memory_space<vmem_shared>>
      tpu.enqueue_indirect_dma source(%arg11 : memref<128x128xf32, #tpu.memory_space<vmem>>) target(%dma_start3A_352 : memref<10240x128xf32, #tpu.memory_space<vmem_shared>>) offsets(%dma_start3A_349 : memref<128xi32, #tpu.memory_space<vmem>>) semaphore(%arg14 : memref<!tpu.dma_semaphore, #tpu.memory_space<semaphore_mem>>) {add = true}
      %dma_wait3A_353 = arith.constant 0 : i32
      %dma_wait3A_354 = arith.constant 0 : i32
      %dma_wait3A_355 = tpu.memref_slice %arg9[%dma_wait3A_353, %dma_wait3A_354] : memref<16x128xi32, #tpu.memory_space<vmem>> -> memref<1x128xi32, #tpu.memory_space<vmem>>
      %dma_wait3A_356 = tpu.memref_squeeze %dma_wait3A_355 : memref<1x128xi32, #tpu.memory_space<vmem>> -> memref<128xi32, #tpu.memory_space<vmem>>
      %dma_wait3A_357 = arith.constant 0 : i32
      %dma_wait3A_358 = arith.constant 0 : i32
      %dma_wait3A_359 = tpu.memref_slice %arg15[%dma_wait3A_357, %dma_wait3A_358] : memref<10240x128xf32, #tpu.memory_space<vmem_shared>> -> memref<10240x128xf32, #tpu.memory_space<vmem_shared>>
      tpu.wait_indirect_dma semaphore(%arg14 : memref<!tpu.dma_semaphore, #tpu.memory_space<semaphore_mem>>) src(%arg11 : memref<128x128xf32, #tpu.memory_space<vmem>>) dst(%dma_wait3A_359 : memref<10240x128xf32, #tpu.memory_space<vmem_shared>>)
      %dma_wait3A_360 = arith.constant 0 : i32
      %dma_wait3A_361 = arith.constant 0 : i32
      %dma_wait3A_362 = tpu.memref_slice %arg9[%dma_wait3A_360, %dma_wait3A_361] : memref<16x128xi32, #tpu.memory_space<vmem>> -> memref<1x128xi32, #tpu.memory_space<vmem>>
      %dma_wait3A_363 = tpu.memref_squeeze %dma_wait3A_362 : memref<1x128xi32, #tpu.memory_space<vmem>> -> memref<128xi32, #tpu.memory_space<vmem>>
      %dma_wait3A_364 = arith.constant 0 : i32
      %dma_wait3A_365 = arith.constant 0 : i32
      %dma_wait3A_366 = tpu.memref_slice %arg15[%dma_wait3A_364, %dma_wait3A_365] : memref<10240x128xf32, #tpu.memory_space<vmem_shared>> -> memref<10240x128xf32, #tpu.memory_space<vmem_shared>>
      tpu.wait_indirect_dma semaphore(%arg14 : memref<!tpu.dma_semaphore, #tpu.memory_space<semaphore_mem>>) src(%arg11 : memref<128x128xf32, #tpu.memory_space<vmem>>) dst(%dma_wait3A_366 : memref<10240x128xf32, #tpu.memory_space<vmem_shared>>)
      %dma_wait3A_367 = arith.constant 0 : i32
      %dma_wait3A_368 = arith.constant 0 : i32
      %dma_wait3A_369 = tpu.memref_slice %arg9[%dma_wait3A_367, %dma_wait3A_368] : memref<16x128xi32, #tpu.memory_space<vmem>> -> memref<1x128xi32, #tpu.memory_space<vmem>>
      %dma_wait3A_370 = tpu.memref_squeeze %dma_wait3A_369 : memref<1x128xi32, #tpu.memory_space<vmem>> -> memref<128xi32, #tpu.memory_space<vmem>>
      %dma_wait3A_371 = arith.constant 0 : i32
      %dma_wait3A_372 = arith.constant 0 : i32
      %dma_wait3A_373 = tpu.memref_slice %arg15[%dma_wait3A_371, %dma_wait3A_372] : memref<10240x128xf32, #tpu.memory_space<vmem_shared>> -> memref<10240x128xf32, #tpu.memory_space<vmem_shared>>
      tpu.wait_indirect_dma semaphore(%arg14 : memref<!tpu.dma_semaphore, #tpu.memory_space<semaphore_mem>>) src(%arg11 : memref<128x128xf32, #tpu.memory_space<vmem>>) dst(%dma_wait3A_373 : memref<10240x128xf32, #tpu.memory_space<vmem_shared>>)
      %dma_wait3A_374 = arith.constant 0 : i32
      %dma_wait3A_375 = arith.constant 0 : i32
      %dma_wait3A_376 = tpu.memref_slice %arg9[%dma_wait3A_374, %dma_wait3A_375] : memref<16x128xi32, #tpu.memory_space<vmem>> -> memref<1x128xi32, #tpu.memory_space<vmem>>
      %dma_wait3A_377 = tpu.memref_squeeze %dma_wait3A_376 : memref<1x128xi32, #tpu.memory_space<vmem>> -> memref<128xi32, #tpu.memory_space<vmem>>
      %dma_wait3A_378 = arith.constant 0 : i32
      %dma_wait3A_379 = arith.constant 0 : i32
      %dma_wait3A_380 = tpu.memref_slice %arg15[%dma_wait3A_378, %dma_wait3A_379] : memref<10240x128xf32, #tpu.memory_space<vmem_shared>> -> memref<10240x128xf32, #tpu.memory_space<vmem_shared>>
      tpu.wait_indirect_dma semaphore(%arg14 : memref<!tpu.dma_semaphore, #tpu.memory_space<semaphore_mem>>) src(%arg11 : memref<128x128xf32, #tpu.memory_space<vmem>>) dst(%dma_wait3A_380 : memref<10240x128xf32, #tpu.memory_space<vmem_shared>>)
      %dma_wait3A_381 = arith.constant 0 : i32
      %dma_wait3A_382 = arith.constant 0 : i32
      %dma_wait3A_383 = tpu.memref_slice %arg9[%dma_wait3A_381, %dma_wait3A_382] : memref<16x128xi32, #tpu.memory_space<vmem>> -> memref<1x128xi32, #tpu.memory_space<vmem>>
      %dma_wait3A_384 = tpu.memref_squeeze %dma_wait3A_383 : memref<1x128xi32, #tpu.memory_space<vmem>> -> memref<128xi32, #tpu.memory_space<vmem>>
      %dma_wait3A_385 = arith.constant 0 : i32
      %dma_wait3A_386 = arith.constant 0 : i32
      %dma_wait3A_387 = tpu.memref_slice %arg15[%dma_wait3A_385, %dma_wait3A_386] : memref<10240x128xf32, #tpu.memory_space<vmem_shared>> -> memref<10240x128xf32, #tpu.memory_space<vmem_shared>>
      tpu.wait_indirect_dma semaphore(%arg14 : memref<!tpu.dma_semaphore, #tpu.memory_space<semaphore_mem>>) src(%arg11 : memref<128x128xf32, #tpu.memory_space<vmem>>) dst(%dma_wait3A_387 : memref<10240x128xf32, #tpu.memory_space<vmem_shared>>)
      %dma_wait3A_388 = arith.constant 0 : i32
      %dma_wait3A_389 = arith.constant 0 : i32
      %dma_wait3A_390 = tpu.memref_slice %arg9[%dma_wait3A_388, %dma_wait3A_389] : memref<16x128xi32, #tpu.memory_space<vmem>> -> memref<1x128xi32, #tpu.memory_space<vmem>>
      %dma_wait3A_391 = tpu.memref_squeeze %dma_wait3A_390 : memref<1x128xi32, #tpu.memory_space<vmem>> -> memref<128xi32, #tpu.memory_space<vmem>>
      %dma_wait3A_392 = arith.constant 0 : i32
      %dma_wait3A_393 = arith.constant 0 : i32
      %dma_wait3A_394 = tpu.memref_slice %arg15[%dma_wait3A_392, %dma_wait3A_393] : memref<10240x128xf32, #tpu.memory_space<vmem_shared>> -> memref<10240x128xf32, #tpu.memory_space<vmem_shared>>
      tpu.wait_indirect_dma semaphore(%arg14 : memref<!tpu.dma_semaphore, #tpu.memory_space<semaphore_mem>>) src(%arg11 : memref<128x128xf32, #tpu.memory_space<vmem>>) dst(%dma_wait3A_394 : memref<10240x128xf32, #tpu.memory_space<vmem_shared>>)
      %dma_wait3A_395 = arith.constant 0 : i32
      %dma_wait3A_396 = arith.constant 0 : i32
      %dma_wait3A_397 = tpu.memref_slice %arg9[%dma_wait3A_395, %dma_wait3A_396] : memref<16x128xi32, #tpu.memory_space<vmem>> -> memref<1x128xi32, #tpu.memory_space<vmem>>
      %dma_wait3A_398 = tpu.memref_squeeze %dma_wait3A_397 : memref<1x128xi32, #tpu.memory_space<vmem>> -> memref<128xi32, #tpu.memory_space<vmem>>
      %dma_wait3A_399 = arith.constant 0 : i32
      %dma_wait3A_400 = arith.constant 0 : i32
      %dma_wait3A_401 = tpu.memref_slice %arg15[%dma_wait3A_399, %dma_wait3A_400] : memref<10240x128xf32, #tpu.memory_space<vmem_shared>> -> memref<10240x128xf32, #tpu.memory_space<vmem_shared>>
      tpu.wait_indirect_dma semaphore(%arg14 : memref<!tpu.dma_semaphore, #tpu.memory_space<semaphore_mem>>) src(%arg11 : memref<128x128xf32, #tpu.memory_space<vmem>>) dst(%dma_wait3A_401 : memref<10240x128xf32, #tpu.memory_space<vmem_shared>>)
      %dma_wait3A_402 = arith.constant 0 : i32
      %dma_wait3A_403 = arith.constant 0 : i32
      %dma_wait3A_404 = tpu.memref_slice %arg9[%dma_wait3A_402, %dma_wait3A_403] : memref<16x128xi32, #tpu.memory_space<vmem>> -> memref<1x128xi32, #tpu.memory_space<vmem>>
      %dma_wait3A_405 = tpu.memref_squeeze %dma_wait3A_404 : memref<1x128xi32, #tpu.memory_space<vmem>> -> memref<128xi32, #tpu.memory_space<vmem>>
      %dma_wait3A_406 = arith.constant 0 : i32
      %dma_wait3A_407 = arith.constant 0 : i32
      %dma_wait3A_408 = tpu.memref_slice %arg15[%dma_wait3A_406, %dma_wait3A_407] : memref<10240x128xf32, #tpu.memory_space<vmem_shared>> -> memref<10240x128xf32, #tpu.memory_space<vmem_shared>>
      tpu.wait_indirect_dma semaphore(%arg14 : memref<!tpu.dma_semaphore, #tpu.memory_space<semaphore_mem>>) src(%arg11 : memref<128x128xf32, #tpu.memory_space<vmem>>) dst(%dma_wait3A_408 : memref<10240x128xf32, #tpu.memory_space<vmem_shared>>)
      %dma_wait3A_409 = arith.constant 0 : i32
      %dma_wait3A_410 = arith.constant 0 : i32
      %dma_wait3A_411 = tpu.memref_slice %arg9[%dma_wait3A_409, %dma_wait3A_410] : memref<16x128xi32, #tpu.memory_space<vmem>> -> memref<1x128xi32, #tpu.memory_space<vmem>>
      %dma_wait3A_412 = tpu.memref_squeeze %dma_wait3A_411 : memref<1x128xi32, #tpu.memory_space<vmem>> -> memref<128xi32, #tpu.memory_space<vmem>>
      %dma_wait3A_413 = arith.constant 0 : i32
      %dma_wait3A_414 = arith.constant 0 : i32
      %dma_wait3A_415 = tpu.memref_slice %arg15[%dma_wait3A_413, %dma_wait3A_414] : memref<10240x128xf32, #tpu.memory_space<vmem_shared>> -> memref<10240x128xf32, #tpu.memory_space<vmem_shared>>
      tpu.wait_indirect_dma semaphore(%arg14 : memref<!tpu.dma_semaphore, #tpu.memory_space<semaphore_mem>>) src(%arg11 : memref<128x128xf32, #tpu.memory_space<vmem>>) dst(%dma_wait3A_415 : memref<10240x128xf32, #tpu.memory_space<vmem_shared>>)
      %dma_wait3A_416 = arith.constant 0 : i32
      %dma_wait3A_417 = arith.constant 0 : i32
      %dma_wait3A_418 = tpu.memref_slice %arg9[%dma_wait3A_416, %dma_wait3A_417] : memref<16x128xi32, #tpu.memory_space<vmem>> -> memref<1x128xi32, #tpu.memory_space<vmem>>
      %dma_wait3A_419 = tpu.memref_squeeze %dma_wait3A_418 : memref<1x128xi32, #tpu.memory_space<vmem>> -> memref<128xi32, #tpu.memory_space<vmem>>
      %dma_wait3A_420 = arith.constant 0 : i32
      %dma_wait3A_421 = arith.constant 0 : i32
      %dma_wait3A_422 = tpu.memref_slice %arg15[%dma_wait3A_420, %dma_wait3A_421] : memref<10240x128xf32, #tpu.memory_space<vmem_shared>> -> memref<10240x128xf32, #tpu.memory_space<vmem_shared>>
      tpu.wait_indirect_dma semaphore(%arg14 : memref<!tpu.dma_semaphore, #tpu.memory_space<semaphore_mem>>) src(%arg11 : memref<128x128xf32, #tpu.memory_space<vmem>>) dst(%dma_wait3A_422 : memref<10240x128xf32, #tpu.memory_space<vmem_shared>>)
      %dma_wait3A_423 = arith.constant 0 : i32
      %dma_wait3A_424 = arith.constant 0 : i32
      %dma_wait3A_425 = tpu.memref_slice %arg9[%dma_wait3A_423, %dma_wait3A_424] : memref<16x128xi32, #tpu.memory_space<vmem>> -> memref<1x128xi32, #tpu.memory_space<vmem>>
      %dma_wait3A_426 = tpu.memref_squeeze %dma_wait3A_425 : memref<1x128xi32, #tpu.memory_space<vmem>> -> memref<128xi32, #tpu.memory_space<vmem>>
      %dma_wait3A_427 = arith.constant 0 : i32
      %dma_wait3A_428 = arith.constant 0 : i32
      %dma_wait3A_429 = tpu.memref_slice %arg15[%dma_wait3A_427, %dma_wait3A_428] : memref<10240x128xf32, #tpu.memory_space<vmem_shared>> -> memref<10240x128xf32, #tpu.memory_space<vmem_shared>>
      tpu.wait_indirect_dma semaphore(%arg14 : memref<!tpu.dma_semaphore, #tpu.memory_space<semaphore_mem>>) src(%arg11 : memref<128x128xf32, #tpu.memory_space<vmem>>) dst(%dma_wait3A_429 : memref<10240x128xf32, #tpu.memory_space<vmem_shared>>)
      %dma_wait3A_430 = arith.constant 0 : i32
      %dma_wait3A_431 = arith.constant 0 : i32
      %dma_wait3A_432 = tpu.memref_slice %arg9[%dma_wait3A_430, %dma_wait3A_431] : memref<16x128xi32, #tpu.memory_space<vmem>> -> memref<1x128xi32, #tpu.memory_space<vmem>>
      %dma_wait3A_433 = tpu.memref_squeeze %dma_wait3A_432 : memref<1x128xi32, #tpu.memory_space<vmem>> -> memref<128xi32, #tpu.memory_space<vmem>>
      %dma_wait3A_434 = arith.constant 0 : i32
      %dma_wait3A_435 = arith.constant 0 : i32
      %dma_wait3A_436 = tpu.memref_slice %arg15[%dma_wait3A_434, %dma_wait3A_435] : memref<10240x128xf32, #tpu.memory_space<vmem_shared>> -> memref<10240x128xf32, #tpu.memory_space<vmem_shared>>
      tpu.wait_indirect_dma semaphore(%arg14 : memref<!tpu.dma_semaphore, #tpu.memory_space<semaphore_mem>>) src(%arg11 : memref<128x128xf32, #tpu.memory_space<vmem>>) dst(%dma_wait3A_436 : memref<10240x128xf32, #tpu.memory_space<vmem_shared>>)
      %dma_wait3A_437 = arith.constant 0 : i32
      %dma_wait3A_438 = arith.constant 0 : i32
      %dma_wait3A_439 = tpu.memref_slice %arg9[%dma_wait3A_437, %dma_wait3A_438] : memref<16x128xi32, #tpu.memory_space<vmem>> -> memref<1x128xi32, #tpu.memory_space<vmem>>
      %dma_wait3A_440 = tpu.memref_squeeze %dma_wait3A_439 : memref<1x128xi32, #tpu.memory_space<vmem>> -> memref<128xi32, #tpu.memory_space<vmem>>
      %dma_wait3A_441 = arith.constant 0 : i32
      %dma_wait3A_442 = arith.constant 0 : i32
      %dma_wait3A_443 = tpu.memref_slice %arg15[%dma_wait3A_441, %dma_wait3A_442] : memref<10240x128xf32, #tpu.memory_space<vmem_shared>> -> memref<10240x128xf32, #tpu.memory_space<vmem_shared>>
      tpu.wait_indirect_dma semaphore(%arg14 : memref<!tpu.dma_semaphore, #tpu.memory_space<semaphore_mem>>) src(%arg11 : memref<128x128xf32, #tpu.memory_space<vmem>>) dst(%dma_wait3A_443 : memref<10240x128xf32, #tpu.memory_space<vmem_shared>>)
      %dma_wait3A_444 = arith.constant 0 : i32
      %dma_wait3A_445 = arith.constant 0 : i32
      %dma_wait3A_446 = tpu.memref_slice %arg9[%dma_wait3A_444, %dma_wait3A_445] : memref<16x128xi32, #tpu.memory_space<vmem>> -> memref<1x128xi32, #tpu.memory_space<vmem>>
      %dma_wait3A_447 = tpu.memref_squeeze %dma_wait3A_446 : memref<1x128xi32, #tpu.memory_space<vmem>> -> memref<128xi32, #tpu.memory_space<vmem>>
      %dma_wait3A_448 = arith.constant 0 : i32
      %dma_wait3A_449 = arith.constant 0 : i32
      %dma_wait3A_450 = tpu.memref_slice %arg15[%dma_wait3A_448, %dma_wait3A_449] : memref<10240x128xf32, #tpu.memory_space<vmem_shared>> -> memref<10240x128xf32, #tpu.memory_space<vmem_shared>>
      tpu.wait_indirect_dma semaphore(%arg14 : memref<!tpu.dma_semaphore, #tpu.memory_space<semaphore_mem>>) src(%arg11 : memref<128x128xf32, #tpu.memory_space<vmem>>) dst(%dma_wait3A_450 : memref<10240x128xf32, #tpu.memory_space<vmem_shared>>)
      %dma_wait3A_451 = arith.constant 0 : i32
      %dma_wait3A_452 = arith.constant 0 : i32
      %dma_wait3A_453 = tpu.memref_slice %arg9[%dma_wait3A_451, %dma_wait3A_452] : memref<16x128xi32, #tpu.memory_space<vmem>> -> memref<1x128xi32, #tpu.memory_space<vmem>>
      %dma_wait3A_454 = tpu.memref_squeeze %dma_wait3A_453 : memref<1x128xi32, #tpu.memory_space<vmem>> -> memref<128xi32, #tpu.memory_space<vmem>>
      %dma_wait3A_455 = arith.constant 0 : i32
      %dma_wait3A_456 = arith.constant 0 : i32
      %dma_wait3A_457 = tpu.memref_slice %arg15[%dma_wait3A_455, %dma_wait3A_456] : memref<10240x128xf32, #tpu.memory_space<vmem_shared>> -> memref<10240x128xf32, #tpu.memory_space<vmem_shared>>
      tpu.wait_indirect_dma semaphore(%arg14 : memref<!tpu.dma_semaphore, #tpu.memory_space<semaphore_mem>>) src(%arg11 : memref<128x128xf32, #tpu.memory_space<vmem>>) dst(%dma_wait3A_457 : memref<10240x128xf32, #tpu.memory_space<vmem_shared>>)
      %dma_wait3A_458 = arith.constant 0 : i32
      %dma_wait3A_459 = arith.constant 0 : i32
      %dma_wait3A_460 = tpu.memref_slice %arg9[%dma_wait3A_458, %dma_wait3A_459] : memref<16x128xi32, #tpu.memory_space<vmem>> -> memref<1x128xi32, #tpu.memory_space<vmem>>
      %dma_wait3A_461 = tpu.memref_squeeze %dma_wait3A_460 : memref<1x128xi32, #tpu.memory_space<vmem>> -> memref<128xi32, #tpu.memory_space<vmem>>
      %dma_wait3A_462 = arith.constant 0 : i32
      %dma_wait3A_463 = arith.constant 0 : i32
      %dma_wait3A_464 = tpu.memref_slice %arg15[%dma_wait3A_462, %dma_wait3A_463] : memref<10240x128xf32, #tpu.memory_space<vmem_shared>> -> memref<10240x128xf32, #tpu.memory_space<vmem_shared>>
      tpu.wait_indirect_dma semaphore(%arg14 : memref<!tpu.dma_semaphore, #tpu.memory_space<semaphore_mem>>) src(%arg11 : memref<128x128xf32, #tpu.memory_space<vmem>>) dst(%dma_wait3A_464 : memref<10240x128xf32, #tpu.memory_space<vmem_shared>>)
    }
    %barrier3A_179 = arith.constant 0 : index
    tpu.barrier barrier_id(%barrier3A_179)
    %dma_start3A_180 = arith.constant 0 : i32
    %dma_start3A_181 = tpu.memref_slice %arg15[%mul3A_0, %dma_start3A_180] : memref<10240x128xf32, #tpu.memory_space<vmem_shared>> -> memref<128x128xf32, #tpu.memory_space<vmem_shared>>
    %dma_start3A_182 = arith.constant 0 : i32
    %dma_start3A_183 = tpu.memref_slice %arg15[%mul3A_0, %dma_start3A_182] : memref<10240x128xf32, #tpu.memory_space<vmem_shared>> -> memref<128x128xf32, #tpu.memory_space<vmem_shared>>
    tpu.enqueue_dma source(%dma_start3A_183 : memref<128x128xf32, #tpu.memory_space<vmem_shared>>) target(%arg11 : memref<128x128xf32, #tpu.memory_space<vmem>>) target_semaphore(%arg13 : memref<!tpu.dma_semaphore, #tpu.memory_space<semaphore_mem>>)
    %dma_wait3A_184 = arith.constant 0 : i32
    %dma_wait3A_185 = tpu.memref_slice %arg15[%mul3A_0, %dma_wait3A_184] : memref<10240x128xf32, #tpu.memory_space<vmem_shared>> -> memref<128x128xf32, #tpu.memory_space<vmem_shared>>
    %dma_wait3A_186 = arith.constant 0 : i32
    %dma_wait3A_187 = tpu.memref_slice %arg15[%mul3A_0, %dma_wait3A_186] : memref<10240x128xf32, #tpu.memory_space<vmem_shared>> -> memref<128x128xf32, #tpu.memory_space<vmem_shared>>
    tpu.wait_dma2 semaphore(%arg13 : memref<!tpu.dma_semaphore, #tpu.memory_space<semaphore_mem>>) src(%dma_wait3A_187 : memref<128x128xf32, #tpu.memory_space<vmem_shared>>) dst(%arg11 : memref<128x128xf32, #tpu.memory_space<vmem>>)
    %add3A_188 = arith.constant 128 : i32
    %add3A_189 = arith.addi %mul3A_0, %add3A_188 : i32
    %dma_start3A_190 = arith.constant 0 : i32
    %dma_start3A_191 = tpu.memref_slice %arg15[%add3A_189, %dma_start3A_190] : memref<10240x128xf32, #tpu.memory_space<vmem_shared>> -> memref<128x128xf32, #tpu.memory_space<vmem_shared>>
    %dma_start3A_192 = arith.constant 0 : i32
    %dma_start3A_193 = tpu.memref_slice %arg15[%add3A_189, %dma_start3A_192] : memref<10240x128xf32, #tpu.memory_space<vmem_shared>> -> memref<128x128xf32, #tpu.memory_space<vmem_shared>>
    tpu.enqueue_dma source(%dma_start3A_193 : memref<128x128xf32, #tpu.memory_space<vmem_shared>>) target(%arg12 : memref<128x128xf32, #tpu.memory_space<vmem>>) target_semaphore(%arg13 : memref<!tpu.dma_semaphore, #tpu.memory_space<semaphore_mem>>)
    %add3A_194 = arith.constant 0 : i32
    %add3A_195 = arith.addi %mul3A_0, %add3A_194 : i32
    "tpu.region"() ({
      %run_scoped3A = tpu.sem_alloc : memref<!tpu.dma_semaphore, #tpu.memory_space<semaphore_mem>>
      %dma_start3A_238 = arith.constant 0 : i32
      %dma_start3A_239 = tpu.memref_slice %arg8[%arg0, %add3A_195, %dma_start3A_238] : memref<2x10240x128xf32, #tpu.memory_space<hbm>> -> memref<1x128x128xf32, #tpu.memory_space<hbm>>
      %dma_start3A_240 = tpu.memref_squeeze %dma_start3A_239 : memref<1x128x128xf32, #tpu.memory_space<hbm>> -> memref<128x128xf32, #tpu.memory_space<hbm>>
      %dma_start3A_241 = arith.constant 0 : i32
      %dma_start3A_242 = tpu.memref_slice %arg8[%arg0, %add3A_195, %dma_start3A_241] : memref<2x10240x128xf32, #tpu.memory_space<hbm>> -> memref<1x128x128xf32, #tpu.memory_space<hbm>>
      %dma_start3A_243 = tpu.memref_squeeze %dma_start3A_242 : memref<1x128x128xf32, #tpu.memory_space<hbm>> -> memref<128x128xf32, #tpu.memory_space<hbm>>
      tpu.enqueue_dma source(%arg11 : memref<128x128xf32, #tpu.memory_space<vmem>>) target(%dma_start3A_243 : memref<128x128xf32, #tpu.memory_space<hbm>>) target_semaphore(%run_scoped3A : memref<!tpu.dma_semaphore, #tpu.memory_space<semaphore_mem>>)
      %dma_wait3A_244 = arith.constant 0 : i32
      %dma_wait3A_245 = tpu.memref_slice %arg8[%arg0, %add3A_195, %dma_wait3A_244] : memref<2x10240x128xf32, #tpu.memory_space<hbm>> -> memref<1x128x128xf32, #tpu.memory_space<hbm>>
      %dma_wait3A_246 = tpu.memref_squeeze %dma_wait3A_245 : memref<1x128x128xf32, #tpu.memory_space<hbm>> -> memref<128x128xf32, #tpu.memory_space<hbm>>
      %dma_wait3A_247 = arith.constant 0 : i32
      %dma_wait3A_248 = tpu.memref_slice %arg8[%arg0, %add3A_195, %dma_wait3A_247] : memref<2x10240x128xf32, #tpu.memory_space<hbm>> -> memref<1x128x128xf32, #tpu.memory_space<hbm>>
      %dma_wait3A_249 = tpu.memref_squeeze %dma_wait3A_248 : memref<1x128x128xf32, #tpu.memory_space<hbm>> -> memref<128x128xf32, #tpu.memory_space<hbm>>
      tpu.wait_dma2 semaphore(%run_scoped3A : memref<!tpu.dma_semaphore, #tpu.memory_space<semaphore_mem>>) src(%arg11 : memref<128x128xf32, #tpu.memory_space<vmem>>) dst(%dma_wait3A_249 : memref<128x128xf32, #tpu.memory_space<hbm>>)
      tpu.yield
    }) : () -> ()
    %dma_wait3A_196 = arith.constant 0 : i32
    %dma_wait3A_197 = tpu.memref_slice %arg15[%mul3A_0, %dma_wait3A_196] : memref<10240x128xf32, #tpu.memory_space<vmem_shared>> -> memref<128x128xf32, #tpu.memory_space<vmem_shared>>
    %dma_wait3A_198 = arith.constant 0 : i32
    %dma_wait3A_199 = tpu.memref_slice %arg15[%mul3A_0, %dma_wait3A_198] : memref<10240x128xf32, #tpu.memory_space<vmem_shared>> -> memref<128x128xf32, #tpu.memory_space<vmem_shared>>
    tpu.wait_dma2 semaphore(%arg13 : memref<!tpu.dma_semaphore, #tpu.memory_space<semaphore_mem>>) src(%dma_wait3A_199 : memref<128x128xf32, #tpu.memory_space<vmem_shared>>) dst(%arg12 : memref<128x128xf32, #tpu.memory_space<vmem>>)
    %add3A_200 = arith.constant 256 : i32
    %add3A_201 = arith.addi %mul3A_0, %add3A_200 : i32
    %dma_start3A_202 = arith.constant 0 : i32
    %dma_start3A_203 = tpu.memref_slice %arg15[%add3A_201, %dma_start3A_202] : memref<10240x128xf32, #tpu.memory_space<vmem_shared>> -> memref<128x128xf32, #tpu.memory_space<vmem_shared>>
    %dma_start3A_204 = arith.constant 0 : i32
    %dma_start3A_205 = tpu.memref_slice %arg15[%add3A_201, %dma_start3A_204] : memref<10240x128xf32, #tpu.memory_space<vmem_shared>> -> memref<128x128xf32, #tpu.memory_space<vmem_shared>>
    tpu.enqueue_dma source(%dma_start3A_205 : memref<128x128xf32, #tpu.memory_space<vmem_shared>>) target(%arg11 : memref<128x128xf32, #tpu.memory_space<vmem>>) target_semaphore(%arg13 : memref<!tpu.dma_semaphore, #tpu.memory_space<semaphore_mem>>)
    %add3A_206 = arith.constant 128 : i32
    %add3A_207 = arith.addi %mul3A_0, %add3A_206 : i32
    "tpu.region"() ({
      %run_scoped3A = tpu.sem_alloc : memref<!tpu.dma_semaphore, #tpu.memory_space<semaphore_mem>>
      %dma_start3A_238 = arith.constant 0 : i32
      %dma_start3A_239 = tpu.memref_slice %arg8[%arg0, %add3A_207, %dma_start3A_238] : memref<2x10240x128xf32, #tpu.memory_space<hbm>> -> memref<1x128x128xf32, #tpu.memory_space<hbm>>
      %dma_start3A_240 = tpu.memref_squeeze %dma_start3A_239 : memref<1x128x128xf32, #tpu.memory_space<hbm>> -> memref<128x128xf32, #tpu.memory_space<hbm>>
      %dma_start3A_241 = arith.constant 0 : i32
      %dma_start3A_242 = tpu.memref_slice %arg8[%arg0, %add3A_207, %dma_start3A_241] : memref<2x10240x128xf32, #tpu.memory_space<hbm>> -> memref<1x128x128xf32, #tpu.memory_space<hbm>>
      %dma_start3A_243 = tpu.memref_squeeze %dma_start3A_242 : memref<1x128x128xf32, #tpu.memory_space<hbm>> -> memref<128x128xf32, #tpu.memory_space<hbm>>
      tpu.enqueue_dma source(%arg12 : memref<128x128xf32, #tpu.memory_space<vmem>>) target(%dma_start3A_243 : memref<128x128xf32, #tpu.memory_space<hbm>>) target_semaphore(%run_scoped3A : memref<!tpu.dma_semaphore, #tpu.memory_space<semaphore_mem>>)
      %dma_wait3A_244 = arith.constant 0 : i32
      %dma_wait3A_245 = tpu.memref_slice %arg8[%arg0, %add3A_207, %dma_wait3A_244] : memref<2x10240x128xf32, #tpu.memory_space<hbm>> -> memref<1x128x128xf32, #tpu.memory_space<hbm>>
      %dma_wait3A_246 = tpu.memref_squeeze %dma_wait3A_245 : memref<1x128x128xf32, #tpu.memory_space<hbm>> -> memref<128x128xf32, #tpu.memory_space<hbm>>
      %dma_wait3A_247 = arith.constant 0 : i32
      %dma_wait3A_248 = tpu.memref_slice %arg8[%arg0, %add3A_207, %dma_wait3A_247] : memref<2x10240x128xf32, #tpu.memory_space<hbm>> -> memref<1x128x128xf32, #tpu.memory_space<hbm>>
      %dma_wait3A_249 = tpu.memref_squeeze %dma_wait3A_248 : memref<1x128x128xf32, #tpu.memory_space<hbm>> -> memref<128x128xf32, #tpu.memory_space<hbm>>
      tpu.wait_dma2 semaphore(%run_scoped3A : memref<!tpu.dma_semaphore, #tpu.memory_space<semaphore_mem>>) src(%arg12 : memref<128x128xf32, #tpu.memory_space<vmem>>) dst(%dma_wait3A_249 : memref<128x128xf32, #tpu.memory_space<hbm>>)
      tpu.yield
    }) : () -> ()
    %dma_wait3A_208 = arith.constant 0 : i32
    %dma_wait3A_209 = tpu.memref_slice %arg15[%mul3A_0, %dma_wait3A_208] : memref<10240x128xf32, #tpu.memory_space<vmem_shared>> -> memref<128x128xf32, #tpu.memory_space<vmem_shared>>
    %dma_wait3A_210 = arith.constant 0 : i32
    %dma_wait3A_211 = tpu.memref_slice %arg15[%mul3A_0, %dma_wait3A_210] : memref<10240x128xf32, #tpu.memory_space<vmem_shared>> -> memref<128x128xf32, #tpu.memory_space<vmem_shared>>
    tpu.wait_dma2 semaphore(%arg13 : memref<!tpu.dma_semaphore, #tpu.memory_space<semaphore_mem>>) src(%dma_wait3A_211 : memref<128x128xf32, #tpu.memory_space<vmem_shared>>) dst(%arg11 : memref<128x128xf32, #tpu.memory_space<vmem>>)
    %add3A_212 = arith.constant 384 : i32
    %add3A_213 = arith.addi %mul3A_0, %add3A_212 : i32
    %dma_start3A_214 = arith.constant 0 : i32
    %dma_start3A_215 = tpu.memref_slice %arg15[%add3A_213, %dma_start3A_214] : memref<10240x128xf32, #tpu.memory_space<vmem_shared>> -> memref<128x128xf32, #tpu.memory_space<vmem_shared>>
    %dma_start3A_216 = arith.constant 0 : i32
    %dma_start3A_217 = tpu.memref_slice %arg15[%add3A_213, %dma_start3A_216] : memref<10240x128xf32, #tpu.memory_space<vmem_shared>> -> memref<128x128xf32, #tpu.memory_space<vmem_shared>>
    tpu.enqueue_dma source(%dma_start3A_217 : memref<128x128xf32, #tpu.memory_space<vmem_shared>>) target(%arg12 : memref<128x128xf32, #tpu.memory_space<vmem>>) target_semaphore(%arg13 : memref<!tpu.dma_semaphore, #tpu.memory_space<semaphore_mem>>)
    %add3A_218 = arith.constant 256 : i32
    %add3A_219 = arith.addi %mul3A_0, %add3A_218 : i32
    "tpu.region"() ({
      %run_scoped3A = tpu.sem_alloc : memref<!tpu.dma_semaphore, #tpu.memory_space<semaphore_mem>>
      %dma_start3A_238 = arith.constant 0 : i32
      %dma_start3A_239 = tpu.memref_slice %arg8[%arg0, %add3A_219, %dma_start3A_238] : memref<2x10240x128xf32, #tpu.memory_space<hbm>> -> memref<1x128x128xf32, #tpu.memory_space<hbm>>
      %dma_start3A_240 = tpu.memref_squeeze %dma_start3A_239 : memref<1x128x128xf32, #tpu.memory_space<hbm>> -> memref<128x128xf32, #tpu.memory_space<hbm>>
      %dma_start3A_241 = arith.constant 0 : i32
      %dma_start3A_242 = tpu.memref_slice %arg8[%arg0, %add3A_219, %dma_start3A_241] : memref<2x10240x128xf32, #tpu.memory_space<hbm>> -> memref<1x128x128xf32, #tpu.memory_space<hbm>>
      %dma_start3A_243 = tpu.memref_squeeze %dma_start3A_242 : memref<1x128x128xf32, #tpu.memory_space<hbm>> -> memref<128x128xf32, #tpu.memory_space<hbm>>
      tpu.enqueue_dma source(%arg11 : memref<128x128xf32, #tpu.memory_space<vmem>>) target(%dma_start3A_243 : memref<128x128xf32, #tpu.memory_space<hbm>>) target_semaphore(%run_scoped3A : memref<!tpu.dma_semaphore, #tpu.memory_space<semaphore_mem>>)
      %dma_wait3A_244 = arith.constant 0 : i32
      %dma_wait3A_245 = tpu.memref_slice %arg8[%arg0, %add3A_219, %dma_wait3A_244] : memref<2x10240x128xf32, #tpu.memory_space<hbm>> -> memref<1x128x128xf32, #tpu.memory_space<hbm>>
      %dma_wait3A_246 = tpu.memref_squeeze %dma_wait3A_245 : memref<1x128x128xf32, #tpu.memory_space<hbm>> -> memref<128x128xf32, #tpu.memory_space<hbm>>
      %dma_wait3A_247 = arith.constant 0 : i32
      %dma_wait3A_248 = tpu.memref_slice %arg8[%arg0, %add3A_219, %dma_wait3A_247] : memref<2x10240x128xf32, #tpu.memory_space<hbm>> -> memref<1x128x128xf32, #tpu.memory_space<hbm>>
      %dma_wait3A_249 = tpu.memref_squeeze %dma_wait3A_248 : memref<1x128x128xf32, #tpu.memory_space<hbm>> -> memref<128x128xf32, #tpu.memory_space<hbm>>
      tpu.wait_dma2 semaphore(%run_scoped3A : memref<!tpu.dma_semaphore, #tpu.memory_space<semaphore_mem>>) src(%arg11 : memref<128x128xf32, #tpu.memory_space<vmem>>) dst(%dma_wait3A_249 : memref<128x128xf32, #tpu.memory_space<hbm>>)
      tpu.yield
    }) : () -> ()
    %dma_wait3A_220 = arith.constant 0 : i32
    %dma_wait3A_221 = tpu.memref_slice %arg15[%mul3A_0, %dma_wait3A_220] : memref<10240x128xf32, #tpu.memory_space<vmem_shared>> -> memref<128x128xf32, #tpu.memory_space<vmem_shared>>
    %dma_wait3A_222 = arith.constant 0 : i32
    %dma_wait3A_223 = tpu.memref_slice %arg15[%mul3A_0, %dma_wait3A_222] : memref<10240x128xf32, #tpu.memory_space<vmem_shared>> -> memref<128x128xf32, #tpu.memory_space<vmem_shared>>
    tpu.wait_dma2 semaphore(%arg13 : memref<!tpu.dma_semaphore, #tpu.memory_space<semaphore_mem>>) src(%dma_wait3A_223 : memref<128x128xf32, #tpu.memory_space<vmem_shared>>) dst(%arg12 : memref<128x128xf32, #tpu.memory_space<vmem>>)
    %add3A_224 = arith.constant 512 : i32
    %add3A_225 = arith.addi %mul3A_0, %add3A_224 : i32
    %dma_start3A_226 = arith.constant 0 : i32
    %dma_start3A_227 = tpu.memref_slice %arg15[%add3A_225, %dma_start3A_226] : memref<10240x128xf32, #tpu.memory_space<vmem_shared>> -> memref<128x128xf32, #tpu.memory_space<vmem_shared>>
    %dma_start3A_228 = arith.constant 0 : i32
    %dma_start3A_229 = tpu.memref_slice %arg15[%add3A_225, %dma_start3A_228] : memref<10240x128xf32, #tpu.memory_space<vmem_shared>> -> memref<128x128xf32, #tpu.memory_space<vmem_shared>>
    tpu.enqueue_dma source(%dma_start3A_229 : memref<128x128xf32, #tpu.memory_space<vmem_shared>>) target(%arg11 : memref<128x128xf32, #tpu.memory_space<vmem>>) target_semaphore(%arg13 : memref<!tpu.dma_semaphore, #tpu.memory_space<semaphore_mem>>)
    %add3A_230 = arith.constant 384 : i32
    %add3A_231 = arith.addi %mul3A_0, %add3A_230 : i32
    "tpu.region"() ({
      %run_scoped3A = tpu.sem_alloc : memref<!tpu.dma_semaphore, #tpu.memory_space<semaphore_mem>>
      %dma_start3A_238 = arith.constant 0 : i32
      %dma_start3A_239 = tpu.memref_slice %arg8[%arg0, %add3A_231, %dma_start3A_238] : memref<2x10240x128xf32, #tpu.memory_space<hbm>> -> memref<1x128x128xf32, #tpu.memory_space<hbm>>
      %dma_start3A_240 = tpu.memref_squeeze %dma_start3A_239 : memref<1x128x128xf32, #tpu.memory_space<hbm>> -> memref<128x128xf32, #tpu.memory_space<hbm>>
      %dma_start3A_241 = arith.constant 0 : i32
      %dma_start3A_242 = tpu.memref_slice %arg8[%arg0, %add3A_231, %dma_start3A_241] : memref<2x10240x128xf32, #tpu.memory_space<hbm>> -> memref<1x128x128xf32, #tpu.memory_space<hbm>>
      %dma_start3A_243 = tpu.memref_squeeze %dma_start3A_242 : memref<1x128x128xf32, #tpu.memory_space<hbm>> -> memref<128x128xf32, #tpu.memory_space<hbm>>
      tpu.enqueue_dma source(%arg12 : memref<128x128xf32, #tpu.memory_space<vmem>>) target(%dma_start3A_243 : memref<128x128xf32, #tpu.memory_space<hbm>>) target_semaphore(%run_scoped3A : memref<!tpu.dma_semaphore, #tpu.memory_space<semaphore_mem>>)
      %dma_wait3A_244 = arith.constant 0 : i32
      %dma_wait3A_245 = tpu.memref_slice %arg8[%arg0, %add3A_231, %dma_wait3A_244] : memref<2x10240x128xf32, #tpu.memory_space<hbm>> -> memref<1x128x128xf32, #tpu.memory_space<hbm>>
      %dma_wait3A_246 = tpu.memref_squeeze %dma_wait3A_245 : memref<1x128x128xf32, #tpu.memory_space<hbm>> -> memref<128x128xf32, #tpu.memory_space<hbm>>
      %dma_wait3A_247 = arith.constant 0 : i32
      %dma_wait3A_248 = tpu.memref_slice %arg8[%arg0, %add3A_231, %dma_wait3A_247] : memref<2x10240x128xf32, #tpu.memory_space<hbm>> -> memref<1x128x128xf32, #tpu.memory_space<hbm>>
      %dma_wait3A_249 = tpu.memref_squeeze %dma_wait3A_248 : memref<1x128x128xf32, #tpu.memory_space<hbm>> -> memref<128x128xf32, #tpu.memory_space<hbm>>
      tpu.wait_dma2 semaphore(%run_scoped3A : memref<!tpu.dma_semaphore, #tpu.memory_space<semaphore_mem>>) src(%arg12 : memref<128x128xf32, #tpu.memory_space<vmem>>) dst(%dma_wait3A_249 : memref<128x128xf32, #tpu.memory_space<hbm>>)
      tpu.yield
    }) : () -> ()
    %dma_wait3A_232 = arith.constant 0 : i32
    %dma_wait3A_233 = tpu.memref_slice %arg15[%mul3A_0, %dma_wait3A_232] : memref<10240x128xf32, #tpu.memory_space<vmem_shared>> -> memref<128x128xf32, #tpu.memory_space<vmem_shared>>
    %dma_wait3A_234 = arith.constant 0 : i32
    %dma_wait3A_235 = tpu.memref_slice %arg15[%mul3A_0, %dma_wait3A_234] : memref<10240x128xf32, #tpu.memory_space<vmem_shared>> -> memref<128x128xf32, #tpu.memory_space<vmem_shared>>
    tpu.wait_dma2 semaphore(%arg13 : memref<!tpu.dma_semaphore, #tpu.memory_space<semaphore_mem>>) src(%dma_wait3A_235 : memref<128x128xf32, #tpu.memory_space<vmem_shared>>) dst(%arg11 : memref<128x128xf32, #tpu.memory_space<vmem>>)
    %add3A_236 = arith.constant 512 : i32
    %add3A_237 = arith.addi %mul3A_0, %add3A_236 : i32
    "tpu.region"() ({
      %run_scoped3A = tpu.sem_alloc : memref<!tpu.dma_semaphore, #tpu.memory_space<semaphore_mem>>
      %dma_start3A_238 = arith.constant 0 : i32
      %dma_start3A_239 = tpu.memref_slice %arg8[%arg0, %add3A_237, %dma_start3A_238] : memref<2x10240x128xf32, #tpu.memory_space<hbm>> -> memref<1x128x128xf32, #tpu.memory_space<hbm>>
      %dma_start3A_240 = tpu.memref_squeeze %dma_start3A_239 : memref<1x128x128xf32, #tpu.memory_space<hbm>> -> memref<128x128xf32, #tpu.memory_space<hbm>>
      %dma_start3A_241 = arith.constant 0 : i32
      %dma_start3A_242 = tpu.memref_slice %arg8[%arg0, %add3A_237, %dma_start3A_241] : memref<2x10240x128xf32, #tpu.memory_space<hbm>> -> memref<1x128x128xf32, #tpu.memory_space<hbm>>
      %dma_start3A_243 = tpu.memref_squeeze %dma_start3A_242 : memref<1x128x128xf32, #tpu.memory_space<hbm>> -> memref<128x128xf32, #tpu.memory_space<hbm>>
      tpu.enqueue_dma source(%arg11 : memref<128x128xf32, #tpu.memory_space<vmem>>) target(%dma_start3A_243 : memref<128x128xf32, #tpu.memory_space<hbm>>) target_semaphore(%run_scoped3A : memref<!tpu.dma_semaphore, #tpu.memory_space<semaphore_mem>>)
      %dma_wait3A_244 = arith.constant 0 : i32
      %dma_wait3A_245 = tpu.memref_slice %arg8[%arg0, %add3A_237, %dma_wait3A_244] : memref<2x10240x128xf32, #tpu.memory_space<hbm>> -> memref<1x128x128xf32, #tpu.memory_space<hbm>>
      %dma_wait3A_246 = tpu.memref_squeeze %dma_wait3A_245 : memref<1x128x128xf32, #tpu.memory_space<hbm>> -> memref<128x128xf32, #tpu.memory_space<hbm>>
      %dma_wait3A_247 = arith.constant 0 : i32
      %dma_wait3A_248 = tpu.memref_slice %arg8[%arg0, %add3A_237, %dma_wait3A_247] : memref<2x10240x128xf32, #tpu.memory_space<hbm>> -> memref<1x128x128xf32, #tpu.memory_space<hbm>>
      %dma_wait3A_249 = tpu.memref_squeeze %dma_wait3A_248 : memref<1x128x128xf32, #tpu.memory_space<hbm>> -> memref<128x128xf32, #tpu.memory_space<hbm>>
      tpu.wait_dma2 semaphore(%run_scoped3A : memref<!tpu.dma_semaphore, #tpu.memory_space<semaphore_mem>>) src(%arg11 : memref<128x128xf32, #tpu.memory_space<vmem>>) dst(%dma_wait3A_249 : memref<128x128xf32, #tpu.memory_space<hbm>>)
      tpu.yield
    }) : () -> ()
    return
  }
}

module attributes {stable_mosaic.version = 14 : i64} {
  func.func @_tc_body(%arg0: i32, %arg1: memref<1000x128xf32, #tpu.memory_space<vmem>>, %arg2: memref<1x1000x128xf32, #tpu.memory_space<vmem>>, %arg3: memref<1x1000x128xf32, #tpu.memory_space<vmem>>, %arg4: memref<1x1000x128xf32, #tpu.memory_space<vmem>>, %arg5: memref<1x1000x128xf32, #tpu.memory_space<vmem>>, %arg6: memref<128x128xf32, #tpu.memory_space<vmem>>, %arg7: memref<128x128xf32, #tpu.memory_space<vmem>>, %arg8: memref<1000x128xf32, #tpu.memory_space<vmem>>) attributes {dimension_semantics = [#tpu.dimension_semantics<arbitrary>], iteration_bounds = array<i64: 10>, scalar_prefetch = 0 : i64, scratch_operands = 0 : i64, tpu.core_type = #tpu.core_type<tc>, window_params = [{transform_indices = @transform_0, window_bounds = array<i64: 1000, 128>}, {transform_indices = @transform_1, window_bounds = array<i64: 1, 1000, 128>}, {transform_indices = @transform_2, window_bounds = array<i64: 1, 1000, 128>}, {transform_indices = @transform_3, window_bounds = array<i64: 1, 1000, 128>}, {transform_indices = @transform_4, window_bounds = array<i64: 1, 1000, 128>}, {pipeline_mode = #tpu.pipeline_mode<synchronous>, transform_indices = @transform_5, window_bounds = array<i64: 128, 128>}, {pipeline_mode = #tpu.pipeline_mode<synchronous>, transform_indices = @transform_6, window_bounds = array<i64: 128, 128>}, {transform_indices = @transform_7, window_bounds = array<i64: 1000, 128>}]} {
    %get3A = arith.constant 0 : index
    %get3A_0 = arith.constant 0 : index
    %get3A_1 = vector.load %arg1[%get3A, %get3A_0] : memref<1000x128xf32, #tpu.memory_space<vmem>>, vector<1000x128xf32>
    %get3A_2 = arith.constant 0 : index
    %get3A_3 = arith.constant 0 : index
    %get3A_4 = arith.constant 0 : index
    %get3A_5 = vector.load %arg2[%get3A_2, %get3A_3, %get3A_4] : memref<1x1000x128xf32, #tpu.memory_space<vmem>>, vector<1x1000x128xf32>
    %get3A_6 = vector.shape_cast %get3A_5 : vector<1x1000x128xf32> to vector<1000x128xf32>
    %get3A_7 = arith.constant 0 : index
    %get3A_8 = arith.constant 0 : index
    %get3A_9 = arith.constant 0 : index
    %get3A_10 = vector.load %arg3[%get3A_7, %get3A_8, %get3A_9] : memref<1x1000x128xf32, #tpu.memory_space<vmem>>, vector<1x1000x128xf32>
    %get3A_11 = vector.shape_cast %get3A_10 : vector<1x1000x128xf32> to vector<1000x128xf32>
    %add3A = arith.addf %get3A_6, %get3A_11 : vector<1000x128xf32>
    %get3A_12 = arith.constant 0 : index
    %get3A_13 = arith.constant 0 : index
    %get3A_14 = arith.constant 0 : index
    %get3A_15 = vector.load %arg4[%get3A_12, %get3A_13, %get3A_14] : memref<1x1000x128xf32, #tpu.memory_space<vmem>>, vector<1x1000x128xf32>
    %get3A_16 = vector.shape_cast %get3A_15 : vector<1x1000x128xf32> to vector<1000x128xf32>
    %slice3A = vector.extract_strided_slice %get3A_16 {offsets = [0, 0], sizes = [1000, 1], strides = [1, 1]} : vector<1000x128xf32> to vector<1000x1xf32>
    %get3A_17 = arith.constant 0 : index
    %get3A_18 = arith.constant 0 : index
    %get3A_19 = arith.constant 0 : index
    %get3A_20 = vector.load %arg5[%get3A_17, %get3A_18, %get3A_19] : memref<1x1000x128xf32, #tpu.memory_space<vmem>>, vector<1x1000x128xf32>
    %get3A_21 = vector.shape_cast %get3A_20 : vector<1x1000x128xf32> to vector<1000x128xf32>
    %slice3A_22 = vector.extract_strided_slice %get3A_21 {offsets = [0, 0], sizes = [1000, 1], strides = [1, 1]} : vector<1000x128xf32> to vector<1000x1xf32>
    %add3A_23 = arith.addf %slice3A, %slice3A_22 : vector<1000x1xf32>
    %max3A = arith.constant 1.000000e+00 : f32
    %max3A_24 = vector.broadcast %max3A : f32 to vector<1000x1xf32>
    %max3A_25 = arith.maximumf %add3A_23, %max3A_24 : vector<1000x1xf32>
    %div3A = vector.broadcast %max3A_25 : vector<1000x1xf32> to vector<1000x128xf32>
    %div3A_26 = arith.divf %add3A, %div3A : vector<1000x128xf32>
    %get3A_27 = arith.constant 0 : index
    %get3A_28 = arith.constant 0 : index
    %get3A_29 = vector.load %arg7[%get3A_27, %get3A_28] : memref<128x128xf32, #tpu.memory_space<vmem>>, vector<128x128xf32>
    %dot_general3A = arith.constant dense<0.000000e+00> : vector<1000x128xf32>
    %dot_general3A_30 = tpu.matmul %div3A_26, %get3A_29, %dot_general3A {dimension_numbers = #tpu.dot_dimension_numbers<[1], [0], [0], [1], [0, 0, 1, 1], [], []>, transpose_lhs_hint = false} : vector<1000x128xf32>, vector<128x128xf32>, vector<1000x128xf32> -> vector<1000x128xf32>
    %ge3A = arith.constant 0.000000e+00 : f32
    %ge3A_31 = vector.broadcast %ge3A : f32 to vector<1000x128xf32>
    %ge3A_32 = arith.cmpf oge, %dot_general3A_30, %ge3A_31 : vector<1000x128xf32>
    %mul3A = arith.constant 2.000000e-01 : f32
    %mul3A_33 = vector.broadcast %mul3A : f32 to vector<1000x128xf32>
    %mul3A_34 = arith.mulf %mul3A_33, %dot_general3A_30 : vector<1000x128xf32>
    %select_n3A = arith.select %ge3A_32, %dot_general3A_30, %mul3A_34 : vector<1000x128xi1>, vector<1000x128xf32>
    %get3A_35 = arith.constant 0 : index
    %get3A_36 = arith.constant 0 : index
    %get3A_37 = vector.load %arg6[%get3A_35, %get3A_36] : memref<128x128xf32, #tpu.memory_space<vmem>>, vector<128x128xf32>
    %dot_general3A_38 = arith.constant dense<0.000000e+00> : vector<1000x128xf32>
    %dot_general3A_39 = tpu.matmul %get3A_1, %get3A_37, %dot_general3A_38 {dimension_numbers = #tpu.dot_dimension_numbers<[1], [0], [0], [1], [0, 0, 1, 1], [], []>, transpose_lhs_hint = false} : vector<1000x128xf32>, vector<128x128xf32>, vector<1000x128xf32> -> vector<1000x128xf32>
    %add3A_40 = arith.addf %dot_general3A_39, %select_n3A : vector<1000x128xf32>
    %ge3A_41 = arith.constant 0.000000e+00 : f32
    %ge3A_42 = vector.broadcast %ge3A_41 : f32 to vector<1000x128xf32>
    %ge3A_43 = arith.cmpf oge, %add3A_40, %ge3A_42 : vector<1000x128xf32>
    %mul3A_44 = arith.constant 2.000000e-01 : f32
    %mul3A_45 = vector.broadcast %mul3A_44 : f32 to vector<1000x128xf32>
    %mul3A_46 = arith.mulf %mul3A_45, %add3A_40 : vector<1000x128xf32>
    %select_n3A_47 = arith.select %ge3A_43, %add3A_40, %mul3A_46 : vector<1000x128xi1>, vector<1000x128xf32>
    %mul3A_48 = arith.mulf %select_n3A_47, %select_n3A_47 : vector<1000x128xf32>
    %reduce_sum3A = arith.constant dense<0.000000e+00> : vector<1000xf32>
    %reduce_sum3A_49 = vector.multi_reduction <add>, %mul3A_48, %reduce_sum3A [1] : vector<1000x128xf32> to vector<1000xf32>
    %broadcast_in_dim3A = vector.shape_cast %reduce_sum3A_49 : vector<1000xf32> to vector<1000x1xf32>
    %sqrt3A = math.sqrt %broadcast_in_dim3A : vector<1000x1xf32>
    %max3A_50 = arith.constant 9.99999996E-13 : f32
    %max3A_51 = vector.broadcast %max3A_50 : f32 to vector<1000x1xf32>
    %max3A_52 = arith.maximumf %sqrt3A, %max3A_51 : vector<1000x1xf32>
    %div3A_53 = vector.broadcast %max3A_52 : vector<1000x1xf32> to vector<1000x128xf32>
    %div3A_54 = arith.divf %select_n3A_47, %div3A_53 : vector<1000x128xf32>
    %swap3A = arith.constant 0 : index
    %swap3A_55 = arith.constant 0 : index
    %swap3A_56 = vector.load %arg8[%swap3A, %swap3A_55] : memref<1000x128xf32, #tpu.memory_space<vmem>>, vector<1000x128xf32>
    tpu.vector_store %arg8[%swap3A, %swap3A_55], %div3A_54 {strides = array<i32>} : memref<1000x128xf32, #tpu.memory_space<vmem>>, vector<1000x128xf32>,
    return
  }
  func.func @transform_0(%arg0: i32) -> (i32, i32) {
    %c0_i32 = arith.constant 0 : i32
    %c0_i32_0 = arith.constant 0 : i32
    return %arg0, %c0_i32 : i32, i32
  }
  func.func @transform_1(%arg0: i32) -> (i32, i32, i32) {
    %c0_i32 = arith.constant 0 : i32
    %c0_i32_0 = arith.constant 0 : i32
    %c0_i32_1 = arith.constant 0 : i32
    return %c0_i32, %arg0, %c0_i32_0 : i32, i32, i32
  }
  func.func @transform_2(%arg0: i32) -> (i32, i32, i32) {
    %c1_i32 = arith.constant 1 : i32
    %c0_i32 = arith.constant 0 : i32
    %c0_i32_0 = arith.constant 0 : i32
    return %c1_i32, %arg0, %c0_i32 : i32, i32, i32
  }
  func.func @transform_3(%arg0: i32) -> (i32, i32, i32) {
    %c0_i32 = arith.constant 0 : i32
    %c0_i32_0 = arith.constant 0 : i32
    %c0_i32_1 = arith.constant 0 : i32
    return %c0_i32, %arg0, %c0_i32_0 : i32, i32, i32
  }
  func.func @transform_4(%arg0: i32) -> (i32, i32, i32) {
    %c1_i32 = arith.constant 1 : i32
    %c0_i32 = arith.constant 0 : i32
    %c0_i32_0 = arith.constant 0 : i32
    return %c1_i32, %arg0, %c0_i32 : i32, i32, i32
  }
  func.func @transform_5(%arg0: i32) -> (i32, i32) {
    %c0_i32 = arith.constant 0 : i32
    %c0_i32_0 = arith.constant 0 : i32
    %c0_i32_1 = arith.constant 0 : i32
    return %c0_i32, %c0_i32_0 : i32, i32
  }
  func.func @transform_6(%arg0: i32) -> (i32, i32) {
    %c0_i32 = arith.constant 0 : i32
    %c0_i32_0 = arith.constant 0 : i32
    %c0_i32_1 = arith.constant 0 : i32
    return %c0_i32, %c0_i32_0 : i32, i32
  }
  func.func @transform_7(%arg0: i32) -> (i32, i32) {
    %c0_i32 = arith.constant 0 : i32
    %c0_i32_0 = arith.constant 0 : i32
    return %arg0, %c0_i32 : i32, i32
  }
}

</mosaic_0001>

<sc_bundles>
// kernel: kernel.4.cloned.1.call-start
scs
__scs_entry_jumppad:
0x0: {  	(pc) =	sbr.rel $0x88, $3  }
0x1: {  	(tag) =	ssettag $0x0;
	lr =	simm.s32 $0x1  }
0x2: {  	[smem:$0x3F9D] =	sst lr;
	_ =	strace $0xD0000000  }
0x3: {  	_ = 	snop  }
0x4: {  	_ = 	snop  }
0x5: {  	_ = 	snop  }
0x6: {  	_ = 	snop  }
0x7: {  	_ = 	snop  }
__scs_overlays_trampoline_lowered:
0x8: {  	[smem:$0x3FAC] =	sst s0  }
0x9: {  	[smem:$0x3FAD] =	sst s1  }
0xa: {  	[smem:$0x3FAE] =	sst s2  }
0xb: {  	[smem:$0x3FAF] =	sst s3  }
0xc: {  	[smem:$0x3FB0] =	sst s4  }
0xd: {  	[smem:$0x3FB1] =	sst s5  }
0xe: {  	[smem:$0x3FB2] =	sst s6  }
0xf: {  	[smem:$0x3FB3] =	sst s7  }
0x10: {  	[smem:$0x3FB4] =	sst s8  }
0x11: {  	[smem:$0x3FB5] =	sst s9;
	s0 =	simm.s32 @!p0 $0x0  }
0x12: {  	s1 =	sld [smem:$0x3F9B];
	s0 =	simm.s32 @p0 $0x1  }
0x13: {  	[smem:$0x3FB6] =	sst s0;
	s0 =	simm.s32 @!p1 $0x0  }
0x14: {  	s2 =	sld [smem:$0x3F9A];
	s0 =	simm.s32 @p1 $0x1  }
0x15: {  	[smem:$0x3FB7] =	sst s0;
	s0 =	simm.s32 @!p2 $0x0  }
0x16: {  	s3 =	sld [smem:$0x3FDB];
	s0 =	simm.s32 @p2 $0x1  }
0x17: {  	s4 =	simm.s32 $0x1BF5;
	[smem:$0x3FB9] =	sst s0  }
0x18: {  	s0 =	sld [smem:$0x3F9C];
	_ =	swait.ge [sflag:s4], $0x0  }
0x19: {  	s7 =	sld [smem:$0x3F9D]  }
0x1a: {  	s8 =	sadd.s32 $0xFFFFE003, lr  }
0x1b: {  	s9 =	sadd.s32 $0xFFFFFEF7, lr;
	s5 =	simm.s32 $0xFFFFFFFF;
	p2 =	slt.u32 s8, $0xFFFFF086  }
0x1c: {  	p1 =	slt.u32 s9, $0xF7A;
	s5 =	simm.s32 @!p2 $0x0  }
0x1d: {  	s5 =	simm.s32 @p1 $0x1;
	p0 =	seq.s32 s7, s2  }
0x1e: {  	s7 =	smul.u32 @!p0 $0xF7A, s2;
	p2 =	seq.s32 @!p0 s5, $0x0  }
0x1f: {  	s9 =	smul.u32 $0xF7A, s1;
	s8 =	simm.s32 @!p0 $0x1BF5;
	p2 =	por !p2, p0  }
0x20: {  	[sflag:s8] =	ssyncset.s32 @!p0 $0xFFFFF086;
	s6 =	sadd.s32 @!p0 s3, s7;
	s7 =	simm.s32 @!p0 $0x108  }
0x21: {  	s3 =	sadd.s32 s3, s9;
	s6 =	sadd.s32 @!p0 $0x88, s6;
	s7 =	simm.s32 @p2 $0x1082  }
0x22: {  	[simem:s7], [sflag:s8] =	dma.local @!p0 [hbm:s6], $0xF7A  }
0x23: {  	s9 =	sor.u32 $0xD0000000, s2;
	s6 =	simm.s32 $0x108;
	_ =	swait.ge @!p0 [sflag:s8], $0x0  }
0x24: {  	s3 =	sadd.s32 $0x88, s3;
	s6 =	simm.s32 @!p1 $0x1082;
	[sflag:s4] =	ssyncset.s32 $0xFFFFF086  }
0x25: {  	[simem:s6], [sflag:s4] =	dma.local [hbm:s3], $0xF7A  }
0x26: {  	[smem:$0x3F9D] =	sst s1;
	(tag) =	ssettag s2;
	_ =	strace s9  }
0x27: {  	s1 =	sld [smem:$0x3FAD]  }
0x28: {  	s2 =	sld [smem:$0x3FAE]  }
0x29: {  	s4 =	sld [smem:$0x3FB0]  }
0x2a: {  	p0 =	seq.s32 s5, $0x0;
	s5 =	sld [smem:$0x3FB1]  }
0x2b: {  	s6 =	sld [smem:$0x3FB2]  }
0x2c: {  	s7 =	sld [smem:$0x3FB3]  }
0x2d: {  	s3 =	simm.s32 $0x108;
	s8 =	sld [smem:$0x3FB4]  }
0x2e: {  	s3 =	simm.s32 @!p0 $0x1082;
	s9 =	sld [smem:$0x3FB5]  }
0x2f: {  	lr =	sadd.s32 s0, s3;
	s0 =	sld [smem:$0x3FAC]  }
0x30: {  	s3 =	sld [smem:$0x3FAF]  }
0x31: {  	[smem:$0x3FB8] =	sst s10  }
0x32: {  	s10 =	sld [smem:$0x3FB6];
	_ =	sdelay $0x3  }
0x33: {  	p0 =	seq.s32 s10, $0x1;
	s10 =	sld [smem:$0x3FB8];
	_ =	sdelay $0x3  }
0x34: {  	[smem:$0x3FB8] =	sst s10  }
0x35: {  	s10 =	sld [smem:$0x3FB7];
	_ =	sdelay $0x3  }
0x36: {  	p1 =	seq.s32 s10, $0x1;
	s10 =	sld [smem:$0x3FB8];
	_ =	sdelay $0x3  }
0x37: {  	[smem:$0x3FB8] =	sst s10  }
0x38: {  	s10 =	sld [smem:$0x3FB9]  }
0x39: {  	_ = 	snop;
	(pc) =	sbr.ind lr, $3  }
0x3a: {  	_ = 	snop  }
0x3b: {  	_ = 	snop  }
0x3c: {  	p2 =	seq.s32 s10, $0x1;
	s10 =	sld [smem:$0x3FB8]  }
0x3d: {  	_ =	shalt  }
0x3e: {  	_ =	shalt  }
0x3f: {  	_ =	shalt  }
0x40: {  	_ =	shalt  }
0x41: {  	_ =	shalt  }
0x42: {  	_ =	shalt  }
0x43: {  	_ =	shalt  }
0x44: {  	_ =	shalt  }
0x45: {  	_ =	shalt  }
0x46: {  	_ =	shalt  }
0x47: {  	_ =	shalt  }
0x48: {  	_ =	shalt  }
0x49: {  	_ =	shalt  }
0x4a: {  	_ =	shalt  }
0x4b: {  	_ =	shalt  }
0x4c: {  	_ =	shalt  }
0x4d: {  	_ =	shalt  }
0x4e: {  	_ =	shalt  }
0x4f: {  	_ =	shalt  }
0x50: {  	_ =	shalt  }
0x51: {  	_ =	shalt  }
0x52: {  	_ =	shalt  }
0x53: {  	_ =	shalt  }
0x54: {  	_ =	shalt  }
0x55: {  	_ =	shalt  }
0x56: {  	_ =	shalt  }
0x57: {  	_ =	shalt  }
0x58: {  	_ =	shalt  }
0x59: {  	_ =	shalt  }
0x5a: {  	_ =	shalt  }
0x5b: {  	_ =	shalt  }
0x5c: {  	_ =	shalt  }
0x5d: {  	_ =	shalt  }
0x5e: {  	_ =	shalt  }
0x5f: {  	_ =	shalt  }
0x60: {  	_ =	shalt  }
0x61: {  	_ =	shalt  }
0x62: {  	_ =	shalt  }
0x63: {  	_ =	shalt  }
0x64: {  	_ =	shalt  }
0x65: {  	_ =	shalt  }
0x66: {  	_ =	shalt  }
0x67: {  	_ =	shalt  }
0x68: {  	_ =	shalt  }
0x69: {  	_ =	shalt  }
0x6a: {  	_ =	shalt  }
0x6b: {  	_ =	shalt  }
0x6c: {  	_ =	shalt  }
0x6d: {  	_ =	shalt  }
0x6e: {  	_ =	shalt  }
0x6f: {  	_ =	shalt  }
0x70: {  	_ =	shalt  }
0x71: {  	_ =	shalt  }
0x72: {  	_ =	shalt  }
0x73: {  	_ =	shalt  }
0x74: {  	_ =	shalt  }
0x75: {  	_ =	shalt  }
0x76: {  	_ =	shalt  }
0x77: {  	_ =	shalt  }
0x78: {  	_ =	shalt  }
0x79: {  	_ =	shalt  }
0x7a: {  	_ =	shalt  }
0x7b: {  	_ =	shalt  }
0x7c: {  	_ =	shalt  }
0x7d: {  	_ =	shalt  }
0x7e: {  	_ =	shalt  }
0x7f: {  	_ =	shalt  }
0x80: {  	_ =	shalt  }
0x81: {  	_ =	shalt  }
0x82: {  	_ =	shalt  }
0x83: {  	_ =	shalt  }
0x84: {  	_ =	shalt  }
0x85: {  	_ =	shalt  }
0x86: {  	_ =	shalt  }
0x87: {  	_ =	shalt  }
.Lfunc_end0:
.L_simem_size_0:
called_computation_lowered:
.L_overlay_start_0:
0x88: {  	s2 =	sld [smem:$0x3FD9]  }
0x89: {  	s3 =	sld [smem:$0x3FFE];
	_ =	sdelay $0x1  }
0x8a: {  	s1 =	srdreg.scid  }
0x8b: {  	s0 =	sand.u32 $0x1, s1  }
0x8c: {  	s17 =	sshll.u32 s0, $0xA;
	s2 =	sadd.s32 s3, s2  }
0x8d: {  	s2 =	sadd.s32 s2, s17  }
0x8e: {  	[smem:$0x3FC4] =	sst s2  }
0x8f: {  	_ = 	snop  }
0x90: {  	s2 =	sld [smem:$0x3FC9]  }
0x91: {  	s18 =	sld [smem:$0x3FD0];
	(tm) =	ssettm $0x1  }
0x92: {  	s4 =	sld [smem:$0x3FFB];
	_ =	sdelay $0x3  }
0x93: {  	_ =	strace s4  }
0x94: {  	s4 =	sld [smem:$0x3FFC];
	_ =	sdelay $0x3  }
0x95: {  	_ =	strace s4  }
0x96: {  	s4 =	sld [smem:$0x3FFD];
	_ =	sdelay $0x3  }
0x97: {  	_ =	strace s4  }
0x98: {  	_ =	strace $0x8FFFFFFF  }
0x99: {  	s19 =	sld [smem:$0x3FDB];
	_ =	sdelay $0x1  }
0x9a: {  	s5 =	simm.s32 $_scs_section_size  }
0x9b: {  	s6 =	simm.s32 $_size__tile_overlayer_lowered;
	s7 =	simm.s32 $_tile_overlayer_lowered  }
0x9c: {  	s22 =	simm.s32 $0x1BFF;
	s21 =	sshll.u32 s7, $0x1;
	s4 =	sadd.s32 s5, s19  }
0x9d: {  	s8 =	simm.s32 $0x0;
	s20 =	sshll.u32 s6, $0x1;
	s6 =	sadd.s32 s21, s4  }
0x9e: {  	[timem:s8], [sflag:s22] =	dma.local [hbm:s6], s20  }
0x9f: {  	_ =	swait.ge [sflag:s22], s20  }
0xa0: {  	s5 =	ssub.s32 $0x0, s20;
	[sflag:s22] =	ssyncset.done $0x0  }
0xa1: {  	[sflag:s22] =	ssyncadd.s32 s5;
	_ =	sdelay $0x1  }
0xa2: {  	s23 =	simm.s32 $0x1B8B  }
0xa3: {  	_ =	swait.ge [sflag:s23], $0x1  }
0xa4: {  	[sflag:s23] =	ssyncset.done $0x0  }
0xa5: {  	s25 =	simm.s32 $0x1B8E;
	s24 =	sld [smem:$0x3FFE];
	[sflag:s23] =	ssyncadd.s32 $0xFFFFFFFF  }
0xa6: {  	s26 =	simm.s32 $execute0_lowered;
	[smem:$0x3FD2] =	sst s25  }
0xa7: {  	s6 =	sshll.u32 s26, $0x1;
	_ =	strace $0x80000046;
	[dreg:$0x1] =	wrdreg $0xFFFFFFFF  }
0xa8: {  	s28 =	simm.s32 $_size_execute0_lowered;
	s4 =	sadd.s32 s4, s6;
	[dreg:$0x0] =	wrdreg $0x0  }
0xa9: {  	s6 =	sshll.u32 s28, $0x1;
	[dreg:$0x2] =	wrdreg s4  }
0xaa: {  	[dreg:$0x3] =	wrdreg s6  }
0xab: {  	[dreg:$0x4] =	wrdreg $0xC0  }
0xac: {  	_ =	task [dreg:s8], $0x5FFFF  }
0xad: {  	[dreg:$0x1] =	wrdreg $0xFFFFFFFF  }
0xae: {  	[dreg:$0x0] =	wrdreg $0x60  }
0xaf: {  	[dreg:$0x2] =	wrdreg s2  }
0xb0: {  	[dreg:$0x3] =	wrdreg s18  }
0xb1: {  	[dreg:$0x4] =	wrdreg s24  }
0xb2: {  	[dreg:$0x5] =	wrdreg $0x90000  }
0xb3: {  	[dreg:$0x6] =	wrdreg $0x9  }
0xb4: {  	_ =	task.clear_ibuf [dreg:s8], $0x7FFFF;
	_ =	strace $0x90000046  }
0xb5: {  	s29 =	simm.s32 $0x9;
	_ =	strace $0x80000048  }
0xb6: {  	_ =	swait.ge [sflag:s29], $0x1  }
0xb7: {  	[sflag:s29] =	ssyncadd.s32 $0xFFFFFFFF  }
0xb8: {  	_ =	strace $0x90000048  }
0xb9: {  	_ =	sfence  }
0xba: {  	s30 =	sld [smem:$0x0];
	_ =	sdelay $0x2  }
0xbb: {  	s31 =	sshll.u32 s1, $0xD;
	s1 =	sshrl.u32 s1, $0x2  }
0xbc: {  	s3 =	sand.u32 $0x4000, s31;
	s1 =	sadd.s32 s1, s30  }
0xbd: {  	s0 =	sor.u32 s3, s0;
	s1 =	sshll.u32 s1, $0x11  }
0xbe: {  	s0 =	sor.u32 s1, s0  }
0xbf: {  	s0 =	sadd.s32 $0x8F2B, s0  }
0xc0: {  	[sflag:s0] =	ssyncadd.remote.s32 $0x1  }
0xc1: {  	_ =	sfence.sel $0xFFFF  }
0xc2: {  	[dreg:$0x0] =	wrdreg $0xFFFFFFFF;
	(pc) =	sbr.abs _section_cstart, $3  }
0xc3: {  	[dreg:$0x1] =	wrdreg $0xFFFFFFFF  }
0xc4: {  	_ =	task.clear_ibuf [dreg:s8], $0x2FFFF;
	_ =	strace $0x9FFFFFFF  }
0xc5: {  	(tm) =	ssettm $0x7FFFFFFF  }
tec
execute0_lowered:
.L_overlay_start_1:
0x0: {  	(tag) =	ssettag $0x1  }
0x1: {  	s1 =	rddreg [dreg:$0x0]  }
0x2: {  	s0 =	srdreg.scid;
	s5 =	rddreg [dreg:$0x1]  }
0x3: {  	s20 =	stileid.u32;
	s3 =	rddreg [dreg:$0x3]  }
0x4: {  	s4 =	simm.s32 $0x0;
	s21 =	simm.s32 $0x880;
	s22 =	simm.s32 $0x900  }
0x5: {  	s23 =	simm.s32 $0x980;
	s28 =	simm.s32 $0x3;
	s6 =	smul.u32 $0x7000, s20  }
0x6: {  	s7 =	sand.u32 $0x1, s0;
	[smem:$0x7FF] =	sst s4;
	s11 =	smul.u32 $0x14000, s20  }
0x7: {  	s0 =	rddreg [dreg:$0x2];
	s2 =	smul.u32 $0x70000, s7;
	_ =	strace $0x80000047  }
0x8: {  	s24 =	ssub.s32 $0x2, s7;
	s9 =	sadd.s32 $0x1E200, s0;
	[dreg:$0x5] =	wrdreg s21  }
0x9: {  	s25 =	smul.u32 $0x140000, s7;
	p0 =	seq.s32 s7, $0x0;
	[dreg:$0x6] =	wrdreg s22  }
0xa: {  	[dreg:$0x7] =	wrdreg s23;
	s23 =	simm.s32 $0xC80;
	s10 =	sshrl.u32 s24, $0x1  }
0xb: {  	s7 =	sadd.s32 $0x4000, s11;
	s13 =	sadd.s32 $0x8000, s11;
	s14 =	sadd.s32 $0xC000, s11  }
0xc: {  	s15 =	sadd.s32 $0x10000, s11;
	[dreg:$0xd] =	wrdreg s23;
	s2 =	sadd.s32 s6, s2  }
0xd: {  	s6 =	ssub.s32 s24, s10;
	s11 =	sadd.s32 s11, s25;
	s16 =	sadd.s32 s25, s7  }
0xe: {  	s17 =	sadd.s32 s25, s13;
	s24 =	simm.s32 $0xA00;
	s10 =	sadd.s32 s25, s15  }
0xf: {  	s15 =	sadd.s32 s15, s3;
	s11 =	sshrl.u32 s11, $0x3;
	[dreg:$0x8] =	wrdreg s24  }
0x10: {  	s16 =	sshrl.u32 s16, $0x3;
	[smem:$0x7FC] =	sst s15;
	s18 =	sadd.s32 s9, s11  }
0x11: {  	s17 =	sshrl.u32 s17, $0x3;
	s26 =	sadd.s32 s9, s16;
	[dreg:$0x13] =	wrdreg s18  }
0x12: {  	s12 =	sadd.s32 $0x6E200, s0;
	s19 =	sadd.s32 s9, s17;
	[dreg:$0x14] =	wrdreg s26  }
0x13: {  	s29 =	simm.s32 $0x2;
	s11 =	sadd.s32 s12, s11;
	[dreg:$0x15] =	wrdreg s19  }
0x14: {  	s30 =	simm.s32 $0x800;
	s22 =	sadd.s32 s12, s16;
	[dreg:$0x18] =	wrdreg s11  }
0x15: {  	s31 =	simm.s32 $0x80;
	s24 =	sadd.s32 s12, s17;
	[dreg:$0x19] =	wrdreg s22  }
0x16: {  	s8 =	sshrl.u32 s2, $0x3;
	s16 =	simm.s32 $0xD80;
	[dreg:$0x1a] =	wrdreg s24  }
0x17: {  	s10 =	sshrl.u32 s10, $0x3;
	s17 =	simm.s32 $0xE00;
	[dreg:$0xf] =	wrdreg s16  }
0x18: {  	s19 =	sadd.s32 s25, s14;
	s25 =	simm.s32 $0xA80;
	[dreg:$0x10] =	wrdreg s17  }
0x19: {  	s2 =	sadd.s32 s8, s0;
	s26 =	simm.s32 $0xB00;
	[dreg:$0x9] =	wrdreg s25  }
0x1a: {  	s18 =	simm.s32 $0xB80;
	s22 =	sadd.s32 s8, s5;
	[dreg:$0xa] =	wrdreg s26  }
0x1b: {  	s5 =	simm.s32 $0xE;
	s24 =	sadd.s32 s13, s3;
	[dreg:$0xb] =	wrdreg s18  }
0x1c: {  	s8 =	simm.s32 $0x280;
	s11 =	simm.s32 $0x400;
	[smem:$0x7F5] =	sst s24  }
0x1d: {  	s13 =	simm.s32 $0x500;
	s25 =	simm.s32 $0xD00;
	[smem:$0x7FD] =	sst s22  }
0x1e: {  	s18 =	smul.u32 $0x50000, s20;
	s20 =	simm.s32 $0xF00;
	[dreg:$0xe] =	wrdreg s25  }
0x1f: {  	s19 =	sshrl.u32 s19, $0x3;
	s5 =	simm.s32 @!p0 $0x6;
	[dreg:$0x12] =	wrdreg s20  }
0x20: {  	s16 =	simm.s32 $0x700;
	s21 =	sadd.s32 s9, s19;
	[dreg:$0x1e] =	wrdreg s5  }
0x21: {  	s17 =	simm.s32 $0x780;
	s9 =	sadd.s32 s9, s10;
	[dreg:$0x16] =	wrdreg s21  }
0x22: {  	s24 =	simm.s32 $0x680;
	s26 =	sadd.s32 s12, s19;
	[dreg:$0x17] =	wrdreg s9  }
0x23: {  	s10 =	sadd.s32 s12, s10;
	s19 =	simm.s32 $0xE80;
	[dreg:$0x1b] =	wrdreg s26  }
0x24: {  	s25 =	smax.u32 s6, $0x1;
	s5 =	simm.s32 $0x100;
	[dreg:$0x1c] =	wrdreg s10  }
0x25: {  	s6 =	simm.s32 $0x180;
	s12 =	simm.s32 $0x480;
	[dreg:$0x11] =	wrdreg s19  }
0x26: {  	s21 =	simm.s32 $0xC00;
	s23 =	sshrl.u32 s18, $0x2;
	[smem:$0x7F6] =	sst s25  }
0x27: {  	s19 =	sadd.s32 s7, s3;
	s26 =	sadd.s32 $0x1200, s2;
	[dreg:$0xc] =	wrdreg s21  }
0x28: {  	s2 =	simm.s32 $0x1;
	s7 =	simm.s32 $0x200;
	[smem:$0x7F7] =	sst s26  }
0x29: {  	s9 =	simm.s32 $0x300;
	s21 =	sadd.s32 $0x1DA00, s0;
	[smem:$0x7FA] =	sst s19  }
0x2a: {  	s10 =	simm.s32 $0x380;
	s0 =	sadd.s32 $0x1D200, s0;
	[dreg:$0x1d] =	wrdreg s21  }
0x2b: {  	s18 =	simm.s32 $0x600;
	s20 =	sadd.s32 s23, s3;
	[dreg:$0x1f] =	wrdreg s0  }
0x2c: {  	s25 =	simm.s32 $0xF80;
	s23 =	sadd.s32 s14, s3;
	[smem:$0x7F9] =	sst s20  }
0x2d: {  	s26 =	simm.s32 $0x1000;
	s21 =	simm.s32 $0x0;
	[smem:$0x7FB] =	sst s23  }
0x2e: {  	s14 =	simm.s32 $0x580;
	s0 =	simm.s32 $0x5000;
	[smem:$0x7F8] =	sst s21  }
.LBB2_1:
0x2f: {  	s21 =	rddreg [dreg:$0x1d]  }
0x30: {  	[tilespmem:s26], [sflag:$0x3] =	stream.linear.gather [hbm4b:s21+s4], $0x4000, $0x38;
	[tilespmem:$0x1D000] =	vst v63  }
0x31: {  	_ =	swait.ge [sflag:s28], $0x4000  }
0x32: {  	[sflag:s28] =	ssyncset.done $0x0  }
0x33: {  	[sflag:s28] =	ssyncadd.s32 $0xFFFFC000  }
0x34: {  	[spmem:s20] =	stream.linear.scatter [tilespmem:s26], [sflag:$0x2], $0x4000, $0x38;
	[tilespmem:$0x1D000] =	vst v63  }
0x35: {  	s21 =	sld [smem:$0x7F5]  }
0x36: {  	[spmem:s19] =	stream.linear.scatter [tilespmem:s26], [sflag:$0x2], $0x4000, $0x38;
	[tilespmem:$0x1D000] =	vst v63  }
0x37: {  	_ = 	snop  }
0x38: {  	[spmem:s21] =	stream.linear.scatter [tilespmem:s26], [sflag:$0x2], $0x4000, $0x38;
	[tilespmem:$0x1D000] =	vst v63  }
0x39: {  	_ = 	snop  }
0x3a: {  	[spmem:s23] =	stream.linear.scatter [tilespmem:s26], [sflag:$0x2], $0x4000, $0x38;
	[tilespmem:$0x1D000] =	vst v63  }
0x3b: {  	_ = 	snop  }
0x3c: {  	[spmem:s15] =	stream.linear.scatter [tilespmem:s26], [sflag:$0x2], $0x4000, $0x38;
	[tilespmem:$0x1D000] =	vst v63  }
0x3d: {  	_ =	swait.ge [sflag:s29], $0x4000  }
0x3e: {  	[sflag:s29] =	ssyncset.done $0x0  }
0x3f: {  	[sflag:s29] =	ssyncadd.s32 $0xFFFFC000  }
0x40: {  	_ =	swait.ge [sflag:s29], $0x4000  }
0x41: {  	[sflag:s29] =	ssyncset.done $0x0  }
0x42: {  	[sflag:s29] =	ssyncadd.s32 $0xFFFFC000  }
0x43: {  	_ =	swait.ge [sflag:s29], $0x4000  }
0x44: {  	[sflag:s29] =	ssyncset.done $0x0  }
0x45: {  	[sflag:s29] =	ssyncadd.s32 $0xFFFFC000  }
0x46: {  	_ =	swait.ge [sflag:s29], $0x4000  }
0x47: {  	[sflag:s29] =	ssyncset.done $0x0  }
0x48: {  	[sflag:s29] =	ssyncadd.s32 $0xFFFFC000  }
0x49: {  	_ =	swait.ge [sflag:s29], $0x4000  }
0x4a: {  	[sflag:s29] =	ssyncset.done $0x0  }
0x4b: {  	[sflag:s29] =	ssyncadd.s32 $0xFFFFC000  }
0x4c: {  	[bflag:$0x0] =	sbarrier.arrive $0xFFFF  }
0x4d: {  	[tilespmem:s4], [sflag:$0x3] =	stream.linear.gather [hbm4b:s22+s4], $0x800, $0x38;
	[tilespmem:$0x1D000] =	vst v63  }
0x4e: {  	_ =	swait.ge [sflag:s28], $0x800  }
0x4f: {  	s20 =	sld [smem:$0x7F7]  }
0x50: {  	[sflag:s28] =	ssyncset.done $0x0  }
0x51: {  	[sflag:s28] =	ssyncadd.s32 $0xFFFFF800  }
0x52: {  	[tilespmem:s30], [sflag:$0x3] =	stream.linear.gather [hbm4b:s20+s4], $0x800, $0x38;
	[tilespmem:$0x1D000] =	vst v63  }
0x53: {  	_ =	swait.ge [sflag:s28], $0x800  }
0x54: {  	[sflag:s28] =	ssyncset.done $0x0  }
0x55: {  	[sflag:s28] =	ssyncadd.s32 $0xFFFFF800  }
0x56: {  	[tilespmem:s26], [sflag:$0x1] =	stream.indirect.gather [hbm4b:s1+s31], $0x80, s30, s31, $0xb8;
	[tilespmem:$0x1D000] =	vst v63  }
0x57: {  	_ =	swait.ge [sflag:s2], $0x4000  }
0x58: {  	[sflag:s2] =	ssyncset.done $0x0  }
0x59: {  	[sflag:s2] =	ssyncadd.s32 $0xFFFFC000  }
0x5a: {  	[spmem:s3] =	stream.indirect.scatter.add.f32 [tilespmem:s26], [sflag:$0x2], $0x80, s4, s31, $0xb8;
	[tilespmem:$0x1D000] =	vst v63  }
0x5b: {  	s15 =	rddreg [dreg:$0x5]  }
0x5c: {  	[tilespmem:s0], [sflag:$0x1] =	stream.indirect.gather [hbm4b:s1+s31], $0x80, s15, s31, $0xb8;
	[tilespmem:$0x1D000] =	vst v63  }
0x5d: {  	_ =	swait.ge [sflag:s2], $0x4000  }
0x5e: {  	[sflag:s2] =	ssyncset.done $0x0  }
0x5f: {  	[sflag:s2] =	ssyncadd.s32 $0xFFFFC000  }
0x60: {  	[spmem:s3] =	stream.indirect.scatter.add.f32 [tilespmem:s0], [sflag:$0x2], $0x80, s31, s31, $0xb8;
	[tilespmem:$0x1D000] =	vst v63  }
0x61: {  	_ =	swait.ge [sflag:s29], $0x4000  }
0x62: {  	[sflag:s29] =	ssyncset.done $0x0  }
0x63: {  	s21 =	rddreg [dreg:$0x6];
	[sflag:s29] =	ssyncadd.s32 $0xFFFFC000  }
0x64: {  	[tilespmem:s26], [sflag:$0x1] =	stream.indirect.gather [hbm4b:s1+s31], $0x80, s21, s31, $0xb8;
	[tilespmem:$0x1D000] =	vst v63  }
0x65: {  	_ =	swait.ge [sflag:s2], $0x4000  }
0x66: {  	[sflag:s2] =	ssyncset.done $0x0  }
0x67: {  	[sflag:s2] =	ssyncadd.s32 $0xFFFFC000  }
0x68: {  	[spmem:s3] =	stream.indirect.scatter.add.f32 [tilespmem:s26], [sflag:$0x2], $0x80, s5, s31, $0xb8;
	[tilespmem:$0x1D000] =	vst v63  }
0x69: {  	_ =	swait.ge [sflag:s29], $0x4000  }
0x6a: {  	[sflag:s29] =	ssyncset.done $0x0  }
0x6b: {  	s23 =	rddreg [dreg:$0x7];
	[sflag:s29] =	ssyncadd.s32 $0xFFFFC000  }
0x6c: {  	[tilespmem:s0], [sflag:$0x1] =	stream.indirect.gather [hbm4b:s1+s31], $0x80, s23, s31, $0xb8;
	[tilespmem:$0x1D000] =	vst v63  }
0x6d: {  	_ =	swait.ge [sflag:s2], $0x4000  }
0x6e: {  	[sflag:s2] =	ssyncset.done $0x0  }
0x6f: {  	[sflag:s2] =	ssyncadd.s32 $0xFFFFC000  }
0x70: {  	[spmem:s3] =	stream.indirect.scatter.add.f32 [tilespmem:s0], [sflag:$0x2], $0x80, s6, s31, $0xb8;
	[tilespmem:$0x1D000] =	vst v63  }
0x71: {  	_ =	swait.ge [sflag:s29], $0x4000  }
0x72: {  	[sflag:s29] =	ssyncset.done $0x0  }
0x73: {  	s15 =	rddreg [dreg:$0x8];
	[sflag:s29] =	ssyncadd.s32 $0xFFFFC000  }
0x74: {  	[tilespmem:s26], [sflag:$0x1] =	stream.indirect.gather [hbm4b:s1+s31], $0x80, s15, s31, $0xb8;
	[tilespmem:$0x1D000] =	vst v63  }
0x75: {  	_ =	swait.ge [sflag:s2], $0x4000  }
0x76: {  	[sflag:s2] =	ssyncset.done $0x0  }
0x77: {  	[sflag:s2] =	ssyncadd.s32 $0xFFFFC000  }
0x78: {  	[spmem:s3] =	stream.indirect.scatter.add.f32 [tilespmem:s26], [sflag:$0x2], $0x80, s7, s31, $0xb8;
	[tilespmem:$0x1D000] =	vst v63  }
0x79: {  	_ =	swait.ge [sflag:s29], $0x4000  }
0x7a: {  	[sflag:s29] =	ssyncset.done $0x0  }
0x7b: {  	s21 =	rddreg [dreg:$0x9];
	[sflag:s29] =	ssyncadd.s32 $0xFFFFC000  }
0x7c: {  	[tilespmem:s0], [sflag:$0x1] =	stream.indirect.gather [hbm4b:s1+s31], $0x80, s21, s31, $0xb8;
	[tilespmem:$0x1D000] =	vst v63  }
0x7d: {  	_ =	swait.ge [sflag:s2], $0x4000  }
0x7e: {  	[sflag:s2] =	ssyncset.done $0x0  }
0x7f: {  	[sflag:s2] =	ssyncadd.s32 $0xFFFFC000  }
0x80: {  	[spmem:s3] =	stream.indirect.scatter.add.f32 [tilespmem:s0], [sflag:$0x2], $0x80, s8, s31, $0xb8;
	[tilespmem:$0x1D000] =	vst v63  }
0x81: {  	_ =	swait.ge [sflag:s29], $0x4000  }
0x82: {  	[sflag:s29] =	ssyncset.done $0x0  }
0x83: {  	s23 =	rddreg [dreg:$0xa];
	[sflag:s29] =	ssyncadd.s32 $0xFFFFC000  }
0x84: {  	[tilespmem:s26], [sflag:$0x1] =	stream.indirect.gather [hbm4b:s1+s31], $0x80, s23, s31, $0xb8;
	[tilespmem:$0x1D000] =	vst v63  }
0x85: {  	_ =	swait.ge [sflag:s2], $0x4000  }
0x86: {  	[sflag:s2] =	ssyncset.done $0x0  }
0x87: {  	[sflag:s2] =	ssyncadd.s32 $0xFFFFC000  }
0x88: {  	[spmem:s3] =	stream.indirect.scatter.add.f32 [tilespmem:s26], [sflag:$0x2], $0x80, s9, s31, $0xb8;
	[tilespmem:$0x1D000] =	vst v63  }
0x89: {  	_ =	swait.ge [sflag:s29], $0x4000  }
0x8a: {  	[sflag:s29] =	ssyncset.done $0x0  }
0x8b: {  	s15 =	rddreg [dreg:$0xb];
	[sflag:s29] =	ssyncadd.s32 $0xFFFFC000  }
0x8c: {  	[tilespmem:s0], [sflag:$0x1] =	stream.indirect.gather [hbm4b:s1+s31], $0x80, s15, s31, $0xb8;
	[tilespmem:$0x1D000] =	vst v63  }
0x8d: {  	_ =	swait.ge [sflag:s2], $0x4000  }
0x8e: {  	[sflag:s2] =	ssyncset.done $0x0  }
0x8f: {  	[sflag:s2] =	ssyncadd.s32 $0xFFFFC000  }
0x90: {  	[spmem:s3] =	stream.indirect.scatter.add.f32 [tilespmem:s0], [sflag:$0x2], $0x80, s10, s31, $0xb8;
	[tilespmem:$0x1D000] =	vst v63  }
0x91: {  	_ =	swait.ge [sflag:s29], $0x4000  }
0x92: {  	[sflag:s29] =	ssyncset.done $0x0  }
0x93: {  	s21 =	rddreg [dreg:$0xc];
	[sflag:s29] =	ssyncadd.s32 $0xFFFFC000  }
0x94: {  	[tilespmem:s26], [sflag:$0x1] =	stream.indirect.gather [hbm4b:s1+s31], $0x80, s21, s31, $0xb8;
	[tilespmem:$0x1D000] =	vst v63  }
0x95: {  	_ =	swait.ge [sflag:s2], $0x4000  }
0x96: {  	[sflag:s2] =	ssyncset.done $0x0  }
0x97: {  	[sflag:s2] =	ssyncadd.s32 $0xFFFFC000  }
0x98: {  	[spmem:s3] =	stream.indirect.scatter.add.f32 [tilespmem:s26], [sflag:$0x2], $0x80, s11, s31, $0xb8;
	[tilespmem:$0x1D000] =	vst v63  }
0x99: {  	_ =	swait.ge [sflag:s29], $0x4000  }
0x9a: {  	[sflag:s29] =	ssyncset.done $0x0  }
0x9b: {  	s23 =	rddreg [dreg:$0xd];
	[sflag:s29] =	ssyncadd.s32 $0xFFFFC000  }
0x9c: {  	[tilespmem:s0], [sflag:$0x1] =	stream.indirect.gather [hbm4b:s1+s31], $0x80, s23, s31, $0xb8;
	[tilespmem:$0x1D000] =	vst v63  }
0x9d: {  	_ =	swait.ge [sflag:s2], $0x4000  }
0x9e: {  	[sflag:s2] =	ssyncset.done $0x0  }
0x9f: {  	[sflag:s2] =	ssyncadd.s32 $0xFFFFC000  }
0xa0: {  	[spmem:s3] =	stream.indirect.scatter.add.f32 [tilespmem:s0], [sflag:$0x2], $0x80, s12, s31, $0xb8;
	[tilespmem:$0x1D000] =	vst v63  }
0xa1: {  	_ =	swait.ge [sflag:s29], $0x4000  }
0xa2: {  	[sflag:s29] =	ssyncset.done $0x0  }
0xa3: {  	s15 =	rddreg [dreg:$0xe];
	[sflag:s29] =	ssyncadd.s32 $0xFFFFC000  }
0xa4: {  	[tilespmem:s26], [sflag:$0x1] =	stream.indirect.gather [hbm4b:s1+s31], $0x80, s15, s31, $0xb8;
	[tilespmem:$0x1D000] =	vst v63  }
0xa5: {  	_ =	swait.ge [sflag:s2], $0x4000  }
0xa6: {  	[sflag:s2] =	ssyncset.done $0x0  }
0xa7: {  	[sflag:s2] =	ssyncadd.s32 $0xFFFFC000  }
0xa8: {  	[spmem:s3] =	stream.indirect.scatter.add.f32 [tilespmem:s26], [sflag:$0x2], $0x80, s13, s31, $0xb8;
	[tilespmem:$0x1D000] =	vst v63  }
0xa9: {  	_ =	swait.ge [sflag:s29], $0x4000  }
0xaa: {  	[sflag:s29] =	ssyncset.done $0x0  }
0xab: {  	s21 =	rddreg [dreg:$0xf];
	[sflag:s29] =	ssyncadd.s32 $0xFFFFC000  }
0xac: {  	[tilespmem:s0], [sflag:$0x1] =	stream.indirect.gather [hbm4b:s1+s31], $0x80, s21, s31, $0xb8;
	[tilespmem:$0x1D000] =	vst v63  }
0xad: {  	_ =	swait.ge [sflag:s2], $0x4000  }
0xae: {  	[sflag:s2] =	ssyncset.done $0x0  }
0xaf: {  	[sflag:s2] =	ssyncadd.s32 $0xFFFFC000  }
0xb0: {  	[spmem:s3] =	stream.indirect.scatter.add.f32 [tilespmem:s0], [sflag:$0x2], $0x80, s14, s31, $0xb8;
	[tilespmem:$0x1D000] =	vst v63  }
0xb1: {  	_ =	swait.ge [sflag:s29], $0x4000  }
0xb2: {  	[sflag:s29] =	ssyncset.done $0x0  }
0xb3: {  	s23 =	rddreg [dreg:$0x10];
	[sflag:s29] =	ssyncadd.s32 $0xFFFFC000  }
0xb4: {  	[tilespmem:s26], [sflag:$0x1] =	stream.indirect.gather [hbm4b:s1+s31], $0x80, s23, s31, $0xb8;
	[tilespmem:$0x1D000] =	vst v63  }
0xb5: {  	_ =	swait.ge [sflag:s2], $0x4000  }
0xb6: {  	[sflag:s2] =	ssyncset.done $0x0  }
0xb7: {  	[sflag:s2] =	ssyncadd.s32 $0xFFFFC000  }
0xb8: {  	[spmem:s3] =	stream.indirect.scatter.add.f32 [tilespmem:s26], [sflag:$0x2], $0x80, s18, s31, $0xb8;
	[tilespmem:$0x1D000] =	vst v63  }
0xb9: {  	_ =	swait.ge [sflag:s29], $0x4000  }
0xba: {  	[sflag:s29] =	ssyncset.done $0x0  }
0xbb: {  	s15 =	rddreg [dreg:$0x11];
	[sflag:s29] =	ssyncadd.s32 $0xFFFFC000  }
0xbc: {  	[tilespmem:s0], [sflag:$0x1] =	stream.indirect.gather [hbm4b:s1+s31], $0x80, s15, s31, $0xb8;
	[tilespmem:$0x1D000] =	vst v63  }
0xbd: {  	_ =	swait.ge [sflag:s2], $0x4000  }
0xbe: {  	[sflag:s2] =	ssyncset.done $0x0  }
0xbf: {  	[sflag:s2] =	ssyncadd.s32 $0xFFFFC000  }
0xc0: {  	[spmem:s3] =	stream.indirect.scatter.add.f32 [tilespmem:s0], [sflag:$0x2], $0x80, s24, s31, $0xb8;
	[tilespmem:$0x1D000] =	vst v63  }
0xc1: {  	_ =	swait.ge [sflag:s29], $0x4000  }
0xc2: {  	[sflag:s29] =	ssyncset.done $0x0  }
0xc3: {  	s21 =	rddreg [dreg:$0x12];
	[sflag:s29] =	ssyncadd.s32 $0xFFFFC000  }
0xc4: {  	[tilespmem:s26], [sflag:$0x1] =	stream.indirect.gather [hbm4b:s1+s31], $0x80, s21, s31, $0xb8;
	[tilespmem:$0x1D000] =	vst v63  }
0xc5: {  	_ =	swait.ge [sflag:s2], $0x4000  }
0xc6: {  	[sflag:s2] =	ssyncset.done $0x0  }
0xc7: {  	[sflag:s2] =	ssyncadd.s32 $0xFFFFC000  }
0xc8: {  	[spmem:s3] =	stream.indirect.scatter.add.f32 [tilespmem:s26], [sflag:$0x2], $0x80, s16, s31, $0xb8;
	[tilespmem:$0x1D000] =	vst v63  }
0xc9: {  	_ =	swait.ge [sflag:s29], $0x4000  }
0xca: {  	[sflag:s29] =	ssyncset.done $0x0  }
0xcb: {  	[sflag:s29] =	ssyncadd.s32 $0xFFFFC000  }
0xcc: {  	[tilespmem:s0], [sflag:$0x1] =	stream.indirect.gather [hbm4b:s1+s31], $0x80, s25, s31, $0xb8;
	[tilespmem:$0x1D000] =	vst v63  }
0xcd: {  	_ =	swait.ge [sflag:s2], $0x4000  }
0xce: {  	[sflag:s2] =	ssyncset.done $0x0  }
0xcf: {  	[sflag:s2] =	ssyncadd.s32 $0xFFFFC000  }
0xd0: {  	[spmem:s3] =	stream.indirect.scatter.add.f32 [tilespmem:s0], [sflag:$0x2], $0x80, s17, s31, $0xb8;
	[tilespmem:$0x1D000] =	vst v63  }
0xd1: {  	_ =	swait.ge [sflag:s29], $0x4000  }
0xd2: {  	s23 =	rddreg [dreg:$0x1e]  }
0xd3: {  	p0 =	sne.s32 s23, $0x1  }
.Ltmp0:
0xd4: {  	_ = 	snop;
	(pc) =	sbr.rel @!p0 .LBB2_3-.Ltmp0, $4  }
0xd5: {  	[sflag:s29] =	ssyncset.done $0x0  }
0xd6: {  	[sflag:s29] =	ssyncadd.s32 $0xFFFFC000  }
0xd7: {  	s21 =	smov.u32 s22;
	_ =	swait.ge [sflag:s29], $0x4000  }
0xd8: {  	s19 =	sadd.s32 $0xFFFFFFFF, s23;
	[sflag:s29] =	ssyncset.done $0x0;
	s15 =	sld [smem:$0x7F5]  }
.LBB2_2:
0xd9: {  	[sflag:s29] =	ssyncadd.s32 $0xFFFFC000;
	s21 =	sadd.s32 $0x100, s21  }
0xda: {  	[tilespmem:s4], [sflag:$0x3] =	stream.linear.gather [hbm4b:s21+s4], $0x800, $0x38;
	[tilespmem:$0x1D000] =	vst v63  }
0xdb: {  	_ =	swait.ge [sflag:s28], $0x800  }
0xdc: {  	[sflag:s28] =	ssyncset.done $0x0  }
0xdd: {  	s20 =	sadd.s32 $0x100, s20;
	[sflag:s28] =	ssyncadd.s32 $0xFFFFF800  }
0xde: {  	[tilespmem:s30], [sflag:$0x3] =	stream.linear.gather [hbm4b:s20+s4], $0x800, $0x38;
	[tilespmem:$0x1D000] =	vst v63  }
0xdf: {  	_ =	swait.ge [sflag:s28], $0x800  }
0xe0: {  	[sflag:s28] =	ssyncset.done $0x0  }
0xe1: {  	[sflag:s28] =	ssyncadd.s32 $0xFFFFF800  }
0xe2: {  	[tilespmem:s26], [sflag:$0x1] =	stream.indirect.gather [hbm4b:s1+s31], $0x80, s30, s31, $0xb8;
	[tilespmem:$0x1D000] =	vst v63  }
0xe3: {  	_ =	swait.ge [sflag:s2], $0x4000  }
0xe4: {  	[sflag:s2] =	ssyncset.done $0x0  }
0xe5: {  	[sflag:s2] =	ssyncadd.s32 $0xFFFFC000  }
0xe6: {  	[spmem:s3] =	stream.indirect.scatter.add.f32 [tilespmem:s26], [sflag:$0x2], $0x80, s4, s31, $0xb8;
	[tilespmem:$0x1D000] =	vst v63  }
0xe7: {  	s22 =	rddreg [dreg:$0x5]  }
0xe8: {  	[tilespmem:s0], [sflag:$0x1] =	stream.indirect.gather [hbm4b:s1+s31], $0x80, s22, s31, $0xb8;
	[tilespmem:$0x1D000] =	vst v63  }
0xe9: {  	_ =	swait.ge [sflag:s2], $0x4000  }
0xea: {  	[sflag:s2] =	ssyncset.done $0x0  }
0xeb: {  	[sflag:s2] =	ssyncadd.s32 $0xFFFFC000  }
0xec: {  	[spmem:s3] =	stream.indirect.scatter.add.f32 [tilespmem:s0], [sflag:$0x2], $0x80, s31, s31, $0xb8;
	[tilespmem:$0x1D000] =	vst v63  }
0xed: {  	_ =	swait.ge [sflag:s29], $0x4000  }
0xee: {  	[sflag:s29] =	ssyncset.done $0x0  }
0xef: {  	s23 =	rddreg [dreg:$0x6];
	[sflag:s29] =	ssyncadd.s32 $0xFFFFC000  }
0xf0: {  	[tilespmem:s26], [sflag:$0x1] =	stream.indirect.gather [hbm4b:s1+s31], $0x80, s23, s31, $0xb8;
	[tilespmem:$0x1D000] =	vst v63  }
0xf1: {  	_ =	swait.ge [sflag:s2], $0x4000  }
0xf2: {  	[sflag:s2] =	ssyncset.done $0x0  }
0xf3: {  	[sflag:s2] =	ssyncadd.s32 $0xFFFFC000  }
0xf4: {  	[spmem:s3] =	stream.indirect.scatter.add.f32 [tilespmem:s26], [sflag:$0x2], $0x80, s5, s31, $0xb8;
	[tilespmem:$0x1D000] =	vst v63  }
0xf5: {  	_ =	swait.ge [sflag:s29], $0x4000  }
0xf6: {  	[sflag:s29] =	ssyncset.done $0x0  }
0xf7: {  	s23 =	rddreg [dreg:$0x7];
	[sflag:s29] =	ssyncadd.s32 $0xFFFFC000  }
0xf8: {  	[tilespmem:s0], [sflag:$0x1] =	stream.indirect.gather [hbm4b:s1+s31], $0x80, s23, s31, $0xb8;
	[tilespmem:$0x1D000] =	vst v63  }
0xf9: {  	_ =	swait.ge [sflag:s2], $0x4000  }
0xfa: {  	[sflag:s2] =	ssyncset.done $0x0  }
0xfb: {  	[sflag:s2] =	ssyncadd.s32 $0xFFFFC000  }
0xfc: {  	[spmem:s3] =	stream.indirect.scatter.add.f32 [tilespmem:s0], [sflag:$0x2], $0x80, s6, s31, $0xb8;
	[tilespmem:$0x1D000] =	vst v63  }
0xfd: {  	_ =	swait.ge [sflag:s29], $0x4000  }
0xfe: {  	[sflag:s29] =	ssyncset.done $0x0  }
0xff: {  	s23 =	rddreg [dreg:$0x8];
	[sflag:s29] =	ssyncadd.s32 $0xFFFFC000  }
0x100: {  	[tilespmem:s26], [sflag:$0x1] =	stream.indirect.gather [hbm4b:s1+s31], $0x80, s23, s31, $0xb8;
	[tilespmem:$0x1D000] =	vst v63  }
0x101: {  	_ =	swait.ge [sflag:s2], $0x4000  }
0x102: {  	[sflag:s2] =	ssyncset.done $0x0  }
0x103: {  	[sflag:s2] =	ssyncadd.s32 $0xFFFFC000  }
0x104: {  	[spmem:s3] =	stream.indirect.scatter.add.f32 [tilespmem:s26], [sflag:$0x2], $0x80, s7, s31, $0xb8;
	[tilespmem:$0x1D000] =	vst v63  }
0x105: {  	_ =	swait.ge [sflag:s29], $0x4000  }
0x106: {  	[sflag:s29] =	ssyncset.done $0x0  }
0x107: {  	s23 =	rddreg [dreg:$0x9];
	[sflag:s29] =	ssyncadd.s32 $0xFFFFC000  }
0x108: {  	[tilespmem:s0], [sflag:$0x1] =	stream.indirect.gather [hbm4b:s1+s31], $0x80, s23, s31, $0xb8;
	[tilespmem:$0x1D000] =	vst v63  }
0x109: {  	_ =	swait.ge [sflag:s2], $0x4000  }
0x10a: {  	[sflag:s2] =	ssyncset.done $0x0  }
0x10b: {  	[sflag:s2] =	ssyncadd.s32 $0xFFFFC000  }
0x10c: {  	[spmem:s3] =	stream.indirect.scatter.add.f32 [tilespmem:s0], [sflag:$0x2], $0x80, s8, s31, $0xb8;
	[tilespmem:$0x1D000] =	vst v63  }
0x10d: {  	_ =	swait.ge [sflag:s29], $0x4000  }
0x10e: {  	[sflag:s29] =	ssyncset.done $0x0  }
0x10f: {  	s23 =	rddreg [dreg:$0xa];
	[sflag:s29] =	ssyncadd.s32 $0xFFFFC000  }
0x110: {  	[tilespmem:s26], [sflag:$0x1] =	stream.indirect.gather [hbm4b:s1+s31], $0x80, s23, s31, $0xb8;
	[tilespmem:$0x1D000] =	vst v63  }
0x111: {  	_ =	swait.ge [sflag:s2], $0x4000  }
0x112: {  	[sflag:s2] =	ssyncset.done $0x0  }
0x113: {  	[sflag:s2] =	ssyncadd.s32 $0xFFFFC000  }
0x114: {  	[spmem:s3] =	stream.indirect.scatter.add.f32 [tilespmem:s26], [sflag:$0x2], $0x80, s9, s31, $0xb8;
	[tilespmem:$0x1D000] =	vst v63  }
0x115: {  	_ =	swait.ge [sflag:s29], $0x4000  }
0x116: {  	[sflag:s29] =	ssyncset.done $0x0  }
0x117: {  	s23 =	rddreg [dreg:$0xb];
	[sflag:s29] =	ssyncadd.s32 $0xFFFFC000  }
0x118: {  	[tilespmem:s0], [sflag:$0x1] =	stream.indirect.gather [hbm4b:s1+s31], $0x80, s23, s31, $0xb8;
	[tilespmem:$0x1D000] =	vst v63  }
0x119: {  	_ =	swait.ge [sflag:s2], $0x4000  }
0x11a: {  	[sflag:s2] =	ssyncset.done $0x0  }
0x11b: {  	[sflag:s2] =	ssyncadd.s32 $0xFFFFC000  }
0x11c: {  	[spmem:s3] =	stream.indirect.scatter.add.f32 [tilespmem:s0], [sflag:$0x2], $0x80, s10, s31, $0xb8;
	[tilespmem:$0x1D000] =	vst v63  }
0x11d: {  	_ =	swait.ge [sflag:s29], $0x4000  }
0x11e: {  	[sflag:s29] =	ssyncset.done $0x0  }
0x11f: {  	s23 =	rddreg [dreg:$0xc];
	[sflag:s29] =	ssyncadd.s32 $0xFFFFC000  }
0x120: {  	[tilespmem:s26], [sflag:$0x1] =	stream.indirect.gather [hbm4b:s1+s31], $0x80, s23, s31, $0xb8;
	[tilespmem:$0x1D000] =	vst v63  }
0x121: {  	_ =	swait.ge [sflag:s2], $0x4000  }
0x122: {  	[sflag:s2] =	ssyncset.done $0x0  }
0x123: {  	[sflag:s2] =	ssyncadd.s32 $0xFFFFC000  }
0x124: {  	[spmem:s3] =	stream.indirect.scatter.add.f32 [tilespmem:s26], [sflag:$0x2], $0x80, s11, s31, $0xb8;
	[tilespmem:$0x1D000] =	vst v63  }
0x125: {  	_ =	swait.ge [sflag:s29], $0x4000  }
0x126: {  	[sflag:s29] =	ssyncset.done $0x0  }
0x127: {  	s23 =	rddreg [dreg:$0xd];
	[sflag:s29] =	ssyncadd.s32 $0xFFFFC000  }
0x128: {  	[tilespmem:s0], [sflag:$0x1] =	stream.indirect.gather [hbm4b:s1+s31], $0x80, s23, s31, $0xb8;
	[tilespmem:$0x1D000] =	vst v63  }
0x129: {  	_ =	swait.ge [sflag:s2], $0x4000  }
0x12a: {  	[sflag:s2] =	ssyncset.done $0x0  }
0x12b: {  	[sflag:s2] =	ssyncadd.s32 $0xFFFFC000  }
0x12c: {  	[spmem:s3] =	stream.indirect.scatter.add.f32 [tilespmem:s0], [sflag:$0x2], $0x80, s12, s31, $0xb8;
	[tilespmem:$0x1D000] =	vst v63  }
0x12d: {  	_ =	swait.ge [sflag:s29], $0x4000  }
0x12e: {  	[sflag:s29] =	ssyncset.done $0x0  }
0x12f: {  	s23 =	rddreg [dreg:$0xe];
	[sflag:s29] =	ssyncadd.s32 $0xFFFFC000  }
0x130: {  	[tilespmem:s26], [sflag:$0x1] =	stream.indirect.gather [hbm4b:s1+s31], $0x80, s23, s31, $0xb8;
	[tilespmem:$0x1D000] =	vst v63  }
0x131: {  	_ =	swait.ge [sflag:s2], $0x4000  }
0x132: {  	[sflag:s2] =	ssyncset.done $0x0  }
0x133: {  	[sflag:s2] =	ssyncadd.s32 $0xFFFFC000  }
0x134: {  	[spmem:s3] =	stream.indirect.scatter.add.f32 [tilespmem:s26], [sflag:$0x2], $0x80, s13, s31, $0xb8;
	[tilespmem:$0x1D000] =	vst v63  }
0x135: {  	_ =	swait.ge [sflag:s29], $0x4000  }
0x136: {  	[sflag:s29] =	ssyncset.done $0x0  }
0x137: {  	s23 =	rddreg [dreg:$0xf];
	[sflag:s29] =	ssyncadd.s32 $0xFFFFC000  }
0x138: {  	[tilespmem:s0], [sflag:$0x1] =	stream.indirect.gather [hbm4b:s1+s31], $0x80, s23, s31, $0xb8;
	[tilespmem:$0x1D000] =	vst v63  }
0x139: {  	_ =	swait.ge [sflag:s2], $0x4000  }
0x13a: {  	[sflag:s2] =	ssyncset.done $0x0  }
0x13b: {  	[sflag:s2] =	ssyncadd.s32 $0xFFFFC000  }
0x13c: {  	[spmem:s3] =	stream.indirect.scatter.add.f32 [tilespmem:s0], [sflag:$0x2], $0x80, s14, s31, $0xb8;
	[tilespmem:$0x1D000] =	vst v63  }
0x13d: {  	_ =	swait.ge [sflag:s29], $0x4000  }
0x13e: {  	[sflag:s29] =	ssyncset.done $0x0  }
0x13f: {  	s23 =	rddreg [dreg:$0x10];
	[sflag:s29] =	ssyncadd.s32 $0xFFFFC000  }
0x140: {  	[tilespmem:s26], [sflag:$0x1] =	stream.indirect.gather [hbm4b:s1+s31], $0x80, s23, s31, $0xb8;
	[tilespmem:$0x1D000] =	vst v63  }
0x141: {  	_ =	swait.ge [sflag:s2], $0x4000  }
0x142: {  	[sflag:s2] =	ssyncset.done $0x0  }
0x143: {  	[sflag:s2] =	ssyncadd.s32 $0xFFFFC000  }
0x144: {  	[spmem:s3] =	stream.indirect.scatter.add.f32 [tilespmem:s26], [sflag:$0x2], $0x80, s18, s31, $0xb8;
	[tilespmem:$0x1D000] =	vst v63  }
0x145: {  	_ =	swait.ge [sflag:s29], $0x4000  }
0x146: {  	[sflag:s29] =	ssyncset.done $0x0  }
0x147: {  	s23 =	rddreg [dreg:$0x11];
	[sflag:s29] =	ssyncadd.s32 $0xFFFFC000  }
0x148: {  	[tilespmem:s0], [sflag:$0x1] =	stream.indirect.gather [hbm4b:s1+s31], $0x80, s23, s31, $0xb8;
	[tilespmem:$0x1D000] =	vst v63  }
0x149: {  	_ =	swait.ge [sflag:s2], $0x4000  }
0x14a: {  	[sflag:s2] =	ssyncset.done $0x0  }
0x14b: {  	[sflag:s2] =	ssyncadd.s32 $0xFFFFC000  }
0x14c: {  	[spmem:s3] =	stream.indirect.scatter.add.f32 [tilespmem:s0], [sflag:$0x2], $0x80, s24, s31, $0xb8;
	[tilespmem:$0x1D000] =	vst v63  }
0x14d: {  	_ =	swait.ge [sflag:s29], $0x4000  }
0x14e: {  	[sflag:s29] =	ssyncset.done $0x0  }
0x14f: {  	s23 =	rddreg [dreg:$0x12];
	[sflag:s29] =	ssyncadd.s32 $0xFFFFC000  }
0x150: {  	[tilespmem:s26], [sflag:$0x1] =	stream.indirect.gather [hbm4b:s1+s31], $0x80, s23, s31, $0xb8;
	[tilespmem:$0x1D000] =	vst v63  }
0x151: {  	_ =	swait.ge [sflag:s2], $0x4000  }
0x152: {  	[sflag:s2] =	ssyncset.done $0x0  }
0x153: {  	[sflag:s2] =	ssyncadd.s32 $0xFFFFC000  }
0x154: {  	[spmem:s3] =	stream.indirect.scatter.add.f32 [tilespmem:s26], [sflag:$0x2], $0x80, s16, s31, $0xb8;
	[tilespmem:$0x1D000] =	vst v63  }
0x155: {  	_ =	swait.ge [sflag:s29], $0x4000  }
0x156: {  	[sflag:s29] =	ssyncset.done $0x0  }
0x157: {  	[sflag:s29] =	ssyncadd.s32 $0xFFFFC000  }
0x158: {  	[tilespmem:s0], [sflag:$0x1] =	stream.indirect.gather [hbm4b:s1+s31], $0x80, s25, s31, $0xb8;
	[tilespmem:$0x1D000] =	vst v63  }
0x159: {  	_ =	swait.ge [sflag:s2], $0x4000  }
0x15a: {  	[sflag:s2] =	ssyncset.done $0x0  }
0x15b: {  	p1 =	sne.s32 s19, $0x1;
	[sflag:s2] =	ssyncadd.s32 $0xFFFFC000  }
0x15c: {  	[spmem:s3] =	stream.indirect.scatter.add.f32 [tilespmem:s0], [sflag:$0x2], $0x80, s17, s31, $0xb8;
	[tilespmem:$0x1D000] =	vst v63  }
.Ltmp1:
0x15d: {  	_ =	swait.ge [sflag:s29], $0x4000;
	(pc) =	sbr.rel @p1 .LBB2_2-.Ltmp1, $4  }
0x15e: {  	[sflag:s29] =	ssyncset.done $0x0  }
0x15f: {  	[sflag:s29] =	ssyncadd.s32 $0xFFFFC000  }
0x160: {  	_ =	swait.ge [sflag:s29], $0x4000  }
0x161: {  	s19 =	sadd.s32 $0xFFFFFFFF, s19;
	[sflag:s29] =	ssyncset.done $0x0  }
.LBB2_3:
0x162: {  	[sflag:s29] =	ssyncadd.s32 $0xFFFFC000  }
0x163: {  	[bflag:$0x0] =	sbarrier.arrive $0xFFFF  }
0x164: {  	s20 =	sld [smem:$0x7F9];
	_ =	sdelay $0x2  }
0x165: {  	[tilespmem:s26], [sflag:$0x1] =	stream.linear.gather [spmem:s20], $0x4000, $0x38;
	[tilespmem:$0x1D000] =	vst v63  }
0x166: {  	_ =	swait.ge [sflag:s2], $0x4000  }
0x167: {  	s21 =	sld [smem:$0x7FA]  }
0x168: {  	[sflag:s2] =	ssyncset.done $0x0  }
0x169: {  	[sflag:s2] =	ssyncadd.s32 $0xFFFFC000  }
0x16a: {  	[tilespmem:s0], [sflag:$0x1] =	stream.linear.gather [spmem:s21], $0x4000, $0x38;
	[tilespmem:$0x1D000] =	vst v63  }
0x16b: {  	s19 =	rddreg [dreg:$0x13]  }
0x16c: {  	[hbm4b:s19+s4] =	stream.linear.scatter [tilespmem:s26], [sflag:$0x3], $0x4000, $0x38;
	[tilespmem:$0x1D000] =	vst v63  }
0x16d: {  	_ =	swait.ge [sflag:s28], $0x4000  }
0x16e: {  	[sflag:s28] =	ssyncset.done $0x0  }
0x16f: {  	[sflag:s28] =	ssyncadd.s32 $0xFFFFC000  }
0x170: {  	_ =	swait.ge [sflag:s2], $0x4000  }
0x171: {  	[sflag:s2] =	ssyncset.done $0x0  }
0x172: {  	[sflag:s2] =	ssyncadd.s32 $0xFFFFC000  }
0x173: {  	[tilespmem:s26], [sflag:$0x1] =	stream.linear.gather [spmem:s15], $0x4000, $0x38;
	[tilespmem:$0x1D000] =	vst v63  }
0x174: {  	s22 =	rddreg [dreg:$0x14]  }
0x175: {  	[hbm4b:s22+s4] =	stream.linear.scatter [tilespmem:s0], [sflag:$0x3], $0x4000, $0x38;
	[tilespmem:$0x1D000] =	vst v63  }
0x176: {  	_ =	swait.ge [sflag:s28], $0x4000  }
0x177: {  	[sflag:s28] =	ssyncset.done $0x0  }
0x178: {  	[sflag:s28] =	ssyncadd.s32 $0xFFFFC000  }
0x179: {  	_ =	swait.ge [sflag:s2], $0x4000  }
0x17a: {  	s22 =	sld [smem:$0x7FB]  }
0x17b: {  	[sflag:s2] =	ssyncset.done $0x0  }
0x17c: {  	[sflag:s2] =	ssyncadd.s32 $0xFFFFC000  }
0x17d: {  	[tilespmem:s0], [sflag:$0x1] =	stream.linear.gather [spmem:s22], $0x4000, $0x38;
	[tilespmem:$0x1D000] =	vst v63  }
0x17e: {  	s23 =	rddreg [dreg:$0x15]  }
0x17f: {  	[hbm4b:s23+s4] =	stream.linear.scatter [tilespmem:s26], [sflag:$0x3], $0x4000, $0x38;
	[tilespmem:$0x1D000] =	vst v63  }
0x180: {  	_ =	swait.ge [sflag:s28], $0x4000  }
0x181: {  	[sflag:s28] =	ssyncset.done $0x0  }
0x182: {  	[sflag:s28] =	ssyncadd.s32 $0xFFFFC000  }
0x183: {  	_ =	swait.ge [sflag:s2], $0x4000  }
0x184: {  	s23 =	sld [smem:$0x7FC]  }
0x185: {  	[sflag:s2] =	ssyncset.done $0x0  }
0x186: {  	[sflag:s2] =	ssyncadd.s32 $0xFFFFC000  }
0x187: {  	[tilespmem:s26], [sflag:$0x1] =	stream.linear.gather [spmem:s23], $0x4000, $0x38;
	[tilespmem:$0x1D000] =	vst v63  }
0x188: {  	s19 =	rddreg [dreg:$0x16]  }
0x189: {  	[hbm4b:s19+s4] =	stream.linear.scatter [tilespmem:s0], [sflag:$0x3], $0x4000, $0x38;
	[tilespmem:$0x1D000] =	vst v63  }
0x18a: {  	_ =	swait.ge [sflag:s28], $0x4000  }
0x18b: {  	[sflag:s28] =	ssyncset.done $0x0  }
0x18c: {  	[sflag:s28] =	ssyncadd.s32 $0xFFFFC000  }
0x18d: {  	_ =	swait.ge [sflag:s2], $0x4000  }
0x18e: {  	[sflag:s2] =	ssyncset.done $0x0  }
0x18f: {  	s19 =	rddreg [dreg:$0x17];
	[sflag:s2] =	ssyncadd.s32 $0xFFFFC000  }
0x190: {  	[hbm4b:s19+s4] =	stream.linear.scatter [tilespmem:s26], [sflag:$0x3], $0x4000, $0x38;
	[tilespmem:$0x1D000] =	vst v63  }
0x191: {  	_ =	swait.ge [sflag:s28], $0x4000  }
0x192: {  	[sflag:s28] =	ssyncset.done $0x0  }
0x193: {  	s19 =	rddreg [dreg:$0x1d];
	[sflag:s28] =	ssyncadd.s32 $0xFFFFC000  }
0x194: {  	[tilespmem:s26], [sflag:$0x3] =	stream.linear.gather [hbm4b:s19+s4], $0x4000, $0x38;
	[tilespmem:$0x1D000] =	vst v63  }
0x195: {  	_ =	swait.ge [sflag:s28], $0x4000  }
0x196: {  	[sflag:s28] =	ssyncset.done $0x0  }
0x197: {  	[sflag:s28] =	ssyncadd.s32 $0xFFFFC000  }
0x198: {  	[spmem:s20] =	stream.linear.scatter [tilespmem:s26], [sflag:$0x2], $0x4000, $0x38;
	[tilespmem:$0x1D000] =	vst v63  }
0x199: {  	_ = 	snop  }
0x19a: {  	[spmem:s21] =	stream.linear.scatter [tilespmem:s26], [sflag:$0x2], $0x4000, $0x38;
	[tilespmem:$0x1D000] =	vst v63  }
0x19b: {  	_ = 	snop  }
0x19c: {  	[spmem:s15] =	stream.linear.scatter [tilespmem:s26], [sflag:$0x2], $0x4000, $0x38;
	[tilespmem:$0x1D000] =	vst v63  }
0x19d: {  	_ = 	snop  }
0x19e: {  	[spmem:s22] =	stream.linear.scatter [tilespmem:s26], [sflag:$0x2], $0x4000, $0x38;
	[tilespmem:$0x1D000] =	vst v63  }
0x19f: {  	_ = 	snop  }
0x1a0: {  	[spmem:s23] =	stream.linear.scatter [tilespmem:s26], [sflag:$0x2], $0x4000, $0x38;
	[tilespmem:$0x1D000] =	vst v63  }
0x1a1: {  	_ =	swait.ge [sflag:s29], $0x4000  }
0x1a2: {  	[sflag:s29] =	ssyncset.done $0x0  }
0x1a3: {  	[sflag:s29] =	ssyncadd.s32 $0xFFFFC000  }
0x1a4: {  	_ =	swait.ge [sflag:s29], $0x4000  }
0x1a5: {  	[sflag:s29] =	ssyncset.done $0x0  }
0x1a6: {  	[sflag:s29] =	ssyncadd.s32 $0xFFFFC000  }
0x1a7: {  	_ =	swait.ge [sflag:s29], $0x4000  }
0x1a8: {  	[sflag:s29] =	ssyncset.done $0x0  }
0x1a9: {  	[sflag:s29] =	ssyncadd.s32 $0xFFFFC000  }
0x1aa: {  	_ =	swait.ge [sflag:s29], $0x4000  }
0x1ab: {  	[sflag:s29] =	ssyncset.done $0x0  }
0x1ac: {  	[sflag:s29] =	ssyncadd.s32 $0xFFFFC000  }
0x1ad: {  	_ =	swait.ge [sflag:s29], $0x4000  }
0x1ae: {  	[sflag:s29] =	ssyncset.done $0x0  }
0x1af: {  	[sflag:s29] =	ssyncadd.s32 $0xFFFFC000  }
0x1b0: {  	[bflag:$0x0] =	sbarrier.arrive $0xFFFF  }
0x1b1: {  	s22 =	rddreg [dreg:$0x1f]  }
0x1b2: {  	[tilespmem:s26], [sflag:$0x3] =	stream.linear.gather [hbm4b:s22+s4], $0x4000, $0x38;
	[tilespmem:$0x1D000] =	vst v63  }
0x1b3: {  	_ =	swait.ge [sflag:s28], $0x4000  }
0x1b4: {  	s20 =	sld [smem:$0x7FD]  }
0x1b5: {  	[sflag:s28] =	ssyncset.done $0x0  }
0x1b6: {  	[sflag:s28] =	ssyncadd.s32 $0xFFFFC000  }
0x1b7: {  	[tilespmem:s4], [sflag:$0x3] =	stream.linear.gather [hbm4b:s20+s4], $0x800, $0x38;
	[tilespmem:$0x1D000] =	vst v63  }
0x1b8: {  	_ =	swait.ge [sflag:s28], $0x800  }
0x1b9: {  	[sflag:s28] =	ssyncset.done $0x0  }
0x1ba: {  	[sflag:s28] =	ssyncadd.s32 $0xFFFFF800  }
0x1bb: {  	[spmem:s3] =	stream.indirect.scatter.add.f32 [tilespmem:s26], [sflag:$0x2], $0x80, s4, s31, $0xb8;
	[tilespmem:$0x1D000] =	vst v63  }
0x1bc: {  	_ = 	snop  }
0x1bd: {  	[spmem:s3] =	stream.indirect.scatter.add.f32 [tilespmem:s26], [sflag:$0x2], $0x80, s31, s31, $0xb8;
	[tilespmem:$0x1D000] =	vst v63  }
0x1be: {  	_ = 	snop  }
0x1bf: {  	[spmem:s3] =	stream.indirect.scatter.add.f32 [tilespmem:s26], [sflag:$0x2], $0x80, s5, s31, $0xb8;
	[tilespmem:$0x1D000] =	vst v63  }
0x1c0: {  	_ = 	snop  }
0x1c1: {  	[spmem:s3] =	stream.indirect.scatter.add.f32 [tilespmem:s26], [sflag:$0x2], $0x80, s6, s31, $0xb8;
	[tilespmem:$0x1D000] =	vst v63  }
0x1c2: {  	_ = 	snop  }
0x1c3: {  	[spmem:s3] =	stream.indirect.scatter.add.f32 [tilespmem:s26], [sflag:$0x2], $0x80, s7, s31, $0xb8;
	[tilespmem:$0x1D000] =	vst v63  }
0x1c4: {  	_ = 	snop  }
0x1c5: {  	[spmem:s3] =	stream.indirect.scatter.add.f32 [tilespmem:s26], [sflag:$0x2], $0x80, s8, s31, $0xb8;
	[tilespmem:$0x1D000] =	vst v63  }
0x1c6: {  	_ = 	snop  }
0x1c7: {  	[spmem:s3] =	stream.indirect.scatter.add.f32 [tilespmem:s26], [sflag:$0x2], $0x80, s9, s31, $0xb8;
	[tilespmem:$0x1D000] =	vst v63  }
0x1c8: {  	_ = 	snop  }
0x1c9: {  	[spmem:s3] =	stream.indirect.scatter.add.f32 [tilespmem:s26], [sflag:$0x2], $0x80, s10, s31, $0xb8;
	[tilespmem:$0x1D000] =	vst v63  }
0x1ca: {  	_ = 	snop  }
0x1cb: {  	[spmem:s3] =	stream.indirect.scatter.add.f32 [tilespmem:s26], [sflag:$0x2], $0x80, s11, s31, $0xb8;
	[tilespmem:$0x1D000] =	vst v63  }
0x1cc: {  	_ = 	snop  }
0x1cd: {  	[spmem:s3] =	stream.indirect.scatter.add.f32 [tilespmem:s26], [sflag:$0x2], $0x80, s12, s31, $0xb8;
	[tilespmem:$0x1D000] =	vst v63  }
0x1ce: {  	_ = 	snop  }
0x1cf: {  	[spmem:s3] =	stream.indirect.scatter.add.f32 [tilespmem:s26], [sflag:$0x2], $0x80, s13, s31, $0xb8;
	[tilespmem:$0x1D000] =	vst v63  }
0x1d0: {  	_ = 	snop  }
0x1d1: {  	[spmem:s3] =	stream.indirect.scatter.add.f32 [tilespmem:s26], [sflag:$0x2], $0x80, s14, s31, $0xb8;
	[tilespmem:$0x1D000] =	vst v63  }
0x1d2: {  	_ = 	snop  }
0x1d3: {  	[spmem:s3] =	stream.indirect.scatter.add.f32 [tilespmem:s26], [sflag:$0x2], $0x80, s18, s31, $0xb8;
	[tilespmem:$0x1D000] =	vst v63  }
0x1d4: {  	_ = 	snop  }
0x1d5: {  	[spmem:s3] =	stream.indirect.scatter.add.f32 [tilespmem:s26], [sflag:$0x2], $0x80, s24, s31, $0xb8;
	[tilespmem:$0x1D000] =	vst v63  }
0x1d6: {  	_ = 	snop  }
0x1d7: {  	[spmem:s3] =	stream.indirect.scatter.add.f32 [tilespmem:s26], [sflag:$0x2], $0x80, s16, s31, $0xb8;
	[tilespmem:$0x1D000] =	vst v63  }
0x1d8: {  	_ = 	snop  }
0x1d9: {  	[spmem:s3] =	stream.indirect.scatter.add.f32 [tilespmem:s26], [sflag:$0x2], $0x80, s17, s31, $0xb8;
	[tilespmem:$0x1D000] =	vst v63  }
0x1da: {  	_ =	swait.ge [sflag:s29], $0x4000  }
0x1db: {  	[sflag:s29] =	ssyncset.done $0x0  }
0x1dc: {  	[sflag:s29] =	ssyncadd.s32 $0xFFFFC000  }
0x1dd: {  	_ =	swait.ge [sflag:s29], $0x4000  }
0x1de: {  	[sflag:s29] =	ssyncset.done $0x0  }
0x1df: {  	[sflag:s29] =	ssyncadd.s32 $0xFFFFC000  }
0x1e0: {  	_ =	swait.ge [sflag:s29], $0x4000  }
0x1e1: {  	[sflag:s29] =	ssyncset.done $0x0  }
0x1e2: {  	[sflag:s29] =	ssyncadd.s32 $0xFFFFC000  }
0x1e3: {  	_ =	swait.ge [sflag:s29], $0x4000  }
0x1e4: {  	[sflag:s29] =	ssyncset.done $0x0  }
0x1e5: {  	[sflag:s29] =	ssyncadd.s32 $0xFFFFC000  }
0x1e6: {  	_ =	swait.ge [sflag:s29], $0x4000  }
0x1e7: {  	[sflag:s29] =	ssyncset.done $0x0  }
0x1e8: {  	[sflag:s29] =	ssyncadd.s32 $0xFFFFC000  }
0x1e9: {  	_ =	swait.ge [sflag:s29], $0x4000  }
0x1ea: {  	[sflag:s29] =	ssyncset.done $0x0  }
0x1eb: {  	[sflag:s29] =	ssyncadd.s32 $0xFFFFC000  }
0x1ec: {  	_ =	swait.ge [sflag:s29], $0x4000  }
0x1ed: {  	[sflag:s29] =	ssyncset.done $0x0  }
0x1ee: {  	[sflag:s29] =	ssyncadd.s32 $0xFFFFC000  }
0x1ef: {  	_ =	swait.ge [sflag:s29], $0x4000  }
0x1f0: {  	[sflag:s29] =	ssyncset.done $0x0  }
0x1f1: {  	[sflag:s29] =	ssyncadd.s32 $0xFFFFC000  }
0x1f2: {  	_ =	swait.ge [sflag:s29], $0x4000  }
0x1f3: {  	[sflag:s29] =	ssyncset.done $0x0  }
0x1f4: {  	[sflag:s29] =	ssyncadd.s32 $0xFFFFC000  }
0x1f5: {  	_ =	swait.ge [sflag:s29], $0x4000  }
0x1f6: {  	[sflag:s29] =	ssyncset.done $0x0  }
0x1f7: {  	[sflag:s29] =	ssyncadd.s32 $0xFFFFC000  }
0x1f8: {  	_ =	swait.ge [sflag:s29], $0x4000  }
0x1f9: {  	[sflag:s29] =	ssyncset.done $0x0  }
0x1fa: {  	[sflag:s29] =	ssyncadd.s32 $0xFFFFC000  }
0x1fb: {  	_ =	swait.ge [sflag:s29], $0x4000  }
0x1fc: {  	[sflag:s29] =	ssyncset.done $0x0  }
0x1fd: {  	[sflag:s29] =	ssyncadd.s32 $0xFFFFC000  }
0x1fe: {  	_ =	swait.ge [sflag:s29], $0x4000  }
0x1ff: {  	[sflag:s29] =	ssyncset.done $0x0  }
0x200: {  	[sflag:s29] =	ssyncadd.s32 $0xFFFFC000  }
0x201: {  	_ =	swait.ge [sflag:s29], $0x4000  }
0x202: {  	[sflag:s29] =	ssyncset.done $0x0  }
0x203: {  	[sflag:s29] =	ssyncadd.s32 $0xFFFFC000  }
0x204: {  	_ =	swait.ge [sflag:s29], $0x4000  }
.Ltmp2:
0x205: {  	[sflag:s29] =	ssyncset.done $0x0;
	(pc) =	sbr.rel @!p0 .LBB2_5-.Ltmp2, $4  }
0x206: {  	[sflag:s29] =	ssyncadd.s32 $0xFFFFC000  }
0x207: {  	_ =	swait.ge [sflag:s29], $0x4000  }
0x208: {  	s23 =	rddreg [dreg:$0x1e]  }
0x209: {  	[sflag:s29] =	ssyncset.done $0x0;
	s19 =	sadd.s32 $0xFFFFFFFF, s23  }
.LBB2_4:
0x20a: {  	p0 =	sne.s32 s19, $0x1;
	[sflag:s29] =	ssyncadd.s32 $0xFFFFC000;
	s20 =	sadd.s32 $0x100, s20  }
0x20b: {  	[tilespmem:s4], [sflag:$0x3] =	stream.linear.gather [hbm4b:s20+s4], $0x800, $0x38;
	[tilespmem:$0x1D000] =	vst v63  }
0x20c: {  	s19 =	sadd.s32 $0xFFFFFFFF, s19;
	_ =	swait.ge [sflag:s28], $0x800  }
0x20d: {  	[sflag:s28] =	ssyncset.done $0x0  }
0x20e: {  	[sflag:s28] =	ssyncadd.s32 $0xFFFFF800  }
0x20f: {  	[spmem:s3] =	stream.indirect.scatter.add.f32 [tilespmem:s26], [sflag:$0x2], $0x80, s4, s31, $0xb8;
	[tilespmem:$0x1D000] =	vst v63  }
0x210: {  	_ = 	snop  }
0x211: {  	[spmem:s3] =	stream.indirect.scatter.add.f32 [tilespmem:s26], [sflag:$0x2], $0x80, s31, s31, $0xb8;
	[tilespmem:$0x1D000] =	vst v63  }
0x212: {  	_ = 	snop  }
0x213: {  	[spmem:s3] =	stream.indirect.scatter.add.f32 [tilespmem:s26], [sflag:$0x2], $0x80, s5, s31, $0xb8;
	[tilespmem:$0x1D000] =	vst v63  }
0x214: {  	_ = 	snop  }
0x215: {  	[spmem:s3] =	stream.indirect.scatter.add.f32 [tilespmem:s26], [sflag:$0x2], $0x80, s6, s31, $0xb8;
	[tilespmem:$0x1D000] =	vst v63  }
0x216: {  	_ = 	snop  }
0x217: {  	[spmem:s3] =	stream.indirect.scatter.add.f32 [tilespmem:s26], [sflag:$0x2], $0x80, s7, s31, $0xb8;
	[tilespmem:$0x1D000] =	vst v63  }
0x218: {  	_ = 	snop  }
0x219: {  	[spmem:s3] =	stream.indirect.scatter.add.f32 [tilespmem:s26], [sflag:$0x2], $0x80, s8, s31, $0xb8;
	[tilespmem:$0x1D000] =	vst v63  }
0x21a: {  	_ = 	snop  }
0x21b: {  	[spmem:s3] =	stream.indirect.scatter.add.f32 [tilespmem:s26], [sflag:$0x2], $0x80, s9, s31, $0xb8;
	[tilespmem:$0x1D000] =	vst v63  }
0x21c: {  	_ = 	snop  }
0x21d: {  	[spmem:s3] =	stream.indirect.scatter.add.f32 [tilespmem:s26], [sflag:$0x2], $0x80, s10, s31, $0xb8;
	[tilespmem:$0x1D000] =	vst v63  }
0x21e: {  	_ = 	snop  }
0x21f: {  	[spmem:s3] =	stream.indirect.scatter.add.f32 [tilespmem:s26], [sflag:$0x2], $0x80, s11, s31, $0xb8;
	[tilespmem:$0x1D000] =	vst v63  }
0x220: {  	_ = 	snop  }
0x221: {  	[spmem:s3] =	stream.indirect.scatter.add.f32 [tilespmem:s26], [sflag:$0x2], $0x80, s12, s31, $0xb8;
	[tilespmem:$0x1D000] =	vst v63  }
0x222: {  	_ = 	snop  }
0x223: {  	[spmem:s3] =	stream.indirect.scatter.add.f32 [tilespmem:s26], [sflag:$0x2], $0x80, s13, s31, $0xb8;
	[tilespmem:$0x1D000] =	vst v63  }
0x224: {  	_ = 	snop  }
0x225: {  	[spmem:s3] =	stream.indirect.scatter.add.f32 [tilespmem:s26], [sflag:$0x2], $0x80, s14, s31, $0xb8;
	[tilespmem:$0x1D000] =	vst v63  }
0x226: {  	_ = 	snop  }
0x227: {  	[spmem:s3] =	stream.indirect.scatter.add.f32 [tilespmem:s26], [sflag:$0x2], $0x80, s18, s31, $0xb8;
	[tilespmem:$0x1D000] =	vst v63  }
0x228: {  	_ = 	snop  }
0x229: {  	[spmem:s3] =	stream.indirect.scatter.add.f32 [tilespmem:s26], [sflag:$0x2], $0x80, s24, s31, $0xb8;
	[tilespmem:$0x1D000] =	vst v63  }
0x22a: {  	_ = 	snop  }
0x22b: {  	[spmem:s3] =	stream.indirect.scatter.add.f32 [tilespmem:s26], [sflag:$0x2], $0x80, s16, s31, $0xb8;
	[tilespmem:$0x1D000] =	vst v63  }
0x22c: {  	_ = 	snop  }
0x22d: {  	[spmem:s3] =	stream.indirect.scatter.add.f32 [tilespmem:s26], [sflag:$0x2], $0x80, s17, s31, $0xb8;
	[tilespmem:$0x1D000] =	vst v63  }
0x22e: {  	_ =	swait.ge [sflag:s29], $0x4000  }
0x22f: {  	[sflag:s29] =	ssyncset.done $0x0  }
0x230: {  	[sflag:s29] =	ssyncadd.s32 $0xFFFFC000  }
0x231: {  	_ =	swait.ge [sflag:s29], $0x4000  }
0x232: {  	[sflag:s29] =	ssyncset.done $0x0  }
0x233: {  	[sflag:s29] =	ssyncadd.s32 $0xFFFFC000  }
0x234: {  	_ =	swait.ge [sflag:s29], $0x4000  }
0x235: {  	[sflag:s29] =	ssyncset.done $0x0  }
0x236: {  	[sflag:s29] =	ssyncadd.s32 $0xFFFFC000  }
0x237: {  	_ =	swait.ge [sflag:s29], $0x4000  }
0x238: {  	[sflag:s29] =	ssyncset.done $0x0  }
0x239: {  	[sflag:s29] =	ssyncadd.s32 $0xFFFFC000  }
0x23a: {  	_ =	swait.ge [sflag:s29], $0x4000  }
0x23b: {  	[sflag:s29] =	ssyncset.done $0x0  }
0x23c: {  	[sflag:s29] =	ssyncadd.s32 $0xFFFFC000  }
0x23d: {  	_ =	swait.ge [sflag:s29], $0x4000  }
0x23e: {  	[sflag:s29] =	ssyncset.done $0x0  }
0x23f: {  	[sflag:s29] =	ssyncadd.s32 $0xFFFFC000  }
0x240: {  	_ =	swait.ge [sflag:s29], $0x4000  }
0x241: {  	[sflag:s29] =	ssyncset.done $0x0  }
0x242: {  	[sflag:s29] =	ssyncadd.s32 $0xFFFFC000  }
0x243: {  	_ =	swait.ge [sflag:s29], $0x4000  }
0x244: {  	[sflag:s29] =	ssyncset.done $0x0  }
0x245: {  	[sflag:s29] =	ssyncadd.s32 $0xFFFFC000  }
0x246: {  	_ =	swait.ge [sflag:s29], $0x4000  }
0x247: {  	[sflag:s29] =	ssyncset.done $0x0  }
0x248: {  	[sflag:s29] =	ssyncadd.s32 $0xFFFFC000  }
0x249: {  	_ =	swait.ge [sflag:s29], $0x4000  }
0x24a: {  	[sflag:s29] =	ssyncset.done $0x0  }
0x24b: {  	[sflag:s29] =	ssyncadd.s32 $0xFFFFC000  }
0x24c: {  	_ =	swait.ge [sflag:s29], $0x4000  }
0x24d: {  	[sflag:s29] =	ssyncset.done $0x0  }
0x24e: {  	[sflag:s29] =	ssyncadd.s32 $0xFFFFC000  }
0x24f: {  	_ =	swait.ge [sflag:s29], $0x4000  }
0x250: {  	[sflag:s29] =	ssyncset.done $0x0  }
0x251: {  	[sflag:s29] =	ssyncadd.s32 $0xFFFFC000  }
0x252: {  	_ =	swait.ge [sflag:s29], $0x4000  }
0x253: {  	[sflag:s29] =	ssyncset.done $0x0  }
0x254: {  	[sflag:s29] =	ssyncadd.s32 $0xFFFFC000  }
0x255: {  	_ =	swait.ge [sflag:s29], $0x4000  }
0x256: {  	[sflag:s29] =	ssyncset.done $0x0  }
0x257: {  	[sflag:s29] =	ssyncadd.s32 $0xFFFFC000  }
.Ltmp3:
0x258: {  	_ =	swait.ge [sflag:s29], $0x4000;
	(pc) =	sbr.rel @p0 .LBB2_4-.Ltmp3, $4  }
0x259: {  	[sflag:s29] =	ssyncset.done $0x0  }
0x25a: {  	[sflag:s29] =	ssyncadd.s32 $0xFFFFC000  }
0x25b: {  	_ =	swait.ge [sflag:s29], $0x4000  }
0x25c: {  	[sflag:s29] =	ssyncset.done $0x0  }
.LBB2_5:
0x25d: {  	[sflag:s29] =	ssyncadd.s32 $0xFFFFC000  }
0x25e: {  	[bflag:$0x0] =	sbarrier.arrive $0xFFFF  }
0x25f: {  	s20 =	sld [smem:$0x7F9];
	_ =	sdelay $0x2  }
0x260: {  	[tilespmem:s26], [sflag:$0x1] =	stream.linear.gather [spmem:s20], $0x4000, $0x38;
	[tilespmem:$0x1D000] =	vst v63  }
0x261: {  	_ =	swait.ge [sflag:s2], $0x4000  }
0x262: {  	s21 =	sld [smem:$0x7FA]  }
0x263: {  	[sflag:s2] =	ssyncset.done $0x0  }
0x264: {  	[sflag:s2] =	ssyncadd.s32 $0xFFFFC000  }
0x265: {  	[tilespmem:s0], [sflag:$0x1] =	stream.linear.gather [spmem:s21], $0x4000, $0x38;
	[tilespmem:$0x1D000] =	vst v63  }
0x266: {  	s19 =	rddreg [dreg:$0x18]  }
0x267: {  	[hbm4b:s19+s4] =	stream.linear.scatter [tilespmem:s26], [sflag:$0x3], $0x4000, $0x38;
	[tilespmem:$0x1D000] =	vst v63  }
0x268: {  	_ =	swait.ge [sflag:s28], $0x4000  }
0x269: {  	[sflag:s28] =	ssyncset.done $0x0  }
0x26a: {  	[sflag:s28] =	ssyncadd.s32 $0xFFFFC000  }
0x26b: {  	_ =	swait.ge [sflag:s2], $0x4000  }
0x26c: {  	s15 =	sld [smem:$0x7F5]  }
0x26d: {  	[sflag:s2] =	ssyncset.done $0x0  }
0x26e: {  	[sflag:s2] =	ssyncadd.s32 $0xFFFFC000  }
0x26f: {  	[tilespmem:s26], [sflag:$0x1] =	stream.linear.gather [spmem:s15], $0x4000, $0x38;
	[tilespmem:$0x1D000] =	vst v63  }
0x270: {  	s23 =	rddreg [dreg:$0x19]  }
0x271: {  	[hbm4b:s23+s4] =	stream.linear.scatter [tilespmem:s0], [sflag:$0x3], $0x4000, $0x38;
	[tilespmem:$0x1D000] =	vst v63  }
0x272: {  	_ =	swait.ge [sflag:s28], $0x4000  }
0x273: {  	[sflag:s28] =	ssyncset.done $0x0  }
0x274: {  	[sflag:s28] =	ssyncadd.s32 $0xFFFFC000  }
0x275: {  	_ =	swait.ge [sflag:s2], $0x4000  }
0x276: {  	s23 =	sld [smem:$0x7FB]  }
0x277: {  	[sflag:s2] =	ssyncset.done $0x0  }
0x278: {  	[sflag:s2] =	ssyncadd.s32 $0xFFFFC000  }
0x279: {  	[tilespmem:s0], [sflag:$0x1] =	stream.linear.gather [spmem:s23], $0x4000, $0x38;
	[tilespmem:$0x1D000] =	vst v63  }
0x27a: {  	s15 =	rddreg [dreg:$0x1a]  }
0x27b: {  	[hbm4b:s15+s4] =	stream.linear.scatter [tilespmem:s26], [sflag:$0x3], $0x4000, $0x38;
	[tilespmem:$0x1D000] =	vst v63  }
0x27c: {  	_ =	swait.ge [sflag:s28], $0x4000  }
0x27d: {  	[sflag:s28] =	ssyncset.done $0x0  }
0x27e: {  	[sflag:s28] =	ssyncadd.s32 $0xFFFFC000  }
0x27f: {  	_ =	swait.ge [sflag:s2], $0x4000  }
0x280: {  	s15 =	sld [smem:$0x7FC]  }
0x281: {  	[sflag:s2] =	ssyncset.done $0x0  }
0x282: {  	[sflag:s2] =	ssyncadd.s32 $0xFFFFC000  }
0x283: {  	[tilespmem:s26], [sflag:$0x1] =	stream.linear.gather [spmem:s15], $0x4000, $0x38;
	[tilespmem:$0x1D000] =	vst v63  }
0x284: {  	s22 =	rddreg [dreg:$0x1b]  }
0x285: {  	[hbm4b:s22+s4] =	stream.linear.scatter [tilespmem:s0], [sflag:$0x3], $0x4000, $0x38;
	[tilespmem:$0x1D000] =	vst v63  }
0x286: {  	_ =	swait.ge [sflag:s28], $0x4000  }
0x287: {  	[sflag:s28] =	ssyncset.done $0x0  }
0x288: {  	[sflag:s28] =	ssyncadd.s32 $0xFFFFC000  }
0x289: {  	_ =	swait.ge [sflag:s2], $0x4000  }
0x28a: {  	[sflag:s2] =	ssyncset.done $0x0  }
0x28b: {  	s22 =	rddreg [dreg:$0x1c];
	[sflag:s2] =	ssyncadd.s32 $0xFFFFC000  }
0x28c: {  	[hbm4b:s22+s4] =	stream.linear.scatter [tilespmem:s26], [sflag:$0x3], $0x4000, $0x38;
	[tilespmem:$0x1D000] =	vst v63  }
0x28d: {  	_ =	swait.ge [sflag:s28], $0x4000  }
0x28e: {  	s22 =	sld [smem:$0x7F8]  }
0x28f: {  	s19 =	smov.u32 s21;
	s21 =	sld [smem:$0x7F6];
	_ =	sdelay $0x1  }
0x290: {  	s22 =	sadd.s32 $0x1, s22  }
0x291: {  	p0 =	sne.s32 s22, s21  }
.Ltmp4:
0x292: {  	_ = 	snop;
	(pc) =	sbr.rel @p0 .LBB2_1-.Ltmp4, $3  }
0x293: {  	_ =	sdelay $0x1  }
0x294: {  	[sflag:s28] =	ssyncset.done $0x0;
	[smem:$0x7F8] =	sst s22  }
0x295: {  	[sflag:s28] =	ssyncadd.s32 $0xFFFFC000;
	s22 =	sld [smem:$0x7FD]  }
0x296: {  	_ =	sfence.sel $0x180000  }
0x297: {  	[bflag:$0x0] =	sbarrier.arrive $0xFFFF  }
0x298: {  	_ =	strace $0x90000047  }
0x299: {  	s0 =	stileid.u32;
	[bflag:$0x2] =	sbarrier.arrive $0xFFFF  }
0x29a: {  	p0 =	sne.s32 s0, $0x0;
	s0 =	rddreg [dreg:$0x4]  }
0x29b: {  	s0 =	sadd.s32 @!p0 $0x100000, s0  }
0x29c: {  	[sflag:s0] =	ssyncadd.tile.s32 @!p0 $0x1;
	_ =	shalt  }
.Lfunc_end2:
_tile_overlayer_lowered:
.L_overlay_start_2:
0x29d: {  	(tag) =	ssettag $0x2  }
0x29e: {  	s0 =	rddreg [dreg:$0x0];
	s2 =	stileid.u32  }
0x29f: {  	s1 =	rddreg [dreg:$0x1];
	p0 =	sne.s32 s2, $0x0  }
0x2a0: {  	s3 =	rddreg [dreg:$0x2];
	[bflag:$0x3] =	sbarrier.arrive $0xFFFF;
	s2 =	simm.s32 @!p0 $0x1C03  }
0x2a1: {  	[timem:s3], [sflag:s2] =	dma.local @!p0 [hbm:s0], s1  }
0x2a2: {  	s0 =	simm.s32 @!p0 $0x3  }
0x2a3: {  	_ =	swait.ge @!p0 [sflag:s0], s1  }
0x2a4: {  	s1 =	ssub.s32 @!p0 $0x0, s1;
	[sflag:s0] =	ssyncset.done @!p0 $0x0  }
0x2a5: {  	[sflag:s0] =	ssyncadd.s32 @!p0 s1  }
0x2a6: {  	[bflag:$0x3] =	sbarrier.arrive $0xFFFF  }
0x2a7: {  	_ =	shalt  }

</sc_bundles>
